<compile_context>
chip_gen: v7x
topology: tpu7x:2x2x1
jax: 0.10.2.dev20260603
libtpu: 0.0.44.dev20260713+nightly
codegen_flags: <defaults>
</compile_context>

<pallas_src>
import functools

import jax
import jax.numpy as jnp
import numpy as np
from jax import lax
from jax.experimental import pallas as pl
from jax.experimental.pallas import tpu as pltpu
from jax.experimental.pallas import tpu_sc as plsc

EPS = 1e-06
SIGMA_MIN = 0.01
SIGMA_MAX = 50.0
NUM_T = 1000

_NC = 2
_NS = 16



def _sc_mesh():
    return plsc.VectorSubcoreMesh(core_axis_name="c", subcore_axis_name="s")


def sc_gather_grouped(groups):
    E = groups[0][0].shape[0]
    NW = _NC * _NS
    per_w = E // NW
    assert per_w * NW == E and per_w % 8 == 0
    C = 128
    nloop = -(-per_w // C)
    dims = []
    for _, tabs in groups:
        for t in tabs:
            if t.shape[1] not in dims:
                dims.append(t.shape[1])
    n_tabs = [len(tabs) for _, tabs in groups]
    n_out = sum(n_tabs)
    n_in = len(groups) + n_out

    out_type = [jax.ShapeDtypeStruct((E, t.shape[1]), jnp.float32)
                for _, tabs in groups for t in tabs]
    scratch = [pltpu.VMEM((C,), jnp.int32)]
    scratch += [pltpu.VMEM((C, d), jnp.float32) for d in dims]
    scratch += [pltpu.SemaphoreType.DMA]

    @functools.partial(pl.kernel, out_type=out_type, mesh=_sc_mesh(),
                       scratch_types=scratch)
    def k(*refs):
        in_refs = refs[:n_in]
        out_refs = refs[n_in:n_in + n_out]
        idx_v = refs[n_in + n_out]
        row_bufs = {d: refs[n_in + n_out + 1 + i] for i, d in enumerate(dims)}
        sem = refs[n_in + n_out + 1 + len(dims)]

        wid = lax.axis_index("s") * _NC + lax.axis_index("c")
        base = wid * per_w

        def chunk(i, _):
            off = base + jnp.minimum(i * C, per_w - C)
            a = 0
            o = 0
            for gi, (_, tabs) in enumerate(groups):
                idx_ref = in_refs[a]
                a += 1
                pltpu.sync_copy(idx_ref.at[pl.ds(off, C)], idx_v)
                for t in tabs:
                    tab_ref = in_refs[a]
                    a += 1
                    buf = row_bufs[t.shape[1]]
                    pltpu.async_copy(tab_ref.at[idx_v], buf, sem).wait()
                    pltpu.sync_copy(buf, out_refs[o].at[pl.ds(off, C)])
                    o += 1
            return 0

        lax.fori_loop(0, nloop, chunk, 0)

    flat = []
    for idx, tabs in groups:
        flat += [idx] + list(tabs)
    res = k(*flat)
    return list(res) if isinstance(res, (tuple, list)) else [res]


def sc_scatter_add_t(vals_t, idx, n_rows):
    D, E = vals_t.shape
    NW = _NC * _NS
    F = D // NW
    assert F * NW == D
    flat_n = n_rows * F
    C = 2048
    nfull = E // C
    rem = E - nfull * C
    assert rem % 16 == 0 and flat_n % 16 == 0

    @functools.partial(
        pl.kernel, out_type=jax.ShapeDtypeStruct((NW, flat_n), jnp.float32),
        mesh=_sc_mesh(),
        compiler_params=pltpu.CompilerParams(needs_layout_passes=False),
        scratch_types=[pltpu.VMEM((C,), jnp.int32),
                       pltpu.VMEM((F * C,), jnp.float32),
                       pltpu.VMEM((flat_n,), jnp.float32),
                       pltpu.SemaphoreType.DMA])
    def k(vals_hbm, idx_hbm, out_hbm, idx_v, buf, acc, sem):
        w = lax.axis_index("s") * _NC + lax.axis_index("c")
        f0 = w * F
        zero16 = jnp.zeros((16,), jnp.float32)

        def zloop(i, _):
            acc[pl.ds(i * 16, 16)] = zero16
            return 0

        lax.fori_loop(0, flat_n // 16, zloop, 0)

        def do_chunk(off, n):
            cps = [pltpu.async_copy(idx_hbm.at[pl.ds(off, n)],
                                    idx_v.at[pl.ds(0, n)], sem)]
            for g in range(F):
                cps.append(pltpu.async_copy(
                    vals_hbm.at[f0 + g, pl.ds(off, n)],
                    buf.at[pl.ds(g * C, n)], sem))
            for cp in cps:
                cp.wait()

            def group(j, _):
                rows = idx_v[pl.ds(j * 16, 16)]
                base = rows * F
                for g in range(F):
                    x = buf[pl.ds(g * C + j * 16, 16)]
                    plsc.addupdate_scatter(acc, [base + g], x)
                return 0

            lax.fori_loop(0, n // 16, group, 0)

        def chunk(i, _):
            do_chunk(i * C, C)
            return 0

        lax.fori_loop(0, nfull, chunk, 0)
        if rem:
            do_chunk(nfull * C, rem)
        pltpu.sync_copy(acc, out_hbm.at[w])

    return k(vals_t, idx)



def _dot(a, b):
    return jnp.dot(a, b, preferred_element_type=jnp.float32)


def _silu(x):
    return x * (1.0 / (1.0 + jnp.exp(-x)))


def tc_weight_prep(W_cm, Wp1i, Wp1j, b_cm, b_p1):
    FH, H = W_cm.shape

    def body(wcm, wi, wj, bcm, bp1, mi, mj, cp1):
        mi[...] = _dot(wcm[...], wi[...])
        mj[...] = _dot(wcm[...], wj[...])
        cp1[...] = bp1[...] + _dot(bcm[...], wi[...]) + _dot(bcm[...], wj[...])

    return pl.pallas_call(
        body,
        out_shape=[jax.ShapeDtypeStruct((FH, H), jnp.float32),
                   jax.ShapeDtypeStruct((FH, H), jnp.float32),
                   jax.ShapeDtypeStruct((1, H), jnp.float32)],
    )(W_cm, Wp1i, Wp1j, b_cm.reshape(1, H), b_p1.reshape(1, H))


def tc_node_precompute(x, n2g_f, pos16, posn16, ts, ap16,
                       We1a, We1b, W_node, b_node, Wm0a, Wm0b):
    N, EMB = x.shape
    H = W_node.shape[1]
    BN = 2000
    grid = N // BN

    def body(x_r, n2g_r, pos_r, posn_r, ts_r, ap_r,
             we1a, we1b, wn, bn_, wma, wmb,
             a1_o, b1_o, hn0_o, pa0_o, pb0_o, posp_o, astd_o):
        xv = x_r[...]
        a1_o[...] = _dot(xv, we1a[...])
        b1_o[...] = _dot(xv, we1b[...])
        hn0 = _dot(xv, wn[...]) + bn_[...]
        hn0_o[...] = hn0
        pa0_o[...] = _dot(hn0, wma[...])
        pb0_o[...] = _dot(hn0, wmb[...])
        t = ts_r[...] / NUM_T * (1.0 - EPS) + EPS
        iota = lax.broadcasted_iota(jnp.int32, (1, t.shape[1]), 1).astype(jnp.float32)
        m = (n2g_r[...] == iota)
        t_pos = jnp.sum(jnp.where(m, t, 0.0), axis=1, keepdims=True)
        lstd = np.log(SIGMA_MIN) + t_pos * np.log(SIGMA_MAX / SIGMA_MIN)
        std = jnp.exp(lstd)
        posp = pos_r[...] + std * posn_r[...]
        posp_o[...] = jnp.concatenate(
            [posp, jnp.zeros((posp.shape[0], 112), jnp.float32)], axis=1)
        astd_o[...] = jnp.exp(ap_r[...] * lstd)

    G = ts.shape[1]
    row = lambda i: (i, 0)
    const = lambda i: (0, 0)
    return pl.pallas_call(
        body,
        grid=(grid,),
        in_specs=[pl.BlockSpec((BN, EMB), row), pl.BlockSpec((BN, 1), row),
                  pl.BlockSpec((BN, 16), row), pl.BlockSpec((BN, 16), row),
                  pl.BlockSpec((1, G), const), pl.BlockSpec((1, 16), const),
                  pl.BlockSpec((EMB, H), const), pl.BlockSpec((EMB, H), const),
                  pl.BlockSpec((EMB, H), const), pl.BlockSpec((1, H), const),
                  pl.BlockSpec((H, H), const), pl.BlockSpec((H, H), const)],
        out_specs=[pl.BlockSpec((BN, H), row), pl.BlockSpec((BN, H), row),
                   pl.BlockSpec((BN, H), row), pl.BlockSpec((BN, H), row),
                   pl.BlockSpec((BN, H), row), pl.BlockSpec((BN, 128), row),
                   pl.BlockSpec((BN, 16), row)],
        out_shape=[jax.ShapeDtypeStruct((N, H), jnp.float32)] * 5
        + [jax.ShapeDtypeStruct((N, 128), jnp.float32),
           jax.ShapeDtypeStruct((N, 16), jnp.float32)],
    )(x, n2g_f, pos16, posn16, ts, ap16, We1a, We1b, W_node,
      b_node.reshape(1, H), Wm0a, Wm0b)


def tc_edge_pass_a(a1r, b1c, prg, pcg, Mi, Mj, Wp2, wang, wf, be1, cp1, bp2):
    E, H = a1r.shape
    BE = 640
    grid = E // BE

    def body(a1_r, b1_r, pr_r, pc_r, mi, mj, wp2, wang_r, wf_r, be1_r, cp1_r,
             bp2_r, hpre_o, e3d_o, cd_o, cc_o, cv_o, st_o):
        i = pl.program_id(0)
        h_pre = a1_r[...] + b1_r[...] + be1_r[...]
        hpre_o[...] = h_pre

        @pl.when(i == 0)
        def _():
            st_o[...] = jnp.zeros_like(st_o)

        st_o[0:1, :] += jnp.sum(h_pre, axis=0, keepdims=True)
        st_o[1:2, :] += jnp.sum(h_pre * h_pre, axis=0, keepdims=True)

        pr = pr_r[...]
        pc = pc_r[...]
        a0, a1_, a2 = pr[:, 0:1], pr[:, 1:2], pr[:, 2:3]
        b0, b1_, b2 = pc[:, 0:1], pc[:, 1:2], pc[:, 2:3]
        d = pr - pc
        radial = jnp.sum(d * d, axis=1, keepdims=True)
        norm = jnp.sqrt(radial) + EPS
        cd = d / norm
        cd0, cd1, cd2 = cd[:, 0:1], cd[:, 1:2], cd[:, 2:3]
        cr0 = a1_ * b2 - a2 * b1_
        cr1 = a2 * b0 - a0 * b2
        cr2 = a0 * b1_ - a1_ * b0
        crn = jnp.sqrt(cr0 * cr0 + cr1 * cr1 + cr2 * cr2) + EPS
        cc0, cc1, cc2 = cr0 / crn, cr1 / crn, cr2 / crn
        cv0 = cd1 * cc2 - cd2 * cc1
        cv1 = cd2 * cc0 - cd0 * cc2
        cv2 = cd0 * cc1 - cd1 * cc0
        z13 = jnp.zeros((pr.shape[0], 13), jnp.float32)
        cd_o[...] = jnp.concatenate([cd0, cd1, cd2, z13], axis=1)
        cc_o[...] = jnp.concatenate([cc0, cc1, cc2, z13], axis=1)
        cv_o[...] = jnp.concatenate([cv0, cv1, cv2, z13], axis=1)

        ci0 = cd0 * a0 + cd1 * a1_ + cd2 * a2
        ci1 = jnp.abs(cc0 * a0 + cc1 * a1_ + cc2 * a2)
        ci2 = cv0 * a0 + cv1 * a1_ + cv2 * a2
        cj0 = cd0 * b0 + cd1 * b1_ + cd2 * b2
        cj1 = jnp.abs(cc0 * b0 + cc1 * b1_ + cc2 * b2)
        cj2 = cv0 * b0 + cv1 * b1_ + cv2 * b2
        ni = jnp.sqrt(ci0 * ci0 + ci1 * ci1 + ci2 * ci2)
        nj = jnp.sqrt(cj0 * cj0 + cj1 * cj1 + cj2 * cj2)
        pcos = (ci0 * cj0 + ci1 * cj1 + ci2 * cj2) / (ni + EPS) / (nj + EPS)
        psin = jnp.sqrt(jnp.maximum(1.0 - pcos * pcos, 0.0))

        wf = wf_r[...] * (2.0 * np.pi)
        pre = (psin * wang_r[0:1, :] + pcos * wang_r[1:2, :]) + cp1_r[...]
        bf = jnp.bfloat16
        for cval, M, off in ((ci0, mi, 0), (ci2, mi, 2 * H),
                             (cj0, mj, 0), (cj2, mj, 2 * H)):
            xp = cval * wf
            pre += _dot(jnp.sin(xp).astype(bf), M[off:off + H, :].astype(bf))
            pre += _dot(jnp.cos(xp).astype(bf),
                        M[off + H:off + 2 * H, :].astype(bf))
        e3d_o[...] = _dot(_silu(pre).astype(bf), wp2[...].astype(bf)) + bp2_r[...]

    FH = Mi.shape[0]
    row = lambda i: (i, 0)
    const = lambda i: (0, 0)
    return pl.pallas_call(
        body,
        grid=(grid,),
        in_specs=[pl.BlockSpec((BE, H), row), pl.BlockSpec((BE, H), row),
                  pl.BlockSpec((BE, 128), row), pl.BlockSpec((BE, 128), row),
                  pl.BlockSpec((FH, H), const), pl.BlockSpec((FH, H), const),
                  pl.BlockSpec((H, H), const), pl.BlockSpec((8, H), const),
                  pl.BlockSpec((1, H), const), pl.BlockSpec((1, H), const),
                  pl.BlockSpec((1, H), const), pl.BlockSpec((1, H), const)],
        out_specs=[pl.BlockSpec((BE, H), row), pl.BlockSpec((BE, H), row),
                   pl.BlockSpec((BE, 16), row), pl.BlockSpec((BE, 16), row),
                   pl.BlockSpec((BE, 16), row), pl.BlockSpec((8, H), const)],
        out_shape=[jax.ShapeDtypeStruct((E, H), jnp.float32),
                   jax.ShapeDtypeStruct((E, H), jnp.float32),
                   jax.ShapeDtypeStruct((E, 16), jnp.float32),
                   jax.ShapeDtypeStruct((E, 16), jnp.float32),
                   jax.ShapeDtypeStruct((E, 16), jnp.float32),
                   jax.ShapeDtypeStruct((8, H), jnp.float32)],
    )(a1r, b1c, prg, pcg, Mi, Mj, Wp2, wang, wf, be1, cp1, bp2)


def tc_edge_pass_b(hpre, e3d, pa0r, pb0c, stats, W_e2, be2, Wcat, bcat,
                   bn_g, bn_b, n_edges):
    E, H = hpre.shape
    CW = Wcat.shape[1]
    BE = 1280
    grid = E // BE

    def body(hp_r, e3_r, pa_r, pb_r, st_r, we2, be2_r, wcat, bcat_r, g_r, b_r,
             m0_o, ec1_o, ecf_o):
        mu = st_r[0:1, :] * (1.0 / n_edges)
        var = st_r[1:2, :] * (1.0 / n_edges) - mu * mu
        inv = lax.rsqrt(var + 1e-05)
        h = g_r[...] * (hp_r[...] - mu) * inv + b_r[...]
        h = jnp.maximum(h, 0.0)
        bf = jnp.bfloat16
        ea = _dot(h.astype(bf), we2[...].astype(bf)) + be2_r[...] + e3_r[...]
        cat = _dot(ea.astype(bf), wcat[...].astype(bf)) + bcat_r[...]
        m0_o[...] = _silu(pa_r[...] + pb_r[...] + cat[:, 0:H]).T
        ec1_o[...] = cat[:, H:2 * H]
        ecf_o[...] = cat[:, 2 * H:CW]

    row = lambda i: (i, 0)
    const = lambda i: (0, 0)
    return pl.pallas_call(
        body,
        grid=(grid,),
        in_specs=[pl.BlockSpec((BE, H), row), pl.BlockSpec((BE, H), row),
                  pl.BlockSpec((BE, H), row), pl.BlockSpec((BE, H), row),
                  pl.BlockSpec((8, H), const), pl.BlockSpec((H, H), const),
                  pl.BlockSpec((1, H), const), pl.BlockSpec((H, CW), const),
                  pl.BlockSpec((1, CW), const), pl.BlockSpec((1, H), const),
                  pl.BlockSpec((1, H), const)],
        out_specs=[pl.BlockSpec((H, BE), lambda i: (0, i)),
                   pl.BlockSpec((BE, H), row),
                   pl.BlockSpec((BE, CW - 2 * H), row)],
        out_shape=[jax.ShapeDtypeStruct((H, E), jnp.float32),
                   jax.ShapeDtypeStruct((E, H), jnp.float32),
                   jax.ShapeDtypeStruct((E, CW - 2 * H), jnp.float32)],
    )(hpre, e3d, pa0r, pb0c, stats, W_e2, be2.reshape(1, H), Wcat,
      bcat.reshape(1, CW), bn_g.reshape(1, H), bn_b.reshape(1, H))


def tc_node_update(hn, agg, W_u, b_u, Wma, Wmb):
    N, H = hn.shape
    HO = Wma.shape[1]
    BN = 2000
    grid = N // BN

    def body(hn_r, ag_r, wu, bu, wma, wmb, ho, pao, pbo):
        hnn = hn_r[...] + _silu(_dot(ag_r[...], wu[...]) + bu[...])
        ho[...] = hnn
        pao[...] = _dot(hnn, wma[...])
        pbo[...] = _dot(hnn, wmb[...])

    row = lambda i: (i, 0)
    const = lambda i: (0, 0)
    return pl.pallas_call(
        body,
        grid=(grid,),
        in_specs=[pl.BlockSpec((BN, H), row), pl.BlockSpec((BN, H), row),
                  pl.BlockSpec((H, H), const), pl.BlockSpec((1, H), const),
                  pl.BlockSpec((H, HO), const), pl.BlockSpec((H, HO), const)],
        out_specs=[pl.BlockSpec((BN, H), row), pl.BlockSpec((BN, HO), row),
                   pl.BlockSpec((BN, HO), row)],
        out_shape=[jax.ShapeDtypeStruct((N, H), jnp.float32),
                   jax.ShapeDtypeStruct((N, HO), jnp.float32),
                   jax.ShapeDtypeStruct((N, HO), jnp.float32)],
    )(hn, agg, W_u, b_u.reshape(1, H), Wma, Wmb)


def tc_edge_silu3_t(a, b, c):
    E, D = a.shape
    BE = 1280
    grid = E // BE

    def body(a_r, b_r, c_r, o_r):
        o_r[...] = _silu(a_r[...] + b_r[...] + c_r[...]).T

    row = lambda i: (i, 0)
    return pl.pallas_call(
        body, grid=(grid,),
        in_specs=[pl.BlockSpec((BE, D), row)] * 3,
        out_specs=pl.BlockSpec((D, BE), lambda i: (0, i)),
        out_shape=jax.ShapeDtypeStruct((D, E), jnp.float32),
    )(a, b, c)


def tc_edge_pass_d(pafr, pbfc, ecf, cd, cc, cv, Wco2p, bco2p):
    E, HC = pafr.shape
    BE = 1280
    grid = E // BE

    def body(pa_r, pb_r, ec_r, cd_r, cc_r, cv_r, w, bco, bm_o):
        ef = _silu(pa_r[...] + pb_r[...] + ec_r[...])
        coff = _dot(ef, w[...]) + bco[...]
        bm = (coff[:, 0:1] * cd_r[...] + coff[:, 1:2] * cc_r[...]
              + coff[:, 2:3] * cv_r[...])
        bm_o[...] = jnp.concatenate(
            [bm, jnp.zeros_like(bm)], axis=1).T

    row = lambda i: (i, 0)
    const = lambda i: (0, 0)
    return pl.pallas_call(
        body, grid=(grid,),
        in_specs=[pl.BlockSpec((BE, HC), row), pl.BlockSpec((BE, HC), row),
                  pl.BlockSpec((BE, HC), row), pl.BlockSpec((BE, 16), row),
                  pl.BlockSpec((BE, 16), row), pl.BlockSpec((BE, 16), row),
                  pl.BlockSpec((HC, 128), const), pl.BlockSpec((1, 128), const)],
        out_specs=pl.BlockSpec((32, BE), lambda i: (0, i)),
        out_shape=jax.ShapeDtypeStruct((32, E), jnp.float32),
    )(pafr, pbfc, ecf, cd, cc, cv, Wco2p, bco2p)


def tc_loss(scores, posn16, astd16, n2g_f, num_graphs):
    N = scores.shape[0]
    BN = 2000
    grid = N // BN
    G = num_graphs

    def body(sc_r, pn_r, as_r, n2g_r, out_r, acc):
        i = pl.program_id(0)

        @pl.when(i == 0)
        def _():
            acc[...] = jnp.zeros_like(acc)

        diff = sc_r[...] - pn_r[...]
        lp = jnp.sum(diff * diff * as_r[...], axis=1, keepdims=True)
        iota = lax.broadcasted_iota(jnp.int32, (1, G), 1).astype(jnp.float32)
        mf = jnp.where(n2g_r[...] == iota, 1.0, 0.0)
        acc[0:1, :] += jnp.sum(mf * lp, axis=0, keepdims=True)
        acc[1:2, :] += jnp.sum(mf, axis=0, keepdims=True)

        @pl.when(i == grid - 1)
        def _():
            seg = acc[0:1, :]
            cnt = acc[1:2, :]
            out_r[...] = jnp.sum(seg / jnp.maximum(cnt, 1.0),
                                 axis=1, keepdims=True) * (1.0 / G)

    row = lambda i: (i, 0)
    const = lambda i: (0, 0)
    return pl.pallas_call(
        body, grid=(grid,),
        in_specs=[pl.BlockSpec((BN, 16), row), pl.BlockSpec((BN, 16), row),
                  pl.BlockSpec((BN, 16), row), pl.BlockSpec((BN, 1), row)],
        out_specs=pl.BlockSpec((1, 1), const),
        out_shape=jax.ShapeDtypeStruct((1, 1), jnp.float32),
        scratch_shapes=[pltpu.VMEM((8, G), jnp.float32)],
    )(scores, posn16, astd16, n2g_f)



def kernel(node_2D_repr, pos, pos_noise, edge_index, node2graph, time_step,
           anneal_power, W_node, b_node, W_e1, b_e1, bn_g, bn_b, W_e2, b_e2,
           W_f, W_cm, b_cm, W_p1, b_p1, W_p2, b_p2, W_m0, b_m0, W_u0, b_u0,
           W_m1, b_m1, W_u1, b_u1, W_co1, b_co1, W_co2, b_co2):
    N, EMB = node_2D_repr.shape
    E = edge_index.shape[1]
    G = time_step.shape[0]
    H = W_node.shape[1]
    HC = W_co1.shape[1]

    row = edge_index[0].astype(jnp.int32)
    col = edge_index[1].astype(jnp.int32)
    n2g_f = node2graph.astype(jnp.float32).reshape(N, 1)
    ts = time_step.astype(jnp.float32).reshape(1, G)
    ap16 = jnp.full((1, 16), anneal_power, jnp.float32)
    pos16 = jnp.pad(pos, ((0, 0), (0, 13)))
    posn16 = jnp.pad(pos_noise, ((0, 0), (0, 13)))

    Mi, Mj, cp1 = tc_weight_prep(W_cm, W_p1[2:2 + H], W_p1[2 + H:2 + 2 * H],
                                 b_cm, b_p1)
    wang = jnp.pad(W_p1[0:2], ((0, 6), (0, 0)))

    a1, b1, hn0, pa0, pb0, posp, astd = tc_node_precompute(
        node_2D_repr, n2g_f, pos16, posn16, ts, ap16,
        W_e1[:EMB], W_e1[EMB:], W_node, b_node, W_m0[:H], W_m0[H:2 * H])

    a1r, pa0r, prg, b1c, pb0c, pcg = sc_gather_grouped(
        [(row, [a1, pa0, posp]), (col, [b1, pb0, posp])])

    hpre, e3d, cd, cc, cv, stats = tc_edge_pass_a(
        a1r, b1c, prg, pcg, Mi, Mj, W_p2, wang, W_f.reshape(1, H),
        b_e1.reshape(1, H), cp1, b_p2.reshape(1, H))

    Wcat = jnp.concatenate([W_m0[2 * H:], W_m1[2 * H:], W_co1[2 * H:]], axis=1)
    bcat = jnp.concatenate([b_m0, b_m1, b_co1])
    m0t, ec1, ecf = tc_edge_pass_b(hpre, e3d, pa0r, pb0c, stats, W_e2, b_e2,
                                   Wcat, bcat, bn_g, bn_b, float(E))

    NW = _NC * _NS
    F = H // NW

    def _assemble(parts):
        return parts.reshape(NW, N, F).transpose(1, 0, 2).reshape(N, H)

    agg0 = _assemble(sc_scatter_add_t(m0t, row, N))

    hn1, pa1, pb1 = tc_node_update(hn0, agg0, W_u0, b_u0,
                                   W_m1[:H], W_m1[H:2 * H])
    pa1r, pb1c = sc_gather_grouped([(row, [pa1]), (col, [pb1])])
    m1t = tc_edge_silu3_t(pa1r, pb1c, ec1)
    agg1 = _assemble(sc_scatter_add_t(m1t, row, N))

    hn2, paf, pbf = tc_node_update(hn1, agg1, W_u1, b_u1,
                                   W_co1[:H], W_co1[H:2 * H])
    pafr, pbfc = sc_gather_grouped([(row, [paf]), (col, [pbf])])
    Wco2p = jnp.pad(W_co2, ((0, 0), (0, 125)))
    bco2p = jnp.pad(b_co2, (0, 125)).reshape(1, 128)
    bmt = tc_edge_pass_d(pafr, pbfc, ecf, cd, cc, cv, Wco2p, bco2p)
    sparts = sc_scatter_add_t(bmt, row, N)
    scores = sparts.reshape(NW, N, 1).transpose(1, 0, 2).reshape(N, NW)[:, :16]

    out = tc_loss(scores, posn16, astd, n2g_f, G)
    return out[0, 0]

# --- scband reference (transcript-rebuilt; emitter-appended) ---
"""Pipeline reference for scband-sdemodel2-dto3-d-01-48000554500605 (READ-ONLY COPY).

The authoritative reference and input builder live on the scoring server;
editing this copy changes nothing except your own understanding.
"""

import jax, jax.numpy as jnp
import numpy as np

EPS = 1e-06
N = 10000
E = 160000
G = 128
EMB = 256
HID = 256
HCOFF = 128
SIGMA_MIN = 0.01
SIGMA_MAX = 50.0
NUM_T = 1000


def _lin(k, fi, fo):
    return jax.random.normal(k, (fi, fo), dtype=jnp.float32) / np.sqrt(fi)


def setup_inputs(seed: int = 0):
    key = jax.random.key(seed)
    ks = jax.random.split(key, 40)
    inp = {}
    inp['node_2D_repr'] = jax.random.normal(ks[0], (N, EMB), dtype=jnp.float32)
    inp['pos'] = jax.random.normal(ks[1], (N, 3), dtype=jnp.float32)
    inp['pos_noise'] = jax.random.normal(ks[2], (N, 3), dtype=jnp.float32)
    inp['edge_index'] = jax.random.randint(ks[3], (2, E), 0, N)
    inp['node2graph'] = jnp.sort(jax.random.randint(ks[4], (N,), 0, G))
    inp['time_step'] = jax.random.randint(ks[5], (G,), 0, NUM_T)
    inp['anneal_power'] = 2
    inp['W_node'] = _lin(ks[6], EMB, HID); inp['b_node'] = jnp.zeros((HID,), jnp.float32)
    inp['W_e1'] = _lin(ks[7], 2 * EMB, EMB); inp['b_e1'] = jnp.zeros((EMB,), jnp.float32)
    inp['bn_g'] = jnp.ones((EMB,), jnp.float32); inp['bn_b'] = jnp.zeros((EMB,), jnp.float32)
    inp['W_e2'] = _lin(ks[8], EMB, HID); inp['b_e2'] = jnp.zeros((HID,), jnp.float32)
    inp['W_f'] = jax.random.normal(ks[9], (HID,), dtype=jnp.float32)
    inp['W_cm'] = _lin(ks[10], 4 * HID, HID); inp['b_cm'] = jnp.zeros((HID,), jnp.float32)
    inp['W_p1'] = _lin(ks[11], 2 * HID + 2, HID); inp['b_p1'] = jnp.zeros((HID,), jnp.float32)
    inp['W_p2'] = _lin(ks[12], HID, HID); inp['b_p2'] = jnp.zeros((HID,), jnp.float32)
    inp['W_m0'] = _lin(ks[13], 3 * HID, HID); inp['b_m0'] = jnp.zeros((HID,), jnp.float32)
    inp['W_u0'] = _lin(ks[14], HID, HID); inp['b_u0'] = jnp.zeros((HID,), jnp.float32)
    inp['W_m1'] = _lin(ks[15], 3 * HID, HID); inp['b_m1'] = jnp.zeros((HID,), jnp.float32)
    inp['W_u1'] = _lin(ks[16], HID, HID); inp['b_u1'] = jnp.zeros((HID,), jnp.float32)
    inp['W_co1'] = _lin(ks[17], 3 * HID, HCOFF); inp['b_co1'] = jnp.zeros((HCOFF,), jnp.float32)
    inp['W_co2'] = _lin(ks[18], HCOFF, 3); inp['b_co2'] = jnp.zeros((3,), jnp.float32)
    return inp


def _forward(node_2D_repr, pos, pos_noise, edge_index, node2graph, time_step, anneal_power, p):
    t = time_step.astype(jnp.float32) / NUM_T * (1.0 - EPS) + EPS
    t_pos = t[node2graph]
    std_pos = SIGMA_MIN * (SIGMA_MAX / SIGMA_MIN) ** t_pos
    pos_perturbed = pos + std_pos[:, None] * pos_noise
    row = edge_index[0]
    col = edge_index[1]
    e2 = jnp.concatenate([node_2D_repr[row], node_2D_repr[col]], axis=-1)
    h = e2 @ p['W_e1'] + p['b_e1']
    mu = h.mean(axis=0)
    var = h.var(axis=0)
    h = p['bn_g'] * (h - mu) / jnp.sqrt(var + 1e-05) + p['bn_b']
    h = jax.nn.relu(h)
    edge_attr_2D = h @ p['W_e2'] + p['b_e2']
    coord_diff = pos_perturbed[row] - pos_perturbed[col]
    radial = jnp.sum(coord_diff ** 2, axis=1, keepdims=True)
    coord_cross = jnp.cross(pos_perturbed[row], pos_perturbed[col])
    norm = jnp.sqrt(radial) + EPS
    coord_diff = coord_diff / norm
    cross_norm = jnp.sqrt(jnp.sum(coord_cross ** 2, axis=1, keepdims=True)) + EPS
    coord_cross = coord_cross / cross_norm
    coord_vertical = jnp.cross(coord_diff, coord_cross)
    edge_basis = jnp.stack([coord_diff, coord_cross, coord_vertical], axis=1)
    r_i = pos_perturbed[row]
    r_j = pos_perturbed[col]
    coff_i = jnp.einsum('ebk,ek->eb', edge_basis, r_i)
    coff_j = jnp.einsum('ebk,ek->eb', edge_basis, r_j)
    coff_i = coff_i.at[:, 1].set(jnp.abs(coff_i[:, 1]))
    coff_j = coff_j.at[:, 1].set(jnp.abs(coff_j[:, 1]))

    def fourier(x):
        xp = x * p['W_f'][None, :] * 2.0 * np.pi
        return jnp.concatenate([jnp.sin(xp), jnp.cos(xp)], axis=-1)

    def get_embedding(c):
        emb = jnp.concatenate([fourier(c[:, 0:1]), fourier(c[:, 2:3])], axis=-1)
        return emb @ p['W_cm'] + p['b_cm']

    coff_mul = coff_i * coff_j
    ni = jnp.linalg.norm(coff_i, axis=-1, keepdims=True)
    nj = jnp.linalg.norm(coff_j, axis=-1, keepdims=True)
    pseudo_cos = coff_mul.sum(axis=-1, keepdims=True) / (ni + EPS) / (nj + EPS)
    pseudo_sin = jnp.sqrt(jnp.maximum(1.0 - pseudo_cos ** 2, 0.0))
    pseudo_angle = jnp.concatenate([pseudo_sin, pseudo_cos], axis=-1)
    embed_i = get_embedding(coff_i)
    embed_j = get_embedding(coff_j)
    edge_embed = jnp.concatenate([pseudo_angle, embed_i, embed_j], axis=-1)
    e3d = jax.nn.silu(edge_embed @ p['W_p1'] + p['b_p1']) @ p['W_p2'] + p['b_p2']
    edge_attr = edge_attr_2D + e3d
    hn = node_2D_repr @ p['W_node'] + p['b_node']
    for lw in [('W_m0', 'b_m0', 'W_u0', 'b_u0'), ('W_m1', 'b_m1', 'W_u1', 'b_u1')]:
        m = jax.nn.silu(jnp.concatenate([hn[row], hn[col], edge_attr], axis=-1) @ p[lw[0]] + p[lw[1]])
        agg = jax.ops.segment_sum(m, row, num_segments=N)
        hn = hn + jax.nn.silu(agg @ p[lw[2]] + p[lw[3]])
    ef = jax.nn.silu(jnp.concatenate([hn[row], hn[col], edge_attr], axis=-1) @ p['W_co1'] + p['b_co1'])
    coff = ef @ p['W_co2'] + p['b_co2']
    basis_mix = coff[:, 0:1] * coord_diff + coff[:, 1:2] * coord_cross + coff[:, 2:3] * coord_vertical
    scores = jax.ops.segment_sum(basis_mix, row, num_segments=N)
    annealed_std = (std_pos ** anneal_power)[:, None]
    loss_pos = jnp.sum((scores - pos_noise) ** 2 * annealed_std, axis=-1)
    seg = jax.ops.segment_sum(loss_pos, node2graph, num_segments=G)
    cnt = jax.ops.segment_sum(jnp.ones_like(loss_pos), node2graph, num_segments=G)
    return (seg / jnp.maximum(cnt, 1.0)).mean()


def reference(node_2D_repr, pos, pos_noise, edge_index, node2graph, time_step, anneal_power,
              W_node, b_node, W_e1, b_e1, bn_g, bn_b, W_e2, b_e2, W_f, W_cm, b_cm,
              W_p1, b_p1, W_p2, b_p2, W_m0, b_m0, W_u0, b_u0, W_m1, b_m1, W_u1, b_u1,
              W_co1, b_co1, W_co2, b_co2):
    p = {'W_node': W_node, 'b_node': b_node, 'W_e1': W_e1, 'b_e1': b_e1,
         'bn_g': bn_g, 'bn_b': bn_b, 'W_e2': W_e2, 'b_e2': b_e2, 'W_f': W_f,
         'W_cm': W_cm, 'b_cm': b_cm, 'W_p1': W_p1, 'b_p1': b_p1,
         'W_p2': W_p2, 'b_p2': b_p2, 'W_m0': W_m0, 'b_m0': b_m0,
         'W_u0': W_u0, 'b_u0': b_u0, 'W_m1': W_m1, 'b_m1': b_m1,
         'W_u1': W_u1, 'b_u1': b_u1, 'W_co1': W_co1, 'b_co1': b_co1,
         'W_co2': W_co2, 'b_co2': b_co2}
    return _forward(node_2D_repr, pos, pos_noise, edge_index, node2graph, time_step, anneal_power, p)

if __name__ == "__main__":
    import jax
    _d = setup_inputs()
    print(jax.jit(kernel)(*tuple(_d.values())))

</pallas_src>

<mosaic_0001>
#map = affine_map<(d0, d1) -> (0)>
#map1 = affine_map<(d0, d1) -> (0, 0)>
module attributes {stable_mosaic.version = 14 : i64} {
  func.func @k(%arg0: i32, %arg1: i32, %arg2: memref<160000xi32, #tpu.memory_space<hbm>>, %arg3: memref<10000x256xf32, #tpu.memory_space<hbm>>, %arg4: memref<10000x256xf32, #tpu.memory_space<hbm>>, %arg5: memref<10000x128xf32, #tpu.memory_space<hbm>>, %arg6: memref<160000xi32, #tpu.memory_space<hbm>>, %arg7: memref<10000x256xf32, #tpu.memory_space<hbm>>, %arg8: memref<10000x256xf32, #tpu.memory_space<hbm>>, %arg9: memref<10000x128xf32, #tpu.memory_space<hbm>>, %arg10: memref<160000x256xf32, #tpu.memory_space<hbm>>, %arg11: memref<160000x256xf32, #tpu.memory_space<hbm>>, %arg12: memref<160000x128xf32, #tpu.memory_space<hbm>>, %arg13: memref<160000x256xf32, #tpu.memory_space<hbm>>, %arg14: memref<160000x256xf32, #tpu.memory_space<hbm>>, %arg15: memref<160000x128xf32, #tpu.memory_space<hbm>>, %arg16: memref<128xi32, #tpu.memory_space<vmem>>, %arg17: memref<128x256xf32, #tpu.memory_space<vmem>>, %arg18: memref<128x128xf32, #tpu.memory_space<vmem>>, %arg19: memref<!tpu.dma_semaphore, #tpu.memory_space<semaphore_mem>>) attributes {dimension_semantics = [#tpu.dimension_semantics<core_parallel>, #tpu.dimension_semantics<subcore_parallel>], iteration_bounds = array<i64: 2, 16>, scalar_prefetch = 0 : i64, scratch_operands = 4 : i64, tpu.core_type = #tpu.core_type<sc_vector_subcore>, window_params = [{transform_indices = #map}, {transform_indices = #map1}, {transform_indices = #map1}, {transform_indices = #map1}, {transform_indices = #map}, {transform_indices = #map1}, {transform_indices = #map1}, {transform_indices = #map1}, {transform_indices = #map1}, {transform_indices = #map1}, {transform_indices = #map1}, {transform_indices = #map1}, {transform_indices = #map1}, {transform_indices = #map1}]} {
    %mul3A = arith.constant 2 : i32
    %mul3A_0 = arith.muli %arg1, %mul3A : i32
    %add3A = arith.addi %mul3A_0, %arg0 : i32
    %mul3A_1 = arith.constant 5000 : i32
    %mul3A_2 = arith.muli %add3A, %mul3A_1 : i32
    %scan3A = arith.constant 0 : i32
    %scan3A_3 = arith.constant 0 : i32
    %scan3A_4 = arith.constant 40 : i32
    %scan3A_5 = arith.addi %scan3A_3, %scan3A_4 : i32
    %scan3A_6 = arith.constant 1 : i32
    %scan3A_7 = scf.for %scan3A_9 = %scan3A_3 to %scan3A_5 step %scan3A_6 iter_args(%scan3A_10 = %scan3A) -> (i32)  : i32 {
      %mul3A_11 = arith.constant 128 : i32
      %mul3A_12 = arith.muli %scan3A_9, %mul3A_11 : i32
      %min3A = arith.constant 4872 : i32
      %min3A_13 = arith.minsi %mul3A_12, %min3A : i32
      %add3A_14 = arith.addi %mul3A_2, %min3A_13 : i32
      "tpu.region"() ({
        %run_scoped3A = tpu.sem_alloc : memref<!tpu.dma_semaphore, #tpu.memory_space<semaphore_mem>>
        %dma_start3A_50 = tpu.memref_slice %arg2[%add3A_14] : memref<160000xi32, #tpu.memory_space<hbm>> -> memref<128xi32, #tpu.memory_space<hbm>>
        %dma_start3A_51 = tpu.memref_slice %arg2[%add3A_14] : memref<160000xi32, #tpu.memory_space<hbm>> -> memref<128xi32, #tpu.memory_space<hbm>>
        tpu.enqueue_dma source(%dma_start3A_51 : memref<128xi32, #tpu.memory_space<hbm>>) target(%arg16 : memref<128xi32, #tpu.memory_space<vmem>>) target_semaphore(%run_scoped3A : memref<!tpu.dma_semaphore, #tpu.memory_space<semaphore_mem>>)
        %dma_wait3A_52 = tpu.memref_slice %arg2[%add3A_14] : memref<160000xi32, #tpu.memory_space<hbm>> -> memref<128xi32, #tpu.memory_space<hbm>>
        %dma_wait3A_53 = tpu.memref_slice %arg2[%add3A_14] : memref<160000xi32, #tpu.memory_space<hbm>> -> memref<128xi32, #tpu.memory_space<hbm>>
        tpu.wait_dma2 semaphore(%run_scoped3A : memref<!tpu.dma_semaphore, #tpu.memory_space<semaphore_mem>>) src(%dma_wait3A_53 : memref<128xi32, #tpu.memory_space<hbm>>) dst(%arg16 : memref<128xi32, #tpu.memory_space<vmem>>)
        tpu.yield
      }) : () -> ()
      %dma_start3A = arith.constant 0 : i32
      %dma_start3A_15 = arith.constant 0 : i32
      %dma_start3A_16 = tpu.memref_slice %arg3[%dma_start3A, %dma_start3A_15] : memref<10000x256xf32, #tpu.memory_space<hbm>> -> memref<10000x256xf32, #tpu.memory_space<hbm>>
      tpu.enqueue_indirect_dma source(%dma_start3A_16 : memref<10000x256xf32, #tpu.memory_space<hbm>>) target(%arg17 : memref<128x256xf32, #tpu.memory_space<vmem>>) offsets(%arg16 : memref<128xi32, #tpu.memory_space<vmem>>) semaphore(%arg19 : memref<!tpu.dma_semaphore, #tpu.memory_space<semaphore_mem>>)
      %dma_wait3A = arith.constant 0 : i32
      %dma_wait3A_17 = arith.constant 0 : i32
      %dma_wait3A_18 = tpu.memref_slice %arg3[%dma_wait3A, %dma_wait3A_17] : memref<10000x256xf32, #tpu.memory_space<hbm>> -> memref<10000x256xf32, #tpu.memory_space<hbm>>
      tpu.wait_indirect_dma semaphore(%arg19 : memref<!tpu.dma_semaphore, #tpu.memory_space<semaphore_mem>>) src(%dma_wait3A_18 : memref<10000x256xf32, #tpu.memory_space<hbm>>) dst(%arg17 : memref<128x256xf32, #tpu.memory_space<vmem>>)
      "tpu.region"() ({
        %run_scoped3A = tpu.sem_alloc : memref<!tpu.dma_semaphore, #tpu.memory_space<semaphore_mem>>
        %dma_start3A_50 = arith.constant 0 : i32
        %dma_start3A_51 = tpu.memref_slice %arg10[%add3A_14, %dma_start3A_50] : memref<160000x256xf32, #tpu.memory_space<hbm>> -> memref<128x256xf32, #tpu.memory_space<hbm>>
        %dma_start3A_52 = arith.constant 0 : i32
        %dma_start3A_53 = tpu.memref_slice %arg10[%add3A_14, %dma_start3A_52] : memref<160000x256xf32, #tpu.memory_space<hbm>> -> memref<128x256xf32, #tpu.memory_space<hbm>>
        tpu.enqueue_dma source(%arg17 : memref<128x256xf32, #tpu.memory_space<vmem>>) target(%dma_start3A_53 : memref<128x256xf32, #tpu.memory_space<hbm>>) target_semaphore(%run_scoped3A : memref<!tpu.dma_semaphore, #tpu.memory_space<semaphore_mem>>)
        %dma_wait3A_54 = arith.constant 0 : i32
        %dma_wait3A_55 = tpu.memref_slice %arg10[%add3A_14, %dma_wait3A_54] : memref<160000x256xf32, #tpu.memory_space<hbm>> -> memref<128x256xf32, #tpu.memory_space<hbm>>
        %dma_wait3A_56 = arith.constant 0 : i32
        %dma_wait3A_57 = tpu.memref_slice %arg10[%add3A_14, %dma_wait3A_56] : memref<160000x256xf32, #tpu.memory_space<hbm>> -> memref<128x256xf32, #tpu.memory_space<hbm>>
        tpu.wait_dma2 semaphore(%run_scoped3A : memref<!tpu.dma_semaphore, #tpu.memory_space<semaphore_mem>>) src(%arg17 : memref<128x256xf32, #tpu.memory_space<vmem>>) dst(%dma_wait3A_57 : memref<128x256xf32, #tpu.memory_space<hbm>>)
        tpu.yield
      }) : () -> ()
      %dma_start3A_19 = arith.constant 0 : i32
      %dma_start3A_20 = arith.constant 0 : i32
      %dma_start3A_21 = tpu.memref_slice %arg4[%dma_start3A_19, %dma_start3A_20] : memref<10000x256xf32, #tpu.memory_space<hbm>> -> memref<10000x256xf32, #tpu.memory_space<hbm>>
      tpu.enqueue_indirect_dma source(%dma_start3A_21 : memref<10000x256xf32, #tpu.memory_space<hbm>>) target(%arg17 : memref<128x256xf32, #tpu.memory_space<vmem>>) offsets(%arg16 : memref<128xi32, #tpu.memory_space<vmem>>) semaphore(%arg19 : memref<!tpu.dma_semaphore, #tpu.memory_space<semaphore_mem>>)
      %dma_wait3A_22 = arith.constant 0 : i32
      %dma_wait3A_23 = arith.constant 0 : i32
      %dma_wait3A_24 = tpu.memref_slice %arg4[%dma_wait3A_22, %dma_wait3A_23] : memref<10000x256xf32, #tpu.memory_space<hbm>> -> memref<10000x256xf32, #tpu.memory_space<hbm>>
      tpu.wait_indirect_dma semaphore(%arg19 : memref<!tpu.dma_semaphore, #tpu.memory_space<semaphore_mem>>) src(%dma_wait3A_24 : memref<10000x256xf32, #tpu.memory_space<hbm>>) dst(%arg17 : memref<128x256xf32, #tpu.memory_space<vmem>>)
      "tpu.region"() ({
        %run_scoped3A = tpu.sem_alloc : memref<!tpu.dma_semaphore, #tpu.memory_space<semaphore_mem>>
        %dma_start3A_50 = arith.constant 0 : i32
        %dma_start3A_51 = tpu.memref_slice %arg11[%add3A_14, %dma_start3A_50] : memref<160000x256xf32, #tpu.memory_space<hbm>> -> memref<128x256xf32, #tpu.memory_space<hbm>>
        %dma_start3A_52 = arith.constant 0 : i32
        %dma_start3A_53 = tpu.memref_slice %arg11[%add3A_14, %dma_start3A_52] : memref<160000x256xf32, #tpu.memory_space<hbm>> -> memref<128x256xf32, #tpu.memory_space<hbm>>
        tpu.enqueue_dma source(%arg17 : memref<128x256xf32, #tpu.memory_space<vmem>>) target(%dma_start3A_53 : memref<128x256xf32, #tpu.memory_space<hbm>>) target_semaphore(%run_scoped3A : memref<!tpu.dma_semaphore, #tpu.memory_space<semaphore_mem>>)
        %dma_wait3A_54 = arith.constant 0 : i32
        %dma_wait3A_55 = tpu.memref_slice %arg11[%add3A_14, %dma_wait3A_54] : memref<160000x256xf32, #tpu.memory_space<hbm>> -> memref<128x256xf32, #tpu.memory_space<hbm>>
        %dma_wait3A_56 = arith.constant 0 : i32
        %dma_wait3A_57 = tpu.memref_slice %arg11[%add3A_14, %dma_wait3A_56] : memref<160000x256xf32, #tpu.memory_space<hbm>> -> memref<128x256xf32, #tpu.memory_space<hbm>>
        tpu.wait_dma2 semaphore(%run_scoped3A : memref<!tpu.dma_semaphore, #tpu.memory_space<semaphore_mem>>) src(%arg17 : memref<128x256xf32, #tpu.memory_space<vmem>>) dst(%dma_wait3A_57 : memref<128x256xf32, #tpu.memory_space<hbm>>)
        tpu.yield
      }) : () -> ()
      %dma_start3A_25 = arith.constant 0 : i32
      %dma_start3A_26 = arith.constant 0 : i32
      %dma_start3A_27 = tpu.memref_slice %arg5[%dma_start3A_25, %dma_start3A_26] : memref<10000x128xf32, #tpu.memory_space<hbm>> -> memref<10000x128xf32, #tpu.memory_space<hbm>>
      tpu.enqueue_indirect_dma source(%dma_start3A_27 : memref<10000x128xf32, #tpu.memory_space<hbm>>) target(%arg18 : memref<128x128xf32, #tpu.memory_space<vmem>>) offsets(%arg16 : memref<128xi32, #tpu.memory_space<vmem>>) semaphore(%arg19 : memref<!tpu.dma_semaphore, #tpu.memory_space<semaphore_mem>>)
      %dma_wait3A_28 = arith.constant 0 : i32
      %dma_wait3A_29 = arith.constant 0 : i32
      %dma_wait3A_30 = tpu.memref_slice %arg5[%dma_wait3A_28, %dma_wait3A_29] : memref<10000x128xf32, #tpu.memory_space<hbm>> -> memref<10000x128xf32, #tpu.memory_space<hbm>>
      tpu.wait_indirect_dma semaphore(%arg19 : memref<!tpu.dma_semaphore, #tpu.memory_space<semaphore_mem>>) src(%dma_wait3A_30 : memref<10000x128xf32, #tpu.memory_space<hbm>>) dst(%arg18 : memref<128x128xf32, #tpu.memory_space<vmem>>)
      "tpu.region"() ({
        %run_scoped3A = tpu.sem_alloc : memref<!tpu.dma_semaphore, #tpu.memory_space<semaphore_mem>>
        %dma_start3A_50 = arith.constant 0 : i32
        %dma_start3A_51 = tpu.memref_slice %arg12[%add3A_14, %dma_start3A_50] : memref<160000x128xf32, #tpu.memory_space<hbm>> -> memref<128x128xf32, #tpu.memory_space<hbm>>
        %dma_start3A_52 = arith.constant 0 : i32
        %dma_start3A_53 = tpu.memref_slice %arg12[%add3A_14, %dma_start3A_52] : memref<160000x128xf32, #tpu.memory_space<hbm>> -> memref<128x128xf32, #tpu.memory_space<hbm>>
        tpu.enqueue_dma source(%arg18 : memref<128x128xf32, #tpu.memory_space<vmem>>) target(%dma_start3A_53 : memref<128x128xf32, #tpu.memory_space<hbm>>) target_semaphore(%run_scoped3A : memref<!tpu.dma_semaphore, #tpu.memory_space<semaphore_mem>>)
        %dma_wait3A_54 = arith.constant 0 : i32
        %dma_wait3A_55 = tpu.memref_slice %arg12[%add3A_14, %dma_wait3A_54] : memref<160000x128xf32, #tpu.memory_space<hbm>> -> memref<128x128xf32, #tpu.memory_space<hbm>>
        %dma_wait3A_56 = arith.constant 0 : i32
        %dma_wait3A_57 = tpu.memref_slice %arg12[%add3A_14, %dma_wait3A_56] : memref<160000x128xf32, #tpu.memory_space<hbm>> -> memref<128x128xf32, #tpu.memory_space<hbm>>
        tpu.wait_dma2 semaphore(%run_scoped3A : memref<!tpu.dma_semaphore, #tpu.memory_space<semaphore_mem>>) src(%arg18 : memref<128x128xf32, #tpu.memory_space<vmem>>) dst(%dma_wait3A_57 : memref<128x128xf32, #tpu.memory_space<hbm>>)
        tpu.yield
      }) : () -> ()
      "tpu.region"() ({
        %run_scoped3A = tpu.sem_alloc : memref<!tpu.dma_semaphore, #tpu.memory_space<semaphore_mem>>
        %dma_start3A_50 = tpu.memref_slice %arg6[%add3A_14] : memref<160000xi32, #tpu.memory_space<hbm>> -> memref<128xi32, #tpu.memory_space<hbm>>
        %dma_start3A_51 = tpu.memref_slice %arg6[%add3A_14] : memref<160000xi32, #tpu.memory_space<hbm>> -> memref<128xi32, #tpu.memory_space<hbm>>
        tpu.enqueue_dma source(%dma_start3A_51 : memref<128xi32, #tpu.memory_space<hbm>>) target(%arg16 : memref<128xi32, #tpu.memory_space<vmem>>) target_semaphore(%run_scoped3A : memref<!tpu.dma_semaphore, #tpu.memory_space<semaphore_mem>>)
        %dma_wait3A_52 = tpu.memref_slice %arg6[%add3A_14] : memref<160000xi32, #tpu.memory_space<hbm>> -> memref<128xi32, #tpu.memory_space<hbm>>
        %dma_wait3A_53 = tpu.memref_slice %arg6[%add3A_14] : memref<160000xi32, #tpu.memory_space<hbm>> -> memref<128xi32, #tpu.memory_space<hbm>>
        tpu.wait_dma2 semaphore(%run_scoped3A : memref<!tpu.dma_semaphore, #tpu.memory_space<semaphore_mem>>) src(%dma_wait3A_53 : memref<128xi32, #tpu.memory_space<hbm>>) dst(%arg16 : memref<128xi32, #tpu.memory_space<vmem>>)
        tpu.yield
      }) : () -> ()
      %dma_start3A_31 = arith.constant 0 : i32
      %dma_start3A_32 = arith.constant 0 : i32
      %dma_start3A_33 = tpu.memref_slice %arg7[%dma_start3A_31, %dma_start3A_32] : memref<10000x256xf32, #tpu.memory_space<hbm>> -> memref<10000x256xf32, #tpu.memory_space<hbm>>
      tpu.enqueue_indirect_dma source(%dma_start3A_33 : memref<10000x256xf32, #tpu.memory_space<hbm>>) target(%arg17 : memref<128x256xf32, #tpu.memory_space<vmem>>) offsets(%arg16 : memref<128xi32, #tpu.memory_space<vmem>>) semaphore(%arg19 : memref<!tpu.dma_semaphore, #tpu.memory_space<semaphore_mem>>)
      %dma_wait3A_34 = arith.constant 0 : i32
      %dma_wait3A_35 = arith.constant 0 : i32
      %dma_wait3A_36 = tpu.memref_slice %arg7[%dma_wait3A_34, %dma_wait3A_35] : memref<10000x256xf32, #tpu.memory_space<hbm>> -> memref<10000x256xf32, #tpu.memory_space<hbm>>
      tpu.wait_indirect_dma semaphore(%arg19 : memref<!tpu.dma_semaphore, #tpu.memory_space<semaphore_mem>>) src(%dma_wait3A_36 : memref<10000x256xf32, #tpu.memory_space<hbm>>) dst(%arg17 : memref<128x256xf32, #tpu.memory_space<vmem>>)
      "tpu.region"() ({
        %run_scoped3A = tpu.sem_alloc : memref<!tpu.dma_semaphore, #tpu.memory_space<semaphore_mem>>
        %dma_start3A_50 = arith.constant 0 : i32
        %dma_start3A_51 = tpu.memref_slice %arg13[%add3A_14, %dma_start3A_50] : memref<160000x256xf32, #tpu.memory_space<hbm>> -> memref<128x256xf32, #tpu.memory_space<hbm>>
        %dma_start3A_52 = arith.constant 0 : i32
        %dma_start3A_53 = tpu.memref_slice %arg13[%add3A_14, %dma_start3A_52] : memref<160000x256xf32, #tpu.memory_space<hbm>> -> memref<128x256xf32, #tpu.memory_space<hbm>>
        tpu.enqueue_dma source(%arg17 : memref<128x256xf32, #tpu.memory_space<vmem>>) target(%dma_start3A_53 : memref<128x256xf32, #tpu.memory_space<hbm>>) target_semaphore(%run_scoped3A : memref<!tpu.dma_semaphore, #tpu.memory_space<semaphore_mem>>)
        %dma_wait3A_54 = arith.constant 0 : i32
        %dma_wait3A_55 = tpu.memref_slice %arg13[%add3A_14, %dma_wait3A_54] : memref<160000x256xf32, #tpu.memory_space<hbm>> -> memref<128x256xf32, #tpu.memory_space<hbm>>
        %dma_wait3A_56 = arith.constant 0 : i32
        %dma_wait3A_57 = tpu.memref_slice %arg13[%add3A_14, %dma_wait3A_56] : memref<160000x256xf32, #tpu.memory_space<hbm>> -> memref<128x256xf32, #tpu.memory_space<hbm>>
        tpu.wait_dma2 semaphore(%run_scoped3A : memref<!tpu.dma_semaphore, #tpu.memory_space<semaphore_mem>>) src(%arg17 : memref<128x256xf32, #tpu.memory_space<vmem>>) dst(%dma_wait3A_57 : memref<128x256xf32, #tpu.memory_space<hbm>>)
        tpu.yield
      }) : () -> ()
      %dma_start3A_37 = arith.constant 0 : i32
      %dma_start3A_38 = arith.constant 0 : i32
      %dma_start3A_39 = tpu.memref_slice %arg8[%dma_start3A_37, %dma_start3A_38] : memref<10000x256xf32, #tpu.memory_space<hbm>> -> memref<10000x256xf32, #tpu.memory_space<hbm>>
      tpu.enqueue_indirect_dma source(%dma_start3A_39 : memref<10000x256xf32, #tpu.memory_space<hbm>>) target(%arg17 : memref<128x256xf32, #tpu.memory_space<vmem>>) offsets(%arg16 : memref<128xi32, #tpu.memory_space<vmem>>) semaphore(%arg19 : memref<!tpu.dma_semaphore, #tpu.memory_space<semaphore_mem>>)
      %dma_wait3A_40 = arith.constant 0 : i32
      %dma_wait3A_41 = arith.constant 0 : i32
      %dma_wait3A_42 = tpu.memref_slice %arg8[%dma_wait3A_40, %dma_wait3A_41] : memref<10000x256xf32, #tpu.memory_space<hbm>> -> memref<10000x256xf32, #tpu.memory_space<hbm>>
      tpu.wait_indirect_dma semaphore(%arg19 : memref<!tpu.dma_semaphore, #tpu.memory_space<semaphore_mem>>) src(%dma_wait3A_42 : memref<10000x256xf32, #tpu.memory_space<hbm>>) dst(%arg17 : memref<128x256xf32, #tpu.memory_space<vmem>>)
      "tpu.region"() ({
        %run_scoped3A = tpu.sem_alloc : memref<!tpu.dma_semaphore, #tpu.memory_space<semaphore_mem>>
        %dma_start3A_50 = arith.constant 0 : i32
        %dma_start3A_51 = tpu.memref_slice %arg14[%add3A_14, %dma_start3A_50] : memref<160000x256xf32, #tpu.memory_space<hbm>> -> memref<128x256xf32, #tpu.memory_space<hbm>>
        %dma_start3A_52 = arith.constant 0 : i32
        %dma_start3A_53 = tpu.memref_slice %arg14[%add3A_14, %dma_start3A_52] : memref<160000x256xf32, #tpu.memory_space<hbm>> -> memref<128x256xf32, #tpu.memory_space<hbm>>
        tpu.enqueue_dma source(%arg17 : memref<128x256xf32, #tpu.memory_space<vmem>>) target(%dma_start3A_53 : memref<128x256xf32, #tpu.memory_space<hbm>>) target_semaphore(%run_scoped3A : memref<!tpu.dma_semaphore, #tpu.memory_space<semaphore_mem>>)
        %dma_wait3A_54 = arith.constant 0 : i32
        %dma_wait3A_55 = tpu.memref_slice %arg14[%add3A_14, %dma_wait3A_54] : memref<160000x256xf32, #tpu.memory_space<hbm>> -> memref<128x256xf32, #tpu.memory_space<hbm>>
        %dma_wait3A_56 = arith.constant 0 : i32
        %dma_wait3A_57 = tpu.memref_slice %arg14[%add3A_14, %dma_wait3A_56] : memref<160000x256xf32, #tpu.memory_space<hbm>> -> memref<128x256xf32, #tpu.memory_space<hbm>>
        tpu.wait_dma2 semaphore(%run_scoped3A : memref<!tpu.dma_semaphore, #tpu.memory_space<semaphore_mem>>) src(%arg17 : memref<128x256xf32, #tpu.memory_space<vmem>>) dst(%dma_wait3A_57 : memref<128x256xf32, #tpu.memory_space<hbm>>)
        tpu.yield
      }) : () -> ()
      %dma_start3A_43 = arith.constant 0 : i32
      %dma_start3A_44 = arith.constant 0 : i32
      %dma_start3A_45 = tpu.memref_slice %arg9[%dma_start3A_43, %dma_start3A_44] : memref<10000x128xf32, #tpu.memory_space<hbm>> -> memref<10000x128xf32, #tpu.memory_space<hbm>>
      tpu.enqueue_indirect_dma source(%dma_start3A_45 : memref<10000x128xf32, #tpu.memory_space<hbm>>) target(%arg18 : memref<128x128xf32, #tpu.memory_space<vmem>>) offsets(%arg16 : memref<128xi32, #tpu.memory_space<vmem>>) semaphore(%arg19 : memref<!tpu.dma_semaphore, #tpu.memory_space<semaphore_mem>>)
      %dma_wait3A_46 = arith.constant 0 : i32
      %dma_wait3A_47 = arith.constant 0 : i32
      %dma_wait3A_48 = tpu.memref_slice %arg9[%dma_wait3A_46, %dma_wait3A_47] : memref<10000x128xf32, #tpu.memory_space<hbm>> -> memref<10000x128xf32, #tpu.memory_space<hbm>>
      tpu.wait_indirect_dma semaphore(%arg19 : memref<!tpu.dma_semaphore, #tpu.memory_space<semaphore_mem>>) src(%dma_wait3A_48 : memref<10000x128xf32, #tpu.memory_space<hbm>>) dst(%arg18 : memref<128x128xf32, #tpu.memory_space<vmem>>)
      "tpu.region"() ({
        %run_scoped3A = tpu.sem_alloc : memref<!tpu.dma_semaphore, #tpu.memory_space<semaphore_mem>>
        %dma_start3A_50 = arith.constant 0 : i32
        %dma_start3A_51 = tpu.memref_slice %arg15[%add3A_14, %dma_start3A_50] : memref<160000x128xf32, #tpu.memory_space<hbm>> -> memref<128x128xf32, #tpu.memory_space<hbm>>
        %dma_start3A_52 = arith.constant 0 : i32
        %dma_start3A_53 = tpu.memref_slice %arg15[%add3A_14, %dma_start3A_52] : memref<160000x128xf32, #tpu.memory_space<hbm>> -> memref<128x128xf32, #tpu.memory_space<hbm>>
        tpu.enqueue_dma source(%arg18 : memref<128x128xf32, #tpu.memory_space<vmem>>) target(%dma_start3A_53 : memref<128x128xf32, #tpu.memory_space<hbm>>) target_semaphore(%run_scoped3A : memref<!tpu.dma_semaphore, #tpu.memory_space<semaphore_mem>>)
        %dma_wait3A_54 = arith.constant 0 : i32
        %dma_wait3A_55 = tpu.memref_slice %arg15[%add3A_14, %dma_wait3A_54] : memref<160000x128xf32, #tpu.memory_space<hbm>> -> memref<128x128xf32, #tpu.memory_space<hbm>>
        %dma_wait3A_56 = arith.constant 0 : i32
        %dma_wait3A_57 = tpu.memref_slice %arg15[%add3A_14, %dma_wait3A_56] : memref<160000x128xf32, #tpu.memory_space<hbm>> -> memref<128x128xf32, #tpu.memory_space<hbm>>
        tpu.wait_dma2 semaphore(%run_scoped3A : memref<!tpu.dma_semaphore, #tpu.memory_space<semaphore_mem>>) src(%arg18 : memref<128x128xf32, #tpu.memory_space<vmem>>) dst(%dma_wait3A_57 : memref<128x128xf32, #tpu.memory_space<hbm>>)
        tpu.yield
      }) : () -> ()
      %scan3A_49 = arith.constant 0 : i32
      scf.yield %scan3A_49 : i32
    }
    %scan3A_8 = arith.constant 40 : i32
    return
  }
}

#map = affine_map<(d0, d1) -> (0, 0)>
#map1 = affine_map<(d0, d1) -> (0)>
module attributes {stable_mosaic.version = 14 : i64} {
  func.func @k(%arg0: i32, %arg1: i32, %arg2: memref<256x160000xf32, #tpu.memory_space<hbm>>, %arg3: memref<160000xi32, #tpu.memory_space<hbm>>, %arg4: memref<32x80000xf32, #tpu.memory_space<hbm>>, %arg5: memref<2048xi32, #tpu.memory_space<vmem>>, %arg6: memref<16384xf32, #tpu.memory_space<vmem>>, %arg7: memref<80000xf32, #tpu.memory_space<vmem>>, %arg8: memref<!tpu.dma_semaphore, #tpu.memory_space<semaphore_mem>>) attributes {dimension_semantics = [#tpu.dimension_semantics<core_parallel>, #tpu.dimension_semantics<subcore_parallel>], iteration_bounds = array<i64: 2, 16>, scalar_prefetch = 0 : i64, scratch_operands = 4 : i64, tpu.core_type = #tpu.core_type<sc_vector_subcore>, window_params = [{transform_indices = #map}, {transform_indices = #map1}, {transform_indices = #map}]} {
    %mul3A = arith.constant 2 : i32
    %mul3A_0 = arith.muli %arg1, %mul3A : i32
    %add3A = arith.addi %mul3A_0, %arg0 : i32
    %mul3A_1 = arith.constant 8 : i32
    %mul3A_2 = arith.muli %add3A, %mul3A_1 : i32
    %broadcast_in_dim3A = arith.constant 0.000000e+00 : f32
    %broadcast_in_dim3A_3 = vector.broadcast %broadcast_in_dim3A : f32 to vector<16xf32>
    %scan3A = arith.constant 0 : i32
    %scan3A_4 = arith.constant 0 : i32
    %scan3A_5 = arith.constant 5000 : i32
    %scan3A_6 = arith.addi %scan3A_4, %scan3A_5 : i32
    %scan3A_7 = arith.constant 1 : i32
    %scan3A_8 = scf.for %scan3A_214 = %scan3A_4 to %scan3A_6 step %scan3A_7 iter_args(%scan3A_215 = %scan3A) -> (i32)  : i32 {
      %mul3A_216 = arith.constant 16 : i32
      %mul3A_217 = arith.muli %scan3A_214, %mul3A_216 : i32
      %swap3A = arith.index_cast %mul3A_217 : i32 to index
      %swap3A_218 = tpu.vector_load %arg7[%swap3A] {strides = array<i32>} : memref<80000xf32, #tpu.memory_space<vmem>>, vector<16xf32>,
      tpu.vector_store %arg7[%swap3A], %broadcast_in_dim3A_3 {strides = array<i32>} : memref<80000xf32, #tpu.memory_space<vmem>>, vector<16xf32>,
      %scan3A_219 = arith.constant 0 : i32
      scf.yield %scan3A_219 : i32
    }
    %scan3A_9 = arith.constant 5000 : i32
    %scan3A_10 = arith.constant 0 : i32
    %scan3A_11 = arith.constant 0 : i32
    %scan3A_12 = arith.constant 78 : i32
    %scan3A_13 = arith.addi %scan3A_11, %scan3A_12 : i32
    %scan3A_14 = arith.constant 1 : i32
    %scan3A_15 = scf.for %scan3A_214 = %scan3A_11 to %scan3A_13 step %scan3A_14 iter_args(%scan3A_215 = %scan3A_10) -> (i32)  : i32 {
      %mul3A_216 = arith.constant 2048 : i32
      %mul3A_217 = arith.muli %scan3A_214, %mul3A_216 : i32
      %dma_start3A_218 = arith.constant 0 : i32
      %dma_start3A_219 = tpu.memref_slice %arg5[%dma_start3A_218] : memref<2048xi32, #tpu.memory_space<vmem>> -> memref<2048xi32, #tpu.memory_space<vmem>>
      %dma_start3A_220 = tpu.memref_slice %arg3[%mul3A_217] : memref<160000xi32, #tpu.memory_space<hbm>> -> memref<2048xi32, #tpu.memory_space<hbm>>
      %dma_start3A_221 = arith.constant 0 : i32
      %dma_start3A_222 = tpu.memref_slice %arg5[%dma_start3A_221] : memref<2048xi32, #tpu.memory_space<vmem>> -> memref<2048xi32, #tpu.memory_space<vmem>>
      %dma_start3A_223 = tpu.memref_slice %arg3[%mul3A_217] : memref<160000xi32, #tpu.memory_space<hbm>> -> memref<2048xi32, #tpu.memory_space<hbm>>
      tpu.enqueue_dma source(%dma_start3A_223 : memref<2048xi32, #tpu.memory_space<hbm>>) target(%dma_start3A_222 : memref<2048xi32, #tpu.memory_space<vmem>>) target_semaphore(%arg8 : memref<!tpu.dma_semaphore, #tpu.memory_space<semaphore_mem>>)
      %add3A_224 = arith.constant 0 : i32
      %add3A_225 = arith.addi %mul3A_2, %add3A_224 : i32
      %dma_start3A_226 = arith.constant 0 : i32
      %dma_start3A_227 = tpu.memref_slice %arg6[%dma_start3A_226] : memref<16384xf32, #tpu.memory_space<vmem>> -> memref<2048xf32, #tpu.memory_space<vmem>>
      %dma_start3A_228 = tpu.memref_slice %arg2[%add3A_225, %mul3A_217] : memref<256x160000xf32, #tpu.memory_space<hbm>> -> memref<1x2048xf32, #tpu.memory_space<hbm>>
      %dma_start3A_229 = tpu.memref_squeeze %dma_start3A_228 : memref<1x2048xf32, #tpu.memory_space<hbm>> -> memref<2048xf32, #tpu.memory_space<hbm>>
      %dma_start3A_230 = arith.constant 0 : i32
      %dma_start3A_231 = tpu.memref_slice %arg6[%dma_start3A_230] : memref<16384xf32, #tpu.memory_space<vmem>> -> memref<2048xf32, #tpu.memory_space<vmem>>
      %dma_start3A_232 = tpu.memref_slice %arg2[%add3A_225, %mul3A_217] : memref<256x160000xf32, #tpu.memory_space<hbm>> -> memref<1x2048xf32, #tpu.memory_space<hbm>>
      %dma_start3A_233 = tpu.memref_squeeze %dma_start3A_232 : memref<1x2048xf32, #tpu.memory_space<hbm>> -> memref<2048xf32, #tpu.memory_space<hbm>>
      tpu.enqueue_dma source(%dma_start3A_233 : memref<2048xf32, #tpu.memory_space<hbm>>) target(%dma_start3A_231 : memref<2048xf32, #tpu.memory_space<vmem>>) target_semaphore(%arg8 : memref<!tpu.dma_semaphore, #tpu.memory_space<semaphore_mem>>)
      %add3A_234 = arith.constant 1 : i32
      %add3A_235 = arith.addi %mul3A_2, %add3A_234 : i32
      %dma_start3A_236 = arith.constant 2048 : i32
      %dma_start3A_237 = tpu.memref_slice %arg6[%dma_start3A_236] : memref<16384xf32, #tpu.memory_space<vmem>> -> memref<2048xf32, #tpu.memory_space<vmem>>
      %dma_start3A_238 = tpu.memref_slice %arg2[%add3A_235, %mul3A_217] : memref<256x160000xf32, #tpu.memory_space<hbm>> -> memref<1x2048xf32, #tpu.memory_space<hbm>>
      %dma_start3A_239 = tpu.memref_squeeze %dma_start3A_238 : memref<1x2048xf32, #tpu.memory_space<hbm>> -> memref<2048xf32, #tpu.memory_space<hbm>>
      %dma_start3A_240 = arith.constant 2048 : i32
      %dma_start3A_241 = tpu.memref_slice %arg6[%dma_start3A_240] : memref<16384xf32, #tpu.memory_space<vmem>> -> memref<2048xf32, #tpu.memory_space<vmem>>
      %dma_start3A_242 = tpu.memref_slice %arg2[%add3A_235, %mul3A_217] : memref<256x160000xf32, #tpu.memory_space<hbm>> -> memref<1x2048xf32, #tpu.memory_space<hbm>>
      %dma_start3A_243 = tpu.memref_squeeze %dma_start3A_242 : memref<1x2048xf32, #tpu.memory_space<hbm>> -> memref<2048xf32, #tpu.memory_space<hbm>>
      tpu.enqueue_dma source(%dma_start3A_243 : memref<2048xf32, #tpu.memory_space<hbm>>) target(%dma_start3A_241 : memref<2048xf32, #tpu.memory_space<vmem>>) target_semaphore(%arg8 : memref<!tpu.dma_semaphore, #tpu.memory_space<semaphore_mem>>)
      %add3A_244 = arith.constant 2 : i32
      %add3A_245 = arith.addi %mul3A_2, %add3A_244 : i32
      %dma_start3A_246 = arith.constant 4096 : i32
      %dma_start3A_247 = tpu.memref_slice %arg6[%dma_start3A_246] : memref<16384xf32, #tpu.memory_space<vmem>> -> memref<2048xf32, #tpu.memory_space<vmem>>
      %dma_start3A_248 = tpu.memref_slice %arg2[%add3A_245, %mul3A_217] : memref<256x160000xf32, #tpu.memory_space<hbm>> -> memref<1x2048xf32, #tpu.memory_space<hbm>>
      %dma_start3A_249 = tpu.memref_squeeze %dma_start3A_248 : memref<1x2048xf32, #tpu.memory_space<hbm>> -> memref<2048xf32, #tpu.memory_space<hbm>>
      %dma_start3A_250 = arith.constant 4096 : i32
      %dma_start3A_251 = tpu.memref_slice %arg6[%dma_start3A_250] : memref<16384xf32, #tpu.memory_space<vmem>> -> memref<2048xf32, #tpu.memory_space<vmem>>
      %dma_start3A_252 = tpu.memref_slice %arg2[%add3A_245, %mul3A_217] : memref<256x160000xf32, #tpu.memory_space<hbm>> -> memref<1x2048xf32, #tpu.memory_space<hbm>>
      %dma_start3A_253 = tpu.memref_squeeze %dma_start3A_252 : memref<1x2048xf32, #tpu.memory_space<hbm>> -> memref<2048xf32, #tpu.memory_space<hbm>>
      tpu.enqueue_dma source(%dma_start3A_253 : memref<2048xf32, #tpu.memory_space<hbm>>) target(%dma_start3A_251 : memref<2048xf32, #tpu.memory_space<vmem>>) target_semaphore(%arg8 : memref<!tpu.dma_semaphore, #tpu.memory_space<semaphore_mem>>)
      %add3A_254 = arith.constant 3 : i32
      %add3A_255 = arith.addi %mul3A_2, %add3A_254 : i32
      %dma_start3A_256 = arith.constant 6144 : i32
      %dma_start3A_257 = tpu.memref_slice %arg6[%dma_start3A_256] : memref<16384xf32, #tpu.memory_space<vmem>> -> memref<2048xf32, #tpu.memory_space<vmem>>
      %dma_start3A_258 = tpu.memref_slice %arg2[%add3A_255, %mul3A_217] : memref<256x160000xf32, #tpu.memory_space<hbm>> -> memref<1x2048xf32, #tpu.memory_space<hbm>>
      %dma_start3A_259 = tpu.memref_squeeze %dma_start3A_258 : memref<1x2048xf32, #tpu.memory_space<hbm>> -> memref<2048xf32, #tpu.memory_space<hbm>>
      %dma_start3A_260 = arith.constant 6144 : i32
      %dma_start3A_261 = tpu.memref_slice %arg6[%dma_start3A_260] : memref<16384xf32, #tpu.memory_space<vmem>> -> memref<2048xf32, #tpu.memory_space<vmem>>
      %dma_start3A_262 = tpu.memref_slice %arg2[%add3A_255, %mul3A_217] : memref<256x160000xf32, #tpu.memory_space<hbm>> -> memref<1x2048xf32, #tpu.memory_space<hbm>>
      %dma_start3A_263 = tpu.memref_squeeze %dma_start3A_262 : memref<1x2048xf32, #tpu.memory_space<hbm>> -> memref<2048xf32, #tpu.memory_space<hbm>>
      tpu.enqueue_dma source(%dma_start3A_263 : memref<2048xf32, #tpu.memory_space<hbm>>) target(%dma_start3A_261 : memref<2048xf32, #tpu.memory_space<vmem>>) target_semaphore(%arg8 : memref<!tpu.dma_semaphore, #tpu.memory_space<semaphore_mem>>)
      %add3A_264 = arith.constant 4 : i32
      %add3A_265 = arith.addi %mul3A_2, %add3A_264 : i32
      %dma_start3A_266 = arith.constant 8192 : i32
      %dma_start3A_267 = tpu.memref_slice %arg6[%dma_start3A_266] : memref<16384xf32, #tpu.memory_space<vmem>> -> memref<2048xf32, #tpu.memory_space<vmem>>
      %dma_start3A_268 = tpu.memref_slice %arg2[%add3A_265, %mul3A_217] : memref<256x160000xf32, #tpu.memory_space<hbm>> -> memref<1x2048xf32, #tpu.memory_space<hbm>>
      %dma_start3A_269 = tpu.memref_squeeze %dma_start3A_268 : memref<1x2048xf32, #tpu.memory_space<hbm>> -> memref<2048xf32, #tpu.memory_space<hbm>>
      %dma_start3A_270 = arith.constant 8192 : i32
      %dma_start3A_271 = tpu.memref_slice %arg6[%dma_start3A_270] : memref<16384xf32, #tpu.memory_space<vmem>> -> memref<2048xf32, #tpu.memory_space<vmem>>
      %dma_start3A_272 = tpu.memref_slice %arg2[%add3A_265, %mul3A_217] : memref<256x160000xf32, #tpu.memory_space<hbm>> -> memref<1x2048xf32, #tpu.memory_space<hbm>>
      %dma_start3A_273 = tpu.memref_squeeze %dma_start3A_272 : memref<1x2048xf32, #tpu.memory_space<hbm>> -> memref<2048xf32, #tpu.memory_space<hbm>>
      tpu.enqueue_dma source(%dma_start3A_273 : memref<2048xf32, #tpu.memory_space<hbm>>) target(%dma_start3A_271 : memref<2048xf32, #tpu.memory_space<vmem>>) target_semaphore(%arg8 : memref<!tpu.dma_semaphore, #tpu.memory_space<semaphore_mem>>)
      %add3A_274 = arith.constant 5 : i32
      %add3A_275 = arith.addi %mul3A_2, %add3A_274 : i32
      %dma_start3A_276 = arith.constant 10240 : i32
      %dma_start3A_277 = tpu.memref_slice %arg6[%dma_start3A_276] : memref<16384xf32, #tpu.memory_space<vmem>> -> memref<2048xf32, #tpu.memory_space<vmem>>
      %dma_start3A_278 = tpu.memref_slice %arg2[%add3A_275, %mul3A_217] : memref<256x160000xf32, #tpu.memory_space<hbm>> -> memref<1x2048xf32, #tpu.memory_space<hbm>>
      %dma_start3A_279 = tpu.memref_squeeze %dma_start3A_278 : memref<1x2048xf32, #tpu.memory_space<hbm>> -> memref<2048xf32, #tpu.memory_space<hbm>>
      %dma_start3A_280 = arith.constant 10240 : i32
      %dma_start3A_281 = tpu.memref_slice %arg6[%dma_start3A_280] : memref<16384xf32, #tpu.memory_space<vmem>> -> memref<2048xf32, #tpu.memory_space<vmem>>
      %dma_start3A_282 = tpu.memref_slice %arg2[%add3A_275, %mul3A_217] : memref<256x160000xf32, #tpu.memory_space<hbm>> -> memref<1x2048xf32, #tpu.memory_space<hbm>>
      %dma_start3A_283 = tpu.memref_squeeze %dma_start3A_282 : memref<1x2048xf32, #tpu.memory_space<hbm>> -> memref<2048xf32, #tpu.memory_space<hbm>>
      tpu.enqueue_dma source(%dma_start3A_283 : memref<2048xf32, #tpu.memory_space<hbm>>) target(%dma_start3A_281 : memref<2048xf32, #tpu.memory_space<vmem>>) target_semaphore(%arg8 : memref<!tpu.dma_semaphore, #tpu.memory_space<semaphore_mem>>)
      %add3A_284 = arith.constant 6 : i32
      %add3A_285 = arith.addi %mul3A_2, %add3A_284 : i32
      %dma_start3A_286 = arith.constant 12288 : i32
      %dma_start3A_287 = tpu.memref_slice %arg6[%dma_start3A_286] : memref<16384xf32, #tpu.memory_space<vmem>> -> memref<2048xf32, #tpu.memory_space<vmem>>
      %dma_start3A_288 = tpu.memref_slice %arg2[%add3A_285, %mul3A_217] : memref<256x160000xf32, #tpu.memory_space<hbm>> -> memref<1x2048xf32, #tpu.memory_space<hbm>>
      %dma_start3A_289 = tpu.memref_squeeze %dma_start3A_288 : memref<1x2048xf32, #tpu.memory_space<hbm>> -> memref<2048xf32, #tpu.memory_space<hbm>>
      %dma_start3A_290 = arith.constant 12288 : i32
      %dma_start3A_291 = tpu.memref_slice %arg6[%dma_start3A_290] : memref<16384xf32, #tpu.memory_space<vmem>> -> memref<2048xf32, #tpu.memory_space<vmem>>
      %dma_start3A_292 = tpu.memref_slice %arg2[%add3A_285, %mul3A_217] : memref<256x160000xf32, #tpu.memory_space<hbm>> -> memref<1x2048xf32, #tpu.memory_space<hbm>>
      %dma_start3A_293 = tpu.memref_squeeze %dma_start3A_292 : memref<1x2048xf32, #tpu.memory_space<hbm>> -> memref<2048xf32, #tpu.memory_space<hbm>>
      tpu.enqueue_dma source(%dma_start3A_293 : memref<2048xf32, #tpu.memory_space<hbm>>) target(%dma_start3A_291 : memref<2048xf32, #tpu.memory_space<vmem>>) target_semaphore(%arg8 : memref<!tpu.dma_semaphore, #tpu.memory_space<semaphore_mem>>)
      %add3A_294 = arith.constant 7 : i32
      %add3A_295 = arith.addi %mul3A_2, %add3A_294 : i32
      %dma_start3A_296 = arith.constant 14336 : i32
      %dma_start3A_297 = tpu.memref_slice %arg6[%dma_start3A_296] : memref<16384xf32, #tpu.memory_space<vmem>> -> memref<2048xf32, #tpu.memory_space<vmem>>
      %dma_start3A_298 = tpu.memref_slice %arg2[%add3A_295, %mul3A_217] : memref<256x160000xf32, #tpu.memory_space<hbm>> -> memref<1x2048xf32, #tpu.memory_space<hbm>>
      %dma_start3A_299 = tpu.memref_squeeze %dma_start3A_298 : memref<1x2048xf32, #tpu.memory_space<hbm>> -> memref<2048xf32, #tpu.memory_space<hbm>>
      %dma_start3A_300 = arith.constant 14336 : i32
      %dma_start3A_301 = tpu.memref_slice %arg6[%dma_start3A_300] : memref<16384xf32, #tpu.memory_space<vmem>> -> memref<2048xf32, #tpu.memory_space<vmem>>
      %dma_start3A_302 = tpu.memref_slice %arg2[%add3A_295, %mul3A_217] : memref<256x160000xf32, #tpu.memory_space<hbm>> -> memref<1x2048xf32, #tpu.memory_space<hbm>>
      %dma_start3A_303 = tpu.memref_squeeze %dma_start3A_302 : memref<1x2048xf32, #tpu.memory_space<hbm>> -> memref<2048xf32, #tpu.memory_space<hbm>>
      tpu.enqueue_dma source(%dma_start3A_303 : memref<2048xf32, #tpu.memory_space<hbm>>) target(%dma_start3A_301 : memref<2048xf32, #tpu.memory_space<vmem>>) target_semaphore(%arg8 : memref<!tpu.dma_semaphore, #tpu.memory_space<semaphore_mem>>)
      %dma_wait3A_304 = arith.constant 0 : i32
      %dma_wait3A_305 = tpu.memref_slice %arg5[%dma_wait3A_304] : memref<2048xi32, #tpu.memory_space<vmem>> -> memref<2048xi32, #tpu.memory_space<vmem>>
      %dma_wait3A_306 = tpu.memref_slice %arg3[%mul3A_217] : memref<160000xi32, #tpu.memory_space<hbm>> -> memref<2048xi32, #tpu.memory_space<hbm>>
      %dma_wait3A_307 = arith.constant 0 : i32
      %dma_wait3A_308 = tpu.memref_slice %arg5[%dma_wait3A_307] : memref<2048xi32, #tpu.memory_space<vmem>> -> memref<2048xi32, #tpu.memory_space<vmem>>
      %dma_wait3A_309 = tpu.memref_slice %arg3[%mul3A_217] : memref<160000xi32, #tpu.memory_space<hbm>> -> memref<2048xi32, #tpu.memory_space<hbm>>
      tpu.wait_dma2 semaphore(%arg8 : memref<!tpu.dma_semaphore, #tpu.memory_space<semaphore_mem>>) src(%dma_wait3A_309 : memref<2048xi32, #tpu.memory_space<hbm>>) dst(%dma_wait3A_308 : memref<2048xi32, #tpu.memory_space<vmem>>)
      %dma_wait3A_310 = arith.constant 0 : i32
      %dma_wait3A_311 = tpu.memref_slice %arg6[%dma_wait3A_310] : memref<16384xf32, #tpu.memory_space<vmem>> -> memref<2048xf32, #tpu.memory_space<vmem>>
      %dma_wait3A_312 = tpu.memref_slice %arg2[%add3A_225, %mul3A_217] : memref<256x160000xf32, #tpu.memory_space<hbm>> -> memref<1x2048xf32, #tpu.memory_space<hbm>>
      %dma_wait3A_313 = tpu.memref_squeeze %dma_wait3A_312 : memref<1x2048xf32, #tpu.memory_space<hbm>> -> memref<2048xf32, #tpu.memory_space<hbm>>
      %dma_wait3A_314 = arith.constant 0 : i32
      %dma_wait3A_315 = tpu.memref_slice %arg6[%dma_wait3A_314] : memref<16384xf32, #tpu.memory_space<vmem>> -> memref<2048xf32, #tpu.memory_space<vmem>>
      %dma_wait3A_316 = tpu.memref_slice %arg2[%add3A_225, %mul3A_217] : memref<256x160000xf32, #tpu.memory_space<hbm>> -> memref<1x2048xf32, #tpu.memory_space<hbm>>
      %dma_wait3A_317 = tpu.memref_squeeze %dma_wait3A_316 : memref<1x2048xf32, #tpu.memory_space<hbm>> -> memref<2048xf32, #tpu.memory_space<hbm>>
      tpu.wait_dma2 semaphore(%arg8 : memref<!tpu.dma_semaphore, #tpu.memory_space<semaphore_mem>>) src(%dma_wait3A_317 : memref<2048xf32, #tpu.memory_space<hbm>>) dst(%dma_wait3A_315 : memref<2048xf32, #tpu.memory_space<vmem>>)
      %dma_wait3A_318 = arith.constant 2048 : i32
      %dma_wait3A_319 = tpu.memref_slice %arg6[%dma_wait3A_318] : memref<16384xf32, #tpu.memory_space<vmem>> -> memref<2048xf32, #tpu.memory_space<vmem>>
      %dma_wait3A_320 = tpu.memref_slice %arg2[%add3A_235, %mul3A_217] : memref<256x160000xf32, #tpu.memory_space<hbm>> -> memref<1x2048xf32, #tpu.memory_space<hbm>>
      %dma_wait3A_321 = tpu.memref_squeeze %dma_wait3A_320 : memref<1x2048xf32, #tpu.memory_space<hbm>> -> memref<2048xf32, #tpu.memory_space<hbm>>
      %dma_wait3A_322 = arith.constant 2048 : i32
      %dma_wait3A_323 = tpu.memref_slice %arg6[%dma_wait3A_322] : memref<16384xf32, #tpu.memory_space<vmem>> -> memref<2048xf32, #tpu.memory_space<vmem>>
      %dma_wait3A_324 = tpu.memref_slice %arg2[%add3A_235, %mul3A_217] : memref<256x160000xf32, #tpu.memory_space<hbm>> -> memref<1x2048xf32, #tpu.memory_space<hbm>>
      %dma_wait3A_325 = tpu.memref_squeeze %dma_wait3A_324 : memref<1x2048xf32, #tpu.memory_space<hbm>> -> memref<2048xf32, #tpu.memory_space<hbm>>
      tpu.wait_dma2 semaphore(%arg8 : memref<!tpu.dma_semaphore, #tpu.memory_space<semaphore_mem>>) src(%dma_wait3A_325 : memref<2048xf32, #tpu.memory_space<hbm>>) dst(%dma_wait3A_323 : memref<2048xf32, #tpu.memory_space<vmem>>)
      %dma_wait3A_326 = arith.constant 4096 : i32
      %dma_wait3A_327 = tpu.memref_slice %arg6[%dma_wait3A_326] : memref<16384xf32, #tpu.memory_space<vmem>> -> memref<2048xf32, #tpu.memory_space<vmem>>
      %dma_wait3A_328 = tpu.memref_slice %arg2[%add3A_245, %mul3A_217] : memref<256x160000xf32, #tpu.memory_space<hbm>> -> memref<1x2048xf32, #tpu.memory_space<hbm>>
      %dma_wait3A_329 = tpu.memref_squeeze %dma_wait3A_328 : memref<1x2048xf32, #tpu.memory_space<hbm>> -> memref<2048xf32, #tpu.memory_space<hbm>>
      %dma_wait3A_330 = arith.constant 4096 : i32
      %dma_wait3A_331 = tpu.memref_slice %arg6[%dma_wait3A_330] : memref<16384xf32, #tpu.memory_space<vmem>> -> memref<2048xf32, #tpu.memory_space<vmem>>
      %dma_wait3A_332 = tpu.memref_slice %arg2[%add3A_245, %mul3A_217] : memref<256x160000xf32, #tpu.memory_space<hbm>> -> memref<1x2048xf32, #tpu.memory_space<hbm>>
      %dma_wait3A_333 = tpu.memref_squeeze %dma_wait3A_332 : memref<1x2048xf32, #tpu.memory_space<hbm>> -> memref<2048xf32, #tpu.memory_space<hbm>>
      tpu.wait_dma2 semaphore(%arg8 : memref<!tpu.dma_semaphore, #tpu.memory_space<semaphore_mem>>) src(%dma_wait3A_333 : memref<2048xf32, #tpu.memory_space<hbm>>) dst(%dma_wait3A_331 : memref<2048xf32, #tpu.memory_space<vmem>>)
      %dma_wait3A_334 = arith.constant 6144 : i32
      %dma_wait3A_335 = tpu.memref_slice %arg6[%dma_wait3A_334] : memref<16384xf32, #tpu.memory_space<vmem>> -> memref<2048xf32, #tpu.memory_space<vmem>>
      %dma_wait3A_336 = tpu.memref_slice %arg2[%add3A_255, %mul3A_217] : memref<256x160000xf32, #tpu.memory_space<hbm>> -> memref<1x2048xf32, #tpu.memory_space<hbm>>
      %dma_wait3A_337 = tpu.memref_squeeze %dma_wait3A_336 : memref<1x2048xf32, #tpu.memory_space<hbm>> -> memref<2048xf32, #tpu.memory_space<hbm>>
      %dma_wait3A_338 = arith.constant 6144 : i32
      %dma_wait3A_339 = tpu.memref_slice %arg6[%dma_wait3A_338] : memref<16384xf32, #tpu.memory_space<vmem>> -> memref<2048xf32, #tpu.memory_space<vmem>>
      %dma_wait3A_340 = tpu.memref_slice %arg2[%add3A_255, %mul3A_217] : memref<256x160000xf32, #tpu.memory_space<hbm>> -> memref<1x2048xf32, #tpu.memory_space<hbm>>
      %dma_wait3A_341 = tpu.memref_squeeze %dma_wait3A_340 : memref<1x2048xf32, #tpu.memory_space<hbm>> -> memref<2048xf32, #tpu.memory_space<hbm>>
      tpu.wait_dma2 semaphore(%arg8 : memref<!tpu.dma_semaphore, #tpu.memory_space<semaphore_mem>>) src(%dma_wait3A_341 : memref<2048xf32, #tpu.memory_space<hbm>>) dst(%dma_wait3A_339 : memref<2048xf32, #tpu.memory_space<vmem>>)
      %dma_wait3A_342 = arith.constant 8192 : i32
      %dma_wait3A_343 = tpu.memref_slice %arg6[%dma_wait3A_342] : memref<16384xf32, #tpu.memory_space<vmem>> -> memref<2048xf32, #tpu.memory_space<vmem>>
      %dma_wait3A_344 = tpu.memref_slice %arg2[%add3A_265, %mul3A_217] : memref<256x160000xf32, #tpu.memory_space<hbm>> -> memref<1x2048xf32, #tpu.memory_space<hbm>>
      %dma_wait3A_345 = tpu.memref_squeeze %dma_wait3A_344 : memref<1x2048xf32, #tpu.memory_space<hbm>> -> memref<2048xf32, #tpu.memory_space<hbm>>
      %dma_wait3A_346 = arith.constant 8192 : i32
      %dma_wait3A_347 = tpu.memref_slice %arg6[%dma_wait3A_346] : memref<16384xf32, #tpu.memory_space<vmem>> -> memref<2048xf32, #tpu.memory_space<vmem>>
      %dma_wait3A_348 = tpu.memref_slice %arg2[%add3A_265, %mul3A_217] : memref<256x160000xf32, #tpu.memory_space<hbm>> -> memref<1x2048xf32, #tpu.memory_space<hbm>>
      %dma_wait3A_349 = tpu.memref_squeeze %dma_wait3A_348 : memref<1x2048xf32, #tpu.memory_space<hbm>> -> memref<2048xf32, #tpu.memory_space<hbm>>
      tpu.wait_dma2 semaphore(%arg8 : memref<!tpu.dma_semaphore, #tpu.memory_space<semaphore_mem>>) src(%dma_wait3A_349 : memref<2048xf32, #tpu.memory_space<hbm>>) dst(%dma_wait3A_347 : memref<2048xf32, #tpu.memory_space<vmem>>)
      %dma_wait3A_350 = arith.constant 10240 : i32
      %dma_wait3A_351 = tpu.memref_slice %arg6[%dma_wait3A_350] : memref<16384xf32, #tpu.memory_space<vmem>> -> memref<2048xf32, #tpu.memory_space<vmem>>
      %dma_wait3A_352 = tpu.memref_slice %arg2[%add3A_275, %mul3A_217] : memref<256x160000xf32, #tpu.memory_space<hbm>> -> memref<1x2048xf32, #tpu.memory_space<hbm>>
      %dma_wait3A_353 = tpu.memref_squeeze %dma_wait3A_352 : memref<1x2048xf32, #tpu.memory_space<hbm>> -> memref<2048xf32, #tpu.memory_space<hbm>>
      %dma_wait3A_354 = arith.constant 10240 : i32
      %dma_wait3A_355 = tpu.memref_slice %arg6[%dma_wait3A_354] : memref<16384xf32, #tpu.memory_space<vmem>> -> memref<2048xf32, #tpu.memory_space<vmem>>
      %dma_wait3A_356 = tpu.memref_slice %arg2[%add3A_275, %mul3A_217] : memref<256x160000xf32, #tpu.memory_space<hbm>> -> memref<1x2048xf32, #tpu.memory_space<hbm>>
      %dma_wait3A_357 = tpu.memref_squeeze %dma_wait3A_356 : memref<1x2048xf32, #tpu.memory_space<hbm>> -> memref<2048xf32, #tpu.memory_space<hbm>>
      tpu.wait_dma2 semaphore(%arg8 : memref<!tpu.dma_semaphore, #tpu.memory_space<semaphore_mem>>) src(%dma_wait3A_357 : memref<2048xf32, #tpu.memory_space<hbm>>) dst(%dma_wait3A_355 : memref<2048xf32, #tpu.memory_space<vmem>>)
      %dma_wait3A_358 = arith.constant 12288 : i32
      %dma_wait3A_359 = tpu.memref_slice %arg6[%dma_wait3A_358] : memref<16384xf32, #tpu.memory_space<vmem>> -> memref<2048xf32, #tpu.memory_space<vmem>>
      %dma_wait3A_360 = tpu.memref_slice %arg2[%add3A_285, %mul3A_217] : memref<256x160000xf32, #tpu.memory_space<hbm>> -> memref<1x2048xf32, #tpu.memory_space<hbm>>
      %dma_wait3A_361 = tpu.memref_squeeze %dma_wait3A_360 : memref<1x2048xf32, #tpu.memory_space<hbm>> -> memref<2048xf32, #tpu.memory_space<hbm>>
      %dma_wait3A_362 = arith.constant 12288 : i32
      %dma_wait3A_363 = tpu.memref_slice %arg6[%dma_wait3A_362] : memref<16384xf32, #tpu.memory_space<vmem>> -> memref<2048xf32, #tpu.memory_space<vmem>>
      %dma_wait3A_364 = tpu.memref_slice %arg2[%add3A_285, %mul3A_217] : memref<256x160000xf32, #tpu.memory_space<hbm>> -> memref<1x2048xf32, #tpu.memory_space<hbm>>
      %dma_wait3A_365 = tpu.memref_squeeze %dma_wait3A_364 : memref<1x2048xf32, #tpu.memory_space<hbm>> -> memref<2048xf32, #tpu.memory_space<hbm>>
      tpu.wait_dma2 semaphore(%arg8 : memref<!tpu.dma_semaphore, #tpu.memory_space<semaphore_mem>>) src(%dma_wait3A_365 : memref<2048xf32, #tpu.memory_space<hbm>>) dst(%dma_wait3A_363 : memref<2048xf32, #tpu.memory_space<vmem>>)
      %dma_wait3A_366 = arith.constant 14336 : i32
      %dma_wait3A_367 = tpu.memref_slice %arg6[%dma_wait3A_366] : memref<16384xf32, #tpu.memory_space<vmem>> -> memref<2048xf32, #tpu.memory_space<vmem>>
      %dma_wait3A_368 = tpu.memref_slice %arg2[%add3A_295, %mul3A_217] : memref<256x160000xf32, #tpu.memory_space<hbm>> -> memref<1x2048xf32, #tpu.memory_space<hbm>>
      %dma_wait3A_369 = tpu.memref_squeeze %dma_wait3A_368 : memref<1x2048xf32, #tpu.memory_space<hbm>> -> memref<2048xf32, #tpu.memory_space<hbm>>
      %dma_wait3A_370 = arith.constant 14336 : i32
      %dma_wait3A_371 = tpu.memref_slice %arg6[%dma_wait3A_370] : memref<16384xf32, #tpu.memory_space<vmem>> -> memref<2048xf32, #tpu.memory_space<vmem>>
      %dma_wait3A_372 = tpu.memref_slice %arg2[%add3A_295, %mul3A_217] : memref<256x160000xf32, #tpu.memory_space<hbm>> -> memref<1x2048xf32, #tpu.memory_space<hbm>>
      %dma_wait3A_373 = tpu.memref_squeeze %dma_wait3A_372 : memref<1x2048xf32, #tpu.memory_space<hbm>> -> memref<2048xf32, #tpu.memory_space<hbm>>
      tpu.wait_dma2 semaphore(%arg8 : memref<!tpu.dma_semaphore, #tpu.memory_space<semaphore_mem>>) src(%dma_wait3A_373 : memref<2048xf32, #tpu.memory_space<hbm>>) dst(%dma_wait3A_371 : memref<2048xf32, #tpu.memory_space<vmem>>)
      %scan3A_374 = arith.constant 0 : i32
      %scan3A_375 = arith.constant 0 : i32
      %scan3A_376 = arith.constant 128 : i32
      %scan3A_377 = arith.addi %scan3A_375, %scan3A_376 : i32
      %scan3A_378 = arith.constant 1 : i32
      %scan3A_379 = scf.for %scan3A_382 = %scan3A_375 to %scan3A_377 step %scan3A_378 iter_args(%scan3A_383 = %scan3A_374) -> (i32)  : i32 {
        %mul3A_384 = arith.constant 16 : i32
        %mul3A_385 = arith.muli %scan3A_382, %mul3A_384 : i32
        %get3A = arith.index_cast %mul3A_385 : i32 to index
        %get3A_386 = tpu.vector_load %arg5[%get3A] {strides = array<i32>} : memref<2048xi32, #tpu.memory_space<vmem>>, vector<16xi32>,
        %mul3A_387 = arith.constant 8 : i32
        %mul3A_388 = vector.broadcast %mul3A_387 : i32 to vector<16xi32>
        %mul3A_389 = arith.muli %get3A_386, %mul3A_388 : vector<16xi32>
        %mul3A_390 = arith.constant 16 : i32
        %mul3A_391 = arith.muli %scan3A_382, %mul3A_390 : i32
        %add3A_392 = arith.constant 0 : i32
        %add3A_393 = arith.addi %add3A_392, %mul3A_391 : i32
        %get3A_394 = arith.index_cast %add3A_393 : i32 to index
        %get3A_395 = tpu.vector_load %arg6[%get3A_394] {strides = array<i32>} : memref<16384xf32, #tpu.memory_space<vmem>>, vector<16xf32>,
        %add3A_396 = arith.constant 0 : i32
        %add3A_397 = vector.broadcast %add3A_396 : i32 to vector<16xi32>
        %add3A_398 = arith.addi %mul3A_389, %add3A_397 : vector<16xi32>
        tpu.vector_store_idx %arg7[%add3A_398], %get3A_395 {add = true} : memref<80000xf32, #tpu.memory_space<vmem>>[vector<16xi32>], vector<16xf32>,
        %mul3A_399 = arith.constant 16 : i32
        %mul3A_400 = arith.muli %scan3A_382, %mul3A_399 : i32
        %add3A_401 = arith.constant 2048 : i32
        %add3A_402 = arith.addi %add3A_401, %mul3A_400 : i32
        %get3A_403 = arith.index_cast %add3A_402 : i32 to index
        %get3A_404 = tpu.vector_load %arg6[%get3A_403] {strides = array<i32>} : memref<16384xf32, #tpu.memory_space<vmem>>, vector<16xf32>,
        %add3A_405 = arith.constant 1 : i32
        %add3A_406 = vector.broadcast %add3A_405 : i32 to vector<16xi32>
        %add3A_407 = arith.addi %mul3A_389, %add3A_406 : vector<16xi32>
        tpu.vector_store_idx %arg7[%add3A_407], %get3A_404 {add = true} : memref<80000xf32, #tpu.memory_space<vmem>>[vector<16xi32>], vector<16xf32>,
        %mul3A_408 = arith.constant 16 : i32
        %mul3A_409 = arith.muli %scan3A_382, %mul3A_408 : i32
        %add3A_410 = arith.constant 4096 : i32
        %add3A_411 = arith.addi %add3A_410, %mul3A_409 : i32
        %get3A_412 = arith.index_cast %add3A_411 : i32 to index
        %get3A_413 = tpu.vector_load %arg6[%get3A_412] {strides = array<i32>} : memref<16384xf32, #tpu.memory_space<vmem>>, vector<16xf32>,
        %add3A_414 = arith.constant 2 : i32
        %add3A_415 = vector.broadcast %add3A_414 : i32 to vector<16xi32>
        %add3A_416 = arith.addi %mul3A_389, %add3A_415 : vector<16xi32>
        tpu.vector_store_idx %arg7[%add3A_416], %get3A_413 {add = true} : memref<80000xf32, #tpu.memory_space<vmem>>[vector<16xi32>], vector<16xf32>,
        %mul3A_417 = arith.constant 16 : i32
        %mul3A_418 = arith.muli %scan3A_382, %mul3A_417 : i32
        %add3A_419 = arith.constant 6144 : i32
        %add3A_420 = arith.addi %add3A_419, %mul3A_418 : i32
        %get3A_421 = arith.index_cast %add3A_420 : i32 to index
        %get3A_422 = tpu.vector_load %arg6[%get3A_421] {strides = array<i32>} : memref<16384xf32, #tpu.memory_space<vmem>>, vector<16xf32>,
        %add3A_423 = arith.constant 3 : i32
        %add3A_424 = vector.broadcast %add3A_423 : i32 to vector<16xi32>
        %add3A_425 = arith.addi %mul3A_389, %add3A_424 : vector<16xi32>
        tpu.vector_store_idx %arg7[%add3A_425], %get3A_422 {add = true} : memref<80000xf32, #tpu.memory_space<vmem>>[vector<16xi32>], vector<16xf32>,
        %mul3A_426 = arith.constant 16 : i32
        %mul3A_427 = arith.muli %scan3A_382, %mul3A_426 : i32
        %add3A_428 = arith.constant 8192 : i32
        %add3A_429 = arith.addi %add3A_428, %mul3A_427 : i32
        %get3A_430 = arith.index_cast %add3A_429 : i32 to index
        %get3A_431 = tpu.vector_load %arg6[%get3A_430] {strides = array<i32>} : memref<16384xf32, #tpu.memory_space<vmem>>, vector<16xf32>,
        %add3A_432 = arith.constant 4 : i32
        %add3A_433 = vector.broadcast %add3A_432 : i32 to vector<16xi32>
        %add3A_434 = arith.addi %mul3A_389, %add3A_433 : vector<16xi32>
        tpu.vector_store_idx %arg7[%add3A_434], %get3A_431 {add = true} : memref<80000xf32, #tpu.memory_space<vmem>>[vector<16xi32>], vector<16xf32>,
        %mul3A_435 = arith.constant 16 : i32
        %mul3A_436 = arith.muli %scan3A_382, %mul3A_435 : i32
        %add3A_437 = arith.constant 10240 : i32
        %add3A_438 = arith.addi %add3A_437, %mul3A_436 : i32
        %get3A_439 = arith.index_cast %add3A_438 : i32 to index
        %get3A_440 = tpu.vector_load %arg6[%get3A_439] {strides = array<i32>} : memref<16384xf32, #tpu.memory_space<vmem>>, vector<16xf32>,
        %add3A_441 = arith.constant 5 : i32
        %add3A_442 = vector.broadcast %add3A_441 : i32 to vector<16xi32>
        %add3A_443 = arith.addi %mul3A_389, %add3A_442 : vector<16xi32>
        tpu.vector_store_idx %arg7[%add3A_443], %get3A_440 {add = true} : memref<80000xf32, #tpu.memory_space<vmem>>[vector<16xi32>], vector<16xf32>,
        %mul3A_444 = arith.constant 16 : i32
        %mul3A_445 = arith.muli %scan3A_382, %mul3A_444 : i32
        %add3A_446 = arith.constant 12288 : i32
        %add3A_447 = arith.addi %add3A_446, %mul3A_445 : i32
        %get3A_448 = arith.index_cast %add3A_447 : i32 to index
        %get3A_449 = tpu.vector_load %arg6[%get3A_448] {strides = array<i32>} : memref<16384xf32, #tpu.memory_space<vmem>>, vector<16xf32>,
        %add3A_450 = arith.constant 6 : i32
        %add3A_451 = vector.broadcast %add3A_450 : i32 to vector<16xi32>
        %add3A_452 = arith.addi %mul3A_389, %add3A_451 : vector<16xi32>
        tpu.vector_store_idx %arg7[%add3A_452], %get3A_449 {add = true} : memref<80000xf32, #tpu.memory_space<vmem>>[vector<16xi32>], vector<16xf32>,
        %mul3A_453 = arith.constant 16 : i32
        %mul3A_454 = arith.muli %scan3A_382, %mul3A_453 : i32
        %add3A_455 = arith.constant 14336 : i32
        %add3A_456 = arith.addi %add3A_455, %mul3A_454 : i32
        %get3A_457 = arith.index_cast %add3A_456 : i32 to index
        %get3A_458 = tpu.vector_load %arg6[%get3A_457] {strides = array<i32>} : memref<16384xf32, #tpu.memory_space<vmem>>, vector<16xf32>,
        %add3A_459 = arith.constant 7 : i32
        %add3A_460 = vector.broadcast %add3A_459 : i32 to vector<16xi32>
        %add3A_461 = arith.addi %mul3A_389, %add3A_460 : vector<16xi32>
        tpu.vector_store_idx %arg7[%add3A_461], %get3A_458 {add = true} : memref<80000xf32, #tpu.memory_space<vmem>>[vector<16xi32>], vector<16xf32>,
        %scan3A_462 = arith.constant 0 : i32
        scf.yield %scan3A_462 : i32
      }
      %scan3A_380 = arith.constant 128 : i32
      %scan3A_381 = arith.constant 0 : i32
      scf.yield %scan3A_381 : i32
    }
    %scan3A_16 = arith.constant 78 : i32
    %dma_start3A = arith.constant 0 : i32
    %dma_start3A_17 = tpu.memref_slice %arg5[%dma_start3A] : memref<2048xi32, #tpu.memory_space<vmem>> -> memref<256xi32, #tpu.memory_space<vmem>>
    %dma_start3A_18 = arith.constant 159744 : i32
    %dma_start3A_19 = tpu.memref_slice %arg3[%dma_start3A_18] : memref<160000xi32, #tpu.memory_space<hbm>> -> memref<256xi32, #tpu.memory_space<hbm>>
    %dma_start3A_20 = arith.constant 0 : i32
    %dma_start3A_21 = tpu.memref_slice %arg5[%dma_start3A_20] : memref<2048xi32, #tpu.memory_space<vmem>> -> memref<256xi32, #tpu.memory_space<vmem>>
    %dma_start3A_22 = arith.constant 159744 : i32
    %dma_start3A_23 = tpu.memref_slice %arg3[%dma_start3A_22] : memref<160000xi32, #tpu.memory_space<hbm>> -> memref<256xi32, #tpu.memory_space<hbm>>
    tpu.enqueue_dma source(%dma_start3A_23 : memref<256xi32, #tpu.memory_space<hbm>>) target(%dma_start3A_21 : memref<256xi32, #tpu.memory_space<vmem>>) target_semaphore(%arg8 : memref<!tpu.dma_semaphore, #tpu.memory_space<semaphore_mem>>)
    %add3A_24 = arith.constant 0 : i32
    %add3A_25 = arith.addi %mul3A_2, %add3A_24 : i32
    %dma_start3A_26 = arith.constant 0 : i32
    %dma_start3A_27 = tpu.memref_slice %arg6[%dma_start3A_26] : memref<16384xf32, #tpu.memory_space<vmem>> -> memref<256xf32, #tpu.memory_space<vmem>>
    %dma_start3A_28 = arith.constant 159744 : i32
    %dma_start3A_29 = tpu.memref_slice %arg2[%add3A_25, %dma_start3A_28] : memref<256x160000xf32, #tpu.memory_space<hbm>> -> memref<1x256xf32, #tpu.memory_space<hbm>>
    %dma_start3A_30 = tpu.memref_squeeze %dma_start3A_29 : memref<1x256xf32, #tpu.memory_space<hbm>> -> memref<256xf32, #tpu.memory_space<hbm>>
    %dma_start3A_31 = arith.constant 0 : i32
    %dma_start3A_32 = tpu.memref_slice %arg6[%dma_start3A_31] : memref<16384xf32, #tpu.memory_space<vmem>> -> memref<256xf32, #tpu.memory_space<vmem>>
    %dma_start3A_33 = arith.constant 159744 : i32
    %dma_start3A_34 = tpu.memref_slice %arg2[%add3A_25, %dma_start3A_33] : memref<256x160000xf32, #tpu.memory_space<hbm>> -> memref<1x256xf32, #tpu.memory_space<hbm>>
    %dma_start3A_35 = tpu.memref_squeeze %dma_start3A_34 : memref<1x256xf32, #tpu.memory_space<hbm>> -> memref<256xf32, #tpu.memory_space<hbm>>
    tpu.enqueue_dma source(%dma_start3A_35 : memref<256xf32, #tpu.memory_space<hbm>>) target(%dma_start3A_32 : memref<256xf32, #tpu.memory_space<vmem>>) target_semaphore(%arg8 : memref<!tpu.dma_semaphore, #tpu.memory_space<semaphore_mem>>)
    %add3A_36 = arith.constant 1 : i32
    %add3A_37 = arith.addi %mul3A_2, %add3A_36 : i32
    %dma_start3A_38 = arith.constant 2048 : i32
    %dma_start3A_39 = tpu.memref_slice %arg6[%dma_start3A_38] : memref<16384xf32, #tpu.memory_space<vmem>> -> memref<256xf32, #tpu.memory_space<vmem>>
    %dma_start3A_40 = arith.constant 159744 : i32
    %dma_start3A_41 = tpu.memref_slice %arg2[%add3A_37, %dma_start3A_40] : memref<256x160000xf32, #tpu.memory_space<hbm>> -> memref<1x256xf32, #tpu.memory_space<hbm>>
    %dma_start3A_42 = tpu.memref_squeeze %dma_start3A_41 : memref<1x256xf32, #tpu.memory_space<hbm>> -> memref<256xf32, #tpu.memory_space<hbm>>
    %dma_start3A_43 = arith.constant 2048 : i32
    %dma_start3A_44 = tpu.memref_slice %arg6[%dma_start3A_43] : memref<16384xf32, #tpu.memory_space<vmem>> -> memref<256xf32, #tpu.memory_space<vmem>>
    %dma_start3A_45 = arith.constant 159744 : i32
    %dma_start3A_46 = tpu.memref_slice %arg2[%add3A_37, %dma_start3A_45] : memref<256x160000xf32, #tpu.memory_space<hbm>> -> memref<1x256xf32, #tpu.memory_space<hbm>>
    %dma_start3A_47 = tpu.memref_squeeze %dma_start3A_46 : memref<1x256xf32, #tpu.memory_space<hbm>> -> memref<256xf32, #tpu.memory_space<hbm>>
    tpu.enqueue_dma source(%dma_start3A_47 : memref<256xf32, #tpu.memory_space<hbm>>) target(%dma_start3A_44 : memref<256xf32, #tpu.memory_space<vmem>>) target_semaphore(%arg8 : memref<!tpu.dma_semaphore, #tpu.memory_space<semaphore_mem>>)
    %add3A_48 = arith.constant 2 : i32
    %add3A_49 = arith.addi %mul3A_2, %add3A_48 : i32
    %dma_start3A_50 = arith.constant 4096 : i32
    %dma_start3A_51 = tpu.memref_slice %arg6[%dma_start3A_50] : memref<16384xf32, #tpu.memory_space<vmem>> -> memref<256xf32, #tpu.memory_space<vmem>>
    %dma_start3A_52 = arith.constant 159744 : i32
    %dma_start3A_53 = tpu.memref_slice %arg2[%add3A_49, %dma_start3A_52] : memref<256x160000xf32, #tpu.memory_space<hbm>> -> memref<1x256xf32, #tpu.memory_space<hbm>>
    %dma_start3A_54 = tpu.memref_squeeze %dma_start3A_53 : memref<1x256xf32, #tpu.memory_space<hbm>> -> memref<256xf32, #tpu.memory_space<hbm>>
    %dma_start3A_55 = arith.constant 4096 : i32
    %dma_start3A_56 = tpu.memref_slice %arg6[%dma_start3A_55] : memref<16384xf32, #tpu.memory_space<vmem>> -> memref<256xf32, #tpu.memory_space<vmem>>
    %dma_start3A_57 = arith.constant 159744 : i32
    %dma_start3A_58 = tpu.memref_slice %arg2[%add3A_49, %dma_start3A_57] : memref<256x160000xf32, #tpu.memory_space<hbm>> -> memref<1x256xf32, #tpu.memory_space<hbm>>
    %dma_start3A_59 = tpu.memref_squeeze %dma_start3A_58 : memref<1x256xf32, #tpu.memory_space<hbm>> -> memref<256xf32, #tpu.memory_space<hbm>>
    tpu.enqueue_dma source(%dma_start3A_59 : memref<256xf32, #tpu.memory_space<hbm>>) target(%dma_start3A_56 : memref<256xf32, #tpu.memory_space<vmem>>) target_semaphore(%arg8 : memref<!tpu.dma_semaphore, #tpu.memory_space<semaphore_mem>>)
    %add3A_60 = arith.constant 3 : i32
    %add3A_61 = arith.addi %mul3A_2, %add3A_60 : i32
    %dma_start3A_62 = arith.constant 6144 : i32
    %dma_start3A_63 = tpu.memref_slice %arg6[%dma_start3A_62] : memref<16384xf32, #tpu.memory_space<vmem>> -> memref<256xf32, #tpu.memory_space<vmem>>
    %dma_start3A_64 = arith.constant 159744 : i32
    %dma_start3A_65 = tpu.memref_slice %arg2[%add3A_61, %dma_start3A_64] : memref<256x160000xf32, #tpu.memory_space<hbm>> -> memref<1x256xf32, #tpu.memory_space<hbm>>
    %dma_start3A_66 = tpu.memref_squeeze %dma_start3A_65 : memref<1x256xf32, #tpu.memory_space<hbm>> -> memref<256xf32, #tpu.memory_space<hbm>>
    %dma_start3A_67 = arith.constant 6144 : i32
    %dma_start3A_68 = tpu.memref_slice %arg6[%dma_start3A_67] : memref<16384xf32, #tpu.memory_space<vmem>> -> memref<256xf32, #tpu.memory_space<vmem>>
    %dma_start3A_69 = arith.constant 159744 : i32
    %dma_start3A_70 = tpu.memref_slice %arg2[%add3A_61, %dma_start3A_69] : memref<256x160000xf32, #tpu.memory_space<hbm>> -> memref<1x256xf32, #tpu.memory_space<hbm>>
    %dma_start3A_71 = tpu.memref_squeeze %dma_start3A_70 : memref<1x256xf32, #tpu.memory_space<hbm>> -> memref<256xf32, #tpu.memory_space<hbm>>
    tpu.enqueue_dma source(%dma_start3A_71 : memref<256xf32, #tpu.memory_space<hbm>>) target(%dma_start3A_68 : memref<256xf32, #tpu.memory_space<vmem>>) target_semaphore(%arg8 : memref<!tpu.dma_semaphore, #tpu.memory_space<semaphore_mem>>)
    %add3A_72 = arith.constant 4 : i32
    %add3A_73 = arith.addi %mul3A_2, %add3A_72 : i32
    %dma_start3A_74 = arith.constant 8192 : i32
    %dma_start3A_75 = tpu.memref_slice %arg6[%dma_start3A_74] : memref<16384xf32, #tpu.memory_space<vmem>> -> memref<256xf32, #tpu.memory_space<vmem>>
    %dma_start3A_76 = arith.constant 159744 : i32
    %dma_start3A_77 = tpu.memref_slice %arg2[%add3A_73, %dma_start3A_76] : memref<256x160000xf32, #tpu.memory_space<hbm>> -> memref<1x256xf32, #tpu.memory_space<hbm>>
    %dma_start3A_78 = tpu.memref_squeeze %dma_start3A_77 : memref<1x256xf32, #tpu.memory_space<hbm>> -> memref<256xf32, #tpu.memory_space<hbm>>
    %dma_start3A_79 = arith.constant 8192 : i32
    %dma_start3A_80 = tpu.memref_slice %arg6[%dma_start3A_79] : memref<16384xf32, #tpu.memory_space<vmem>> -> memref<256xf32, #tpu.memory_space<vmem>>
    %dma_start3A_81 = arith.constant 159744 : i32
    %dma_start3A_82 = tpu.memref_slice %arg2[%add3A_73, %dma_start3A_81] : memref<256x160000xf32, #tpu.memory_space<hbm>> -> memref<1x256xf32, #tpu.memory_space<hbm>>
    %dma_start3A_83 = tpu.memref_squeeze %dma_start3A_82 : memref<1x256xf32, #tpu.memory_space<hbm>> -> memref<256xf32, #tpu.memory_space<hbm>>
    tpu.enqueue_dma source(%dma_start3A_83 : memref<256xf32, #tpu.memory_space<hbm>>) target(%dma_start3A_80 : memref<256xf32, #tpu.memory_space<vmem>>) target_semaphore(%arg8 : memref<!tpu.dma_semaphore, #tpu.memory_space<semaphore_mem>>)
    %add3A_84 = arith.constant 5 : i32
    %add3A_85 = arith.addi %mul3A_2, %add3A_84 : i32
    %dma_start3A_86 = arith.constant 10240 : i32
    %dma_start3A_87 = tpu.memref_slice %arg6[%dma_start3A_86] : memref<16384xf32, #tpu.memory_space<vmem>> -> memref<256xf32, #tpu.memory_space<vmem>>
    %dma_start3A_88 = arith.constant 159744 : i32
    %dma_start3A_89 = tpu.memref_slice %arg2[%add3A_85, %dma_start3A_88] : memref<256x160000xf32, #tpu.memory_space<hbm>> -> memref<1x256xf32, #tpu.memory_space<hbm>>
    %dma_start3A_90 = tpu.memref_squeeze %dma_start3A_89 : memref<1x256xf32, #tpu.memory_space<hbm>> -> memref<256xf32, #tpu.memory_space<hbm>>
    %dma_start3A_91 = arith.constant 10240 : i32
    %dma_start3A_92 = tpu.memref_slice %arg6[%dma_start3A_91] : memref<16384xf32, #tpu.memory_space<vmem>> -> memref<256xf32, #tpu.memory_space<vmem>>
    %dma_start3A_93 = arith.constant 159744 : i32
    %dma_start3A_94 = tpu.memref_slice %arg2[%add3A_85, %dma_start3A_93] : memref<256x160000xf32, #tpu.memory_space<hbm>> -> memref<1x256xf32, #tpu.memory_space<hbm>>
    %dma_start3A_95 = tpu.memref_squeeze %dma_start3A_94 : memref<1x256xf32, #tpu.memory_space<hbm>> -> memref<256xf32, #tpu.memory_space<hbm>>
    tpu.enqueue_dma source(%dma_start3A_95 : memref<256xf32, #tpu.memory_space<hbm>>) target(%dma_start3A_92 : memref<256xf32, #tpu.memory_space<vmem>>) target_semaphore(%arg8 : memref<!tpu.dma_semaphore, #tpu.memory_space<semaphore_mem>>)
    %add3A_96 = arith.constant 6 : i32
    %add3A_97 = arith.addi %mul3A_2, %add3A_96 : i32
    %dma_start3A_98 = arith.constant 12288 : i32
    %dma_start3A_99 = tpu.memref_slice %arg6[%dma_start3A_98] : memref<16384xf32, #tpu.memory_space<vmem>> -> memref<256xf32, #tpu.memory_space<vmem>>
    %dma_start3A_100 = arith.constant 159744 : i32
    %dma_start3A_101 = tpu.memref_slice %arg2[%add3A_97, %dma_start3A_100] : memref<256x160000xf32, #tpu.memory_space<hbm>> -> memref<1x256xf32, #tpu.memory_space<hbm>>
    %dma_start3A_102 = tpu.memref_squeeze %dma_start3A_101 : memref<1x256xf32, #tpu.memory_space<hbm>> -> memref<256xf32, #tpu.memory_space<hbm>>
    %dma_start3A_103 = arith.constant 12288 : i32
    %dma_start3A_104 = tpu.memref_slice %arg6[%dma_start3A_103] : memref<16384xf32, #tpu.memory_space<vmem>> -> memref<256xf32, #tpu.memory_space<vmem>>
    %dma_start3A_105 = arith.constant 159744 : i32
    %dma_start3A_106 = tpu.memref_slice %arg2[%add3A_97, %dma_start3A_105] : memref<256x160000xf32, #tpu.memory_space<hbm>> -> memref<1x256xf32, #tpu.memory_space<hbm>>
    %dma_start3A_107 = tpu.memref_squeeze %dma_start3A_106 : memref<1x256xf32, #tpu.memory_space<hbm>> -> memref<256xf32, #tpu.memory_space<hbm>>
    tpu.enqueue_dma source(%dma_start3A_107 : memref<256xf32, #tpu.memory_space<hbm>>) target(%dma_start3A_104 : memref<256xf32, #tpu.memory_space<vmem>>) target_semaphore(%arg8 : memref<!tpu.dma_semaphore, #tpu.memory_space<semaphore_mem>>)
    %add3A_108 = arith.constant 7 : i32
    %add3A_109 = arith.addi %mul3A_2, %add3A_108 : i32
    %dma_start3A_110 = arith.constant 14336 : i32
    %dma_start3A_111 = tpu.memref_slice %arg6[%dma_start3A_110] : memref<16384xf32, #tpu.memory_space<vmem>> -> memref<256xf32, #tpu.memory_space<vmem>>
    %dma_start3A_112 = arith.constant 159744 : i32
    %dma_start3A_113 = tpu.memref_slice %arg2[%add3A_109, %dma_start3A_112] : memref<256x160000xf32, #tpu.memory_space<hbm>> -> memref<1x256xf32, #tpu.memory_space<hbm>>
    %dma_start3A_114 = tpu.memref_squeeze %dma_start3A_113 : memref<1x256xf32, #tpu.memory_space<hbm>> -> memref<256xf32, #tpu.memory_space<hbm>>
    %dma_start3A_115 = arith.constant 14336 : i32
    %dma_start3A_116 = tpu.memref_slice %arg6[%dma_start3A_115] : memref<16384xf32, #tpu.memory_space<vmem>> -> memref<256xf32, #tpu.memory_space<vmem>>
    %dma_start3A_117 = arith.constant 159744 : i32
    %dma_start3A_118 = tpu.memref_slice %arg2[%add3A_109, %dma_start3A_117] : memref<256x160000xf32, #tpu.memory_space<hbm>> -> memref<1x256xf32, #tpu.memory_space<hbm>>
    %dma_start3A_119 = tpu.memref_squeeze %dma_start3A_118 : memref<1x256xf32, #tpu.memory_space<hbm>> -> memref<256xf32, #tpu.memory_space<hbm>>
    tpu.enqueue_dma source(%dma_start3A_119 : memref<256xf32, #tpu.memory_space<hbm>>) target(%dma_start3A_116 : memref<256xf32, #tpu.memory_space<vmem>>) target_semaphore(%arg8 : memref<!tpu.dma_semaphore, #tpu.memory_space<semaphore_mem>>)
    %dma_wait3A = arith.constant 0 : i32
    %dma_wait3A_120 = tpu.memref_slice %arg5[%dma_wait3A] : memref<2048xi32, #tpu.memory_space<vmem>> -> memref<256xi32, #tpu.memory_space<vmem>>
    %dma_wait3A_121 = arith.constant 159744 : i32
    %dma_wait3A_122 = tpu.memref_slice %arg3[%dma_wait3A_121] : memref<160000xi32, #tpu.memory_space<hbm>> -> memref<256xi32, #tpu.memory_space<hbm>>
    %dma_wait3A_123 = arith.constant 0 : i32
    %dma_wait3A_124 = tpu.memref_slice %arg5[%dma_wait3A_123] : memref<2048xi32, #tpu.memory_space<vmem>> -> memref<256xi32, #tpu.memory_space<vmem>>
    %dma_wait3A_125 = arith.constant 159744 : i32
    %dma_wait3A_126 = tpu.memref_slice %arg3[%dma_wait3A_125] : memref<160000xi32, #tpu.memory_space<hbm>> -> memref<256xi32, #tpu.memory_space<hbm>>
    tpu.wait_dma2 semaphore(%arg8 : memref<!tpu.dma_semaphore, #tpu.memory_space<semaphore_mem>>) src(%dma_wait3A_126 : memref<256xi32, #tpu.memory_space<hbm>>) dst(%dma_wait3A_124 : memref<256xi32, #tpu.memory_space<vmem>>)
    %dma_wait3A_127 = arith.constant 0 : i32
    %dma_wait3A_128 = tpu.memref_slice %arg6[%dma_wait3A_127] : memref<16384xf32, #tpu.memory_space<vmem>> -> memref<256xf32, #tpu.memory_space<vmem>>
    %dma_wait3A_129 = arith.constant 159744 : i32
    %dma_wait3A_130 = tpu.memref_slice %arg2[%add3A_25, %dma_wait3A_129] : memref<256x160000xf32, #tpu.memory_space<hbm>> -> memref<1x256xf32, #tpu.memory_space<hbm>>
    %dma_wait3A_131 = tpu.memref_squeeze %dma_wait3A_130 : memref<1x256xf32, #tpu.memory_space<hbm>> -> memref<256xf32, #tpu.memory_space<hbm>>
    %dma_wait3A_132 = arith.constant 0 : i32
    %dma_wait3A_133 = tpu.memref_slice %arg6[%dma_wait3A_132] : memref<16384xf32, #tpu.memory_space<vmem>> -> memref<256xf32, #tpu.memory_space<vmem>>
    %dma_wait3A_134 = arith.constant 159744 : i32
    %dma_wait3A_135 = tpu.memref_slice %arg2[%add3A_25, %dma_wait3A_134] : memref<256x160000xf32, #tpu.memory_space<hbm>> -> memref<1x256xf32, #tpu.memory_space<hbm>>
    %dma_wait3A_136 = tpu.memref_squeeze %dma_wait3A_135 : memref<1x256xf32, #tpu.memory_space<hbm>> -> memref<256xf32, #tpu.memory_space<hbm>>
    tpu.wait_dma2 semaphore(%arg8 : memref<!tpu.dma_semaphore, #tpu.memory_space<semaphore_mem>>) src(%dma_wait3A_136 : memref<256xf32, #tpu.memory_space<hbm>>) dst(%dma_wait3A_133 : memref<256xf32, #tpu.memory_space<vmem>>)
    %dma_wait3A_137 = arith.constant 2048 : i32
    %dma_wait3A_138 = tpu.memref_slice %arg6[%dma_wait3A_137] : memref<16384xf32, #tpu.memory_space<vmem>> -> memref<256xf32, #tpu.memory_space<vmem>>
    %dma_wait3A_139 = arith.constant 159744 : i32
    %dma_wait3A_140 = tpu.memref_slice %arg2[%add3A_37, %dma_wait3A_139] : memref<256x160000xf32, #tpu.memory_space<hbm>> -> memref<1x256xf32, #tpu.memory_space<hbm>>
    %dma_wait3A_141 = tpu.memref_squeeze %dma_wait3A_140 : memref<1x256xf32, #tpu.memory_space<hbm>> -> memref<256xf32, #tpu.memory_space<hbm>>
    %dma_wait3A_142 = arith.constant 2048 : i32
    %dma_wait3A_143 = tpu.memref_slice %arg6[%dma_wait3A_142] : memref<16384xf32, #tpu.memory_space<vmem>> -> memref<256xf32, #tpu.memory_space<vmem>>
    %dma_wait3A_144 = arith.constant 159744 : i32
    %dma_wait3A_145 = tpu.memref_slice %arg2[%add3A_37, %dma_wait3A_144] : memref<256x160000xf32, #tpu.memory_space<hbm>> -> memref<1x256xf32, #tpu.memory_space<hbm>>
    %dma_wait3A_146 = tpu.memref_squeeze %dma_wait3A_145 : memref<1x256xf32, #tpu.memory_space<hbm>> -> memref<256xf32, #tpu.memory_space<hbm>>
    tpu.wait_dma2 semaphore(%arg8 : memref<!tpu.dma_semaphore, #tpu.memory_space<semaphore_mem>>) src(%dma_wait3A_146 : memref<256xf32, #tpu.memory_space<hbm>>) dst(%dma_wait3A_143 : memref<256xf32, #tpu.memory_space<vmem>>)
    %dma_wait3A_147 = arith.constant 4096 : i32
    %dma_wait3A_148 = tpu.memref_slice %arg6[%dma_wait3A_147] : memref<16384xf32, #tpu.memory_space<vmem>> -> memref<256xf32, #tpu.memory_space<vmem>>
    %dma_wait3A_149 = arith.constant 159744 : i32
    %dma_wait3A_150 = tpu.memref_slice %arg2[%add3A_49, %dma_wait3A_149] : memref<256x160000xf32, #tpu.memory_space<hbm>> -> memref<1x256xf32, #tpu.memory_space<hbm>>
    %dma_wait3A_151 = tpu.memref_squeeze %dma_wait3A_150 : memref<1x256xf32, #tpu.memory_space<hbm>> -> memref<256xf32, #tpu.memory_space<hbm>>
    %dma_wait3A_152 = arith.constant 4096 : i32
    %dma_wait3A_153 = tpu.memref_slice %arg6[%dma_wait3A_152] : memref<16384xf32, #tpu.memory_space<vmem>> -> memref<256xf32, #tpu.memory_space<vmem>>
    %dma_wait3A_154 = arith.constant 159744 : i32
    %dma_wait3A_155 = tpu.memref_slice %arg2[%add3A_49, %dma_wait3A_154] : memref<256x160000xf32, #tpu.memory_space<hbm>> -> memref<1x256xf32, #tpu.memory_space<hbm>>
    %dma_wait3A_156 = tpu.memref_squeeze %dma_wait3A_155 : memref<1x256xf32, #tpu.memory_space<hbm>> -> memref<256xf32, #tpu.memory_space<hbm>>
    tpu.wait_dma2 semaphore(%arg8 : memref<!tpu.dma_semaphore, #tpu.memory_space<semaphore_mem>>) src(%dma_wait3A_156 : memref<256xf32, #tpu.memory_space<hbm>>) dst(%dma_wait3A_153 : memref<256xf32, #tpu.memory_space<vmem>>)
    %dma_wait3A_157 = arith.constant 6144 : i32
    %dma_wait3A_158 = tpu.memref_slice %arg6[%dma_wait3A_157] : memref<16384xf32, #tpu.memory_space<vmem>> -> memref<256xf32, #tpu.memory_space<vmem>>
    %dma_wait3A_159 = arith.constant 159744 : i32
    %dma_wait3A_160 = tpu.memref_slice %arg2[%add3A_61, %dma_wait3A_159] : memref<256x160000xf32, #tpu.memory_space<hbm>> -> memref<1x256xf32, #tpu.memory_space<hbm>>
    %dma_wait3A_161 = tpu.memref_squeeze %dma_wait3A_160 : memref<1x256xf32, #tpu.memory_space<hbm>> -> memref<256xf32, #tpu.memory_space<hbm>>
    %dma_wait3A_162 = arith.constant 6144 : i32
    %dma_wait3A_163 = tpu.memref_slice %arg6[%dma_wait3A_162] : memref<16384xf32, #tpu.memory_space<vmem>> -> memref<256xf32, #tpu.memory_space<vmem>>
    %dma_wait3A_164 = arith.constant 159744 : i32
    %dma_wait3A_165 = tpu.memref_slice %arg2[%add3A_61, %dma_wait3A_164] : memref<256x160000xf32, #tpu.memory_space<hbm>> -> memref<1x256xf32, #tpu.memory_space<hbm>>
    %dma_wait3A_166 = tpu.memref_squeeze %dma_wait3A_165 : memref<1x256xf32, #tpu.memory_space<hbm>> -> memref<256xf32, #tpu.memory_space<hbm>>
    tpu.wait_dma2 semaphore(%arg8 : memref<!tpu.dma_semaphore, #tpu.memory_space<semaphore_mem>>) src(%dma_wait3A_166 : memref<256xf32, #tpu.memory_space<hbm>>) dst(%dma_wait3A_163 : memref<256xf32, #tpu.memory_space<vmem>>)
    %dma_wait3A_167 = arith.constant 8192 : i32
    %dma_wait3A_168 = tpu.memref_slice %arg6[%dma_wait3A_167] : memref<16384xf32, #tpu.memory_space<vmem>> -> memref<256xf32, #tpu.memory_space<vmem>>
    %dma_wait3A_169 = arith.constant 159744 : i32
    %dma_wait3A_170 = tpu.memref_slice %arg2[%add3A_73, %dma_wait3A_169] : memref<256x160000xf32, #tpu.memory_space<hbm>> -> memref<1x256xf32, #tpu.memory_space<hbm>>
    %dma_wait3A_171 = tpu.memref_squeeze %dma_wait3A_170 : memref<1x256xf32, #tpu.memory_space<hbm>> -> memref<256xf32, #tpu.memory_space<hbm>>
    %dma_wait3A_172 = arith.constant 8192 : i32
    %dma_wait3A_173 = tpu.memref_slice %arg6[%dma_wait3A_172] : memref<16384xf32, #tpu.memory_space<vmem>> -> memref<256xf32, #tpu.memory_space<vmem>>
    %dma_wait3A_174 = arith.constant 159744 : i32
    %dma_wait3A_175 = tpu.memref_slice %arg2[%add3A_73, %dma_wait3A_174] : memref<256x160000xf32, #tpu.memory_space<hbm>> -> memref<1x256xf32, #tpu.memory_space<hbm>>
    %dma_wait3A_176 = tpu.memref_squeeze %dma_wait3A_175 : memref<1x256xf32, #tpu.memory_space<hbm>> -> memref<256xf32, #tpu.memory_space<hbm>>
    tpu.wait_dma2 semaphore(%arg8 : memref<!tpu.dma_semaphore, #tpu.memory_space<semaphore_mem>>) src(%dma_wait3A_176 : memref<256xf32, #tpu.memory_space<hbm>>) dst(%dma_wait3A_173 : memref<256xf32, #tpu.memory_space<vmem>>)
    %dma_wait3A_177 = arith.constant 10240 : i32
    %dma_wait3A_178 = tpu.memref_slice %arg6[%dma_wait3A_177] : memref<16384xf32, #tpu.memory_space<vmem>> -> memref<256xf32, #tpu.memory_space<vmem>>
    %dma_wait3A_179 = arith.constant 159744 : i32
    %dma_wait3A_180 = tpu.memref_slice %arg2[%add3A_85, %dma_wait3A_179] : memref<256x160000xf32, #tpu.memory_space<hbm>> -> memref<1x256xf32, #tpu.memory_space<hbm>>
    %dma_wait3A_181 = tpu.memref_squeeze %dma_wait3A_180 : memref<1x256xf32, #tpu.memory_space<hbm>> -> memref<256xf32, #tpu.memory_space<hbm>>
    %dma_wait3A_182 = arith.constant 10240 : i32
    %dma_wait3A_183 = tpu.memref_slice %arg6[%dma_wait3A_182] : memref<16384xf32, #tpu.memory_space<vmem>> -> memref<256xf32, #tpu.memory_space<vmem>>
    %dma_wait3A_184 = arith.constant 159744 : i32
    %dma_wait3A_185 = tpu.memref_slice %arg2[%add3A_85, %dma_wait3A_184] : memref<256x160000xf32, #tpu.memory_space<hbm>> -> memref<1x256xf32, #tpu.memory_space<hbm>>
    %dma_wait3A_186 = tpu.memref_squeeze %dma_wait3A_185 : memref<1x256xf32, #tpu.memory_space<hbm>> -> memref<256xf32, #tpu.memory_space<hbm>>
    tpu.wait_dma2 semaphore(%arg8 : memref<!tpu.dma_semaphore, #tpu.memory_space<semaphore_mem>>) src(%dma_wait3A_186 : memref<256xf32, #tpu.memory_space<hbm>>) dst(%dma_wait3A_183 : memref<256xf32, #tpu.memory_space<vmem>>)
    %dma_wait3A_187 = arith.constant 12288 : i32
    %dma_wait3A_188 = tpu.memref_slice %arg6[%dma_wait3A_187] : memref<16384xf32, #tpu.memory_space<vmem>> -> memref<256xf32, #tpu.memory_space<vmem>>
    %dma_wait3A_189 = arith.constant 159744 : i32
    %dma_wait3A_190 = tpu.memref_slice %arg2[%add3A_97, %dma_wait3A_189] : memref<256x160000xf32, #tpu.memory_space<hbm>> -> memref<1x256xf32, #tpu.memory_space<hbm>>
    %dma_wait3A_191 = tpu.memref_squeeze %dma_wait3A_190 : memref<1x256xf32, #tpu.memory_space<hbm>> -> memref<256xf32, #tpu.memory_space<hbm>>
    %dma_wait3A_192 = arith.constant 12288 : i32
    %dma_wait3A_193 = tpu.memref_slice %arg6[%dma_wait3A_192] : memref<16384xf32, #tpu.memory_space<vmem>> -> memref<256xf32, #tpu.memory_space<vmem>>
    %dma_wait3A_194 = arith.constant 159744 : i32
    %dma_wait3A_195 = tpu.memref_slice %arg2[%add3A_97, %dma_wait3A_194] : memref<256x160000xf32, #tpu.memory_space<hbm>> -> memref<1x256xf32, #tpu.memory_space<hbm>>
    %dma_wait3A_196 = tpu.memref_squeeze %dma_wait3A_195 : memref<1x256xf32, #tpu.memory_space<hbm>> -> memref<256xf32, #tpu.memory_space<hbm>>
    tpu.wait_dma2 semaphore(%arg8 : memref<!tpu.dma_semaphore, #tpu.memory_space<semaphore_mem>>) src(%dma_wait3A_196 : memref<256xf32, #tpu.memory_space<hbm>>) dst(%dma_wait3A_193 : memref<256xf32, #tpu.memory_space<vmem>>)
    %dma_wait3A_197 = arith.constant 14336 : i32
    %dma_wait3A_198 = tpu.memref_slice %arg6[%dma_wait3A_197] : memref<16384xf32, #tpu.memory_space<vmem>> -> memref<256xf32, #tpu.memory_space<vmem>>
    %dma_wait3A_199 = arith.constant 159744 : i32
    %dma_wait3A_200 = tpu.memref_slice %arg2[%add3A_109, %dma_wait3A_199] : memref<256x160000xf32, #tpu.memory_space<hbm>> -> memref<1x256xf32, #tpu.memory_space<hbm>>
    %dma_wait3A_201 = tpu.memref_squeeze %dma_wait3A_200 : memref<1x256xf32, #tpu.memory_space<hbm>> -> memref<256xf32, #tpu.memory_space<hbm>>
    %dma_wait3A_202 = arith.constant 14336 : i32
    %dma_wait3A_203 = tpu.memref_slice %arg6[%dma_wait3A_202] : memref<16384xf32, #tpu.memory_space<vmem>> -> memref<256xf32, #tpu.memory_space<vmem>>
    %dma_wait3A_204 = arith.constant 159744 : i32
    %dma_wait3A_205 = tpu.memref_slice %arg2[%add3A_109, %dma_wait3A_204] : memref<256x160000xf32, #tpu.memory_space<hbm>> -> memref<1x256xf32, #tpu.memory_space<hbm>>
    %dma_wait3A_206 = tpu.memref_squeeze %dma_wait3A_205 : memref<1x256xf32, #tpu.memory_space<hbm>> -> memref<256xf32, #tpu.memory_space<hbm>>
    tpu.wait_dma2 semaphore(%arg8 : memref<!tpu.dma_semaphore, #tpu.memory_space<semaphore_mem>>) src(%dma_wait3A_206 : memref<256xf32, #tpu.memory_space<hbm>>) dst(%dma_wait3A_203 : memref<256xf32, #tpu.memory_space<vmem>>)
    %scan3A_207 = arith.constant 0 : i32
    %scan3A_208 = arith.constant 0 : i32
    %scan3A_209 = arith.constant 16 : i32
    %scan3A_210 = arith.addi %scan3A_208, %scan3A_209 : i32
    %scan3A_211 = arith.constant 1 : i32
    %scan3A_212 = scf.for %scan3A_214 = %scan3A_208 to %scan3A_210 step %scan3A_211 iter_args(%scan3A_215 = %scan3A_207) -> (i32)  : i32 {
      %mul3A_216 = arith.constant 16 : i32
      %mul3A_217 = arith.muli %scan3A_214, %mul3A_216 : i32
      %get3A = arith.index_cast %mul3A_217 : i32 to index
      %get3A_218 = tpu.vector_load %arg5[%get3A] {strides = array<i32>} : memref<2048xi32, #tpu.memory_space<vmem>>, vector<16xi32>,
      %mul3A_219 = arith.constant 8 : i32
      %mul3A_220 = vector.broadcast %mul3A_219 : i32 to vector<16xi32>
      %mul3A_221 = arith.muli %get3A_218, %mul3A_220 : vector<16xi32>
      %mul3A_222 = arith.constant 16 : i32
      %mul3A_223 = arith.muli %scan3A_214, %mul3A_222 : i32
      %add3A_224 = arith.constant 0 : i32
      %add3A_225 = arith.addi %add3A_224, %mul3A_223 : i32
      %get3A_226 = arith.index_cast %add3A_225 : i32 to index
      %get3A_227 = tpu.vector_load %arg6[%get3A_226] {strides = array<i32>} : memref<16384xf32, #tpu.memory_space<vmem>>, vector<16xf32>,
      %add3A_228 = arith.constant 0 : i32
      %add3A_229 = vector.broadcast %add3A_228 : i32 to vector<16xi32>
      %add3A_230 = arith.addi %mul3A_221, %add3A_229 : vector<16xi32>
      tpu.vector_store_idx %arg7[%add3A_230], %get3A_227 {add = true} : memref<80000xf32, #tpu.memory_space<vmem>>[vector<16xi32>], vector<16xf32>,
      %mul3A_231 = arith.constant 16 : i32
      %mul3A_232 = arith.muli %scan3A_214, %mul3A_231 : i32
      %add3A_233 = arith.constant 2048 : i32
      %add3A_234 = arith.addi %add3A_233, %mul3A_232 : i32
      %get3A_235 = arith.index_cast %add3A_234 : i32 to index
      %get3A_236 = tpu.vector_load %arg6[%get3A_235] {strides = array<i32>} : memref<16384xf32, #tpu.memory_space<vmem>>, vector<16xf32>,
      %add3A_237 = arith.constant 1 : i32
      %add3A_238 = vector.broadcast %add3A_237 : i32 to vector<16xi32>
      %add3A_239 = arith.addi %mul3A_221, %add3A_238 : vector<16xi32>
      tpu.vector_store_idx %arg7[%add3A_239], %get3A_236 {add = true} : memref<80000xf32, #tpu.memory_space<vmem>>[vector<16xi32>], vector<16xf32>,
      %mul3A_240 = arith.constant 16 : i32
      %mul3A_241 = arith.muli %scan3A_214, %mul3A_240 : i32
      %add3A_242 = arith.constant 4096 : i32
      %add3A_243 = arith.addi %add3A_242, %mul3A_241 : i32
      %get3A_244 = arith.index_cast %add3A_243 : i32 to index
      %get3A_245 = tpu.vector_load %arg6[%get3A_244] {strides = array<i32>} : memref<16384xf32, #tpu.memory_space<vmem>>, vector<16xf32>,
      %add3A_246 = arith.constant 2 : i32
      %add3A_247 = vector.broadcast %add3A_246 : i32 to vector<16xi32>
      %add3A_248 = arith.addi %mul3A_221, %add3A_247 : vector<16xi32>
      tpu.vector_store_idx %arg7[%add3A_248], %get3A_245 {add = true} : memref<80000xf32, #tpu.memory_space<vmem>>[vector<16xi32>], vector<16xf32>,
      %mul3A_249 = arith.constant 16 : i32
      %mul3A_250 = arith.muli %scan3A_214, %mul3A_249 : i32
      %add3A_251 = arith.constant 6144 : i32
      %add3A_252 = arith.addi %add3A_251, %mul3A_250 : i32
      %get3A_253 = arith.index_cast %add3A_252 : i32 to index
      %get3A_254 = tpu.vector_load %arg6[%get3A_253] {strides = array<i32>} : memref<16384xf32, #tpu.memory_space<vmem>>, vector<16xf32>,
      %add3A_255 = arith.constant 3 : i32
      %add3A_256 = vector.broadcast %add3A_255 : i32 to vector<16xi32>
      %add3A_257 = arith.addi %mul3A_221, %add3A_256 : vector<16xi32>
      tpu.vector_store_idx %arg7[%add3A_257], %get3A_254 {add = true} : memref<80000xf32, #tpu.memory_space<vmem>>[vector<16xi32>], vector<16xf32>,
      %mul3A_258 = arith.constant 16 : i32
      %mul3A_259 = arith.muli %scan3A_214, %mul3A_258 : i32
      %add3A_260 = arith.constant 8192 : i32
      %add3A_261 = arith.addi %add3A_260, %mul3A_259 : i32
      %get3A_262 = arith.index_cast %add3A_261 : i32 to index
      %get3A_263 = tpu.vector_load %arg6[%get3A_262] {strides = array<i32>} : memref<16384xf32, #tpu.memory_space<vmem>>, vector<16xf32>,
      %add3A_264 = arith.constant 4 : i32
      %add3A_265 = vector.broadcast %add3A_264 : i32 to vector<16xi32>
      %add3A_266 = arith.addi %mul3A_221, %add3A_265 : vector<16xi32>
      tpu.vector_store_idx %arg7[%add3A_266], %get3A_263 {add = true} : memref<80000xf32, #tpu.memory_space<vmem>>[vector<16xi32>], vector<16xf32>,
      %mul3A_267 = arith.constant 16 : i32
      %mul3A_268 = arith.muli %scan3A_214, %mul3A_267 : i32
      %add3A_269 = arith.constant 10240 : i32
      %add3A_270 = arith.addi %add3A_269, %mul3A_268 : i32
      %get3A_271 = arith.index_cast %add3A_270 : i32 to index
      %get3A_272 = tpu.vector_load %arg6[%get3A_271] {strides = array<i32>} : memref<16384xf32, #tpu.memory_space<vmem>>, vector<16xf32>,
      %add3A_273 = arith.constant 5 : i32
      %add3A_274 = vector.broadcast %add3A_273 : i32 to vector<16xi32>
      %add3A_275 = arith.addi %mul3A_221, %add3A_274 : vector<16xi32>
      tpu.vector_store_idx %arg7[%add3A_275], %get3A_272 {add = true} : memref<80000xf32, #tpu.memory_space<vmem>>[vector<16xi32>], vector<16xf32>,
      %mul3A_276 = arith.constant 16 : i32
      %mul3A_277 = arith.muli %scan3A_214, %mul3A_276 : i32
      %add3A_278 = arith.constant 12288 : i32
      %add3A_279 = arith.addi %add3A_278, %mul3A_277 : i32
      %get3A_280 = arith.index_cast %add3A_279 : i32 to index
      %get3A_281 = tpu.vector_load %arg6[%get3A_280] {strides = array<i32>} : memref<16384xf32, #tpu.memory_space<vmem>>, vector<16xf32>,
      %add3A_282 = arith.constant 6 : i32
      %add3A_283 = vector.broadcast %add3A_282 : i32 to vector<16xi32>
      %add3A_284 = arith.addi %mul3A_221, %add3A_283 : vector<16xi32>
      tpu.vector_store_idx %arg7[%add3A_284], %get3A_281 {add = true} : memref<80000xf32, #tpu.memory_space<vmem>>[vector<16xi32>], vector<16xf32>,
      %mul3A_285 = arith.constant 16 : i32
      %mul3A_286 = arith.muli %scan3A_214, %mul3A_285 : i32
      %add3A_287 = arith.constant 14336 : i32
      %add3A_288 = arith.addi %add3A_287, %mul3A_286 : i32
      %get3A_289 = arith.index_cast %add3A_288 : i32 to index
      %get3A_290 = tpu.vector_load %arg6[%get3A_289] {strides = array<i32>} : memref<16384xf32, #tpu.memory_space<vmem>>, vector<16xf32>,
      %add3A_291 = arith.constant 7 : i32
      %add3A_292 = vector.broadcast %add3A_291 : i32 to vector<16xi32>
      %add3A_293 = arith.addi %mul3A_221, %add3A_292 : vector<16xi32>
      tpu.vector_store_idx %arg7[%add3A_293], %get3A_290 {add = true} : memref<80000xf32, #tpu.memory_space<vmem>>[vector<16xi32>], vector<16xf32>,
      %scan3A_294 = arith.constant 0 : i32
      scf.yield %scan3A_294 : i32
    }
    %scan3A_213 = arith.constant 16 : i32
    "tpu.region"() ({
      %run_scoped3A = tpu.sem_alloc : memref<!tpu.dma_semaphore, #tpu.memory_space<semaphore_mem>>
      %dma_start3A_214 = arith.constant 0 : i32
      %dma_start3A_215 = tpu.memref_slice %arg4[%add3A, %dma_start3A_214] : memref<32x80000xf32, #tpu.memory_space<hbm>> -> memref<1x80000xf32, #tpu.memory_space<hbm>>
      %dma_start3A_216 = tpu.memref_squeeze %dma_start3A_215 : memref<1x80000xf32, #tpu.memory_space<hbm>> -> memref<80000xf32, #tpu.memory_space<hbm>>
      %dma_start3A_217 = arith.constant 0 : i32
      %dma_start3A_218 = tpu.memref_slice %arg4[%add3A, %dma_start3A_217] : memref<32x80000xf32, #tpu.memory_space<hbm>> -> memref<1x80000xf32, #tpu.memory_space<hbm>>
      %dma_start3A_219 = tpu.memref_squeeze %dma_start3A_218 : memref<1x80000xf32, #tpu.memory_space<hbm>> -> memref<80000xf32, #tpu.memory_space<hbm>>
      tpu.enqueue_dma source(%arg7 : memref<80000xf32, #tpu.memory_space<vmem>>) target(%dma_start3A_219 : memref<80000xf32, #tpu.memory_space<hbm>>) target_semaphore(%run_scoped3A : memref<!tpu.dma_semaphore, #tpu.memory_space<semaphore_mem>>)
      %dma_wait3A_220 = arith.constant 0 : i32
      %dma_wait3A_221 = tpu.memref_slice %arg4[%add3A, %dma_wait3A_220] : memref<32x80000xf32, #tpu.memory_space<hbm>> -> memref<1x80000xf32, #tpu.memory_space<hbm>>
      %dma_wait3A_222 = tpu.memref_squeeze %dma_wait3A_221 : memref<1x80000xf32, #tpu.memory_space<hbm>> -> memref<80000xf32, #tpu.memory_space<hbm>>
      %dma_wait3A_223 = arith.constant 0 : i32
      %dma_wait3A_224 = tpu.memref_slice %arg4[%add3A, %dma_wait3A_223] : memref<32x80000xf32, #tpu.memory_space<hbm>> -> memref<1x80000xf32, #tpu.memory_space<hbm>>
      %dma_wait3A_225 = tpu.memref_squeeze %dma_wait3A_224 : memref<1x80000xf32, #tpu.memory_space<hbm>> -> memref<80000xf32, #tpu.memory_space<hbm>>
      tpu.wait_dma2 semaphore(%run_scoped3A : memref<!tpu.dma_semaphore, #tpu.memory_space<semaphore_mem>>) src(%arg7 : memref<80000xf32, #tpu.memory_space<vmem>>) dst(%dma_wait3A_225 : memref<80000xf32, #tpu.memory_space<hbm>>)
      tpu.yield
    }) : () -> ()
    return
  }
}

#map = affine_map<(d0, d1) -> (0, 0)>
#map1 = affine_map<(d0, d1) -> (0)>
module attributes {stable_mosaic.version = 14 : i64} {
  func.func @k(%arg0: i32, %arg1: i32, %arg2: memref<256x160000xf32, #tpu.memory_space<hbm>>, %arg3: memref<160000xi32, #tpu.memory_space<hbm>>, %arg4: memref<32x80000xf32, #tpu.memory_space<hbm>>, %arg5: memref<2048xi32, #tpu.memory_space<vmem>>, %arg6: memref<16384xf32, #tpu.memory_space<vmem>>, %arg7: memref<80000xf32, #tpu.memory_space<vmem>>, %arg8: memref<!tpu.dma_semaphore, #tpu.memory_space<semaphore_mem>>) attributes {dimension_semantics = [#tpu.dimension_semantics<core_parallel>, #tpu.dimension_semantics<subcore_parallel>], iteration_bounds = array<i64: 2, 16>, scalar_prefetch = 0 : i64, scratch_operands = 4 : i64, tpu.core_type = #tpu.core_type<sc_vector_subcore>, window_params = [{transform_indices = #map}, {transform_indices = #map1}, {transform_indices = #map}]} {
    %mul3A = arith.constant 2 : i32
    %mul3A_0 = arith.muli %arg1, %mul3A : i32
    %add3A = arith.addi %mul3A_0, %arg0 : i32
    %mul3A_1 = arith.constant 8 : i32
    %mul3A_2 = arith.muli %add3A, %mul3A_1 : i32
    %broadcast_in_dim3A = arith.constant 0.000000e+00 : f32
    %broadcast_in_dim3A_3 = vector.broadcast %broadcast_in_dim3A : f32 to vector<16xf32>
    %scan3A = arith.constant 0 : i32
    %scan3A_4 = arith.constant 0 : i32
    %scan3A_5 = arith.constant 5000 : i32
    %scan3A_6 = arith.addi %scan3A_4, %scan3A_5 : i32
    %scan3A_7 = arith.constant 1 : i32
    %scan3A_8 = scf.for %scan3A_214 = %scan3A_4 to %scan3A_6 step %scan3A_7 iter_args(%scan3A_215 = %scan3A) -> (i32)  : i32 {
      %mul3A_216 = arith.constant 16 : i32
      %mul3A_217 = arith.muli %scan3A_214, %mul3A_216 : i32
      %swap3A = arith.index_cast %mul3A_217 : i32 to index
      %swap3A_218 = tpu.vector_load %arg7[%swap3A] {strides = array<i32>} : memref<80000xf32, #tpu.memory_space<vmem>>, vector<16xf32>,
      tpu.vector_store %arg7[%swap3A], %broadcast_in_dim3A_3 {strides = array<i32>} : memref<80000xf32, #tpu.memory_space<vmem>>, vector<16xf32>,
      %scan3A_219 = arith.constant 0 : i32
      scf.yield %scan3A_219 : i32
    }
    %scan3A_9 = arith.constant 5000 : i32
    %scan3A_10 = arith.constant 0 : i32
    %scan3A_11 = arith.constant 0 : i32
    %scan3A_12 = arith.constant 78 : i32
    %scan3A_13 = arith.addi %scan3A_11, %scan3A_12 : i32
    %scan3A_14 = arith.constant 1 : i32
    %scan3A_15 = scf.for %scan3A_214 = %scan3A_11 to %scan3A_13 step %scan3A_14 iter_args(%scan3A_215 = %scan3A_10) -> (i32)  : i32 {
      %mul3A_216 = arith.constant 2048 : i32
      %mul3A_217 = arith.muli %scan3A_214, %mul3A_216 : i32
      %dma_start3A_218 = arith.constant 0 : i32
      %dma_start3A_219 = tpu.memref_slice %arg5[%dma_start3A_218] : memref<2048xi32, #tpu.memory_space<vmem>> -> memref<2048xi32, #tpu.memory_space<vmem>>
      %dma_start3A_220 = tpu.memref_slice %arg3[%mul3A_217] : memref<160000xi32, #tpu.memory_space<hbm>> -> memref<2048xi32, #tpu.memory_space<hbm>>
      %dma_start3A_221 = arith.constant 0 : i32
      %dma_start3A_222 = tpu.memref_slice %arg5[%dma_start3A_221] : memref<2048xi32, #tpu.memory_space<vmem>> -> memref<2048xi32, #tpu.memory_space<vmem>>
      %dma_start3A_223 = tpu.memref_slice %arg3[%mul3A_217] : memref<160000xi32, #tpu.memory_space<hbm>> -> memref<2048xi32, #tpu.memory_space<hbm>>
      tpu.enqueue_dma source(%dma_start3A_223 : memref<2048xi32, #tpu.memory_space<hbm>>) target(%dma_start3A_222 : memref<2048xi32, #tpu.memory_space<vmem>>) target_semaphore(%arg8 : memref<!tpu.dma_semaphore, #tpu.memory_space<semaphore_mem>>)
      %add3A_224 = arith.constant 0 : i32
      %add3A_225 = arith.addi %mul3A_2, %add3A_224 : i32
      %dma_start3A_226 = arith.constant 0 : i32
      %dma_start3A_227 = tpu.memref_slice %arg6[%dma_start3A_226] : memref<16384xf32, #tpu.memory_space<vmem>> -> memref<2048xf32, #tpu.memory_space<vmem>>
      %dma_start3A_228 = tpu.memref_slice %arg2[%add3A_225, %mul3A_217] : memref<256x160000xf32, #tpu.memory_space<hbm>> -> memref<1x2048xf32, #tpu.memory_space<hbm>>
      %dma_start3A_229 = tpu.memref_squeeze %dma_start3A_228 : memref<1x2048xf32, #tpu.memory_space<hbm>> -> memref<2048xf32, #tpu.memory_space<hbm>>
      %dma_start3A_230 = arith.constant 0 : i32
      %dma_start3A_231 = tpu.memref_slice %arg6[%dma_start3A_230] : memref<16384xf32, #tpu.memory_space<vmem>> -> memref<2048xf32, #tpu.memory_space<vmem>>
      %dma_start3A_232 = tpu.memref_slice %arg2[%add3A_225, %mul3A_217] : memref<256x160000xf32, #tpu.memory_space<hbm>> -> memref<1x2048xf32, #tpu.memory_space<hbm>>
      %dma_start3A_233 = tpu.memref_squeeze %dma_start3A_232 : memref<1x2048xf32, #tpu.memory_space<hbm>> -> memref<2048xf32, #tpu.memory_space<hbm>>
      tpu.enqueue_dma source(%dma_start3A_233 : memref<2048xf32, #tpu.memory_space<hbm>>) target(%dma_start3A_231 : memref<2048xf32, #tpu.memory_space<vmem>>) target_semaphore(%arg8 : memref<!tpu.dma_semaphore, #tpu.memory_space<semaphore_mem>>)
      %add3A_234 = arith.constant 1 : i32
      %add3A_235 = arith.addi %mul3A_2, %add3A_234 : i32
      %dma_start3A_236 = arith.constant 2048 : i32
      %dma_start3A_237 = tpu.memref_slice %arg6[%dma_start3A_236] : memref<16384xf32, #tpu.memory_space<vmem>> -> memref<2048xf32, #tpu.memory_space<vmem>>
      %dma_start3A_238 = tpu.memref_slice %arg2[%add3A_235, %mul3A_217] : memref<256x160000xf32, #tpu.memory_space<hbm>> -> memref<1x2048xf32, #tpu.memory_space<hbm>>
      %dma_start3A_239 = tpu.memref_squeeze %dma_start3A_238 : memref<1x2048xf32, #tpu.memory_space<hbm>> -> memref<2048xf32, #tpu.memory_space<hbm>>
      %dma_start3A_240 = arith.constant 2048 : i32
      %dma_start3A_241 = tpu.memref_slice %arg6[%dma_start3A_240] : memref<16384xf32, #tpu.memory_space<vmem>> -> memref<2048xf32, #tpu.memory_space<vmem>>
      %dma_start3A_242 = tpu.memref_slice %arg2[%add3A_235, %mul3A_217] : memref<256x160000xf32, #tpu.memory_space<hbm>> -> memref<1x2048xf32, #tpu.memory_space<hbm>>
      %dma_start3A_243 = tpu.memref_squeeze %dma_start3A_242 : memref<1x2048xf32, #tpu.memory_space<hbm>> -> memref<2048xf32, #tpu.memory_space<hbm>>
      tpu.enqueue_dma source(%dma_start3A_243 : memref<2048xf32, #tpu.memory_space<hbm>>) target(%dma_start3A_241 : memref<2048xf32, #tpu.memory_space<vmem>>) target_semaphore(%arg8 : memref<!tpu.dma_semaphore, #tpu.memory_space<semaphore_mem>>)
      %add3A_244 = arith.constant 2 : i32
      %add3A_245 = arith.addi %mul3A_2, %add3A_244 : i32
      %dma_start3A_246 = arith.constant 4096 : i32
      %dma_start3A_247 = tpu.memref_slice %arg6[%dma_start3A_246] : memref<16384xf32, #tpu.memory_space<vmem>> -> memref<2048xf32, #tpu.memory_space<vmem>>
      %dma_start3A_248 = tpu.memref_slice %arg2[%add3A_245, %mul3A_217] : memref<256x160000xf32, #tpu.memory_space<hbm>> -> memref<1x2048xf32, #tpu.memory_space<hbm>>
      %dma_start3A_249 = tpu.memref_squeeze %dma_start3A_248 : memref<1x2048xf32, #tpu.memory_space<hbm>> -> memref<2048xf32, #tpu.memory_space<hbm>>
      %dma_start3A_250 = arith.constant 4096 : i32
      %dma_start3A_251 = tpu.memref_slice %arg6[%dma_start3A_250] : memref<16384xf32, #tpu.memory_space<vmem>> -> memref<2048xf32, #tpu.memory_space<vmem>>
      %dma_start3A_252 = tpu.memref_slice %arg2[%add3A_245, %mul3A_217] : memref<256x160000xf32, #tpu.memory_space<hbm>> -> memref<1x2048xf32, #tpu.memory_space<hbm>>
      %dma_start3A_253 = tpu.memref_squeeze %dma_start3A_252 : memref<1x2048xf32, #tpu.memory_space<hbm>> -> memref<2048xf32, #tpu.memory_space<hbm>>
      tpu.enqueue_dma source(%dma_start3A_253 : memref<2048xf32, #tpu.memory_space<hbm>>) target(%dma_start3A_251 : memref<2048xf32, #tpu.memory_space<vmem>>) target_semaphore(%arg8 : memref<!tpu.dma_semaphore, #tpu.memory_space<semaphore_mem>>)
      %add3A_254 = arith.constant 3 : i32
      %add3A_255 = arith.addi %mul3A_2, %add3A_254 : i32
      %dma_start3A_256 = arith.constant 6144 : i32
      %dma_start3A_257 = tpu.memref_slice %arg6[%dma_start3A_256] : memref<16384xf32, #tpu.memory_space<vmem>> -> memref<2048xf32, #tpu.memory_space<vmem>>
      %dma_start3A_258 = tpu.memref_slice %arg2[%add3A_255, %mul3A_217] : memref<256x160000xf32, #tpu.memory_space<hbm>> -> memref<1x2048xf32, #tpu.memory_space<hbm>>
      %dma_start3A_259 = tpu.memref_squeeze %dma_start3A_258 : memref<1x2048xf32, #tpu.memory_space<hbm>> -> memref<2048xf32, #tpu.memory_space<hbm>>
      %dma_start3A_260 = arith.constant 6144 : i32
      %dma_start3A_261 = tpu.memref_slice %arg6[%dma_start3A_260] : memref<16384xf32, #tpu.memory_space<vmem>> -> memref<2048xf32, #tpu.memory_space<vmem>>
      %dma_start3A_262 = tpu.memref_slice %arg2[%add3A_255, %mul3A_217] : memref<256x160000xf32, #tpu.memory_space<hbm>> -> memref<1x2048xf32, #tpu.memory_space<hbm>>
      %dma_start3A_263 = tpu.memref_squeeze %dma_start3A_262 : memref<1x2048xf32, #tpu.memory_space<hbm>> -> memref<2048xf32, #tpu.memory_space<hbm>>
      tpu.enqueue_dma source(%dma_start3A_263 : memref<2048xf32, #tpu.memory_space<hbm>>) target(%dma_start3A_261 : memref<2048xf32, #tpu.memory_space<vmem>>) target_semaphore(%arg8 : memref<!tpu.dma_semaphore, #tpu.memory_space<semaphore_mem>>)
      %add3A_264 = arith.constant 4 : i32
      %add3A_265 = arith.addi %mul3A_2, %add3A_264 : i32
      %dma_start3A_266 = arith.constant 8192 : i32
      %dma_start3A_267 = tpu.memref_slice %arg6[%dma_start3A_266] : memref<16384xf32, #tpu.memory_space<vmem>> -> memref<2048xf32, #tpu.memory_space<vmem>>
      %dma_start3A_268 = tpu.memref_slice %arg2[%add3A_265, %mul3A_217] : memref<256x160000xf32, #tpu.memory_space<hbm>> -> memref<1x2048xf32, #tpu.memory_space<hbm>>
      %dma_start3A_269 = tpu.memref_squeeze %dma_start3A_268 : memref<1x2048xf32, #tpu.memory_space<hbm>> -> memref<2048xf32, #tpu.memory_space<hbm>>
      %dma_start3A_270 = arith.constant 8192 : i32
      %dma_start3A_271 = tpu.memref_slice %arg6[%dma_start3A_270] : memref<16384xf32, #tpu.memory_space<vmem>> -> memref<2048xf32, #tpu.memory_space<vmem>>
      %dma_start3A_272 = tpu.memref_slice %arg2[%add3A_265, %mul3A_217] : memref<256x160000xf32, #tpu.memory_space<hbm>> -> memref<1x2048xf32, #tpu.memory_space<hbm>>
      %dma_start3A_273 = tpu.memref_squeeze %dma_start3A_272 : memref<1x2048xf32, #tpu.memory_space<hbm>> -> memref<2048xf32, #tpu.memory_space<hbm>>
      tpu.enqueue_dma source(%dma_start3A_273 : memref<2048xf32, #tpu.memory_space<hbm>>) target(%dma_start3A_271 : memref<2048xf32, #tpu.memory_space<vmem>>) target_semaphore(%arg8 : memref<!tpu.dma_semaphore, #tpu.memory_space<semaphore_mem>>)
      %add3A_274 = arith.constant 5 : i32
      %add3A_275 = arith.addi %mul3A_2, %add3A_274 : i32
      %dma_start3A_276 = arith.constant 10240 : i32
      %dma_start3A_277 = tpu.memref_slice %arg6[%dma_start3A_276] : memref<16384xf32, #tpu.memory_space<vmem>> -> memref<2048xf32, #tpu.memory_space<vmem>>
      %dma_start3A_278 = tpu.memref_slice %arg2[%add3A_275, %mul3A_217] : memref<256x160000xf32, #tpu.memory_space<hbm>> -> memref<1x2048xf32, #tpu.memory_space<hbm>>
      %dma_start3A_279 = tpu.memref_squeeze %dma_start3A_278 : memref<1x2048xf32, #tpu.memory_space<hbm>> -> memref<2048xf32, #tpu.memory_space<hbm>>
      %dma_start3A_280 = arith.constant 10240 : i32
      %dma_start3A_281 = tpu.memref_slice %arg6[%dma_start3A_280] : memref<16384xf32, #tpu.memory_space<vmem>> -> memref<2048xf32, #tpu.memory_space<vmem>>
      %dma_start3A_282 = tpu.memref_slice %arg2[%add3A_275, %mul3A_217] : memref<256x160000xf32, #tpu.memory_space<hbm>> -> memref<1x2048xf32, #tpu.memory_space<hbm>>
      %dma_start3A_283 = tpu.memref_squeeze %dma_start3A_282 : memref<1x2048xf32, #tpu.memory_space<hbm>> -> memref<2048xf32, #tpu.memory_space<hbm>>
      tpu.enqueue_dma source(%dma_start3A_283 : memref<2048xf32, #tpu.memory_space<hbm>>) target(%dma_start3A_281 : memref<2048xf32, #tpu.memory_space<vmem>>) target_semaphore(%arg8 : memref<!tpu.dma_semaphore, #tpu.memory_space<semaphore_mem>>)
      %add3A_284 = arith.constant 6 : i32
      %add3A_285 = arith.addi %mul3A_2, %add3A_284 : i32
      %dma_start3A_286 = arith.constant 12288 : i32
      %dma_start3A_287 = tpu.memref_slice %arg6[%dma_start3A_286] : memref<16384xf32, #tpu.memory_space<vmem>> -> memref<2048xf32, #tpu.memory_space<vmem>>
      %dma_start3A_288 = tpu.memref_slice %arg2[%add3A_285, %mul3A_217] : memref<256x160000xf32, #tpu.memory_space<hbm>> -> memref<1x2048xf32, #tpu.memory_space<hbm>>
      %dma_start3A_289 = tpu.memref_squeeze %dma_start3A_288 : memref<1x2048xf32, #tpu.memory_space<hbm>> -> memref<2048xf32, #tpu.memory_space<hbm>>
      %dma_start3A_290 = arith.constant 12288 : i32
      %dma_start3A_291 = tpu.memref_slice %arg6[%dma_start3A_290] : memref<16384xf32, #tpu.memory_space<vmem>> -> memref<2048xf32, #tpu.memory_space<vmem>>
      %dma_start3A_292 = tpu.memref_slice %arg2[%add3A_285, %mul3A_217] : memref<256x160000xf32, #tpu.memory_space<hbm>> -> memref<1x2048xf32, #tpu.memory_space<hbm>>
      %dma_start3A_293 = tpu.memref_squeeze %dma_start3A_292 : memref<1x2048xf32, #tpu.memory_space<hbm>> -> memref<2048xf32, #tpu.memory_space<hbm>>
      tpu.enqueue_dma source(%dma_start3A_293 : memref<2048xf32, #tpu.memory_space<hbm>>) target(%dma_start3A_291 : memref<2048xf32, #tpu.memory_space<vmem>>) target_semaphore(%arg8 : memref<!tpu.dma_semaphore, #tpu.memory_space<semaphore_mem>>)
      %add3A_294 = arith.constant 7 : i32
      %add3A_295 = arith.addi %mul3A_2, %add3A_294 : i32
      %dma_start3A_296 = arith.constant 14336 : i32
      %dma_start3A_297 = tpu.memref_slice %arg6[%dma_start3A_296] : memref<16384xf32, #tpu.memory_space<vmem>> -> memref<2048xf32, #tpu.memory_space<vmem>>
      %dma_start3A_298 = tpu.memref_slice %arg2[%add3A_295, %mul3A_217] : memref<256x160000xf32, #tpu.memory_space<hbm>> -> memref<1x2048xf32, #tpu.memory_space<hbm>>
      %dma_start3A_299 = tpu.memref_squeeze %dma_start3A_298 : memref<1x2048xf32, #tpu.memory_space<hbm>> -> memref<2048xf32, #tpu.memory_space<hbm>>
      %dma_start3A_300 = arith.constant 14336 : i32
      %dma_start3A_301 = tpu.memref_slice %arg6[%dma_start3A_300] : memref<16384xf32, #tpu.memory_space<vmem>> -> memref<2048xf32, #tpu.memory_space<vmem>>
      %dma_start3A_302 = tpu.memref_slice %arg2[%add3A_295, %mul3A_217] : memref<256x160000xf32, #tpu.memory_space<hbm>> -> memref<1x2048xf32, #tpu.memory_space<hbm>>
      %dma_start3A_303 = tpu.memref_squeeze %dma_start3A_302 : memref<1x2048xf32, #tpu.memory_space<hbm>> -> memref<2048xf32, #tpu.memory_space<hbm>>
      tpu.enqueue_dma source(%dma_start3A_303 : memref<2048xf32, #tpu.memory_space<hbm>>) target(%dma_start3A_301 : memref<2048xf32, #tpu.memory_space<vmem>>) target_semaphore(%arg8 : memref<!tpu.dma_semaphore, #tpu.memory_space<semaphore_mem>>)
      %dma_wait3A_304 = arith.constant 0 : i32
      %dma_wait3A_305 = tpu.memref_slice %arg5[%dma_wait3A_304] : memref<2048xi32, #tpu.memory_space<vmem>> -> memref<2048xi32, #tpu.memory_space<vmem>>
      %dma_wait3A_306 = tpu.memref_slice %arg3[%mul3A_217] : memref<160000xi32, #tpu.memory_space<hbm>> -> memref<2048xi32, #tpu.memory_space<hbm>>
      %dma_wait3A_307 = arith.constant 0 : i32
      %dma_wait3A_308 = tpu.memref_slice %arg5[%dma_wait3A_307] : memref<2048xi32, #tpu.memory_space<vmem>> -> memref<2048xi32, #tpu.memory_space<vmem>>
      %dma_wait3A_309 = tpu.memref_slice %arg3[%mul3A_217] : memref<160000xi32, #tpu.memory_space<hbm>> -> memref<2048xi32, #tpu.memory_space<hbm>>
      tpu.wait_dma2 semaphore(%arg8 : memref<!tpu.dma_semaphore, #tpu.memory_space<semaphore_mem>>) src(%dma_wait3A_309 : memref<2048xi32, #tpu.memory_space<hbm>>) dst(%dma_wait3A_308 : memref<2048xi32, #tpu.memory_space<vmem>>)
      %dma_wait3A_310 = arith.constant 0 : i32
      %dma_wait3A_311 = tpu.memref_slice %arg6[%dma_wait3A_310] : memref<16384xf32, #tpu.memory_space<vmem>> -> memref<2048xf32, #tpu.memory_space<vmem>>
      %dma_wait3A_312 = tpu.memref_slice %arg2[%add3A_225, %mul3A_217] : memref<256x160000xf32, #tpu.memory_space<hbm>> -> memref<1x2048xf32, #tpu.memory_space<hbm>>
      %dma_wait3A_313 = tpu.memref_squeeze %dma_wait3A_312 : memref<1x2048xf32, #tpu.memory_space<hbm>> -> memref<2048xf32, #tpu.memory_space<hbm>>
      %dma_wait3A_314 = arith.constant 0 : i32
      %dma_wait3A_315 = tpu.memref_slice %arg6[%dma_wait3A_314] : memref<16384xf32, #tpu.memory_space<vmem>> -> memref<2048xf32, #tpu.memory_space<vmem>>
      %dma_wait3A_316 = tpu.memref_slice %arg2[%add3A_225, %mul3A_217] : memref<256x160000xf32, #tpu.memory_space<hbm>> -> memref<1x2048xf32, #tpu.memory_space<hbm>>
      %dma_wait3A_317 = tpu.memref_squeeze %dma_wait3A_316 : memref<1x2048xf32, #tpu.memory_space<hbm>> -> memref<2048xf32, #tpu.memory_space<hbm>>
      tpu.wait_dma2 semaphore(%arg8 : memref<!tpu.dma_semaphore, #tpu.memory_space<semaphore_mem>>) src(%dma_wait3A_317 : memref<2048xf32, #tpu.memory_space<hbm>>) dst(%dma_wait3A_315 : memref<2048xf32, #tpu.memory_space<vmem>>)
      %dma_wait3A_318 = arith.constant 2048 : i32
      %dma_wait3A_319 = tpu.memref_slice %arg6[%dma_wait3A_318] : memref<16384xf32, #tpu.memory_space<vmem>> -> memref<2048xf32, #tpu.memory_space<vmem>>
      %dma_wait3A_320 = tpu.memref_slice %arg2[%add3A_235, %mul3A_217] : memref<256x160000xf32, #tpu.memory_space<hbm>> -> memref<1x2048xf32, #tpu.memory_space<hbm>>
      %dma_wait3A_321 = tpu.memref_squeeze %dma_wait3A_320 : memref<1x2048xf32, #tpu.memory_space<hbm>> -> memref<2048xf32, #tpu.memory_space<hbm>>
      %dma_wait3A_322 = arith.constant 2048 : i32
      %dma_wait3A_323 = tpu.memref_slice %arg6[%dma_wait3A_322] : memref<16384xf32, #tpu.memory_space<vmem>> -> memref<2048xf32, #tpu.memory_space<vmem>>
      %dma_wait3A_324 = tpu.memref_slice %arg2[%add3A_235, %mul3A_217] : memref<256x160000xf32, #tpu.memory_space<hbm>> -> memref<1x2048xf32, #tpu.memory_space<hbm>>
      %dma_wait3A_325 = tpu.memref_squeeze %dma_wait3A_324 : memref<1x2048xf32, #tpu.memory_space<hbm>> -> memref<2048xf32, #tpu.memory_space<hbm>>
      tpu.wait_dma2 semaphore(%arg8 : memref<!tpu.dma_semaphore, #tpu.memory_space<semaphore_mem>>) src(%dma_wait3A_325 : memref<2048xf32, #tpu.memory_space<hbm>>) dst(%dma_wait3A_323 : memref<2048xf32, #tpu.memory_space<vmem>>)
      %dma_wait3A_326 = arith.constant 4096 : i32
      %dma_wait3A_327 = tpu.memref_slice %arg6[%dma_wait3A_326] : memref<16384xf32, #tpu.memory_space<vmem>> -> memref<2048xf32, #tpu.memory_space<vmem>>
      %dma_wait3A_328 = tpu.memref_slice %arg2[%add3A_245, %mul3A_217] : memref<256x160000xf32, #tpu.memory_space<hbm>> -> memref<1x2048xf32, #tpu.memory_space<hbm>>
      %dma_wait3A_329 = tpu.memref_squeeze %dma_wait3A_328 : memref<1x2048xf32, #tpu.memory_space<hbm>> -> memref<2048xf32, #tpu.memory_space<hbm>>
      %dma_wait3A_330 = arith.constant 4096 : i32
      %dma_wait3A_331 = tpu.memref_slice %arg6[%dma_wait3A_330] : memref<16384xf32, #tpu.memory_space<vmem>> -> memref<2048xf32, #tpu.memory_space<vmem>>
      %dma_wait3A_332 = tpu.memref_slice %arg2[%add3A_245, %mul3A_217] : memref<256x160000xf32, #tpu.memory_space<hbm>> -> memref<1x2048xf32, #tpu.memory_space<hbm>>
      %dma_wait3A_333 = tpu.memref_squeeze %dma_wait3A_332 : memref<1x2048xf32, #tpu.memory_space<hbm>> -> memref<2048xf32, #tpu.memory_space<hbm>>
      tpu.wait_dma2 semaphore(%arg8 : memref<!tpu.dma_semaphore, #tpu.memory_space<semaphore_mem>>) src(%dma_wait3A_333 : memref<2048xf32, #tpu.memory_space<hbm>>) dst(%dma_wait3A_331 : memref<2048xf32, #tpu.memory_space<vmem>>)
      %dma_wait3A_334 = arith.constant 6144 : i32
      %dma_wait3A_335 = tpu.memref_slice %arg6[%dma_wait3A_334] : memref<16384xf32, #tpu.memory_space<vmem>> -> memref<2048xf32, #tpu.memory_space<vmem>>
      %dma_wait3A_336 = tpu.memref_slice %arg2[%add3A_255, %mul3A_217] : memref<256x160000xf32, #tpu.memory_space<hbm>> -> memref<1x2048xf32, #tpu.memory_space<hbm>>
      %dma_wait3A_337 = tpu.memref_squeeze %dma_wait3A_336 : memref<1x2048xf32, #tpu.memory_space<hbm>> -> memref<2048xf32, #tpu.memory_space<hbm>>
      %dma_wait3A_338 = arith.constant 6144 : i32
      %dma_wait3A_339 = tpu.memref_slice %arg6[%dma_wait3A_338] : memref<16384xf32, #tpu.memory_space<vmem>> -> memref<2048xf32, #tpu.memory_space<vmem>>
      %dma_wait3A_340 = tpu.memref_slice %arg2[%add3A_255, %mul3A_217] : memref<256x160000xf32, #tpu.memory_space<hbm>> -> memref<1x2048xf32, #tpu.memory_space<hbm>>
      %dma_wait3A_341 = tpu.memref_squeeze %dma_wait3A_340 : memref<1x2048xf32, #tpu.memory_space<hbm>> -> memref<2048xf32, #tpu.memory_space<hbm>>
      tpu.wait_dma2 semaphore(%arg8 : memref<!tpu.dma_semaphore, #tpu.memory_space<semaphore_mem>>) src(%dma_wait3A_341 : memref<2048xf32, #tpu.memory_space<hbm>>) dst(%dma_wait3A_339 : memref<2048xf32, #tpu.memory_space<vmem>>)
      %dma_wait3A_342 = arith.constant 8192 : i32
      %dma_wait3A_343 = tpu.memref_slice %arg6[%dma_wait3A_342] : memref<16384xf32, #tpu.memory_space<vmem>> -> memref<2048xf32, #tpu.memory_space<vmem>>
      %dma_wait3A_344 = tpu.memref_slice %arg2[%add3A_265, %mul3A_217] : memref<256x160000xf32, #tpu.memory_space<hbm>> -> memref<1x2048xf32, #tpu.memory_space<hbm>>
      %dma_wait3A_345 = tpu.memref_squeeze %dma_wait3A_344 : memref<1x2048xf32, #tpu.memory_space<hbm>> -> memref<2048xf32, #tpu.memory_space<hbm>>
      %dma_wait3A_346 = arith.constant 8192 : i32
      %dma_wait3A_347 = tpu.memref_slice %arg6[%dma_wait3A_346] : memref<16384xf32, #tpu.memory_space<vmem>> -> memref<2048xf32, #tpu.memory_space<vmem>>
      %dma_wait3A_348 = tpu.memref_slice %arg2[%add3A_265, %mul3A_217] : memref<256x160000xf32, #tpu.memory_space<hbm>> -> memref<1x2048xf32, #tpu.memory_space<hbm>>
      %dma_wait3A_349 = tpu.memref_squeeze %dma_wait3A_348 : memref<1x2048xf32, #tpu.memory_space<hbm>> -> memref<2048xf32, #tpu.memory_space<hbm>>
      tpu.wait_dma2 semaphore(%arg8 : memref<!tpu.dma_semaphore, #tpu.memory_space<semaphore_mem>>) src(%dma_wait3A_349 : memref<2048xf32, #tpu.memory_space<hbm>>) dst(%dma_wait3A_347 : memref<2048xf32, #tpu.memory_space<vmem>>)
      %dma_wait3A_350 = arith.constant 10240 : i32
      %dma_wait3A_351 = tpu.memref_slice %arg6[%dma_wait3A_350] : memref<16384xf32, #tpu.memory_space<vmem>> -> memref<2048xf32, #tpu.memory_space<vmem>>
      %dma_wait3A_352 = tpu.memref_slice %arg2[%add3A_275, %mul3A_217] : memref<256x160000xf32, #tpu.memory_space<hbm>> -> memref<1x2048xf32, #tpu.memory_space<hbm>>
      %dma_wait3A_353 = tpu.memref_squeeze %dma_wait3A_352 : memref<1x2048xf32, #tpu.memory_space<hbm>> -> memref<2048xf32, #tpu.memory_space<hbm>>
      %dma_wait3A_354 = arith.constant 10240 : i32
      %dma_wait3A_355 = tpu.memref_slice %arg6[%dma_wait3A_354] : memref<16384xf32, #tpu.memory_space<vmem>> -> memref<2048xf32, #tpu.memory_space<vmem>>
      %dma_wait3A_356 = tpu.memref_slice %arg2[%add3A_275, %mul3A_217] : memref<256x160000xf32, #tpu.memory_space<hbm>> -> memref<1x2048xf32, #tpu.memory_space<hbm>>
      %dma_wait3A_357 = tpu.memref_squeeze %dma_wait3A_356 : memref<1x2048xf32, #tpu.memory_space<hbm>> -> memref<2048xf32, #tpu.memory_space<hbm>>
      tpu.wait_dma2 semaphore(%arg8 : memref<!tpu.dma_semaphore, #tpu.memory_space<semaphore_mem>>) src(%dma_wait3A_357 : memref<2048xf32, #tpu.memory_space<hbm>>) dst(%dma_wait3A_355 : memref<2048xf32, #tpu.memory_space<vmem>>)
      %dma_wait3A_358 = arith.constant 12288 : i32
      %dma_wait3A_359 = tpu.memref_slice %arg6[%dma_wait3A_358] : memref<16384xf32, #tpu.memory_space<vmem>> -> memref<2048xf32, #tpu.memory_space<vmem>>
      %dma_wait3A_360 = tpu.memref_slice %arg2[%add3A_285, %mul3A_217] : memref<256x160000xf32, #tpu.memory_space<hbm>> -> memref<1x2048xf32, #tpu.memory_space<hbm>>
      %dma_wait3A_361 = tpu.memref_squeeze %dma_wait3A_360 : memref<1x2048xf32, #tpu.memory_space<hbm>> -> memref<2048xf32, #tpu.memory_space<hbm>>
      %dma_wait3A_362 = arith.constant 12288 : i32
      %dma_wait3A_363 = tpu.memref_slice %arg6[%dma_wait3A_362] : memref<16384xf32, #tpu.memory_space<vmem>> -> memref<2048xf32, #tpu.memory_space<vmem>>
      %dma_wait3A_364 = tpu.memref_slice %arg2[%add3A_285, %mul3A_217] : memref<256x160000xf32, #tpu.memory_space<hbm>> -> memref<1x2048xf32, #tpu.memory_space<hbm>>
      %dma_wait3A_365 = tpu.memref_squeeze %dma_wait3A_364 : memref<1x2048xf32, #tpu.memory_space<hbm>> -> memref<2048xf32, #tpu.memory_space<hbm>>
      tpu.wait_dma2 semaphore(%arg8 : memref<!tpu.dma_semaphore, #tpu.memory_space<semaphore_mem>>) src(%dma_wait3A_365 : memref<2048xf32, #tpu.memory_space<hbm>>) dst(%dma_wait3A_363 : memref<2048xf32, #tpu.memory_space<vmem>>)
      %dma_wait3A_366 = arith.constant 14336 : i32
      %dma_wait3A_367 = tpu.memref_slice %arg6[%dma_wait3A_366] : memref<16384xf32, #tpu.memory_space<vmem>> -> memref<2048xf32, #tpu.memory_space<vmem>>
      %dma_wait3A_368 = tpu.memref_slice %arg2[%add3A_295, %mul3A_217] : memref<256x160000xf32, #tpu.memory_space<hbm>> -> memref<1x2048xf32, #tpu.memory_space<hbm>>
      %dma_wait3A_369 = tpu.memref_squeeze %dma_wait3A_368 : memref<1x2048xf32, #tpu.memory_space<hbm>> -> memref<2048xf32, #tpu.memory_space<hbm>>
      %dma_wait3A_370 = arith.constant 14336 : i32
      %dma_wait3A_371 = tpu.memref_slice %arg6[%dma_wait3A_370] : memref<16384xf32, #tpu.memory_space<vmem>> -> memref<2048xf32, #tpu.memory_space<vmem>>
      %dma_wait3A_372 = tpu.memref_slice %arg2[%add3A_295, %mul3A_217] : memref<256x160000xf32, #tpu.memory_space<hbm>> -> memref<1x2048xf32, #tpu.memory_space<hbm>>
      %dma_wait3A_373 = tpu.memref_squeeze %dma_wait3A_372 : memref<1x2048xf32, #tpu.memory_space<hbm>> -> memref<2048xf32, #tpu.memory_space<hbm>>
      tpu.wait_dma2 semaphore(%arg8 : memref<!tpu.dma_semaphore, #tpu.memory_space<semaphore_mem>>) src(%dma_wait3A_373 : memref<2048xf32, #tpu.memory_space<hbm>>) dst(%dma_wait3A_371 : memref<2048xf32, #tpu.memory_space<vmem>>)
      %scan3A_374 = arith.constant 0 : i32
      %scan3A_375 = arith.constant 0 : i32
      %scan3A_376 = arith.constant 128 : i32
      %scan3A_377 = arith.addi %scan3A_375, %scan3A_376 : i32
      %scan3A_378 = arith.constant 1 : i32
      %scan3A_379 = scf.for %scan3A_382 = %scan3A_375 to %scan3A_377 step %scan3A_378 iter_args(%scan3A_383 = %scan3A_374) -> (i32)  : i32 {
        %mul3A_384 = arith.constant 16 : i32
        %mul3A_385 = arith.muli %scan3A_382, %mul3A_384 : i32
        %get3A = arith.index_cast %mul3A_385 : i32 to index
        %get3A_386 = tpu.vector_load %arg5[%get3A] {strides = array<i32>} : memref<2048xi32, #tpu.memory_space<vmem>>, vector<16xi32>,
        %mul3A_387 = arith.constant 8 : i32
        %mul3A_388 = vector.broadcast %mul3A_387 : i32 to vector<16xi32>
        %mul3A_389 = arith.muli %get3A_386, %mul3A_388 : vector<16xi32>
        %mul3A_390 = arith.constant 16 : i32
        %mul3A_391 = arith.muli %scan3A_382, %mul3A_390 : i32
        %add3A_392 = arith.constant 0 : i32
        %add3A_393 = arith.addi %add3A_392, %mul3A_391 : i32
        %get3A_394 = arith.index_cast %add3A_393 : i32 to index
        %get3A_395 = tpu.vector_load %arg6[%get3A_394] {strides = array<i32>} : memref<16384xf32, #tpu.memory_space<vmem>>, vector<16xf32>,
        %add3A_396 = arith.constant 0 : i32
        %add3A_397 = vector.broadcast %add3A_396 : i32 to vector<16xi32>
        %add3A_398 = arith.addi %mul3A_389, %add3A_397 : vector<16xi32>
        tpu.vector_store_idx %arg7[%add3A_398], %get3A_395 {add = true} : memref<80000xf32, #tpu.memory_space<vmem>>[vector<16xi32>], vector<16xf32>,
        %mul3A_399 = arith.constant 16 : i32
        %mul3A_400 = arith.muli %scan3A_382, %mul3A_399 : i32
        %add3A_401 = arith.constant 2048 : i32
        %add3A_402 = arith.addi %add3A_401, %mul3A_400 : i32
        %get3A_403 = arith.index_cast %add3A_402 : i32 to index
        %get3A_404 = tpu.vector_load %arg6[%get3A_403] {strides = array<i32>} : memref<16384xf32, #tpu.memory_space<vmem>>, vector<16xf32>,
        %add3A_405 = arith.constant 1 : i32
        %add3A_406 = vector.broadcast %add3A_405 : i32 to vector<16xi32>
        %add3A_407 = arith.addi %mul3A_389, %add3A_406 : vector<16xi32>
        tpu.vector_store_idx %arg7[%add3A_407], %get3A_404 {add = true} : memref<80000xf32, #tpu.memory_space<vmem>>[vector<16xi32>], vector<16xf32>,
        %mul3A_408 = arith.constant 16 : i32
        %mul3A_409 = arith.muli %scan3A_382, %mul3A_408 : i32
        %add3A_410 = arith.constant 4096 : i32
        %add3A_411 = arith.addi %add3A_410, %mul3A_409 : i32
        %get3A_412 = arith.index_cast %add3A_411 : i32 to index
        %get3A_413 = tpu.vector_load %arg6[%get3A_412] {strides = array<i32>} : memref<16384xf32, #tpu.memory_space<vmem>>, vector<16xf32>,
        %add3A_414 = arith.constant 2 : i32
        %add3A_415 = vector.broadcast %add3A_414 : i32 to vector<16xi32>
        %add3A_416 = arith.addi %mul3A_389, %add3A_415 : vector<16xi32>
        tpu.vector_store_idx %arg7[%add3A_416], %get3A_413 {add = true} : memref<80000xf32, #tpu.memory_space<vmem>>[vector<16xi32>], vector<16xf32>,
        %mul3A_417 = arith.constant 16 : i32
        %mul3A_418 = arith.muli %scan3A_382, %mul3A_417 : i32
        %add3A_419 = arith.constant 6144 : i32
        %add3A_420 = arith.addi %add3A_419, %mul3A_418 : i32
        %get3A_421 = arith.index_cast %add3A_420 : i32 to index
        %get3A_422 = tpu.vector_load %arg6[%get3A_421] {strides = array<i32>} : memref<16384xf32, #tpu.memory_space<vmem>>, vector<16xf32>,
        %add3A_423 = arith.constant 3 : i32
        %add3A_424 = vector.broadcast %add3A_423 : i32 to vector<16xi32>
        %add3A_425 = arith.addi %mul3A_389, %add3A_424 : vector<16xi32>
        tpu.vector_store_idx %arg7[%add3A_425], %get3A_422 {add = true} : memref<80000xf32, #tpu.memory_space<vmem>>[vector<16xi32>], vector<16xf32>,
        %mul3A_426 = arith.constant 16 : i32
        %mul3A_427 = arith.muli %scan3A_382, %mul3A_426 : i32
        %add3A_428 = arith.constant 8192 : i32
        %add3A_429 = arith.addi %add3A_428, %mul3A_427 : i32
        %get3A_430 = arith.index_cast %add3A_429 : i32 to index
        %get3A_431 = tpu.vector_load %arg6[%get3A_430] {strides = array<i32>} : memref<16384xf32, #tpu.memory_space<vmem>>, vector<16xf32>,
        %add3A_432 = arith.constant 4 : i32
        %add3A_433 = vector.broadcast %add3A_432 : i32 to vector<16xi32>
        %add3A_434 = arith.addi %mul3A_389, %add3A_433 : vector<16xi32>
        tpu.vector_store_idx %arg7[%add3A_434], %get3A_431 {add = true} : memref<80000xf32, #tpu.memory_space<vmem>>[vector<16xi32>], vector<16xf32>,
        %mul3A_435 = arith.constant 16 : i32
        %mul3A_436 = arith.muli %scan3A_382, %mul3A_435 : i32
        %add3A_437 = arith.constant 10240 : i32
        %add3A_438 = arith.addi %add3A_437, %mul3A_436 : i32
        %get3A_439 = arith.index_cast %add3A_438 : i32 to index
        %get3A_440 = tpu.vector_load %arg6[%get3A_439] {strides = array<i32>} : memref<16384xf32, #tpu.memory_space<vmem>>, vector<16xf32>,
        %add3A_441 = arith.constant 5 : i32
        %add3A_442 = vector.broadcast %add3A_441 : i32 to vector<16xi32>
        %add3A_443 = arith.addi %mul3A_389, %add3A_442 : vector<16xi32>
        tpu.vector_store_idx %arg7[%add3A_443], %get3A_440 {add = true} : memref<80000xf32, #tpu.memory_space<vmem>>[vector<16xi32>], vector<16xf32>,
        %mul3A_444 = arith.constant 16 : i32
        %mul3A_445 = arith.muli %scan3A_382, %mul3A_444 : i32
        %add3A_446 = arith.constant 12288 : i32
        %add3A_447 = arith.addi %add3A_446, %mul3A_445 : i32
        %get3A_448 = arith.index_cast %add3A_447 : i32 to index
        %get3A_449 = tpu.vector_load %arg6[%get3A_448] {strides = array<i32>} : memref<16384xf32, #tpu.memory_space<vmem>>, vector<16xf32>,
        %add3A_450 = arith.constant 6 : i32
        %add3A_451 = vector.broadcast %add3A_450 : i32 to vector<16xi32>
        %add3A_452 = arith.addi %mul3A_389, %add3A_451 : vector<16xi32>
        tpu.vector_store_idx %arg7[%add3A_452], %get3A_449 {add = true} : memref<80000xf32, #tpu.memory_space<vmem>>[vector<16xi32>], vector<16xf32>,
        %mul3A_453 = arith.constant 16 : i32
        %mul3A_454 = arith.muli %scan3A_382, %mul3A_453 : i32
        %add3A_455 = arith.constant 14336 : i32
        %add3A_456 = arith.addi %add3A_455, %mul3A_454 : i32
        %get3A_457 = arith.index_cast %add3A_456 : i32 to index
        %get3A_458 = tpu.vector_load %arg6[%get3A_457] {strides = array<i32>} : memref<16384xf32, #tpu.memory_space<vmem>>, vector<16xf32>,
        %add3A_459 = arith.constant 7 : i32
        %add3A_460 = vector.broadcast %add3A_459 : i32 to vector<16xi32>
        %add3A_461 = arith.addi %mul3A_389, %add3A_460 : vector<16xi32>
        tpu.vector_store_idx %arg7[%add3A_461], %get3A_458 {add = true} : memref<80000xf32, #tpu.memory_space<vmem>>[vector<16xi32>], vector<16xf32>,
        %scan3A_462 = arith.constant 0 : i32
        scf.yield %scan3A_462 : i32
      }
      %scan3A_380 = arith.constant 128 : i32
      %scan3A_381 = arith.constant 0 : i32
      scf.yield %scan3A_381 : i32
    }
    %scan3A_16 = arith.constant 78 : i32
    %dma_start3A = arith.constant 0 : i32
    %dma_start3A_17 = tpu.memref_slice %arg5[%dma_start3A] : memref<2048xi32, #tpu.memory_space<vmem>> -> memref<256xi32, #tpu.memory_space<vmem>>
    %dma_start3A_18 = arith.constant 159744 : i32
    %dma_start3A_19 = tpu.memref_slice %arg3[%dma_start3A_18] : memref<160000xi32, #tpu.memory_space<hbm>> -> memref<256xi32, #tpu.memory_space<hbm>>
    %dma_start3A_20 = arith.constant 0 : i32
    %dma_start3A_21 = tpu.memref_slice %arg5[%dma_start3A_20] : memref<2048xi32, #tpu.memory_space<vmem>> -> memref<256xi32, #tpu.memory_space<vmem>>
    %dma_start3A_22 = arith.constant 159744 : i32
    %dma_start3A_23 = tpu.memref_slice %arg3[%dma_start3A_22] : memref<160000xi32, #tpu.memory_space<hbm>> -> memref<256xi32, #tpu.memory_space<hbm>>
    tpu.enqueue_dma source(%dma_start3A_23 : memref<256xi32, #tpu.memory_space<hbm>>) target(%dma_start3A_21 : memref<256xi32, #tpu.memory_space<vmem>>) target_semaphore(%arg8 : memref<!tpu.dma_semaphore, #tpu.memory_space<semaphore_mem>>)
    %add3A_24 = arith.constant 0 : i32
    %add3A_25 = arith.addi %mul3A_2, %add3A_24 : i32
    %dma_start3A_26 = arith.constant 0 : i32
    %dma_start3A_27 = tpu.memref_slice %arg6[%dma_start3A_26] : memref<16384xf32, #tpu.memory_space<vmem>> -> memref<256xf32, #tpu.memory_space<vmem>>
    %dma_start3A_28 = arith.constant 159744 : i32
    %dma_start3A_29 = tpu.memref_slice %arg2[%add3A_25, %dma_start3A_28] : memref<256x160000xf32, #tpu.memory_space<hbm>> -> memref<1x256xf32, #tpu.memory_space<hbm>>
    %dma_start3A_30 = tpu.memref_squeeze %dma_start3A_29 : memref<1x256xf32, #tpu.memory_space<hbm>> -> memref<256xf32, #tpu.memory_space<hbm>>
    %dma_start3A_31 = arith.constant 0 : i32
    %dma_start3A_32 = tpu.memref_slice %arg6[%dma_start3A_31] : memref<16384xf32, #tpu.memory_space<vmem>> -> memref<256xf32, #tpu.memory_space<vmem>>
    %dma_start3A_33 = arith.constant 159744 : i32
    %dma_start3A_34 = tpu.memref_slice %arg2[%add3A_25, %dma_start3A_33] : memref<256x160000xf32, #tpu.memory_space<hbm>> -> memref<1x256xf32, #tpu.memory_space<hbm>>
    %dma_start3A_35 = tpu.memref_squeeze %dma_start3A_34 : memref<1x256xf32, #tpu.memory_space<hbm>> -> memref<256xf32, #tpu.memory_space<hbm>>
    tpu.enqueue_dma source(%dma_start3A_35 : memref<256xf32, #tpu.memory_space<hbm>>) target(%dma_start3A_32 : memref<256xf32, #tpu.memory_space<vmem>>) target_semaphore(%arg8 : memref<!tpu.dma_semaphore, #tpu.memory_space<semaphore_mem>>)
    %add3A_36 = arith.constant 1 : i32
    %add3A_37 = arith.addi %mul3A_2, %add3A_36 : i32
    %dma_start3A_38 = arith.constant 2048 : i32
    %dma_start3A_39 = tpu.memref_slice %arg6[%dma_start3A_38] : memref<16384xf32, #tpu.memory_space<vmem>> -> memref<256xf32, #tpu.memory_space<vmem>>
    %dma_start3A_40 = arith.constant 159744 : i32
    %dma_start3A_41 = tpu.memref_slice %arg2[%add3A_37, %dma_start3A_40] : memref<256x160000xf32, #tpu.memory_space<hbm>> -> memref<1x256xf32, #tpu.memory_space<hbm>>
    %dma_start3A_42 = tpu.memref_squeeze %dma_start3A_41 : memref<1x256xf32, #tpu.memory_space<hbm>> -> memref<256xf32, #tpu.memory_space<hbm>>
    %dma_start3A_43 = arith.constant 2048 : i32
    %dma_start3A_44 = tpu.memref_slice %arg6[%dma_start3A_43] : memref<16384xf32, #tpu.memory_space<vmem>> -> memref<256xf32, #tpu.memory_space<vmem>>
    %dma_start3A_45 = arith.constant 159744 : i32
    %dma_start3A_46 = tpu.memref_slice %arg2[%add3A_37, %dma_start3A_45] : memref<256x160000xf32, #tpu.memory_space<hbm>> -> memref<1x256xf32, #tpu.memory_space<hbm>>
    %dma_start3A_47 = tpu.memref_squeeze %dma_start3A_46 : memref<1x256xf32, #tpu.memory_space<hbm>> -> memref<256xf32, #tpu.memory_space<hbm>>
    tpu.enqueue_dma source(%dma_start3A_47 : memref<256xf32, #tpu.memory_space<hbm>>) target(%dma_start3A_44 : memref<256xf32, #tpu.memory_space<vmem>>) target_semaphore(%arg8 : memref<!tpu.dma_semaphore, #tpu.memory_space<semaphore_mem>>)
    %add3A_48 = arith.constant 2 : i32
    %add3A_49 = arith.addi %mul3A_2, %add3A_48 : i32
    %dma_start3A_50 = arith.constant 4096 : i32
    %dma_start3A_51 = tpu.memref_slice %arg6[%dma_start3A_50] : memref<16384xf32, #tpu.memory_space<vmem>> -> memref<256xf32, #tpu.memory_space<vmem>>
    %dma_start3A_52 = arith.constant 159744 : i32
    %dma_start3A_53 = tpu.memref_slice %arg2[%add3A_49, %dma_start3A_52] : memref<256x160000xf32, #tpu.memory_space<hbm>> -> memref<1x256xf32, #tpu.memory_space<hbm>>
    %dma_start3A_54 = tpu.memref_squeeze %dma_start3A_53 : memref<1x256xf32, #tpu.memory_space<hbm>> -> memref<256xf32, #tpu.memory_space<hbm>>
    %dma_start3A_55 = arith.constant 4096 : i32
    %dma_start3A_56 = tpu.memref_slice %arg6[%dma_start3A_55] : memref<16384xf32, #tpu.memory_space<vmem>> -> memref<256xf32, #tpu.memory_space<vmem>>
    %dma_start3A_57 = arith.constant 159744 : i32
    %dma_start3A_58 = tpu.memref_slice %arg2[%add3A_49, %dma_start3A_57] : memref<256x160000xf32, #tpu.memory_space<hbm>> -> memref<1x256xf32, #tpu.memory_space<hbm>>
    %dma_start3A_59 = tpu.memref_squeeze %dma_start3A_58 : memref<1x256xf32, #tpu.memory_space<hbm>> -> memref<256xf32, #tpu.memory_space<hbm>>
    tpu.enqueue_dma source(%dma_start3A_59 : memref<256xf32, #tpu.memory_space<hbm>>) target(%dma_start3A_56 : memref<256xf32, #tpu.memory_space<vmem>>) target_semaphore(%arg8 : memref<!tpu.dma_semaphore, #tpu.memory_space<semaphore_mem>>)
    %add3A_60 = arith.constant 3 : i32
    %add3A_61 = arith.addi %mul3A_2, %add3A_60 : i32
    %dma_start3A_62 = arith.constant 6144 : i32
    %dma_start3A_63 = tpu.memref_slice %arg6[%dma_start3A_62] : memref<16384xf32, #tpu.memory_space<vmem>> -> memref<256xf32, #tpu.memory_space<vmem>>
    %dma_start3A_64 = arith.constant 159744 : i32
    %dma_start3A_65 = tpu.memref_slice %arg2[%add3A_61, %dma_start3A_64] : memref<256x160000xf32, #tpu.memory_space<hbm>> -> memref<1x256xf32, #tpu.memory_space<hbm>>
    %dma_start3A_66 = tpu.memref_squeeze %dma_start3A_65 : memref<1x256xf32, #tpu.memory_space<hbm>> -> memref<256xf32, #tpu.memory_space<hbm>>
    %dma_start3A_67 = arith.constant 6144 : i32
    %dma_start3A_68 = tpu.memref_slice %arg6[%dma_start3A_67] : memref<16384xf32, #tpu.memory_space<vmem>> -> memref<256xf32, #tpu.memory_space<vmem>>
    %dma_start3A_69 = arith.constant 159744 : i32
    %dma_start3A_70 = tpu.memref_slice %arg2[%add3A_61, %dma_start3A_69] : memref<256x160000xf32, #tpu.memory_space<hbm>> -> memref<1x256xf32, #tpu.memory_space<hbm>>
    %dma_start3A_71 = tpu.memref_squeeze %dma_start3A_70 : memref<1x256xf32, #tpu.memory_space<hbm>> -> memref<256xf32, #tpu.memory_space<hbm>>
    tpu.enqueue_dma source(%dma_start3A_71 : memref<256xf32, #tpu.memory_space<hbm>>) target(%dma_start3A_68 : memref<256xf32, #tpu.memory_space<vmem>>) target_semaphore(%arg8 : memref<!tpu.dma_semaphore, #tpu.memory_space<semaphore_mem>>)
    %add3A_72 = arith.constant 4 : i32
    %add3A_73 = arith.addi %mul3A_2, %add3A_72 : i32
    %dma_start3A_74 = arith.constant 8192 : i32
    %dma_start3A_75 = tpu.memref_slice %arg6[%dma_start3A_74] : memref<16384xf32, #tpu.memory_space<vmem>> -> memref<256xf32, #tpu.memory_space<vmem>>
    %dma_start3A_76 = arith.constant 159744 : i32
    %dma_start3A_77 = tpu.memref_slice %arg2[%add3A_73, %dma_start3A_76] : memref<256x160000xf32, #tpu.memory_space<hbm>> -> memref<1x256xf32, #tpu.memory_space<hbm>>
    %dma_start3A_78 = tpu.memref_squeeze %dma_start3A_77 : memref<1x256xf32, #tpu.memory_space<hbm>> -> memref<256xf32, #tpu.memory_space<hbm>>
    %dma_start3A_79 = arith.constant 8192 : i32
    %dma_start3A_80 = tpu.memref_slice %arg6[%dma_start3A_79] : memref<16384xf32, #tpu.memory_space<vmem>> -> memref<256xf32, #tpu.memory_space<vmem>>
    %dma_start3A_81 = arith.constant 159744 : i32
    %dma_start3A_82 = tpu.memref_slice %arg2[%add3A_73, %dma_start3A_81] : memref<256x160000xf32, #tpu.memory_space<hbm>> -> memref<1x256xf32, #tpu.memory_space<hbm>>
    %dma_start3A_83 = tpu.memref_squeeze %dma_start3A_82 : memref<1x256xf32, #tpu.memory_space<hbm>> -> memref<256xf32, #tpu.memory_space<hbm>>
    tpu.enqueue_dma source(%dma_start3A_83 : memref<256xf32, #tpu.memory_space<hbm>>) target(%dma_start3A_80 : memref<256xf32, #tpu.memory_space<vmem>>) target_semaphore(%arg8 : memref<!tpu.dma_semaphore, #tpu.memory_space<semaphore_mem>>)
    %add3A_84 = arith.constant 5 : i32
    %add3A_85 = arith.addi %mul3A_2, %add3A_84 : i32
    %dma_start3A_86 = arith.constant 10240 : i32
    %dma_start3A_87 = tpu.memref_slice %arg6[%dma_start3A_86] : memref<16384xf32, #tpu.memory_space<vmem>> -> memref<256xf32, #tpu.memory_space<vmem>>
    %dma_start3A_88 = arith.constant 159744 : i32
    %dma_start3A_89 = tpu.memref_slice %arg2[%add3A_85, %dma_start3A_88] : memref<256x160000xf32, #tpu.memory_space<hbm>> -> memref<1x256xf32, #tpu.memory_space<hbm>>
    %dma_start3A_90 = tpu.memref_squeeze %dma_start3A_89 : memref<1x256xf32, #tpu.memory_space<hbm>> -> memref<256xf32, #tpu.memory_space<hbm>>
    %dma_start3A_91 = arith.constant 10240 : i32
    %dma_start3A_92 = tpu.memref_slice %arg6[%dma_start3A_91] : memref<16384xf32, #tpu.memory_space<vmem>> -> memref<256xf32, #tpu.memory_space<vmem>>
    %dma_start3A_93 = arith.constant 159744 : i32
    %dma_start3A_94 = tpu.memref_slice %arg2[%add3A_85, %dma_start3A_93] : memref<256x160000xf32, #tpu.memory_space<hbm>> -> memref<1x256xf32, #tpu.memory_space<hbm>>
    %dma_start3A_95 = tpu.memref_squeeze %dma_start3A_94 : memref<1x256xf32, #tpu.memory_space<hbm>> -> memref<256xf32, #tpu.memory_space<hbm>>
    tpu.enqueue_dma source(%dma_start3A_95 : memref<256xf32, #tpu.memory_space<hbm>>) target(%dma_start3A_92 : memref<256xf32, #tpu.memory_space<vmem>>) target_semaphore(%arg8 : memref<!tpu.dma_semaphore, #tpu.memory_space<semaphore_mem>>)
    %add3A_96 = arith.constant 6 : i32
    %add3A_97 = arith.addi %mul3A_2, %add3A_96 : i32
    %dma_start3A_98 = arith.constant 12288 : i32
    %dma_start3A_99 = tpu.memref_slice %arg6[%dma_start3A_98] : memref<16384xf32, #tpu.memory_space<vmem>> -> memref<256xf32, #tpu.memory_space<vmem>>
    %dma_start3A_100 = arith.constant 159744 : i32
    %dma_start3A_101 = tpu.memref_slice %arg2[%add3A_97, %dma_start3A_100] : memref<256x160000xf32, #tpu.memory_space<hbm>> -> memref<1x256xf32, #tpu.memory_space<hbm>>
    %dma_start3A_102 = tpu.memref_squeeze %dma_start3A_101 : memref<1x256xf32, #tpu.memory_space<hbm>> -> memref<256xf32, #tpu.memory_space<hbm>>
    %dma_start3A_103 = arith.constant 12288 : i32
    %dma_start3A_104 = tpu.memref_slice %arg6[%dma_start3A_103] : memref<16384xf32, #tpu.memory_space<vmem>> -> memref<256xf32, #tpu.memory_space<vmem>>
    %dma_start3A_105 = arith.constant 159744 : i32
    %dma_start3A_106 = tpu.memref_slice %arg2[%add3A_97, %dma_start3A_105] : memref<256x160000xf32, #tpu.memory_space<hbm>> -> memref<1x256xf32, #tpu.memory_space<hbm>>
    %dma_start3A_107 = tpu.memref_squeeze %dma_start3A_106 : memref<1x256xf32, #tpu.memory_space<hbm>> -> memref<256xf32, #tpu.memory_space<hbm>>
    tpu.enqueue_dma source(%dma_start3A_107 : memref<256xf32, #tpu.memory_space<hbm>>) target(%dma_start3A_104 : memref<256xf32, #tpu.memory_space<vmem>>) target_semaphore(%arg8 : memref<!tpu.dma_semaphore, #tpu.memory_space<semaphore_mem>>)
    %add3A_108 = arith.constant 7 : i32
    %add3A_109 = arith.addi %mul3A_2, %add3A_108 : i32
    %dma_start3A_110 = arith.constant 14336 : i32
    %dma_start3A_111 = tpu.memref_slice %arg6[%dma_start3A_110] : memref<16384xf32, #tpu.memory_space<vmem>> -> memref<256xf32, #tpu.memory_space<vmem>>
    %dma_start3A_112 = arith.constant 159744 : i32
    %dma_start3A_113 = tpu.memref_slice %arg2[%add3A_109, %dma_start3A_112] : memref<256x160000xf32, #tpu.memory_space<hbm>> -> memref<1x256xf32, #tpu.memory_space<hbm>>
    %dma_start3A_114 = tpu.memref_squeeze %dma_start3A_113 : memref<1x256xf32, #tpu.memory_space<hbm>> -> memref<256xf32, #tpu.memory_space<hbm>>
    %dma_start3A_115 = arith.constant 14336 : i32
    %dma_start3A_116 = tpu.memref_slice %arg6[%dma_start3A_115] : memref<16384xf32, #tpu.memory_space<vmem>> -> memref<256xf32, #tpu.memory_space<vmem>>
    %dma_start3A_117 = arith.constant 159744 : i32
    %dma_start3A_118 = tpu.memref_slice %arg2[%add3A_109, %dma_start3A_117] : memref<256x160000xf32, #tpu.memory_space<hbm>> -> memref<1x256xf32, #tpu.memory_space<hbm>>
    %dma_start3A_119 = tpu.memref_squeeze %dma_start3A_118 : memref<1x256xf32, #tpu.memory_space<hbm>> -> memref<256xf32, #tpu.memory_space<hbm>>
    tpu.enqueue_dma source(%dma_start3A_119 : memref<256xf32, #tpu.memory_space<hbm>>) target(%dma_start3A_116 : memref<256xf32, #tpu.memory_space<vmem>>) target_semaphore(%arg8 : memref<!tpu.dma_semaphore, #tpu.memory_space<semaphore_mem>>)
    %dma_wait3A = arith.constant 0 : i32
    %dma_wait3A_120 = tpu.memref_slice %arg5[%dma_wait3A] : memref<2048xi32, #tpu.memory_space<vmem>> -> memref<256xi32, #tpu.memory_space<vmem>>
    %dma_wait3A_121 = arith.constant 159744 : i32
    %dma_wait3A_122 = tpu.memref_slice %arg3[%dma_wait3A_121] : memref<160000xi32, #tpu.memory_space<hbm>> -> memref<256xi32, #tpu.memory_space<hbm>>
    %dma_wait3A_123 = arith.constant 0 : i32
    %dma_wait3A_124 = tpu.memref_slice %arg5[%dma_wait3A_123] : memref<2048xi32, #tpu.memory_space<vmem>> -> memref<256xi32, #tpu.memory_space<vmem>>
    %dma_wait3A_125 = arith.constant 159744 : i32
    %dma_wait3A_126 = tpu.memref_slice %arg3[%dma_wait3A_125] : memref<160000xi32, #tpu.memory_space<hbm>> -> memref<256xi32, #tpu.memory_space<hbm>>
    tpu.wait_dma2 semaphore(%arg8 : memref<!tpu.dma_semaphore, #tpu.memory_space<semaphore_mem>>) src(%dma_wait3A_126 : memref<256xi32, #tpu.memory_space<hbm>>) dst(%dma_wait3A_124 : memref<256xi32, #tpu.memory_space<vmem>>)
    %dma_wait3A_127 = arith.constant 0 : i32
    %dma_wait3A_128 = tpu.memref_slice %arg6[%dma_wait3A_127] : memref<16384xf32, #tpu.memory_space<vmem>> -> memref<256xf32, #tpu.memory_space<vmem>>
    %dma_wait3A_129 = arith.constant 159744 : i32
    %dma_wait3A_130 = tpu.memref_slice %arg2[%add3A_25, %dma_wait3A_129] : memref<256x160000xf32, #tpu.memory_space<hbm>> -> memref<1x256xf32, #tpu.memory_space<hbm>>
    %dma_wait3A_131 = tpu.memref_squeeze %dma_wait3A_130 : memref<1x256xf32, #tpu.memory_space<hbm>> -> memref<256xf32, #tpu.memory_space<hbm>>
    %dma_wait3A_132 = arith.constant 0 : i32
    %dma_wait3A_133 = tpu.memref_slice %arg6[%dma_wait3A_132] : memref<16384xf32, #tpu.memory_space<vmem>> -> memref<256xf32, #tpu.memory_space<vmem>>
    %dma_wait3A_134 = arith.constant 159744 : i32
    %dma_wait3A_135 = tpu.memref_slice %arg2[%add3A_25, %dma_wait3A_134] : memref<256x160000xf32, #tpu.memory_space<hbm>> -> memref<1x256xf32, #tpu.memory_space<hbm>>
    %dma_wait3A_136 = tpu.memref_squeeze %dma_wait3A_135 : memref<1x256xf32, #tpu.memory_space<hbm>> -> memref<256xf32, #tpu.memory_space<hbm>>
    tpu.wait_dma2 semaphore(%arg8 : memref<!tpu.dma_semaphore, #tpu.memory_space<semaphore_mem>>) src(%dma_wait3A_136 : memref<256xf32, #tpu.memory_space<hbm>>) dst(%dma_wait3A_133 : memref<256xf32, #tpu.memory_space<vmem>>)
    %dma_wait3A_137 = arith.constant 2048 : i32
    %dma_wait3A_138 = tpu.memref_slice %arg6[%dma_wait3A_137] : memref<16384xf32, #tpu.memory_space<vmem>> -> memref<256xf32, #tpu.memory_space<vmem>>
    %dma_wait3A_139 = arith.constant 159744 : i32
    %dma_wait3A_140 = tpu.memref_slice %arg2[%add3A_37, %dma_wait3A_139] : memref<256x160000xf32, #tpu.memory_space<hbm>> -> memref<1x256xf32, #tpu.memory_space<hbm>>
    %dma_wait3A_141 = tpu.memref_squeeze %dma_wait3A_140 : memref<1x256xf32, #tpu.memory_space<hbm>> -> memref<256xf32, #tpu.memory_space<hbm>>
    %dma_wait3A_142 = arith.constant 2048 : i32
    %dma_wait3A_143 = tpu.memref_slice %arg6[%dma_wait3A_142] : memref<16384xf32, #tpu.memory_space<vmem>> -> memref<256xf32, #tpu.memory_space<vmem>>
    %dma_wait3A_144 = arith.constant 159744 : i32
    %dma_wait3A_145 = tpu.memref_slice %arg2[%add3A_37, %dma_wait3A_144] : memref<256x160000xf32, #tpu.memory_space<hbm>> -> memref<1x256xf32, #tpu.memory_space<hbm>>
    %dma_wait3A_146 = tpu.memref_squeeze %dma_wait3A_145 : memref<1x256xf32, #tpu.memory_space<hbm>> -> memref<256xf32, #tpu.memory_space<hbm>>
    tpu.wait_dma2 semaphore(%arg8 : memref<!tpu.dma_semaphore, #tpu.memory_space<semaphore_mem>>) src(%dma_wait3A_146 : memref<256xf32, #tpu.memory_space<hbm>>) dst(%dma_wait3A_143 : memref<256xf32, #tpu.memory_space<vmem>>)
    %dma_wait3A_147 = arith.constant 4096 : i32
    %dma_wait3A_148 = tpu.memref_slice %arg6[%dma_wait3A_147] : memref<16384xf32, #tpu.memory_space<vmem>> -> memref<256xf32, #tpu.memory_space<vmem>>
    %dma_wait3A_149 = arith.constant 159744 : i32
    %dma_wait3A_150 = tpu.memref_slice %arg2[%add3A_49, %dma_wait3A_149] : memref<256x160000xf32, #tpu.memory_space<hbm>> -> memref<1x256xf32, #tpu.memory_space<hbm>>
    %dma_wait3A_151 = tpu.memref_squeeze %dma_wait3A_150 : memref<1x256xf32, #tpu.memory_space<hbm>> -> memref<256xf32, #tpu.memory_space<hbm>>
    %dma_wait3A_152 = arith.constant 4096 : i32
    %dma_wait3A_153 = tpu.memref_slice %arg6[%dma_wait3A_152] : memref<16384xf32, #tpu.memory_space<vmem>> -> memref<256xf32, #tpu.memory_space<vmem>>
    %dma_wait3A_154 = arith.constant 159744 : i32
    %dma_wait3A_155 = tpu.memref_slice %arg2[%add3A_49, %dma_wait3A_154] : memref<256x160000xf32, #tpu.memory_space<hbm>> -> memref<1x256xf32, #tpu.memory_space<hbm>>
    %dma_wait3A_156 = tpu.memref_squeeze %dma_wait3A_155 : memref<1x256xf32, #tpu.memory_space<hbm>> -> memref<256xf32, #tpu.memory_space<hbm>>
    tpu.wait_dma2 semaphore(%arg8 : memref<!tpu.dma_semaphore, #tpu.memory_space<semaphore_mem>>) src(%dma_wait3A_156 : memref<256xf32, #tpu.memory_space<hbm>>) dst(%dma_wait3A_153 : memref<256xf32, #tpu.memory_space<vmem>>)
    %dma_wait3A_157 = arith.constant 6144 : i32
    %dma_wait3A_158 = tpu.memref_slice %arg6[%dma_wait3A_157] : memref<16384xf32, #tpu.memory_space<vmem>> -> memref<256xf32, #tpu.memory_space<vmem>>
    %dma_wait3A_159 = arith.constant 159744 : i32
    %dma_wait3A_160 = tpu.memref_slice %arg2[%add3A_61, %dma_wait3A_159] : memref<256x160000xf32, #tpu.memory_space<hbm>> -> memref<1x256xf32, #tpu.memory_space<hbm>>
    %dma_wait3A_161 = tpu.memref_squeeze %dma_wait3A_160 : memref<1x256xf32, #tpu.memory_space<hbm>> -> memref<256xf32, #tpu.memory_space<hbm>>
    %dma_wait3A_162 = arith.constant 6144 : i32
    %dma_wait3A_163 = tpu.memref_slice %arg6[%dma_wait3A_162] : memref<16384xf32, #tpu.memory_space<vmem>> -> memref<256xf32, #tpu.memory_space<vmem>>
    %dma_wait3A_164 = arith.constant 159744 : i32
    %dma_wait3A_165 = tpu.memref_slice %arg2[%add3A_61, %dma_wait3A_164] : memref<256x160000xf32, #tpu.memory_space<hbm>> -> memref<1x256xf32, #tpu.memory_space<hbm>>
    %dma_wait3A_166 = tpu.memref_squeeze %dma_wait3A_165 : memref<1x256xf32, #tpu.memory_space<hbm>> -> memref<256xf32, #tpu.memory_space<hbm>>
    tpu.wait_dma2 semaphore(%arg8 : memref<!tpu.dma_semaphore, #tpu.memory_space<semaphore_mem>>) src(%dma_wait3A_166 : memref<256xf32, #tpu.memory_space<hbm>>) dst(%dma_wait3A_163 : memref<256xf32, #tpu.memory_space<vmem>>)
    %dma_wait3A_167 = arith.constant 8192 : i32
    %dma_wait3A_168 = tpu.memref_slice %arg6[%dma_wait3A_167] : memref<16384xf32, #tpu.memory_space<vmem>> -> memref<256xf32, #tpu.memory_space<vmem>>
    %dma_wait3A_169 = arith.constant 159744 : i32
    %dma_wait3A_170 = tpu.memref_slice %arg2[%add3A_73, %dma_wait3A_169] : memref<256x160000xf32, #tpu.memory_space<hbm>> -> memref<1x256xf32, #tpu.memory_space<hbm>>
    %dma_wait3A_171 = tpu.memref_squeeze %dma_wait3A_170 : memref<1x256xf32, #tpu.memory_space<hbm>> -> memref<256xf32, #tpu.memory_space<hbm>>
    %dma_wait3A_172 = arith.constant 8192 : i32
    %dma_wait3A_173 = tpu.memref_slice %arg6[%dma_wait3A_172] : memref<16384xf32, #tpu.memory_space<vmem>> -> memref<256xf32, #tpu.memory_space<vmem>>
    %dma_wait3A_174 = arith.constant 159744 : i32
    %dma_wait3A_175 = tpu.memref_slice %arg2[%add3A_73, %dma_wait3A_174] : memref<256x160000xf32, #tpu.memory_space<hbm>> -> memref<1x256xf32, #tpu.memory_space<hbm>>
    %dma_wait3A_176 = tpu.memref_squeeze %dma_wait3A_175 : memref<1x256xf32, #tpu.memory_space<hbm>> -> memref<256xf32, #tpu.memory_space<hbm>>
    tpu.wait_dma2 semaphore(%arg8 : memref<!tpu.dma_semaphore, #tpu.memory_space<semaphore_mem>>) src(%dma_wait3A_176 : memref<256xf32, #tpu.memory_space<hbm>>) dst(%dma_wait3A_173 : memref<256xf32, #tpu.memory_space<vmem>>)
    %dma_wait3A_177 = arith.constant 10240 : i32
    %dma_wait3A_178 = tpu.memref_slice %arg6[%dma_wait3A_177] : memref<16384xf32, #tpu.memory_space<vmem>> -> memref<256xf32, #tpu.memory_space<vmem>>
    %dma_wait3A_179 = arith.constant 159744 : i32
    %dma_wait3A_180 = tpu.memref_slice %arg2[%add3A_85, %dma_wait3A_179] : memref<256x160000xf32, #tpu.memory_space<hbm>> -> memref<1x256xf32, #tpu.memory_space<hbm>>
    %dma_wait3A_181 = tpu.memref_squeeze %dma_wait3A_180 : memref<1x256xf32, #tpu.memory_space<hbm>> -> memref<256xf32, #tpu.memory_space<hbm>>
    %dma_wait3A_182 = arith.constant 10240 : i32
    %dma_wait3A_183 = tpu.memref_slice %arg6[%dma_wait3A_182] : memref<16384xf32, #tpu.memory_space<vmem>> -> memref<256xf32, #tpu.memory_space<vmem>>
    %dma_wait3A_184 = arith.constant 159744 : i32
    %dma_wait3A_185 = tpu.memref_slice %arg2[%add3A_85, %dma_wait3A_184] : memref<256x160000xf32, #tpu.memory_space<hbm>> -> memref<1x256xf32, #tpu.memory_space<hbm>>
    %dma_wait3A_186 = tpu.memref_squeeze %dma_wait3A_185 : memref<1x256xf32, #tpu.memory_space<hbm>> -> memref<256xf32, #tpu.memory_space<hbm>>
    tpu.wait_dma2 semaphore(%arg8 : memref<!tpu.dma_semaphore, #tpu.memory_space<semaphore_mem>>) src(%dma_wait3A_186 : memref<256xf32, #tpu.memory_space<hbm>>) dst(%dma_wait3A_183 : memref<256xf32, #tpu.memory_space<vmem>>)
    %dma_wait3A_187 = arith.constant 12288 : i32
    %dma_wait3A_188 = tpu.memref_slice %arg6[%dma_wait3A_187] : memref<16384xf32, #tpu.memory_space<vmem>> -> memref<256xf32, #tpu.memory_space<vmem>>
    %dma_wait3A_189 = arith.constant 159744 : i32
    %dma_wait3A_190 = tpu.memref_slice %arg2[%add3A_97, %dma_wait3A_189] : memref<256x160000xf32, #tpu.memory_space<hbm>> -> memref<1x256xf32, #tpu.memory_space<hbm>>
    %dma_wait3A_191 = tpu.memref_squeeze %dma_wait3A_190 : memref<1x256xf32, #tpu.memory_space<hbm>> -> memref<256xf32, #tpu.memory_space<hbm>>
    %dma_wait3A_192 = arith.constant 12288 : i32
    %dma_wait3A_193 = tpu.memref_slice %arg6[%dma_wait3A_192] : memref<16384xf32, #tpu.memory_space<vmem>> -> memref<256xf32, #tpu.memory_space<vmem>>
    %dma_wait3A_194 = arith.constant 159744 : i32
    %dma_wait3A_195 = tpu.memref_slice %arg2[%add3A_97, %dma_wait3A_194] : memref<256x160000xf32, #tpu.memory_space<hbm>> -> memref<1x256xf32, #tpu.memory_space<hbm>>
    %dma_wait3A_196 = tpu.memref_squeeze %dma_wait3A_195 : memref<1x256xf32, #tpu.memory_space<hbm>> -> memref<256xf32, #tpu.memory_space<hbm>>
    tpu.wait_dma2 semaphore(%arg8 : memref<!tpu.dma_semaphore, #tpu.memory_space<semaphore_mem>>) src(%dma_wait3A_196 : memref<256xf32, #tpu.memory_space<hbm>>) dst(%dma_wait3A_193 : memref<256xf32, #tpu.memory_space<vmem>>)
    %dma_wait3A_197 = arith.constant 14336 : i32
    %dma_wait3A_198 = tpu.memref_slice %arg6[%dma_wait3A_197] : memref<16384xf32, #tpu.memory_space<vmem>> -> memref<256xf32, #tpu.memory_space<vmem>>
    %dma_wait3A_199 = arith.constant 159744 : i32
    %dma_wait3A_200 = tpu.memref_slice %arg2[%add3A_109, %dma_wait3A_199] : memref<256x160000xf32, #tpu.memory_space<hbm>> -> memref<1x256xf32, #tpu.memory_space<hbm>>
    %dma_wait3A_201 = tpu.memref_squeeze %dma_wait3A_200 : memref<1x256xf32, #tpu.memory_space<hbm>> -> memref<256xf32, #tpu.memory_space<hbm>>
    %dma_wait3A_202 = arith.constant 14336 : i32
    %dma_wait3A_203 = tpu.memref_slice %arg6[%dma_wait3A_202] : memref<16384xf32, #tpu.memory_space<vmem>> -> memref<256xf32, #tpu.memory_space<vmem>>
    %dma_wait3A_204 = arith.constant 159744 : i32
    %dma_wait3A_205 = tpu.memref_slice %arg2[%add3A_109, %dma_wait3A_204] : memref<256x160000xf32, #tpu.memory_space<hbm>> -> memref<1x256xf32, #tpu.memory_space<hbm>>
    %dma_wait3A_206 = tpu.memref_squeeze %dma_wait3A_205 : memref<1x256xf32, #tpu.memory_space<hbm>> -> memref<256xf32, #tpu.memory_space<hbm>>
    tpu.wait_dma2 semaphore(%arg8 : memref<!tpu.dma_semaphore, #tpu.memory_space<semaphore_mem>>) src(%dma_wait3A_206 : memref<256xf32, #tpu.memory_space<hbm>>) dst(%dma_wait3A_203 : memref<256xf32, #tpu.memory_space<vmem>>)
    %scan3A_207 = arith.constant 0 : i32
    %scan3A_208 = arith.constant 0 : i32
    %scan3A_209 = arith.constant 16 : i32
    %scan3A_210 = arith.addi %scan3A_208, %scan3A_209 : i32
    %scan3A_211 = arith.constant 1 : i32
    %scan3A_212 = scf.for %scan3A_214 = %scan3A_208 to %scan3A_210 step %scan3A_211 iter_args(%scan3A_215 = %scan3A_207) -> (i32)  : i32 {
      %mul3A_216 = arith.constant 16 : i32
      %mul3A_217 = arith.muli %scan3A_214, %mul3A_216 : i32
      %get3A = arith.index_cast %mul3A_217 : i32 to index
      %get3A_218 = tpu.vector_load %arg5[%get3A] {strides = array<i32>} : memref<2048xi32, #tpu.memory_space<vmem>>, vector<16xi32>,
      %mul3A_219 = arith.constant 8 : i32
      %mul3A_220 = vector.broadcast %mul3A_219 : i32 to vector<16xi32>
      %mul3A_221 = arith.muli %get3A_218, %mul3A_220 : vector<16xi32>
      %mul3A_222 = arith.constant 16 : i32
      %mul3A_223 = arith.muli %scan3A_214, %mul3A_222 : i32
      %add3A_224 = arith.constant 0 : i32
      %add3A_225 = arith.addi %add3A_224, %mul3A_223 : i32
      %get3A_226 = arith.index_cast %add3A_225 : i32 to index
      %get3A_227 = tpu.vector_load %arg6[%get3A_226] {strides = array<i32>} : memref<16384xf32, #tpu.memory_space<vmem>>, vector<16xf32>,
      %add3A_228 = arith.constant 0 : i32
      %add3A_229 = vector.broadcast %add3A_228 : i32 to vector<16xi32>
      %add3A_230 = arith.addi %mul3A_221, %add3A_229 : vector<16xi32>
      tpu.vector_store_idx %arg7[%add3A_230], %get3A_227 {add = true} : memref<80000xf32, #tpu.memory_space<vmem>>[vector<16xi32>], vector<16xf32>,
      %mul3A_231 = arith.constant 16 : i32
      %mul3A_232 = arith.muli %scan3A_214, %mul3A_231 : i32
      %add3A_233 = arith.constant 2048 : i32
      %add3A_234 = arith.addi %add3A_233, %mul3A_232 : i32
      %get3A_235 = arith.index_cast %add3A_234 : i32 to index
      %get3A_236 = tpu.vector_load %arg6[%get3A_235] {strides = array<i32>} : memref<16384xf32, #tpu.memory_space<vmem>>, vector<16xf32>,
      %add3A_237 = arith.constant 1 : i32
      %add3A_238 = vector.broadcast %add3A_237 : i32 to vector<16xi32>
      %add3A_239 = arith.addi %mul3A_221, %add3A_238 : vector<16xi32>
      tpu.vector_store_idx %arg7[%add3A_239], %get3A_236 {add = true} : memref<80000xf32, #tpu.memory_space<vmem>>[vector<16xi32>], vector<16xf32>,
      %mul3A_240 = arith.constant 16 : i32
      %mul3A_241 = arith.muli %scan3A_214, %mul3A_240 : i32
      %add3A_242 = arith.constant 4096 : i32
      %add3A_243 = arith.addi %add3A_242, %mul3A_241 : i32
      %get3A_244 = arith.index_cast %add3A_243 : i32 to index
      %get3A_245 = tpu.vector_load %arg6[%get3A_244] {strides = array<i32>} : memref<16384xf32, #tpu.memory_space<vmem>>, vector<16xf32>,
      %add3A_246 = arith.constant 2 : i32
      %add3A_247 = vector.broadcast %add3A_246 : i32 to vector<16xi32>
      %add3A_248 = arith.addi %mul3A_221, %add3A_247 : vector<16xi32>
      tpu.vector_store_idx %arg7[%add3A_248], %get3A_245 {add = true} : memref<80000xf32, #tpu.memory_space<vmem>>[vector<16xi32>], vector<16xf32>,
      %mul3A_249 = arith.constant 16 : i32
      %mul3A_250 = arith.muli %scan3A_214, %mul3A_249 : i32
      %add3A_251 = arith.constant 6144 : i32
      %add3A_252 = arith.addi %add3A_251, %mul3A_250 : i32
      %get3A_253 = arith.index_cast %add3A_252 : i32 to index
      %get3A_254 = tpu.vector_load %arg6[%get3A_253] {strides = array<i32>} : memref<16384xf32, #tpu.memory_space<vmem>>, vector<16xf32>,
      %add3A_255 = arith.constant 3 : i32
      %add3A_256 = vector.broadcast %add3A_255 : i32 to vector<16xi32>
      %add3A_257 = arith.addi %mul3A_221, %add3A_256 : vector<16xi32>
      tpu.vector_store_idx %arg7[%add3A_257], %get3A_254 {add = true} : memref<80000xf32, #tpu.memory_space<vmem>>[vector<16xi32>], vector<16xf32>,
      %mul3A_258 = arith.constant 16 : i32
      %mul3A_259 = arith.muli %scan3A_214, %mul3A_258 : i32
      %add3A_260 = arith.constant 8192 : i32
      %add3A_261 = arith.addi %add3A_260, %mul3A_259 : i32
      %get3A_262 = arith.index_cast %add3A_261 : i32 to index
      %get3A_263 = tpu.vector_load %arg6[%get3A_262] {strides = array<i32>} : memref<16384xf32, #tpu.memory_space<vmem>>, vector<16xf32>,
      %add3A_264 = arith.constant 4 : i32
      %add3A_265 = vector.broadcast %add3A_264 : i32 to vector<16xi32>
      %add3A_266 = arith.addi %mul3A_221, %add3A_265 : vector<16xi32>
      tpu.vector_store_idx %arg7[%add3A_266], %get3A_263 {add = true} : memref<80000xf32, #tpu.memory_space<vmem>>[vector<16xi32>], vector<16xf32>,
      %mul3A_267 = arith.constant 16 : i32
      %mul3A_268 = arith.muli %scan3A_214, %mul3A_267 : i32
      %add3A_269 = arith.constant 10240 : i32
      %add3A_270 = arith.addi %add3A_269, %mul3A_268 : i32
      %get3A_271 = arith.index_cast %add3A_270 : i32 to index
      %get3A_272 = tpu.vector_load %arg6[%get3A_271] {strides = array<i32>} : memref<16384xf32, #tpu.memory_space<vmem>>, vector<16xf32>,
      %add3A_273 = arith.constant 5 : i32
      %add3A_274 = vector.broadcast %add3A_273 : i32 to vector<16xi32>
      %add3A_275 = arith.addi %mul3A_221, %add3A_274 : vector<16xi32>
      tpu.vector_store_idx %arg7[%add3A_275], %get3A_272 {add = true} : memref<80000xf32, #tpu.memory_space<vmem>>[vector<16xi32>], vector<16xf32>,
      %mul3A_276 = arith.constant 16 : i32
      %mul3A_277 = arith.muli %scan3A_214, %mul3A_276 : i32
      %add3A_278 = arith.constant 12288 : i32
      %add3A_279 = arith.addi %add3A_278, %mul3A_277 : i32
      %get3A_280 = arith.index_cast %add3A_279 : i32 to index
      %get3A_281 = tpu.vector_load %arg6[%get3A_280] {strides = array<i32>} : memref<16384xf32, #tpu.memory_space<vmem>>, vector<16xf32>,
      %add3A_282 = arith.constant 6 : i32
      %add3A_283 = vector.broadcast %add3A_282 : i32 to vector<16xi32>
      %add3A_284 = arith.addi %mul3A_221, %add3A_283 : vector<16xi32>
      tpu.vector_store_idx %arg7[%add3A_284], %get3A_281 {add = true} : memref<80000xf32, #tpu.memory_space<vmem>>[vector<16xi32>], vector<16xf32>,
      %mul3A_285 = arith.constant 16 : i32
      %mul3A_286 = arith.muli %scan3A_214, %mul3A_285 : i32
      %add3A_287 = arith.constant 14336 : i32
      %add3A_288 = arith.addi %add3A_287, %mul3A_286 : i32
      %get3A_289 = arith.index_cast %add3A_288 : i32 to index
      %get3A_290 = tpu.vector_load %arg6[%get3A_289] {strides = array<i32>} : memref<16384xf32, #tpu.memory_space<vmem>>, vector<16xf32>,
      %add3A_291 = arith.constant 7 : i32
      %add3A_292 = vector.broadcast %add3A_291 : i32 to vector<16xi32>
      %add3A_293 = arith.addi %mul3A_221, %add3A_292 : vector<16xi32>
      tpu.vector_store_idx %arg7[%add3A_293], %get3A_290 {add = true} : memref<80000xf32, #tpu.memory_space<vmem>>[vector<16xi32>], vector<16xf32>,
      %scan3A_294 = arith.constant 0 : i32
      scf.yield %scan3A_294 : i32
    }
    %scan3A_213 = arith.constant 16 : i32
    "tpu.region"() ({
      %run_scoped3A = tpu.sem_alloc : memref<!tpu.dma_semaphore, #tpu.memory_space<semaphore_mem>>
      %dma_start3A_214 = arith.constant 0 : i32
      %dma_start3A_215 = tpu.memref_slice %arg4[%add3A, %dma_start3A_214] : memref<32x80000xf32, #tpu.memory_space<hbm>> -> memref<1x80000xf32, #tpu.memory_space<hbm>>
      %dma_start3A_216 = tpu.memref_squeeze %dma_start3A_215 : memref<1x80000xf32, #tpu.memory_space<hbm>> -> memref<80000xf32, #tpu.memory_space<hbm>>
      %dma_start3A_217 = arith.constant 0 : i32
      %dma_start3A_218 = tpu.memref_slice %arg4[%add3A, %dma_start3A_217] : memref<32x80000xf32, #tpu.memory_space<hbm>> -> memref<1x80000xf32, #tpu.memory_space<hbm>>
      %dma_start3A_219 = tpu.memref_squeeze %dma_start3A_218 : memref<1x80000xf32, #tpu.memory_space<hbm>> -> memref<80000xf32, #tpu.memory_space<hbm>>
      tpu.enqueue_dma source(%arg7 : memref<80000xf32, #tpu.memory_space<vmem>>) target(%dma_start3A_219 : memref<80000xf32, #tpu.memory_space<hbm>>) target_semaphore(%run_scoped3A : memref<!tpu.dma_semaphore, #tpu.memory_space<semaphore_mem>>)
      %dma_wait3A_220 = arith.constant 0 : i32
      %dma_wait3A_221 = tpu.memref_slice %arg4[%add3A, %dma_wait3A_220] : memref<32x80000xf32, #tpu.memory_space<hbm>> -> memref<1x80000xf32, #tpu.memory_space<hbm>>
      %dma_wait3A_222 = tpu.memref_squeeze %dma_wait3A_221 : memref<1x80000xf32, #tpu.memory_space<hbm>> -> memref<80000xf32, #tpu.memory_space<hbm>>
      %dma_wait3A_223 = arith.constant 0 : i32
      %dma_wait3A_224 = tpu.memref_slice %arg4[%add3A, %dma_wait3A_223] : memref<32x80000xf32, #tpu.memory_space<hbm>> -> memref<1x80000xf32, #tpu.memory_space<hbm>>
      %dma_wait3A_225 = tpu.memref_squeeze %dma_wait3A_224 : memref<1x80000xf32, #tpu.memory_space<hbm>> -> memref<80000xf32, #tpu.memory_space<hbm>>
      tpu.wait_dma2 semaphore(%run_scoped3A : memref<!tpu.dma_semaphore, #tpu.memory_space<semaphore_mem>>) src(%arg7 : memref<80000xf32, #tpu.memory_space<vmem>>) dst(%dma_wait3A_225 : memref<80000xf32, #tpu.memory_space<hbm>>)
      tpu.yield
    }) : () -> ()
    return
  }
}

#map = affine_map<(d0, d1) -> (0)>
#map1 = affine_map<(d0, d1) -> (0, 0)>
module attributes {stable_mosaic.version = 14 : i64} {
  func.func @k(%arg0: i32, %arg1: i32, %arg2: memref<160000xi32, #tpu.memory_space<hbm>>, %arg3: memref<10000x256xf32, #tpu.memory_space<hbm>>, %arg4: memref<160000xi32, #tpu.memory_space<hbm>>, %arg5: memref<10000x256xf32, #tpu.memory_space<hbm>>, %arg6: memref<160000x256xf32, #tpu.memory_space<hbm>>, %arg7: memref<160000x256xf32, #tpu.memory_space<hbm>>, %arg8: memref<128xi32, #tpu.memory_space<vmem>>, %arg9: memref<128x256xf32, #tpu.memory_space<vmem>>, %arg10: memref<!tpu.dma_semaphore, #tpu.memory_space<semaphore_mem>>) attributes {dimension_semantics = [#tpu.dimension_semantics<core_parallel>, #tpu.dimension_semantics<subcore_parallel>], iteration_bounds = array<i64: 2, 16>, scalar_prefetch = 0 : i64, scratch_operands = 3 : i64, tpu.core_type = #tpu.core_type<sc_vector_subcore>, window_params = [{transform_indices = #map}, {transform_indices = #map1}, {transform_indices = #map}, {transform_indices = #map1}, {transform_indices = #map1}, {transform_indices = #map1}]} {
    %mul3A = arith.constant 2 : i32
    %mul3A_0 = arith.muli %arg1, %mul3A : i32
    %add3A = arith.addi %mul3A_0, %arg0 : i32
    %mul3A_1 = arith.constant 5000 : i32
    %mul3A_2 = arith.muli %add3A, %mul3A_1 : i32
    %scan3A = arith.constant 0 : i32
    %scan3A_3 = arith.constant 0 : i32
    %scan3A_4 = arith.constant 40 : i32
    %scan3A_5 = arith.addi %scan3A_3, %scan3A_4 : i32
    %scan3A_6 = arith.constant 1 : i32
    %scan3A_7 = scf.for %scan3A_9 = %scan3A_3 to %scan3A_5 step %scan3A_6 iter_args(%scan3A_10 = %scan3A) -> (i32)  : i32 {
      %mul3A_11 = arith.constant 128 : i32
      %mul3A_12 = arith.muli %scan3A_9, %mul3A_11 : i32
      %min3A = arith.constant 4872 : i32
      %min3A_13 = arith.minsi %mul3A_12, %min3A : i32
      %add3A_14 = arith.addi %mul3A_2, %min3A_13 : i32
      "tpu.region"() ({
        %run_scoped3A = tpu.sem_alloc : memref<!tpu.dma_semaphore, #tpu.memory_space<semaphore_mem>>
        %dma_start3A_26 = tpu.memref_slice %arg2[%add3A_14] : memref<160000xi32, #tpu.memory_space<hbm>> -> memref<128xi32, #tpu.memory_space<hbm>>
        %dma_start3A_27 = tpu.memref_slice %arg2[%add3A_14] : memref<160000xi32, #tpu.memory_space<hbm>> -> memref<128xi32, #tpu.memory_space<hbm>>
        tpu.enqueue_dma source(%dma_start3A_27 : memref<128xi32, #tpu.memory_space<hbm>>) target(%arg8 : memref<128xi32, #tpu.memory_space<vmem>>) target_semaphore(%run_scoped3A : memref<!tpu.dma_semaphore, #tpu.memory_space<semaphore_mem>>)
        %dma_wait3A_28 = tpu.memref_slice %arg2[%add3A_14] : memref<160000xi32, #tpu.memory_space<hbm>> -> memref<128xi32, #tpu.memory_space<hbm>>
        %dma_wait3A_29 = tpu.memref_slice %arg2[%add3A_14] : memref<160000xi32, #tpu.memory_space<hbm>> -> memref<128xi32, #tpu.memory_space<hbm>>
        tpu.wait_dma2 semaphore(%run_scoped3A : memref<!tpu.dma_semaphore, #tpu.memory_space<semaphore_mem>>) src(%dma_wait3A_29 : memref<128xi32, #tpu.memory_space<hbm>>) dst(%arg8 : memref<128xi32, #tpu.memory_space<vmem>>)
        tpu.yield
      }) : () -> ()
      %dma_start3A = arith.constant 0 : i32
      %dma_start3A_15 = arith.constant 0 : i32
      %dma_start3A_16 = tpu.memref_slice %arg3[%dma_start3A, %dma_start3A_15] : memref<10000x256xf32, #tpu.memory_space<hbm>> -> memref<10000x256xf32, #tpu.memory_space<hbm>>
      tpu.enqueue_indirect_dma source(%dma_start3A_16 : memref<10000x256xf32, #tpu.memory_space<hbm>>) target(%arg9 : memref<128x256xf32, #tpu.memory_space<vmem>>) offsets(%arg8 : memref<128xi32, #tpu.memory_space<vmem>>) semaphore(%arg10 : memref<!tpu.dma_semaphore, #tpu.memory_space<semaphore_mem>>)
      %dma_wait3A = arith.constant 0 : i32
      %dma_wait3A_17 = arith.constant 0 : i32
      %dma_wait3A_18 = tpu.memref_slice %arg3[%dma_wait3A, %dma_wait3A_17] : memref<10000x256xf32, #tpu.memory_space<hbm>> -> memref<10000x256xf32, #tpu.memory_space<hbm>>
      tpu.wait_indirect_dma semaphore(%arg10 : memref<!tpu.dma_semaphore, #tpu.memory_space<semaphore_mem>>) src(%dma_wait3A_18 : memref<10000x256xf32, #tpu.memory_space<hbm>>) dst(%arg9 : memref<128x256xf32, #tpu.memory_space<vmem>>)
      "tpu.region"() ({
        %run_scoped3A = tpu.sem_alloc : memref<!tpu.dma_semaphore, #tpu.memory_space<semaphore_mem>>
        %dma_start3A_26 = arith.constant 0 : i32
        %dma_start3A_27 = tpu.memref_slice %arg6[%add3A_14, %dma_start3A_26] : memref<160000x256xf32, #tpu.memory_space<hbm>> -> memref<128x256xf32, #tpu.memory_space<hbm>>
        %dma_start3A_28 = arith.constant 0 : i32
        %dma_start3A_29 = tpu.memref_slice %arg6[%add3A_14, %dma_start3A_28] : memref<160000x256xf32, #tpu.memory_space<hbm>> -> memref<128x256xf32, #tpu.memory_space<hbm>>
        tpu.enqueue_dma source(%arg9 : memref<128x256xf32, #tpu.memory_space<vmem>>) target(%dma_start3A_29 : memref<128x256xf32, #tpu.memory_space<hbm>>) target_semaphore(%run_scoped3A : memref<!tpu.dma_semaphore, #tpu.memory_space<semaphore_mem>>)
        %dma_wait3A_30 = arith.constant 0 : i32
        %dma_wait3A_31 = tpu.memref_slice %arg6[%add3A_14, %dma_wait3A_30] : memref<160000x256xf32, #tpu.memory_space<hbm>> -> memref<128x256xf32, #tpu.memory_space<hbm>>
        %dma_wait3A_32 = arith.constant 0 : i32
        %dma_wait3A_33 = tpu.memref_slice %arg6[%add3A_14, %dma_wait3A_32] : memref<160000x256xf32, #tpu.memory_space<hbm>> -> memref<128x256xf32, #tpu.memory_space<hbm>>
        tpu.wait_dma2 semaphore(%run_scoped3A : memref<!tpu.dma_semaphore, #tpu.memory_space<semaphore_mem>>) src(%arg9 : memref<128x256xf32, #tpu.memory_space<vmem>>) dst(%dma_wait3A_33 : memref<128x256xf32, #tpu.memory_space<hbm>>)
        tpu.yield
      }) : () -> ()
      "tpu.region"() ({
        %run_scoped3A = tpu.sem_alloc : memref<!tpu.dma_semaphore, #tpu.memory_space<semaphore_mem>>
        %dma_start3A_26 = tpu.memref_slice %arg4[%add3A_14] : memref<160000xi32, #tpu.memory_space<hbm>> -> memref<128xi32, #tpu.memory_space<hbm>>
        %dma_start3A_27 = tpu.memref_slice %arg4[%add3A_14] : memref<160000xi32, #tpu.memory_space<hbm>> -> memref<128xi32, #tpu.memory_space<hbm>>
        tpu.enqueue_dma source(%dma_start3A_27 : memref<128xi32, #tpu.memory_space<hbm>>) target(%arg8 : memref<128xi32, #tpu.memory_space<vmem>>) target_semaphore(%run_scoped3A : memref<!tpu.dma_semaphore, #tpu.memory_space<semaphore_mem>>)
        %dma_wait3A_28 = tpu.memref_slice %arg4[%add3A_14] : memref<160000xi32, #tpu.memory_space<hbm>> -> memref<128xi32, #tpu.memory_space<hbm>>
        %dma_wait3A_29 = tpu.memref_slice %arg4[%add3A_14] : memref<160000xi32, #tpu.memory_space<hbm>> -> memref<128xi32, #tpu.memory_space<hbm>>
        tpu.wait_dma2 semaphore(%run_scoped3A : memref<!tpu.dma_semaphore, #tpu.memory_space<semaphore_mem>>) src(%dma_wait3A_29 : memref<128xi32, #tpu.memory_space<hbm>>) dst(%arg8 : memref<128xi32, #tpu.memory_space<vmem>>)
        tpu.yield
      }) : () -> ()
      %dma_start3A_19 = arith.constant 0 : i32
      %dma_start3A_20 = arith.constant 0 : i32
      %dma_start3A_21 = tpu.memref_slice %arg5[%dma_start3A_19, %dma_start3A_20] : memref<10000x256xf32, #tpu.memory_space<hbm>> -> memref<10000x256xf32, #tpu.memory_space<hbm>>
      tpu.enqueue_indirect_dma source(%dma_start3A_21 : memref<10000x256xf32, #tpu.memory_space<hbm>>) target(%arg9 : memref<128x256xf32, #tpu.memory_space<vmem>>) offsets(%arg8 : memref<128xi32, #tpu.memory_space<vmem>>) semaphore(%arg10 : memref<!tpu.dma_semaphore, #tpu.memory_space<semaphore_mem>>)
      %dma_wait3A_22 = arith.constant 0 : i32
      %dma_wait3A_23 = arith.constant 0 : i32
      %dma_wait3A_24 = tpu.memref_slice %arg5[%dma_wait3A_22, %dma_wait3A_23] : memref<10000x256xf32, #tpu.memory_space<hbm>> -> memref<10000x256xf32, #tpu.memory_space<hbm>>
      tpu.wait_indirect_dma semaphore(%arg10 : memref<!tpu.dma_semaphore, #tpu.memory_space<semaphore_mem>>) src(%dma_wait3A_24 : memref<10000x256xf32, #tpu.memory_space<hbm>>) dst(%arg9 : memref<128x256xf32, #tpu.memory_space<vmem>>)
      "tpu.region"() ({
        %run_scoped3A = tpu.sem_alloc : memref<!tpu.dma_semaphore, #tpu.memory_space<semaphore_mem>>
        %dma_start3A_26 = arith.constant 0 : i32
        %dma_start3A_27 = tpu.memref_slice %arg7[%add3A_14, %dma_start3A_26] : memref<160000x256xf32, #tpu.memory_space<hbm>> -> memref<128x256xf32, #tpu.memory_space<hbm>>
        %dma_start3A_28 = arith.constant 0 : i32
        %dma_start3A_29 = tpu.memref_slice %arg7[%add3A_14, %dma_start3A_28] : memref<160000x256xf32, #tpu.memory_space<hbm>> -> memref<128x256xf32, #tpu.memory_space<hbm>>
        tpu.enqueue_dma source(%arg9 : memref<128x256xf32, #tpu.memory_space<vmem>>) target(%dma_start3A_29 : memref<128x256xf32, #tpu.memory_space<hbm>>) target_semaphore(%run_scoped3A : memref<!tpu.dma_semaphore, #tpu.memory_space<semaphore_mem>>)
        %dma_wait3A_30 = arith.constant 0 : i32
        %dma_wait3A_31 = tpu.memref_slice %arg7[%add3A_14, %dma_wait3A_30] : memref<160000x256xf32, #tpu.memory_space<hbm>> -> memref<128x256xf32, #tpu.memory_space<hbm>>
        %dma_wait3A_32 = arith.constant 0 : i32
        %dma_wait3A_33 = tpu.memref_slice %arg7[%add3A_14, %dma_wait3A_32] : memref<160000x256xf32, #tpu.memory_space<hbm>> -> memref<128x256xf32, #tpu.memory_space<hbm>>
        tpu.wait_dma2 semaphore(%run_scoped3A : memref<!tpu.dma_semaphore, #tpu.memory_space<semaphore_mem>>) src(%arg9 : memref<128x256xf32, #tpu.memory_space<vmem>>) dst(%dma_wait3A_33 : memref<128x256xf32, #tpu.memory_space<hbm>>)
        tpu.yield
      }) : () -> ()
      %scan3A_25 = arith.constant 0 : i32
      scf.yield %scan3A_25 : i32
    }
    %scan3A_8 = arith.constant 40 : i32
    return
  }
}

#map = affine_map<(d0, d1) -> (0)>
#map1 = affine_map<(d0, d1) -> (0, 0)>
module attributes {stable_mosaic.version = 14 : i64} {
  func.func @k(%arg0: i32, %arg1: i32, %arg2: memref<160000xi32, #tpu.memory_space<hbm>>, %arg3: memref<10000x128xf32, #tpu.memory_space<hbm>>, %arg4: memref<160000xi32, #tpu.memory_space<hbm>>, %arg5: memref<10000x128xf32, #tpu.memory_space<hbm>>, %arg6: memref<160000x128xf32, #tpu.memory_space<hbm>>, %arg7: memref<160000x128xf32, #tpu.memory_space<hbm>>, %arg8: memref<128xi32, #tpu.memory_space<vmem>>, %arg9: memref<128x128xf32, #tpu.memory_space<vmem>>, %arg10: memref<!tpu.dma_semaphore, #tpu.memory_space<semaphore_mem>>) attributes {dimension_semantics = [#tpu.dimension_semantics<core_parallel>, #tpu.dimension_semantics<subcore_parallel>], iteration_bounds = array<i64: 2, 16>, scalar_prefetch = 0 : i64, scratch_operands = 3 : i64, tpu.core_type = #tpu.core_type<sc_vector_subcore>, window_params = [{transform_indices = #map}, {transform_indices = #map1}, {transform_indices = #map}, {transform_indices = #map1}, {transform_indices = #map1}, {transform_indices = #map1}]} {
    %mul3A = arith.constant 2 : i32
    %mul3A_0 = arith.muli %arg1, %mul3A : i32
    %add3A = arith.addi %mul3A_0, %arg0 : i32
    %mul3A_1 = arith.constant 5000 : i32
    %mul3A_2 = arith.muli %add3A, %mul3A_1 : i32
    %scan3A = arith.constant 0 : i32
    %scan3A_3 = arith.constant 0 : i32
    %scan3A_4 = arith.constant 40 : i32
    %scan3A_5 = arith.addi %scan3A_3, %scan3A_4 : i32
    %scan3A_6 = arith.constant 1 : i32
    %scan3A_7 = scf.for %scan3A_9 = %scan3A_3 to %scan3A_5 step %scan3A_6 iter_args(%scan3A_10 = %scan3A) -> (i32)  : i32 {
      %mul3A_11 = arith.constant 128 : i32
      %mul3A_12 = arith.muli %scan3A_9, %mul3A_11 : i32
      %min3A = arith.constant 4872 : i32
      %min3A_13 = arith.minsi %mul3A_12, %min3A : i32
      %add3A_14 = arith.addi %mul3A_2, %min3A_13 : i32
      "tpu.region"() ({
        %run_scoped3A = tpu.sem_alloc : memref<!tpu.dma_semaphore, #tpu.memory_space<semaphore_mem>>
        %dma_start3A_26 = tpu.memref_slice %arg2[%add3A_14] : memref<160000xi32, #tpu.memory_space<hbm>> -> memref<128xi32, #tpu.memory_space<hbm>>
        %dma_start3A_27 = tpu.memref_slice %arg2[%add3A_14] : memref<160000xi32, #tpu.memory_space<hbm>> -> memref<128xi32, #tpu.memory_space<hbm>>
        tpu.enqueue_dma source(%dma_start3A_27 : memref<128xi32, #tpu.memory_space<hbm>>) target(%arg8 : memref<128xi32, #tpu.memory_space<vmem>>) target_semaphore(%run_scoped3A : memref<!tpu.dma_semaphore, #tpu.memory_space<semaphore_mem>>)
        %dma_wait3A_28 = tpu.memref_slice %arg2[%add3A_14] : memref<160000xi32, #tpu.memory_space<hbm>> -> memref<128xi32, #tpu.memory_space<hbm>>
        %dma_wait3A_29 = tpu.memref_slice %arg2[%add3A_14] : memref<160000xi32, #tpu.memory_space<hbm>> -> memref<128xi32, #tpu.memory_space<hbm>>
        tpu.wait_dma2 semaphore(%run_scoped3A : memref<!tpu.dma_semaphore, #tpu.memory_space<semaphore_mem>>) src(%dma_wait3A_29 : memref<128xi32, #tpu.memory_space<hbm>>) dst(%arg8 : memref<128xi32, #tpu.memory_space<vmem>>)
        tpu.yield
      }) : () -> ()
      %dma_start3A = arith.constant 0 : i32
      %dma_start3A_15 = arith.constant 0 : i32
      %dma_start3A_16 = tpu.memref_slice %arg3[%dma_start3A, %dma_start3A_15] : memref<10000x128xf32, #tpu.memory_space<hbm>> -> memref<10000x128xf32, #tpu.memory_space<hbm>>
      tpu.enqueue_indirect_dma source(%dma_start3A_16 : memref<10000x128xf32, #tpu.memory_space<hbm>>) target(%arg9 : memref<128x128xf32, #tpu.memory_space<vmem>>) offsets(%arg8 : memref<128xi32, #tpu.memory_space<vmem>>) semaphore(%arg10 : memref<!tpu.dma_semaphore, #tpu.memory_space<semaphore_mem>>)
      %dma_wait3A = arith.constant 0 : i32
      %dma_wait3A_17 = arith.constant 0 : i32
      %dma_wait3A_18 = tpu.memref_slice %arg3[%dma_wait3A, %dma_wait3A_17] : memref<10000x128xf32, #tpu.memory_space<hbm>> -> memref<10000x128xf32, #tpu.memory_space<hbm>>
      tpu.wait_indirect_dma semaphore(%arg10 : memref<!tpu.dma_semaphore, #tpu.memory_space<semaphore_mem>>) src(%dma_wait3A_18 : memref<10000x128xf32, #tpu.memory_space<hbm>>) dst(%arg9 : memref<128x128xf32, #tpu.memory_space<vmem>>)
      "tpu.region"() ({
        %run_scoped3A = tpu.sem_alloc : memref<!tpu.dma_semaphore, #tpu.memory_space<semaphore_mem>>
        %dma_start3A_26 = arith.constant 0 : i32
        %dma_start3A_27 = tpu.memref_slice %arg6[%add3A_14, %dma_start3A_26] : memref<160000x128xf32, #tpu.memory_space<hbm>> -> memref<128x128xf32, #tpu.memory_space<hbm>>
        %dma_start3A_28 = arith.constant 0 : i32
        %dma_start3A_29 = tpu.memref_slice %arg6[%add3A_14, %dma_start3A_28] : memref<160000x128xf32, #tpu.memory_space<hbm>> -> memref<128x128xf32, #tpu.memory_space<hbm>>
        tpu.enqueue_dma source(%arg9 : memref<128x128xf32, #tpu.memory_space<vmem>>) target(%dma_start3A_29 : memref<128x128xf32, #tpu.memory_space<hbm>>) target_semaphore(%run_scoped3A : memref<!tpu.dma_semaphore, #tpu.memory_space<semaphore_mem>>)
        %dma_wait3A_30 = arith.constant 0 : i32
        %dma_wait3A_31 = tpu.memref_slice %arg6[%add3A_14, %dma_wait3A_30] : memref<160000x128xf32, #tpu.memory_space<hbm>> -> memref<128x128xf32, #tpu.memory_space<hbm>>
        %dma_wait3A_32 = arith.constant 0 : i32
        %dma_wait3A_33 = tpu.memref_slice %arg6[%add3A_14, %dma_wait3A_32] : memref<160000x128xf32, #tpu.memory_space<hbm>> -> memref<128x128xf32, #tpu.memory_space<hbm>>
        tpu.wait_dma2 semaphore(%run_scoped3A : memref<!tpu.dma_semaphore, #tpu.memory_space<semaphore_mem>>) src(%arg9 : memref<128x128xf32, #tpu.memory_space<vmem>>) dst(%dma_wait3A_33 : memref<128x128xf32, #tpu.memory_space<hbm>>)
        tpu.yield
      }) : () -> ()
      "tpu.region"() ({
        %run_scoped3A = tpu.sem_alloc : memref<!tpu.dma_semaphore, #tpu.memory_space<semaphore_mem>>
        %dma_start3A_26 = tpu.memref_slice %arg4[%add3A_14] : memref<160000xi32, #tpu.memory_space<hbm>> -> memref<128xi32, #tpu.memory_space<hbm>>
        %dma_start3A_27 = tpu.memref_slice %arg4[%add3A_14] : memref<160000xi32, #tpu.memory_space<hbm>> -> memref<128xi32, #tpu.memory_space<hbm>>
        tpu.enqueue_dma source(%dma_start3A_27 : memref<128xi32, #tpu.memory_space<hbm>>) target(%arg8 : memref<128xi32, #tpu.memory_space<vmem>>) target_semaphore(%run_scoped3A : memref<!tpu.dma_semaphore, #tpu.memory_space<semaphore_mem>>)
        %dma_wait3A_28 = tpu.memref_slice %arg4[%add3A_14] : memref<160000xi32, #tpu.memory_space<hbm>> -> memref<128xi32, #tpu.memory_space<hbm>>
        %dma_wait3A_29 = tpu.memref_slice %arg4[%add3A_14] : memref<160000xi32, #tpu.memory_space<hbm>> -> memref<128xi32, #tpu.memory_space<hbm>>
        tpu.wait_dma2 semaphore(%run_scoped3A : memref<!tpu.dma_semaphore, #tpu.memory_space<semaphore_mem>>) src(%dma_wait3A_29 : memref<128xi32, #tpu.memory_space<hbm>>) dst(%arg8 : memref<128xi32, #tpu.memory_space<vmem>>)
        tpu.yield
      }) : () -> ()
      %dma_start3A_19 = arith.constant 0 : i32
      %dma_start3A_20 = arith.constant 0 : i32
      %dma_start3A_21 = tpu.memref_slice %arg5[%dma_start3A_19, %dma_start3A_20] : memref<10000x128xf32, #tpu.memory_space<hbm>> -> memref<10000x128xf32, #tpu.memory_space<hbm>>
      tpu.enqueue_indirect_dma source(%dma_start3A_21 : memref<10000x128xf32, #tpu.memory_space<hbm>>) target(%arg9 : memref<128x128xf32, #tpu.memory_space<vmem>>) offsets(%arg8 : memref<128xi32, #tpu.memory_space<vmem>>) semaphore(%arg10 : memref<!tpu.dma_semaphore, #tpu.memory_space<semaphore_mem>>)
      %dma_wait3A_22 = arith.constant 0 : i32
      %dma_wait3A_23 = arith.constant 0 : i32
      %dma_wait3A_24 = tpu.memref_slice %arg5[%dma_wait3A_22, %dma_wait3A_23] : memref<10000x128xf32, #tpu.memory_space<hbm>> -> memref<10000x128xf32, #tpu.memory_space<hbm>>
      tpu.wait_indirect_dma semaphore(%arg10 : memref<!tpu.dma_semaphore, #tpu.memory_space<semaphore_mem>>) src(%dma_wait3A_24 : memref<10000x128xf32, #tpu.memory_space<hbm>>) dst(%arg9 : memref<128x128xf32, #tpu.memory_space<vmem>>)
      "tpu.region"() ({
        %run_scoped3A = tpu.sem_alloc : memref<!tpu.dma_semaphore, #tpu.memory_space<semaphore_mem>>
        %dma_start3A_26 = arith.constant 0 : i32
        %dma_start3A_27 = tpu.memref_slice %arg7[%add3A_14, %dma_start3A_26] : memref<160000x128xf32, #tpu.memory_space<hbm>> -> memref<128x128xf32, #tpu.memory_space<hbm>>
        %dma_start3A_28 = arith.constant 0 : i32
        %dma_start3A_29 = tpu.memref_slice %arg7[%add3A_14, %dma_start3A_28] : memref<160000x128xf32, #tpu.memory_space<hbm>> -> memref<128x128xf32, #tpu.memory_space<hbm>>
        tpu.enqueue_dma source(%arg9 : memref<128x128xf32, #tpu.memory_space<vmem>>) target(%dma_start3A_29 : memref<128x128xf32, #tpu.memory_space<hbm>>) target_semaphore(%run_scoped3A : memref<!tpu.dma_semaphore, #tpu.memory_space<semaphore_mem>>)
        %dma_wait3A_30 = arith.constant 0 : i32
        %dma_wait3A_31 = tpu.memref_slice %arg7[%add3A_14, %dma_wait3A_30] : memref<160000x128xf32, #tpu.memory_space<hbm>> -> memref<128x128xf32, #tpu.memory_space<hbm>>
        %dma_wait3A_32 = arith.constant 0 : i32
        %dma_wait3A_33 = tpu.memref_slice %arg7[%add3A_14, %dma_wait3A_32] : memref<160000x128xf32, #tpu.memory_space<hbm>> -> memref<128x128xf32, #tpu.memory_space<hbm>>
        tpu.wait_dma2 semaphore(%run_scoped3A : memref<!tpu.dma_semaphore, #tpu.memory_space<semaphore_mem>>) src(%arg9 : memref<128x128xf32, #tpu.memory_space<vmem>>) dst(%dma_wait3A_33 : memref<128x128xf32, #tpu.memory_space<hbm>>)
        tpu.yield
      }) : () -> ()
      %scan3A_25 = arith.constant 0 : i32
      scf.yield %scan3A_25 : i32
    }
    %scan3A_8 = arith.constant 40 : i32
    return
  }
}

#map = affine_map<(d0, d1) -> (0, 0)>
#map1 = affine_map<(d0, d1) -> (0)>
module attributes {stable_mosaic.version = 14 : i64} {
  func.func @k(%arg0: i32, %arg1: i32, %arg2: memref<32x160000xf32, #tpu.memory_space<hbm>>, %arg3: memref<160000xi32, #tpu.memory_space<hbm>>, %arg4: memref<32x10000xf32, #tpu.memory_space<hbm>>, %arg5: memref<2048xi32, #tpu.memory_space<vmem>>, %arg6: memref<2048xf32, #tpu.memory_space<vmem>>, %arg7: memref<10000xf32, #tpu.memory_space<vmem>>, %arg8: memref<!tpu.dma_semaphore, #tpu.memory_space<semaphore_mem>>) attributes {dimension_semantics = [#tpu.dimension_semantics<core_parallel>, #tpu.dimension_semantics<subcore_parallel>], iteration_bounds = array<i64: 2, 16>, scalar_prefetch = 0 : i64, scratch_operands = 4 : i64, tpu.core_type = #tpu.core_type<sc_vector_subcore>, window_params = [{transform_indices = #map}, {transform_indices = #map1}, {transform_indices = #map}]} {
    %mul3A = arith.constant 2 : i32
    %mul3A_0 = arith.muli %arg1, %mul3A : i32
    %add3A = arith.addi %mul3A_0, %arg0 : i32
    %mul3A_1 = arith.constant 1 : i32
    %mul3A_2 = arith.muli %add3A, %mul3A_1 : i32
    %broadcast_in_dim3A = arith.constant 0.000000e+00 : f32
    %broadcast_in_dim3A_3 = vector.broadcast %broadcast_in_dim3A : f32 to vector<16xf32>
    %scan3A = arith.constant 0 : i32
    %scan3A_4 = arith.constant 0 : i32
    %scan3A_5 = arith.constant 625 : i32
    %scan3A_6 = arith.addi %scan3A_4, %scan3A_5 : i32
    %scan3A_7 = arith.constant 1 : i32
    %scan3A_8 = scf.for %scan3A_60 = %scan3A_4 to %scan3A_6 step %scan3A_7 iter_args(%scan3A_61 = %scan3A) -> (i32)  : i32 {
      %mul3A_62 = arith.constant 16 : i32
      %mul3A_63 = arith.muli %scan3A_60, %mul3A_62 : i32
      %swap3A = arith.index_cast %mul3A_63 : i32 to index
      %swap3A_64 = tpu.vector_load %arg7[%swap3A] {strides = array<i32>} : memref<10000xf32, #tpu.memory_space<vmem>>, vector<16xf32>,
      tpu.vector_store %arg7[%swap3A], %broadcast_in_dim3A_3 {strides = array<i32>} : memref<10000xf32, #tpu.memory_space<vmem>>, vector<16xf32>,
      %scan3A_65 = arith.constant 0 : i32
      scf.yield %scan3A_65 : i32
    }
    %scan3A_9 = arith.constant 625 : i32
    %scan3A_10 = arith.constant 0 : i32
    %scan3A_11 = arith.constant 0 : i32
    %scan3A_12 = arith.constant 78 : i32
    %scan3A_13 = arith.addi %scan3A_11, %scan3A_12 : i32
    %scan3A_14 = arith.constant 1 : i32
    %scan3A_15 = scf.for %scan3A_60 = %scan3A_11 to %scan3A_13 step %scan3A_14 iter_args(%scan3A_61 = %scan3A_10) -> (i32)  : i32 {
      %mul3A_62 = arith.constant 2048 : i32
      %mul3A_63 = arith.muli %scan3A_60, %mul3A_62 : i32
      %dma_start3A_64 = arith.constant 0 : i32
      %dma_start3A_65 = tpu.memref_slice %arg5[%dma_start3A_64] : memref<2048xi32, #tpu.memory_space<vmem>> -> memref<2048xi32, #tpu.memory_space<vmem>>
      %dma_start3A_66 = tpu.memref_slice %arg3[%mul3A_63] : memref<160000xi32, #tpu.memory_space<hbm>> -> memref<2048xi32, #tpu.memory_space<hbm>>
      %dma_start3A_67 = arith.constant 0 : i32
      %dma_start3A_68 = tpu.memref_slice %arg5[%dma_start3A_67] : memref<2048xi32, #tpu.memory_space<vmem>> -> memref<2048xi32, #tpu.memory_space<vmem>>
      %dma_start3A_69 = tpu.memref_slice %arg3[%mul3A_63] : memref<160000xi32, #tpu.memory_space<hbm>> -> memref<2048xi32, #tpu.memory_space<hbm>>
      tpu.enqueue_dma source(%dma_start3A_69 : memref<2048xi32, #tpu.memory_space<hbm>>) target(%dma_start3A_68 : memref<2048xi32, #tpu.memory_space<vmem>>) target_semaphore(%arg8 : memref<!tpu.dma_semaphore, #tpu.memory_space<semaphore_mem>>)
      %add3A_70 = arith.constant 0 : i32
      %add3A_71 = arith.addi %mul3A_2, %add3A_70 : i32
      %dma_start3A_72 = arith.constant 0 : i32
      %dma_start3A_73 = tpu.memref_slice %arg6[%dma_start3A_72] : memref<2048xf32, #tpu.memory_space<vmem>> -> memref<2048xf32, #tpu.memory_space<vmem>>
      %dma_start3A_74 = tpu.memref_slice %arg2[%add3A_71, %mul3A_63] : memref<32x160000xf32, #tpu.memory_space<hbm>> -> memref<1x2048xf32, #tpu.memory_space<hbm>>
      %dma_start3A_75 = tpu.memref_squeeze %dma_start3A_74 : memref<1x2048xf32, #tpu.memory_space<hbm>> -> memref<2048xf32, #tpu.memory_space<hbm>>
      %dma_start3A_76 = arith.constant 0 : i32
      %dma_start3A_77 = tpu.memref_slice %arg6[%dma_start3A_76] : memref<2048xf32, #tpu.memory_space<vmem>> -> memref<2048xf32, #tpu.memory_space<vmem>>
      %dma_start3A_78 = tpu.memref_slice %arg2[%add3A_71, %mul3A_63] : memref<32x160000xf32, #tpu.memory_space<hbm>> -> memref<1x2048xf32, #tpu.memory_space<hbm>>
      %dma_start3A_79 = tpu.memref_squeeze %dma_start3A_78 : memref<1x2048xf32, #tpu.memory_space<hbm>> -> memref<2048xf32, #tpu.memory_space<hbm>>
      tpu.enqueue_dma source(%dma_start3A_79 : memref<2048xf32, #tpu.memory_space<hbm>>) target(%dma_start3A_77 : memref<2048xf32, #tpu.memory_space<vmem>>) target_semaphore(%arg8 : memref<!tpu.dma_semaphore, #tpu.memory_space<semaphore_mem>>)
      %dma_wait3A_80 = arith.constant 0 : i32
      %dma_wait3A_81 = tpu.memref_slice %arg5[%dma_wait3A_80] : memref<2048xi32, #tpu.memory_space<vmem>> -> memref<2048xi32, #tpu.memory_space<vmem>>
      %dma_wait3A_82 = tpu.memref_slice %arg3[%mul3A_63] : memref<160000xi32, #tpu.memory_space<hbm>> -> memref<2048xi32, #tpu.memory_space<hbm>>
      %dma_wait3A_83 = arith.constant 0 : i32
      %dma_wait3A_84 = tpu.memref_slice %arg5[%dma_wait3A_83] : memref<2048xi32, #tpu.memory_space<vmem>> -> memref<2048xi32, #tpu.memory_space<vmem>>
      %dma_wait3A_85 = tpu.memref_slice %arg3[%mul3A_63] : memref<160000xi32, #tpu.memory_space<hbm>> -> memref<2048xi32, #tpu.memory_space<hbm>>
      tpu.wait_dma2 semaphore(%arg8 : memref<!tpu.dma_semaphore, #tpu.memory_space<semaphore_mem>>) src(%dma_wait3A_85 : memref<2048xi32, #tpu.memory_space<hbm>>) dst(%dma_wait3A_84 : memref<2048xi32, #tpu.memory_space<vmem>>)
      %dma_wait3A_86 = arith.constant 0 : i32
      %dma_wait3A_87 = tpu.memref_slice %arg6[%dma_wait3A_86] : memref<2048xf32, #tpu.memory_space<vmem>> -> memref<2048xf32, #tpu.memory_space<vmem>>
      %dma_wait3A_88 = tpu.memref_slice %arg2[%add3A_71, %mul3A_63] : memref<32x160000xf32, #tpu.memory_space<hbm>> -> memref<1x2048xf32, #tpu.memory_space<hbm>>
      %dma_wait3A_89 = tpu.memref_squeeze %dma_wait3A_88 : memref<1x2048xf32, #tpu.memory_space<hbm>> -> memref<2048xf32, #tpu.memory_space<hbm>>
      %dma_wait3A_90 = arith.constant 0 : i32
      %dma_wait3A_91 = tpu.memref_slice %arg6[%dma_wait3A_90] : memref<2048xf32, #tpu.memory_space<vmem>> -> memref<2048xf32, #tpu.memory_space<vmem>>
      %dma_wait3A_92 = tpu.memref_slice %arg2[%add3A_71, %mul3A_63] : memref<32x160000xf32, #tpu.memory_space<hbm>> -> memref<1x2048xf32, #tpu.memory_space<hbm>>
      %dma_wait3A_93 = tpu.memref_squeeze %dma_wait3A_92 : memref<1x2048xf32, #tpu.memory_space<hbm>> -> memref<2048xf32, #tpu.memory_space<hbm>>
      tpu.wait_dma2 semaphore(%arg8 : memref<!tpu.dma_semaphore, #tpu.memory_space<semaphore_mem>>) src(%dma_wait3A_93 : memref<2048xf32, #tpu.memory_space<hbm>>) dst(%dma_wait3A_91 : memref<2048xf32, #tpu.memory_space<vmem>>)
      %scan3A_94 = arith.constant 0 : i32
      %scan3A_95 = arith.constant 0 : i32
      %scan3A_96 = arith.constant 128 : i32
      %scan3A_97 = arith.addi %scan3A_95, %scan3A_96 : i32
      %scan3A_98 = arith.constant 1 : i32
      %scan3A_99 = scf.for %scan3A_102 = %scan3A_95 to %scan3A_97 step %scan3A_98 iter_args(%scan3A_103 = %scan3A_94) -> (i32)  : i32 {
        %mul3A_104 = arith.constant 16 : i32
        %mul3A_105 = arith.muli %scan3A_102, %mul3A_104 : i32
        %get3A = arith.index_cast %mul3A_105 : i32 to index
        %get3A_106 = tpu.vector_load %arg5[%get3A] {strides = array<i32>} : memref<2048xi32, #tpu.memory_space<vmem>>, vector<16xi32>,
        %mul3A_107 = arith.constant 1 : i32
        %mul3A_108 = vector.broadcast %mul3A_107 : i32 to vector<16xi32>
        %mul3A_109 = arith.muli %get3A_106, %mul3A_108 : vector<16xi32>
        %mul3A_110 = arith.constant 16 : i32
        %mul3A_111 = arith.muli %scan3A_102, %mul3A_110 : i32
        %add3A_112 = arith.constant 0 : i32
        %add3A_113 = arith.addi %add3A_112, %mul3A_111 : i32
        %get3A_114 = arith.index_cast %add3A_113 : i32 to index
        %get3A_115 = tpu.vector_load %arg6[%get3A_114] {strides = array<i32>} : memref<2048xf32, #tpu.memory_space<vmem>>, vector<16xf32>,
        %add3A_116 = arith.constant 0 : i32
        %add3A_117 = vector.broadcast %add3A_116 : i32 to vector<16xi32>
        %add3A_118 = arith.addi %mul3A_109, %add3A_117 : vector<16xi32>
        tpu.vector_store_idx %arg7[%add3A_118], %get3A_115 {add = true} : memref<10000xf32, #tpu.memory_space<vmem>>[vector<16xi32>], vector<16xf32>,
        %scan3A_119 = arith.constant 0 : i32
        scf.yield %scan3A_119 : i32
      }
      %scan3A_100 = arith.constant 128 : i32
      %scan3A_101 = arith.constant 0 : i32
      scf.yield %scan3A_101 : i32
    }
    %scan3A_16 = arith.constant 78 : i32
    %dma_start3A = arith.constant 0 : i32
    %dma_start3A_17 = tpu.memref_slice %arg5[%dma_start3A] : memref<2048xi32, #tpu.memory_space<vmem>> -> memref<256xi32, #tpu.memory_space<vmem>>
    %dma_start3A_18 = arith.constant 159744 : i32
    %dma_start3A_19 = tpu.memref_slice %arg3[%dma_start3A_18] : memref<160000xi32, #tpu.memory_space<hbm>> -> memref<256xi32, #tpu.memory_space<hbm>>
    %dma_start3A_20 = arith.constant 0 : i32
    %dma_start3A_21 = tpu.memref_slice %arg5[%dma_start3A_20] : memref<2048xi32, #tpu.memory_space<vmem>> -> memref<256xi32, #tpu.memory_space<vmem>>
    %dma_start3A_22 = arith.constant 159744 : i32
    %dma_start3A_23 = tpu.memref_slice %arg3[%dma_start3A_22] : memref<160000xi32, #tpu.memory_space<hbm>> -> memref<256xi32, #tpu.memory_space<hbm>>
    tpu.enqueue_dma source(%dma_start3A_23 : memref<256xi32, #tpu.memory_space<hbm>>) target(%dma_start3A_21 : memref<256xi32, #tpu.memory_space<vmem>>) target_semaphore(%arg8 : memref<!tpu.dma_semaphore, #tpu.memory_space<semaphore_mem>>)
    %add3A_24 = arith.constant 0 : i32
    %add3A_25 = arith.addi %mul3A_2, %add3A_24 : i32
    %dma_start3A_26 = arith.constant 0 : i32
    %dma_start3A_27 = tpu.memref_slice %arg6[%dma_start3A_26] : memref<2048xf32, #tpu.memory_space<vmem>> -> memref<256xf32, #tpu.memory_space<vmem>>
    %dma_start3A_28 = arith.constant 159744 : i32
    %dma_start3A_29 = tpu.memref_slice %arg2[%add3A_25, %dma_start3A_28] : memref<32x160000xf32, #tpu.memory_space<hbm>> -> memref<1x256xf32, #tpu.memory_space<hbm>>
    %dma_start3A_30 = tpu.memref_squeeze %dma_start3A_29 : memref<1x256xf32, #tpu.memory_space<hbm>> -> memref<256xf32, #tpu.memory_space<hbm>>
    %dma_start3A_31 = arith.constant 0 : i32
    %dma_start3A_32 = tpu.memref_slice %arg6[%dma_start3A_31] : memref<2048xf32, #tpu.memory_space<vmem>> -> memref<256xf32, #tpu.memory_space<vmem>>
    %dma_start3A_33 = arith.constant 159744 : i32
    %dma_start3A_34 = tpu.memref_slice %arg2[%add3A_25, %dma_start3A_33] : memref<32x160000xf32, #tpu.memory_space<hbm>> -> memref<1x256xf32, #tpu.memory_space<hbm>>
    %dma_start3A_35 = tpu.memref_squeeze %dma_start3A_34 : memref<1x256xf32, #tpu.memory_space<hbm>> -> memref<256xf32, #tpu.memory_space<hbm>>
    tpu.enqueue_dma source(%dma_start3A_35 : memref<256xf32, #tpu.memory_space<hbm>>) target(%dma_start3A_32 : memref<256xf32, #tpu.memory_space<vmem>>) target_semaphore(%arg8 : memref<!tpu.dma_semaphore, #tpu.memory_space<semaphore_mem>>)
    %dma_wait3A = arith.constant 0 : i32
    %dma_wait3A_36 = tpu.memref_slice %arg5[%dma_wait3A] : memref<2048xi32, #tpu.memory_space<vmem>> -> memref<256xi32, #tpu.memory_space<vmem>>
    %dma_wait3A_37 = arith.constant 159744 : i32
    %dma_wait3A_38 = tpu.memref_slice %arg3[%dma_wait3A_37] : memref<160000xi32, #tpu.memory_space<hbm>> -> memref<256xi32, #tpu.memory_space<hbm>>
    %dma_wait3A_39 = arith.constant 0 : i32
    %dma_wait3A_40 = tpu.memref_slice %arg5[%dma_wait3A_39] : memref<2048xi32, #tpu.memory_space<vmem>> -> memref<256xi32, #tpu.memory_space<vmem>>
    %dma_wait3A_41 = arith.constant 159744 : i32
    %dma_wait3A_42 = tpu.memref_slice %arg3[%dma_wait3A_41] : memref<160000xi32, #tpu.memory_space<hbm>> -> memref<256xi32, #tpu.memory_space<hbm>>
    tpu.wait_dma2 semaphore(%arg8 : memref<!tpu.dma_semaphore, #tpu.memory_space<semaphore_mem>>) src(%dma_wait3A_42 : memref<256xi32, #tpu.memory_space<hbm>>) dst(%dma_wait3A_40 : memref<256xi32, #tpu.memory_space<vmem>>)
    %dma_wait3A_43 = arith.constant 0 : i32
    %dma_wait3A_44 = tpu.memref_slice %arg6[%dma_wait3A_43] : memref<2048xf32, #tpu.memory_space<vmem>> -> memref<256xf32, #tpu.memory_space<vmem>>
    %dma_wait3A_45 = arith.constant 159744 : i32
    %dma_wait3A_46 = tpu.memref_slice %arg2[%add3A_25, %dma_wait3A_45] : memref<32x160000xf32, #tpu.memory_space<hbm>> -> memref<1x256xf32, #tpu.memory_space<hbm>>
    %dma_wait3A_47 = tpu.memref_squeeze %dma_wait3A_46 : memref<1x256xf32, #tpu.memory_space<hbm>> -> memref<256xf32, #tpu.memory_space<hbm>>
    %dma_wait3A_48 = arith.constant 0 : i32
    %dma_wait3A_49 = tpu.memref_slice %arg6[%dma_wait3A_48] : memref<2048xf32, #tpu.memory_space<vmem>> -> memref<256xf32, #tpu.memory_space<vmem>>
    %dma_wait3A_50 = arith.constant 159744 : i32
    %dma_wait3A_51 = tpu.memref_slice %arg2[%add3A_25, %dma_wait3A_50] : memref<32x160000xf32, #tpu.memory_space<hbm>> -> memref<1x256xf32, #tpu.memory_space<hbm>>
    %dma_wait3A_52 = tpu.memref_squeeze %dma_wait3A_51 : memref<1x256xf32, #tpu.memory_space<hbm>> -> memref<256xf32, #tpu.memory_space<hbm>>
    tpu.wait_dma2 semaphore(%arg8 : memref<!tpu.dma_semaphore, #tpu.memory_space<semaphore_mem>>) src(%dma_wait3A_52 : memref<256xf32, #tpu.memory_space<hbm>>) dst(%dma_wait3A_49 : memref<256xf32, #tpu.memory_space<vmem>>)
    %scan3A_53 = arith.constant 0 : i32
    %scan3A_54 = arith.constant 0 : i32
    %scan3A_55 = arith.constant 16 : i32
    %scan3A_56 = arith.addi %scan3A_54, %scan3A_55 : i32
    %scan3A_57 = arith.constant 1 : i32
    %scan3A_58 = scf.for %scan3A_60 = %scan3A_54 to %scan3A_56 step %scan3A_57 iter_args(%scan3A_61 = %scan3A_53) -> (i32)  : i32 {
      %mul3A_62 = arith.constant 16 : i32
      %mul3A_63 = arith.muli %scan3A_60, %mul3A_62 : i32
      %get3A = arith.index_cast %mul3A_63 : i32 to index
      %get3A_64 = tpu.vector_load %arg5[%get3A] {strides = array<i32>} : memref<2048xi32, #tpu.memory_space<vmem>>, vector<16xi32>,
      %mul3A_65 = arith.constant 1 : i32
      %mul3A_66 = vector.broadcast %mul3A_65 : i32 to vector<16xi32>
      %mul3A_67 = arith.muli %get3A_64, %mul3A_66 : vector<16xi32>
      %mul3A_68 = arith.constant 16 : i32
      %mul3A_69 = arith.muli %scan3A_60, %mul3A_68 : i32
      %add3A_70 = arith.constant 0 : i32
      %add3A_71 = arith.addi %add3A_70, %mul3A_69 : i32
      %get3A_72 = arith.index_cast %add3A_71 : i32 to index
      %get3A_73 = tpu.vector_load %arg6[%get3A_72] {strides = array<i32>} : memref<2048xf32, #tpu.memory_space<vmem>>, vector<16xf32>,
      %add3A_74 = arith.constant 0 : i32
      %add3A_75 = vector.broadcast %add3A_74 : i32 to vector<16xi32>
      %add3A_76 = arith.addi %mul3A_67, %add3A_75 : vector<16xi32>
      tpu.vector_store_idx %arg7[%add3A_76], %get3A_73 {add = true} : memref<10000xf32, #tpu.memory_space<vmem>>[vector<16xi32>], vector<16xf32>,
      %scan3A_77 = arith.constant 0 : i32
      scf.yield %scan3A_77 : i32
    }
    %scan3A_59 = arith.constant 16 : i32
    "tpu.region"() ({
      %run_scoped3A = tpu.sem_alloc : memref<!tpu.dma_semaphore, #tpu.memory_space<semaphore_mem>>
      %dma_start3A_60 = arith.constant 0 : i32
      %dma_start3A_61 = tpu.memref_slice %arg4[%add3A, %dma_start3A_60] : memref<32x10000xf32, #tpu.memory_space<hbm>> -> memref<1x10000xf32, #tpu.memory_space<hbm>>
      %dma_start3A_62 = tpu.memref_squeeze %dma_start3A_61 : memref<1x10000xf32, #tpu.memory_space<hbm>> -> memref<10000xf32, #tpu.memory_space<hbm>>
      %dma_start3A_63 = arith.constant 0 : i32
      %dma_start3A_64 = tpu.memref_slice %arg4[%add3A, %dma_start3A_63] : memref<32x10000xf32, #tpu.memory_space<hbm>> -> memref<1x10000xf32, #tpu.memory_space<hbm>>
      %dma_start3A_65 = tpu.memref_squeeze %dma_start3A_64 : memref<1x10000xf32, #tpu.memory_space<hbm>> -> memref<10000xf32, #tpu.memory_space<hbm>>
      tpu.enqueue_dma source(%arg7 : memref<10000xf32, #tpu.memory_space<vmem>>) target(%dma_start3A_65 : memref<10000xf32, #tpu.memory_space<hbm>>) target_semaphore(%run_scoped3A : memref<!tpu.dma_semaphore, #tpu.memory_space<semaphore_mem>>)
      %dma_wait3A_66 = arith.constant 0 : i32
      %dma_wait3A_67 = tpu.memref_slice %arg4[%add3A, %dma_wait3A_66] : memref<32x10000xf32, #tpu.memory_space<hbm>> -> memref<1x10000xf32, #tpu.memory_space<hbm>>
      %dma_wait3A_68 = tpu.memref_squeeze %dma_wait3A_67 : memref<1x10000xf32, #tpu.memory_space<hbm>> -> memref<10000xf32, #tpu.memory_space<hbm>>
      %dma_wait3A_69 = arith.constant 0 : i32
      %dma_wait3A_70 = tpu.memref_slice %arg4[%add3A, %dma_wait3A_69] : memref<32x10000xf32, #tpu.memory_space<hbm>> -> memref<1x10000xf32, #tpu.memory_space<hbm>>
      %dma_wait3A_71 = tpu.memref_squeeze %dma_wait3A_70 : memref<1x10000xf32, #tpu.memory_space<hbm>> -> memref<10000xf32, #tpu.memory_space<hbm>>
      tpu.wait_dma2 semaphore(%run_scoped3A : memref<!tpu.dma_semaphore, #tpu.memory_space<semaphore_mem>>) src(%arg7 : memref<10000xf32, #tpu.memory_space<vmem>>) dst(%dma_wait3A_71 : memref<10000xf32, #tpu.memory_space<hbm>>)
      tpu.yield
    }) : () -> ()
    return
  }
}

module attributes {stable_mosaic.version = 14 : i64} {
  func.func @body(%arg0: i32, %arg1: memref<2000x256xf32, #tpu.memory_space<vmem>>, %arg2: memref<2000x1xf32, #tpu.memory_space<vmem>>, %arg3: memref<2000x16xf32, #tpu.memory_space<vmem>>, %arg4: memref<2000x16xf32, #tpu.memory_space<vmem>>, %arg5: memref<1x128xf32, #tpu.memory_space<vmem>>, %arg6: memref<1x16xf32, #tpu.memory_space<vmem>>, %arg7: memref<256x256xf32, #tpu.memory_space<vmem>>, %arg8: memref<256x256xf32, #tpu.memory_space<vmem>>, %arg9: memref<256x256xf32, #tpu.memory_space<vmem>>, %arg10: memref<1x256xf32, #tpu.memory_space<vmem>>, %arg11: memref<256x256xf32, #tpu.memory_space<vmem>>, %arg12: memref<256x256xf32, #tpu.memory_space<vmem>>, %arg13: memref<2000x256xf32, #tpu.memory_space<vmem>>, %arg14: memref<2000x256xf32, #tpu.memory_space<vmem>>, %arg15: memref<2000x256xf32, #tpu.memory_space<vmem>>, %arg16: memref<2000x256xf32, #tpu.memory_space<vmem>>, %arg17: memref<2000x256xf32, #tpu.memory_space<vmem>>, %arg18: memref<2000x128xf32, #tpu.memory_space<vmem>>, %arg19: memref<2000x16xf32, #tpu.memory_space<vmem>>) attributes {dimension_semantics = [#tpu.dimension_semantics<arbitrary>], iteration_bounds = array<i64: 5>, scalar_prefetch = 0 : i64, scratch_operands = 0 : i64, tpu.core_type = #tpu.core_type<tc>, window_params = [{transform_indices = @transform_0, window_bounds = array<i64: 2000, 256>}, {transform_indices = @transform_1, window_bounds = array<i64: 2000, 1>}, {transform_indices = @transform_2, window_bounds = array<i64: 2000, 16>}, {transform_indices = @transform_3, window_bounds = array<i64: 2000, 16>}, {pipeline_mode = #tpu.pipeline_mode<synchronous>, transform_indices = @transform_4, window_bounds = array<i64: 1, 128>}, {pipeline_mode = #tpu.pipeline_mode<synchronous>, transform_indices = @transform_5, window_bounds = array<i64: 1, 16>}, {pipeline_mode = #tpu.pipeline_mode<synchronous>, transform_indices = @transform_6, window_bounds = array<i64: 256, 256>}, {pipeline_mode = #tpu.pipeline_mode<synchronous>, transform_indices = @transform_7, window_bounds = array<i64: 256, 256>}, {pipeline_mode = #tpu.pipeline_mode<synchronous>, transform_indices = @transform_8, window_bounds = array<i64: 256, 256>}, {pipeline_mode = #tpu.pipeline_mode<synchronous>, transform_indices = @transform_9, window_bounds = array<i64: 1, 256>}, {pipeline_mode = #tpu.pipeline_mode<synchronous>, transform_indices = @transform_10, window_bounds = array<i64: 256, 256>}, {pipeline_mode = #tpu.pipeline_mode<synchronous>, transform_indices = @transform_11, window_bounds = array<i64: 256, 256>}, {transform_indices = @transform_12, window_bounds = array<i64: 2000, 256>}, {transform_indices = @transform_13, window_bounds = array<i64: 2000, 256>}, {transform_indices = @transform_14, window_bounds = array<i64: 2000, 256>}, {transform_indices = @transform_15, window_bounds = array<i64: 2000, 256>}, {transform_indices = @transform_16, window_bounds = array<i64: 2000, 256>}, {transform_indices = @transform_17, window_bounds = array<i64: 2000, 128>}, {transform_indices = @transform_18, window_bounds = array<i64: 2000, 16>}]} {
    %get3A = arith.constant 0 : index
    %get3A_0 = arith.constant 0 : index
    %get3A_1 = vector.load %arg1[%get3A, %get3A_0] : memref<2000x256xf32, #tpu.memory_space<vmem>>, vector<2000x256xf32>
    %get3A_2 = arith.constant 0 : index
    %get3A_3 = arith.constant 0 : index
    %get3A_4 = vector.load %arg7[%get3A_2, %get3A_3] : memref<256x256xf32, #tpu.memory_space<vmem>>, vector<256x256xf32>
    %dot_general3A = arith.constant dense<0.000000e+00> : vector<2000x256xf32>
    %dot_general3A_5 = tpu.matmul %get3A_1, %get3A_4, %dot_general3A {dimension_numbers = #tpu.dot_dimension_numbers<[1], [0], [0], [1], [0, 0, 1, 1], [], []>, transpose_lhs_hint = false} : vector<2000x256xf32>, vector<256x256xf32>, vector<2000x256xf32> -> vector<2000x256xf32>
    %swap3A = arith.constant 0 : index
    %swap3A_6 = arith.constant 0 : index
    %swap3A_7 = vector.load %arg13[%swap3A, %swap3A_6] : memref<2000x256xf32, #tpu.memory_space<vmem>>, vector<2000x256xf32>
    tpu.vector_store %arg13[%swap3A, %swap3A_6], %dot_general3A_5 {strides = array<i32>} : memref<2000x256xf32, #tpu.memory_space<vmem>>, vector<2000x256xf32>,
    %get3A_8 = arith.constant 0 : index
    %get3A_9 = arith.constant 0 : index
    %get3A_10 = vector.load %arg8[%get3A_8, %get3A_9] : memref<256x256xf32, #tpu.memory_space<vmem>>, vector<256x256xf32>
    %dot_general3A_11 = arith.constant dense<0.000000e+00> : vector<2000x256xf32>
    %dot_general3A_12 = tpu.matmul %get3A_1, %get3A_10, %dot_general3A_11 {dimension_numbers = #tpu.dot_dimension_numbers<[1], [0], [0], [1], [0, 0, 1, 1], [], []>, transpose_lhs_hint = false} : vector<2000x256xf32>, vector<256x256xf32>, vector<2000x256xf32> -> vector<2000x256xf32>
    %swap3A_13 = arith.constant 0 : index
    %swap3A_14 = arith.constant 0 : index
    %swap3A_15 = vector.load %arg14[%swap3A_13, %swap3A_14] : memref<2000x256xf32, #tpu.memory_space<vmem>>, vector<2000x256xf32>
    tpu.vector_store %arg14[%swap3A_13, %swap3A_14], %dot_general3A_12 {strides = array<i32>} : memref<2000x256xf32, #tpu.memory_space<vmem>>, vector<2000x256xf32>,
    %get3A_16 = arith.constant 0 : index
    %get3A_17 = arith.constant 0 : index
    %get3A_18 = vector.load %arg9[%get3A_16, %get3A_17] : memref<256x256xf32, #tpu.memory_space<vmem>>, vector<256x256xf32>
    %dot_general3A_19 = arith.constant dense<0.000000e+00> : vector<2000x256xf32>
    %dot_general3A_20 = tpu.matmul %get3A_1, %get3A_18, %dot_general3A_19 {dimension_numbers = #tpu.dot_dimension_numbers<[1], [0], [0], [1], [0, 0, 1, 1], [], []>, transpose_lhs_hint = false} : vector<2000x256xf32>, vector<256x256xf32>, vector<2000x256xf32> -> vector<2000x256xf32>
    %get3A_21 = arith.constant 0 : index
    %get3A_22 = arith.constant 0 : index
    %get3A_23 = vector.load %arg10[%get3A_21, %get3A_22] : memref<1x256xf32, #tpu.memory_space<vmem>>, vector<1x256xf32>
    %add3A = vector.broadcast %get3A_23 : vector<1x256xf32> to vector<2000x256xf32>
    %add3A_24 = arith.addf %dot_general3A_20, %add3A : vector<2000x256xf32>
    %swap3A_25 = arith.constant 0 : index
    %swap3A_26 = arith.constant 0 : index
    %swap3A_27 = vector.load %arg15[%swap3A_25, %swap3A_26] : memref<2000x256xf32, #tpu.memory_space<vmem>>, vector<2000x256xf32>
    tpu.vector_store %arg15[%swap3A_25, %swap3A_26], %add3A_24 {strides = array<i32>} : memref<2000x256xf32, #tpu.memory_space<vmem>>, vector<2000x256xf32>,
    %get3A_28 = arith.constant 0 : index
    %get3A_29 = arith.constant 0 : index
    %get3A_30 = vector.load %arg11[%get3A_28, %get3A_29] : memref<256x256xf32, #tpu.memory_space<vmem>>, vector<256x256xf32>
    %dot_general3A_31 = arith.constant dense<0.000000e+00> : vector<2000x256xf32>
    %dot_general3A_32 = tpu.matmul %add3A_24, %get3A_30, %dot_general3A_31 {dimension_numbers = #tpu.dot_dimension_numbers<[1], [0], [0], [1], [0, 0, 1, 1], [], []>, transpose_lhs_hint = false} : vector<2000x256xf32>, vector<256x256xf32>, vector<2000x256xf32> -> vector<2000x256xf32>
    %swap3A_33 = arith.constant 0 : index
    %swap3A_34 = arith.constant 0 : index
    %swap3A_35 = vector.load %arg16[%swap3A_33, %swap3A_34] : memref<2000x256xf32, #tpu.memory_space<vmem>>, vector<2000x256xf32>
    tpu.vector_store %arg16[%swap3A_33, %swap3A_34], %dot_general3A_32 {strides = array<i32>} : memref<2000x256xf32, #tpu.memory_space<vmem>>, vector<2000x256xf32>,
    %get3A_36 = arith.constant 0 : index
    %get3A_37 = arith.constant 0 : index
    %get3A_38 = vector.load %arg12[%get3A_36, %get3A_37] : memref<256x256xf32, #tpu.memory_space<vmem>>, vector<256x256xf32>
    %dot_general3A_39 = arith.constant dense<0.000000e+00> : vector<2000x256xf32>
    %dot_general3A_40 = tpu.matmul %add3A_24, %get3A_38, %dot_general3A_39 {dimension_numbers = #tpu.dot_dimension_numbers<[1], [0], [0], [1], [0, 0, 1, 1], [], []>, transpose_lhs_hint = false} : vector<2000x256xf32>, vector<256x256xf32>, vector<2000x256xf32> -> vector<2000x256xf32>
    %swap3A_41 = arith.constant 0 : index
    %swap3A_42 = arith.constant 0 : index
    %swap3A_43 = vector.load %arg17[%swap3A_41, %swap3A_42] : memref<2000x256xf32, #tpu.memory_space<vmem>>, vector<2000x256xf32>
    tpu.vector_store %arg17[%swap3A_41, %swap3A_42], %dot_general3A_40 {strides = array<i32>} : memref<2000x256xf32, #tpu.memory_space<vmem>>, vector<2000x256xf32>,
    %get3A_44 = arith.constant 0 : index
    %get3A_45 = arith.constant 0 : index
    %get3A_46 = vector.load %arg5[%get3A_44, %get3A_45] : memref<1x128xf32, #tpu.memory_space<vmem>>, vector<1x128xf32>
    %div3A = arith.constant 1.000000e+03 : f32
    %div3A_47 = vector.broadcast %div3A : f32 to vector<1x128xf32>
    %div3A_48 = arith.divf %get3A_46, %div3A_47 : vector<1x128xf32>
    %mul3A = arith.constant 0.999998986 : f32
    %mul3A_49 = vector.broadcast %mul3A : f32 to vector<1x128xf32>
    %mul3A_50 = arith.mulf %div3A_48, %mul3A_49 : vector<1x128xf32>
    %add3A_51 = arith.constant 9.99999997E-7 : f32
    %add3A_52 = vector.broadcast %add3A_51 : f32 to vector<1x128xf32>
    %add3A_53 = arith.addf %mul3A_50, %add3A_52 : vector<1x128xf32>
    %iota3A = tpu.iota {dimensions = array<i32: 1>} : vector<1x128xi32>
    %convert_element_type3A = arith.sitofp %iota3A : vector<1x128xi32> to vector<1x128xf32>
    %get3A_54 = arith.constant 0 : index
    %get3A_55 = arith.constant 0 : index
    %get3A_56 = vector.load %arg2[%get3A_54, %get3A_55] : memref<2000x1xf32, #tpu.memory_space<vmem>>, vector<2000x1xf32>
    %eq3A = vector.broadcast %get3A_56 : vector<2000x1xf32> to vector<2000x128xf32>
    %eq3A_57 = vector.broadcast %convert_element_type3A : vector<1x128xf32> to vector<2000x128xf32>
    %eq3A_58 = arith.cmpf oeq, %eq3A, %eq3A_57 : vector<2000x128xf32>
    %jit3A = arith.constant 0.000000e+00 : f32
    %broadcast_in_dim3A = vector.shape_cast %add3A_53 : vector<1x128xf32> to vector<1x128xf32>
    %broadcast_in_dim3A_59 = vector.broadcast %broadcast_in_dim3A : vector<1x128xf32> to vector<2000x128xf32>
    %broadcast_in_dim3A_60 = vector.broadcast %jit3A : f32 to vector<2000x128xf32>
    %select_n3A = arith.select %eq3A_58, %broadcast_in_dim3A_59, %broadcast_in_dim3A_60 : vector<2000x128xi1>, vector<2000x128xf32>
    %reduce_sum3A = arith.constant dense<0.000000e+00> : vector<2000xf32>
    %reduce_sum3A_61 = vector.multi_reduction <add>, %select_n3A, %reduce_sum3A [1] : vector<2000x128xf32> to vector<2000xf32>
    %broadcast_in_dim3A_62 = vector.shape_cast %reduce_sum3A_61 : vector<2000xf32> to vector<2000x1xf32>
    %mul3A_63 = arith.constant 8.51719284 : f32
    %mul3A_64 = vector.broadcast %mul3A_63 : f32 to vector<2000x1xf32>
    %mul3A_65 = arith.mulf %broadcast_in_dim3A_62, %mul3A_64 : vector<2000x1xf32>
    %add3A_66 = arith.constant -4.60517025 : f32
    %add3A_67 = vector.broadcast %add3A_66 : f32 to vector<2000x1xf32>
    %add3A_68 = arith.addf %add3A_67, %mul3A_65 : vector<2000x1xf32>
    %exp3A = math.exp %add3A_68 : vector<2000x1xf32>
    %get3A_69 = arith.constant 0 : index
    %get3A_70 = arith.constant 0 : index
    %get3A_71 = vector.load %arg3[%get3A_69, %get3A_70] : memref<2000x16xf32, #tpu.memory_space<vmem>>, vector<2000x16xf32>
    %get3A_72 = arith.constant 0 : index
    %get3A_73 = arith.constant 0 : index
    %get3A_74 = vector.load %arg4[%get3A_72, %get3A_73] : memref<2000x16xf32, #tpu.memory_space<vmem>>, vector<2000x16xf32>
    %mul3A_75 = vector.broadcast %exp3A : vector<2000x1xf32> to vector<2000x16xf32>
    %mul3A_76 = arith.mulf %mul3A_75, %get3A_74 : vector<2000x16xf32>
    %add3A_77 = arith.addf %get3A_71, %mul3A_76 : vector<2000x16xf32>
    %broadcast_in_dim3A_78 = arith.constant 0.000000e+00 : f32
    %broadcast_in_dim3A_79 = vector.broadcast %broadcast_in_dim3A_78 : f32 to vector<2000x112xf32>
    %concatenate3A = tpu.concatenate %add3A_77, %broadcast_in_dim3A_79 in 1 : vector<2000x16xf32>, vector<2000x112xf32> -> vector<2000x128xf32>
    %swap3A_80 = arith.constant 0 : index
    %swap3A_81 = arith.constant 0 : index
    %swap3A_82 = vector.load %arg18[%swap3A_80, %swap3A_81] : memref<2000x128xf32, #tpu.memory_space<vmem>>, vector<2000x128xf32>
    tpu.vector_store %arg18[%swap3A_80, %swap3A_81], %concatenate3A {strides = array<i32>} : memref<2000x128xf32, #tpu.memory_space<vmem>>, vector<2000x128xf32>,
    %get3A_83 = arith.constant 0 : index
    %get3A_84 = arith.constant 0 : index
    %get3A_85 = vector.load %arg6[%get3A_83, %get3A_84] : memref<1x16xf32, #tpu.memory_space<vmem>>, vector<1x16xf32>
    %mul3A_86 = vector.broadcast %get3A_85 : vector<1x16xf32> to vector<2000x16xf32>
    %mul3A_87 = vector.broadcast %add3A_68 : vector<2000x1xf32> to vector<2000x16xf32>
    %mul3A_88 = arith.mulf %mul3A_86, %mul3A_87 : vector<2000x16xf32>
    %exp3A_89 = math.exp %mul3A_88 : vector<2000x16xf32>
    %swap3A_90 = arith.constant 0 : index
    %swap3A_91 = arith.constant 0 : index
    %swap3A_92 = vector.load %arg19[%swap3A_90, %swap3A_91] : memref<2000x16xf32, #tpu.memory_space<vmem>>, vector<2000x16xf32>
    tpu.vector_store %arg19[%swap3A_90, %swap3A_91], %exp3A_89 {strides = array<i32>} : memref<2000x16xf32, #tpu.memory_space<vmem>>, vector<2000x16xf32>,
    return
  }
  func.func @transform_0(%arg0: i32) -> (i32, i32) {
    %c0_i32 = arith.constant 0 : i32
    %c0_i32_0 = arith.constant 0 : i32
    return %arg0, %c0_i32 : i32, i32
  }
  func.func @transform_1(%arg0: i32) -> (i32, i32) {
    %c0_i32 = arith.constant 0 : i32
    %c0_i32_0 = arith.constant 0 : i32
    return %arg0, %c0_i32 : i32, i32
  }
  func.func @transform_2(%arg0: i32) -> (i32, i32) {
    %c0_i32 = arith.constant 0 : i32
    %c0_i32_0 = arith.constant 0 : i32
    return %arg0, %c0_i32 : i32, i32
  }
  func.func @transform_3(%arg0: i32) -> (i32, i32) {
    %c0_i32 = arith.constant 0 : i32
    %c0_i32_0 = arith.constant 0 : i32
    return %arg0, %c0_i32 : i32, i32
  }
  func.func @transform_4(%arg0: i32) -> (i32, i32) {
    %c0_i32 = arith.constant 0 : i32
    %c0_i32_0 = arith.constant 0 : i32
    %c0_i32_1 = arith.constant 0 : i32
    return %c0_i32, %c0_i32_0 : i32, i32
  }
  func.func @transform_5(%arg0: i32) -> (i32, i32) {
    %c0_i32 = arith.constant 0 : i32
    %c0_i32_0 = arith.constant 0 : i32
    %c0_i32_1 = arith.constant 0 : i32
    return %c0_i32, %c0_i32_0 : i32, i32
  }
  func.func @transform_6(%arg0: i32) -> (i32, i32) {
    %c0_i32 = arith.constant 0 : i32
    %c0_i32_0 = arith.constant 0 : i32
    %c0_i32_1 = arith.constant 0 : i32
    return %c0_i32, %c0_i32_0 : i32, i32
  }
  func.func @transform_7(%arg0: i32) -> (i32, i32) {
    %c0_i32 = arith.constant 0 : i32
    %c0_i32_0 = arith.constant 0 : i32
    %c0_i32_1 = arith.constant 0 : i32
    return %c0_i32, %c0_i32_0 : i32, i32
  }
  func.func @transform_8(%arg0: i32) -> (i32, i32) {
    %c0_i32 = arith.constant 0 : i32
    %c0_i32_0 = arith.constant 0 : i32
    %c0_i32_1 = arith.constant 0 : i32
    return %c0_i32, %c0_i32_0 : i32, i32
  }
  func.func @transform_9(%arg0: i32) -> (i32, i32) {
    %c0_i32 = arith.constant 0 : i32
    %c0_i32_0 = arith.constant 0 : i32
    %c0_i32_1 = arith.constant 0 : i32
    return %c0_i32, %c0_i32_0 : i32, i32
  }
  func.func @transform_10(%arg0: i32) -> (i32, i32) {
    %c0_i32 = arith.constant 0 : i32
    %c0_i32_0 = arith.constant 0 : i32
    %c0_i32_1 = arith.constant 0 : i32
    return %c0_i32, %c0_i32_0 : i32, i32
  }
  func.func @transform_11(%arg0: i32) -> (i32, i32) {
    %c0_i32 = arith.constant 0 : i32
    %c0_i32_0 = arith.constant 0 : i32
    %c0_i32_1 = arith.constant 0 : i32
    return %c0_i32, %c0_i32_0 : i32, i32
  }
  func.func @transform_12(%arg0: i32) -> (i32, i32) {
    %c0_i32 = arith.constant 0 : i32
    %c0_i32_0 = arith.constant 0 : i32
    return %arg0, %c0_i32 : i32, i32
  }
  func.func @transform_13(%arg0: i32) -> (i32, i32) {
    %c0_i32 = arith.constant 0 : i32
    %c0_i32_0 = arith.constant 0 : i32
    return %arg0, %c0_i32 : i32, i32
  }
  func.func @transform_14(%arg0: i32) -> (i32, i32) {
    %c0_i32 = arith.constant 0 : i32
    %c0_i32_0 = arith.constant 0 : i32
    return %arg0, %c0_i32 : i32, i32
  }
  func.func @transform_15(%arg0: i32) -> (i32, i32) {
    %c0_i32 = arith.constant 0 : i32
    %c0_i32_0 = arith.constant 0 : i32
    return %arg0, %c0_i32 : i32, i32
  }
  func.func @transform_16(%arg0: i32) -> (i32, i32) {
    %c0_i32 = arith.constant 0 : i32
    %c0_i32_0 = arith.constant 0 : i32
    return %arg0, %c0_i32 : i32, i32
  }
  func.func @transform_17(%arg0: i32) -> (i32, i32) {
    %c0_i32 = arith.constant 0 : i32
    %c0_i32_0 = arith.constant 0 : i32
    return %arg0, %c0_i32 : i32, i32
  }
  func.func @transform_18(%arg0: i32) -> (i32, i32) {
    %c0_i32 = arith.constant 0 : i32
    %c0_i32_0 = arith.constant 0 : i32
    return %arg0, %c0_i32 : i32, i32
  }
}

module attributes {stable_mosaic.version = 14 : i64} {
  func.func @body(%arg0: memref<1024x256xf32, #tpu.memory_space<vmem>>, %arg1: memref<256x256xf32, #tpu.memory_space<vmem>>, %arg2: memref<256x256xf32, #tpu.memory_space<vmem>>, %arg3: memref<1x256xf32, #tpu.memory_space<vmem>>, %arg4: memref<1x256xf32, #tpu.memory_space<vmem>>, %arg5: memref<1024x256xf32, #tpu.memory_space<vmem>>, %arg6: memref<1024x256xf32, #tpu.memory_space<vmem>>, %arg7: memref<1x256xf32, #tpu.memory_space<vmem>>) attributes {dimension_semantics = [], scalar_prefetch = 0 : i64, scratch_operands = 0 : i64, tpu.core_type = #tpu.core_type<tc>} {
    %get3A = arith.constant 0 : index
    %get3A_0 = arith.constant 0 : index
    %get3A_1 = vector.load %arg0[%get3A, %get3A_0] : memref<1024x256xf32, #tpu.memory_space<vmem>>, vector<1024x256xf32>
    %get3A_2 = arith.constant 0 : index
    %get3A_3 = arith.constant 0 : index
    %get3A_4 = vector.load %arg1[%get3A_2, %get3A_3] : memref<256x256xf32, #tpu.memory_space<vmem>>, vector<256x256xf32>
    %dot_general3A = arith.constant dense<0.000000e+00> : vector<1024x256xf32>
    %dot_general3A_5 = tpu.matmul %get3A_1, %get3A_4, %dot_general3A {dimension_numbers = #tpu.dot_dimension_numbers<[1], [0], [0], [1], [0, 0, 1, 1], [], []>, transpose_lhs_hint = false} : vector<1024x256xf32>, vector<256x256xf32>, vector<1024x256xf32> -> vector<1024x256xf32>
    %swap3A = arith.constant 0 : index
    %swap3A_6 = arith.constant 0 : index
    %swap3A_7 = vector.load %arg5[%swap3A, %swap3A_6] : memref<1024x256xf32, #tpu.memory_space<vmem>>, vector<1024x256xf32>
    tpu.vector_store %arg5[%swap3A, %swap3A_6], %dot_general3A_5 {strides = array<i32>} : memref<1024x256xf32, #tpu.memory_space<vmem>>, vector<1024x256xf32>,
    %get3A_8 = arith.constant 0 : index
    %get3A_9 = arith.constant 0 : index
    %get3A_10 = vector.load %arg0[%get3A_8, %get3A_9] : memref<1024x256xf32, #tpu.memory_space<vmem>>, vector<1024x256xf32>
    %get3A_11 = arith.constant 0 : index
    %get3A_12 = arith.constant 0 : index
    %get3A_13 = vector.load %arg2[%get3A_11, %get3A_12] : memref<256x256xf32, #tpu.memory_space<vmem>>, vector<256x256xf32>
    %dot_general3A_14 = arith.constant dense<0.000000e+00> : vector<1024x256xf32>
    %dot_general3A_15 = tpu.matmul %get3A_10, %get3A_13, %dot_general3A_14 {dimension_numbers = #tpu.dot_dimension_numbers<[1], [0], [0], [1], [0, 0, 1, 1], [], []>, transpose_lhs_hint = false} : vector<1024x256xf32>, vector<256x256xf32>, vector<1024x256xf32> -> vector<1024x256xf32>
    %swap3A_16 = arith.constant 0 : index
    %swap3A_17 = arith.constant 0 : index
    %swap3A_18 = vector.load %arg6[%swap3A_16, %swap3A_17] : memref<1024x256xf32, #tpu.memory_space<vmem>>, vector<1024x256xf32>
    tpu.vector_store %arg6[%swap3A_16, %swap3A_17], %dot_general3A_15 {strides = array<i32>} : memref<1024x256xf32, #tpu.memory_space<vmem>>, vector<1024x256xf32>,
    %get3A_19 = arith.constant 0 : index
    %get3A_20 = arith.constant 0 : index
    %get3A_21 = vector.load %arg4[%get3A_19, %get3A_20] : memref<1x256xf32, #tpu.memory_space<vmem>>, vector<1x256xf32>
    %get3A_22 = arith.constant 0 : index
    %get3A_23 = arith.constant 0 : index
    %get3A_24 = vector.load %arg3[%get3A_22, %get3A_23] : memref<1x256xf32, #tpu.memory_space<vmem>>, vector<1x256xf32>
    %get3A_25 = arith.constant 0 : index
    %get3A_26 = arith.constant 0 : index
    %get3A_27 = vector.load %arg1[%get3A_25, %get3A_26] : memref<256x256xf32, #tpu.memory_space<vmem>>, vector<256x256xf32>
    %dot_general3A_28 = arith.constant dense<0.000000e+00> : vector<1x256xf32>
    %dot_general3A_29 = tpu.matmul %get3A_24, %get3A_27, %dot_general3A_28 {dimension_numbers = #tpu.dot_dimension_numbers<[1], [0], [0], [1], [0, 0, 1, 1], [], []>, transpose_lhs_hint = false} : vector<1x256xf32>, vector<256x256xf32>, vector<1x256xf32> -> vector<1x256xf32>
    %add3A = arith.addf %get3A_21, %dot_general3A_29 : vector<1x256xf32>
    %get3A_30 = arith.constant 0 : index
    %get3A_31 = arith.constant 0 : index
    %get3A_32 = vector.load %arg3[%get3A_30, %get3A_31] : memref<1x256xf32, #tpu.memory_space<vmem>>, vector<1x256xf32>
    %get3A_33 = arith.constant 0 : index
    %get3A_34 = arith.constant 0 : index
    %get3A_35 = vector.load %arg2[%get3A_33, %get3A_34] : memref<256x256xf32, #tpu.memory_space<vmem>>, vector<256x256xf32>
    %dot_general3A_36 = arith.constant dense<0.000000e+00> : vector<1x256xf32>
    %dot_general3A_37 = tpu.matmul %get3A_32, %get3A_35, %dot_general3A_36 {dimension_numbers = #tpu.dot_dimension_numbers<[1], [0], [0], [1], [0, 0, 1, 1], [], []>, transpose_lhs_hint = false} : vector<1x256xf32>, vector<256x256xf32>, vector<1x256xf32> -> vector<1x256xf32>
    %add3A_38 = arith.addf %add3A, %dot_general3A_37 : vector<1x256xf32>
    %swap3A_39 = arith.constant 0 : index
    %swap3A_40 = arith.constant 0 : index
    %swap3A_41 = vector.load %arg7[%swap3A_39, %swap3A_40] : memref<1x256xf32, #tpu.memory_space<vmem>>, vector<1x256xf32>
    tpu.vector_store %arg7[%swap3A_39, %swap3A_40], %add3A_38 {strides = array<i32>} : memref<1x256xf32, #tpu.memory_space<vmem>>, vector<1x256xf32>,
    return
  }
}

module attributes {stable_mosaic.version = 14 : i64} {
  func.func @body(%arg0: i32, %arg1: memref<640x256xf32, #tpu.memory_space<vmem>>, %arg2: memref<640x256xf32, #tpu.memory_space<vmem>>, %arg3: memref<640x128xf32, #tpu.memory_space<vmem>>, %arg4: memref<640x128xf32, #tpu.memory_space<vmem>>, %arg5: memref<1024x256xf32, #tpu.memory_space<vmem>>, %arg6: memref<1024x256xf32, #tpu.memory_space<vmem>>, %arg7: memref<256x256xf32, #tpu.memory_space<vmem>>, %arg8: memref<8x256xf32, #tpu.memory_space<vmem>>, %arg9: memref<1x256xf32, #tpu.memory_space<vmem>>, %arg10: memref<1x256xf32, #tpu.memory_space<vmem>>, %arg11: memref<1x256xf32, #tpu.memory_space<vmem>>, %arg12: memref<1x256xf32, #tpu.memory_space<vmem>>, %arg13: memref<640x256xf32, #tpu.memory_space<vmem>>, %arg14: memref<640x256xf32, #tpu.memory_space<vmem>>, %arg15: memref<640x16xf32, #tpu.memory_space<vmem>>, %arg16: memref<640x16xf32, #tpu.memory_space<vmem>>, %arg17: memref<640x16xf32, #tpu.memory_space<vmem>>, %arg18: memref<8x256xf32, #tpu.memory_space<vmem>>) attributes {dimension_semantics = [#tpu.dimension_semantics<arbitrary>], iteration_bounds = array<i64: 250>, scalar_prefetch = 0 : i64, scratch_operands = 0 : i64, tpu.core_type = #tpu.core_type<tc>, window_params = [{transform_indices = @transform_0, window_bounds = array<i64: 640, 256>}, {transform_indices = @transform_1, window_bounds = array<i64: 640, 256>}, {transform_indices = @transform_2, window_bounds = array<i64: 640, 128>}, {transform_indices = @transform_3, window_bounds = array<i64: 640, 128>}, {pipeline_mode = #tpu.pipeline_mode<synchronous>, transform_indices = @transform_4, window_bounds = array<i64: 1024, 256>}, {pipeline_mode = #tpu.pipeline_mode<synchronous>, transform_indices = @transform_5, window_bounds = array<i64: 1024, 256>}, {pipeline_mode = #tpu.pipeline_mode<synchronous>, transform_indices = @transform_6, window_bounds = array<i64: 256, 256>}, {pipeline_mode = #tpu.pipeline_mode<synchronous>, transform_indices = @transform_7, window_bounds = array<i64: 8, 256>}, {pipeline_mode = #tpu.pipeline_mode<synchronous>, transform_indices = @transform_8, window_bounds = array<i64: 1, 256>}, {pipeline_mode = #tpu.pipeline_mode<synchronous>, transform_indices = @transform_9, window_bounds = array<i64: 1, 256>}, {pipeline_mode = #tpu.pipeline_mode<synchronous>, transform_indices = @transform_10, window_bounds = array<i64: 1, 256>}, {pipeline_mode = #tpu.pipeline_mode<synchronous>, transform_indices = @transform_11, window_bounds = array<i64: 1, 256>}, {transform_indices = @transform_12, window_bounds = array<i64: 640, 256>}, {transform_indices = @transform_13, window_bounds = array<i64: 640, 256>}, {transform_indices = @transform_14, window_bounds = array<i64: 640, 16>}, {transform_indices = @transform_15, window_bounds = array<i64: 640, 16>}, {transform_indices = @transform_16, window_bounds = array<i64: 640, 16>}, {pipeline_mode = #tpu.pipeline_mode<synchronous>, transform_indices = @transform_17, window_bounds = array<i64: 8, 256>}]} {
    %get3A = arith.constant 0 : index
    %get3A_0 = arith.constant 0 : index
    %get3A_1 = vector.load %arg1[%get3A, %get3A_0] : memref<640x256xf32, #tpu.memory_space<vmem>>, vector<640x256xf32>
    %get3A_2 = arith.constant 0 : index
    %get3A_3 = arith.constant 0 : index
    %get3A_4 = vector.load %arg2[%get3A_2, %get3A_3] : memref<640x256xf32, #tpu.memory_space<vmem>>, vector<640x256xf32>
    %add3A = arith.addf %get3A_1, %get3A_4 : vector<640x256xf32>
    %get3A_5 = arith.constant 0 : index
    %get3A_6 = arith.constant 0 : index
    %get3A_7 = vector.load %arg10[%get3A_5, %get3A_6] : memref<1x256xf32, #tpu.memory_space<vmem>>, vector<1x256xf32>
    %add3A_8 = vector.broadcast %get3A_7 : vector<1x256xf32> to vector<640x256xf32>
    %add3A_9 = arith.addf %add3A, %add3A_8 : vector<640x256xf32>
    %swap3A = arith.constant 0 : index
    %swap3A_10 = arith.constant 0 : index
    %swap3A_11 = vector.load %arg13[%swap3A, %swap3A_10] : memref<640x256xf32, #tpu.memory_space<vmem>>, vector<640x256xf32>
    tpu.vector_store %arg13[%swap3A, %swap3A_10], %add3A_9 {strides = array<i32>} : memref<640x256xf32, #tpu.memory_space<vmem>>, vector<640x256xf32>,
    %eq3A = arith.constant 0 : i32
    %eq3A_12 = arith.cmpi eq, %arg0, %eq3A : i32
    %convert_element_type3A = arith.extui %eq3A_12 : i1 to i32
    %cond3A = arith.constant 0 : i32
    %cond3A_13 = arith.cmpi ne, %convert_element_type3A, %cond3A : i32
    scf.if %cond3A_13 {
      %broadcast_in_dim3A_289 = arith.constant 0.000000e+00 : f32
      %broadcast_in_dim3A_290 = vector.broadcast %broadcast_in_dim3A_289 : f32 to vector<8x256xf32>
      %swap3A_291 = arith.constant 0 : index
      %swap3A_292 = arith.constant 0 : index
      %swap3A_293 = vector.load %arg18[%swap3A_291, %swap3A_292] : memref<8x256xf32, #tpu.memory_space<vmem>>, vector<8x256xf32>
      tpu.vector_store %arg18[%swap3A_291, %swap3A_292], %broadcast_in_dim3A_290 {strides = array<i32>} : memref<8x256xf32, #tpu.memory_space<vmem>>, vector<8x256xf32>,
    } else {
    }
    %get3A_14 = arith.constant 0 : index
    %get3A_15 = arith.constant 0 : index
    %get3A_16 = vector.load %arg18[%get3A_14, %get3A_15] : memref<8x256xf32, #tpu.memory_space<vmem>>, vector<1x256xf32>
    %reduce_sum3A = arith.constant dense<0.000000e+00> : vector<256xf32>
    %reduce_sum3A_17 = vector.multi_reduction <add>, %add3A_9, %reduce_sum3A [0] : vector<640x256xf32> to vector<256xf32>
    %broadcast_in_dim3A = vector.shape_cast %reduce_sum3A_17 : vector<256xf32> to vector<1x256xf32>
    %add3A_18 = arith.addf %get3A_16, %broadcast_in_dim3A : vector<1x256xf32>
    %swap3A_19 = arith.constant 0 : index
    %swap3A_20 = arith.constant 0 : index
    %swap3A_21 = vector.load %arg18[%swap3A_19, %swap3A_20] : memref<8x256xf32, #tpu.memory_space<vmem>>, vector<1x256xf32>
    tpu.vector_store %arg18[%swap3A_19, %swap3A_20], %add3A_18 {strides = array<i32>} : memref<8x256xf32, #tpu.memory_space<vmem>>, vector<1x256xf32>,
    %get3A_22 = arith.constant 1 : index
    %get3A_23 = arith.constant 0 : index
    %get3A_24 = vector.load %arg18[%get3A_22, %get3A_23] : memref<8x256xf32, #tpu.memory_space<vmem>>, vector<1x256xf32>
    %mul3A = arith.mulf %add3A_9, %add3A_9 : vector<640x256xf32>
    %reduce_sum3A_25 = arith.constant dense<0.000000e+00> : vector<256xf32>
    %reduce_sum3A_26 = vector.multi_reduction <add>, %mul3A, %reduce_sum3A_25 [0] : vector<640x256xf32> to vector<256xf32>
    %broadcast_in_dim3A_27 = vector.shape_cast %reduce_sum3A_26 : vector<256xf32> to vector<1x256xf32>
    %add3A_28 = arith.addf %get3A_24, %broadcast_in_dim3A_27 : vector<1x256xf32>
    %swap3A_29 = arith.constant 1 : index
    %swap3A_30 = arith.constant 0 : index
    %swap3A_31 = vector.load %arg18[%swap3A_29, %swap3A_30] : memref<8x256xf32, #tpu.memory_space<vmem>>, vector<1x256xf32>
    tpu.vector_store %arg18[%swap3A_29, %swap3A_30], %add3A_28 {strides = array<i32>} : memref<8x256xf32, #tpu.memory_space<vmem>>, vector<1x256xf32>,
    %get3A_32 = arith.constant 0 : index
    %get3A_33 = arith.constant 0 : index
    %get3A_34 = vector.load %arg3[%get3A_32, %get3A_33] : memref<640x128xf32, #tpu.memory_space<vmem>>, vector<640x128xf32>
    %get3A_35 = arith.constant 0 : index
    %get3A_36 = arith.constant 0 : index
    %get3A_37 = vector.load %arg4[%get3A_35, %get3A_36] : memref<640x128xf32, #tpu.memory_space<vmem>>, vector<640x128xf32>
    %slice3A = vector.extract_strided_slice %get3A_34 {offsets = [0, 0], sizes = [640, 1], strides = [1, 1]} : vector<640x128xf32> to vector<640x1xf32>
    %slice3A_38 = vector.extract_strided_slice %get3A_34 {offsets = [0, 1], sizes = [640, 1], strides = [1, 1]} : vector<640x128xf32> to vector<640x1xf32>
    %slice3A_39 = vector.extract_strided_slice %get3A_34 {offsets = [0, 2], sizes = [640, 1], strides = [1, 1]} : vector<640x128xf32> to vector<640x1xf32>
    %slice3A_40 = vector.extract_strided_slice %get3A_37 {offsets = [0, 0], sizes = [640, 1], strides = [1, 1]} : vector<640x128xf32> to vector<640x1xf32>
    %slice3A_41 = vector.extract_strided_slice %get3A_37 {offsets = [0, 1], sizes = [640, 1], strides = [1, 1]} : vector<640x128xf32> to vector<640x1xf32>
    %slice3A_42 = vector.extract_strided_slice %get3A_37 {offsets = [0, 2], sizes = [640, 1], strides = [1, 1]} : vector<640x128xf32> to vector<640x1xf32>
    %sub3A = arith.subf %get3A_34, %get3A_37 : vector<640x128xf32>
    %mul3A_43 = arith.mulf %sub3A, %sub3A : vector<640x128xf32>
    %reduce_sum3A_44 = arith.constant dense<0.000000e+00> : vector<640xf32>
    %reduce_sum3A_45 = vector.multi_reduction <add>, %mul3A_43, %reduce_sum3A_44 [1] : vector<640x128xf32> to vector<640xf32>
    %broadcast_in_dim3A_46 = vector.shape_cast %reduce_sum3A_45 : vector<640xf32> to vector<640x1xf32>
    %sqrt3A = math.sqrt %broadcast_in_dim3A_46 : vector<640x1xf32>
    %add3A_47 = arith.constant 9.99999997E-7 : f32
    %add3A_48 = vector.broadcast %add3A_47 : f32 to vector<640x1xf32>
    %add3A_49 = arith.addf %sqrt3A, %add3A_48 : vector<640x1xf32>
    %div3A = vector.broadcast %add3A_49 : vector<640x1xf32> to vector<640x128xf32>
    %div3A_50 = arith.divf %sub3A, %div3A : vector<640x128xf32>
    %slice3A_51 = vector.extract_strided_slice %div3A_50 {offsets = [0, 0], sizes = [640, 1], strides = [1, 1]} : vector<640x128xf32> to vector<640x1xf32>
    %slice3A_52 = vector.extract_strided_slice %div3A_50 {offsets = [0, 1], sizes = [640, 1], strides = [1, 1]} : vector<640x128xf32> to vector<640x1xf32>
    %slice3A_53 = vector.extract_strided_slice %div3A_50 {offsets = [0, 2], sizes = [640, 1], strides = [1, 1]} : vector<640x128xf32> to vector<640x1xf32>
    %mul3A_54 = arith.mulf %slice3A_38, %slice3A_42 : vector<640x1xf32>
    %mul3A_55 = arith.mulf %slice3A_39, %slice3A_41 : vector<640x1xf32>
    %sub3A_56 = arith.subf %mul3A_54, %mul3A_55 : vector<640x1xf32>
    %mul3A_57 = arith.mulf %slice3A_39, %slice3A_40 : vector<640x1xf32>
    %mul3A_58 = arith.mulf %slice3A, %slice3A_42 : vector<640x1xf32>
    %sub3A_59 = arith.subf %mul3A_57, %mul3A_58 : vector<640x1xf32>
    %mul3A_60 = arith.mulf %slice3A, %slice3A_41 : vector<640x1xf32>
    %mul3A_61 = arith.mulf %slice3A_38, %slice3A_40 : vector<640x1xf32>
    %sub3A_62 = arith.subf %mul3A_60, %mul3A_61 : vector<640x1xf32>
    %mul3A_63 = arith.mulf %sub3A_56, %sub3A_56 : vector<640x1xf32>
    %mul3A_64 = arith.mulf %sub3A_59, %sub3A_59 : vector<640x1xf32>
    %add3A_65 = arith.addf %mul3A_63, %mul3A_64 : vector<640x1xf32>
    %mul3A_66 = arith.mulf %sub3A_62, %sub3A_62 : vector<640x1xf32>
    %add3A_67 = arith.addf %add3A_65, %mul3A_66 : vector<640x1xf32>
    %sqrt3A_68 = math.sqrt %add3A_67 : vector<640x1xf32>
    %add3A_69 = arith.constant 9.99999997E-7 : f32
    %add3A_70 = vector.broadcast %add3A_69 : f32 to vector<640x1xf32>
    %add3A_71 = arith.addf %sqrt3A_68, %add3A_70 : vector<640x1xf32>
    %div3A_72 = arith.divf %sub3A_56, %add3A_71 : vector<640x1xf32>
    %div3A_73 = arith.divf %sub3A_59, %add3A_71 : vector<640x1xf32>
    %div3A_74 = arith.divf %sub3A_62, %add3A_71 : vector<640x1xf32>
    %mul3A_75 = arith.mulf %slice3A_52, %div3A_74 : vector<640x1xf32>
    %mul3A_76 = arith.mulf %slice3A_53, %div3A_73 : vector<640x1xf32>
    %sub3A_77 = arith.subf %mul3A_75, %mul3A_76 : vector<640x1xf32>
    %mul3A_78 = arith.mulf %slice3A_53, %div3A_72 : vector<640x1xf32>
    %mul3A_79 = arith.mulf %slice3A_51, %div3A_74 : vector<640x1xf32>
    %sub3A_80 = arith.subf %mul3A_78, %mul3A_79 : vector<640x1xf32>
    %mul3A_81 = arith.mulf %slice3A_51, %div3A_73 : vector<640x1xf32>
    %mul3A_82 = arith.mulf %slice3A_52, %div3A_72 : vector<640x1xf32>
    %sub3A_83 = arith.subf %mul3A_81, %mul3A_82 : vector<640x1xf32>
    %broadcast_in_dim3A_84 = arith.constant 0.000000e+00 : f32
    %broadcast_in_dim3A_85 = vector.broadcast %broadcast_in_dim3A_84 : f32 to vector<640x13xf32>
    %concatenate3A = tpu.concatenate %slice3A_51, %slice3A_52, %slice3A_53, %broadcast_in_dim3A_85 in 1 : vector<640x1xf32>, vector<640x1xf32>, vector<640x1xf32>, vector<640x13xf32> -> vector<640x16xf32>
    %swap3A_86 = arith.constant 0 : index
    %swap3A_87 = arith.constant 0 : index
    %swap3A_88 = vector.load %arg15[%swap3A_86, %swap3A_87] : memref<640x16xf32, #tpu.memory_space<vmem>>, vector<640x16xf32>
    tpu.vector_store %arg15[%swap3A_86, %swap3A_87], %concatenate3A {strides = array<i32>} : memref<640x16xf32, #tpu.memory_space<vmem>>, vector<640x16xf32>,
    %concatenate3A_89 = tpu.concatenate %div3A_72, %div3A_73, %div3A_74, %broadcast_in_dim3A_85 in 1 : vector<640x1xf32>, vector<640x1xf32>, vector<640x1xf32>, vector<640x13xf32> -> vector<640x16xf32>
    %swap3A_90 = arith.constant 0 : index
    %swap3A_91 = arith.constant 0 : index
    %swap3A_92 = vector.load %arg16[%swap3A_90, %swap3A_91] : memref<640x16xf32, #tpu.memory_space<vmem>>, vector<640x16xf32>
    tpu.vector_store %arg16[%swap3A_90, %swap3A_91], %concatenate3A_89 {strides = array<i32>} : memref<640x16xf32, #tpu.memory_space<vmem>>, vector<640x16xf32>,
    %concatenate3A_93 = tpu.concatenate %sub3A_77, %sub3A_80, %sub3A_83, %broadcast_in_dim3A_85 in 1 : vector<640x1xf32>, vector<640x1xf32>, vector<640x1xf32>, vector<640x13xf32> -> vector<640x16xf32>
    %swap3A_94 = arith.constant 0 : index
    %swap3A_95 = arith.constant 0 : index
    %swap3A_96 = vector.load %arg17[%swap3A_94, %swap3A_95] : memref<640x16xf32, #tpu.memory_space<vmem>>, vector<640x16xf32>
    tpu.vector_store %arg17[%swap3A_94, %swap3A_95], %concatenate3A_93 {strides = array<i32>} : memref<640x16xf32, #tpu.memory_space<vmem>>, vector<640x16xf32>,
    %mul3A_97 = arith.mulf %slice3A_51, %slice3A : vector<640x1xf32>
    %mul3A_98 = arith.mulf %slice3A_52, %slice3A_38 : vector<640x1xf32>
    %add3A_99 = arith.addf %mul3A_97, %mul3A_98 : vector<640x1xf32>
    %mul3A_100 = arith.mulf %slice3A_53, %slice3A_39 : vector<640x1xf32>
    %add3A_101 = arith.addf %add3A_99, %mul3A_100 : vector<640x1xf32>
    %mul3A_102 = arith.mulf %div3A_72, %slice3A : vector<640x1xf32>
    %mul3A_103 = arith.mulf %div3A_73, %slice3A_38 : vector<640x1xf32>
    %add3A_104 = arith.addf %mul3A_102, %mul3A_103 : vector<640x1xf32>
    %mul3A_105 = arith.mulf %div3A_74, %slice3A_39 : vector<640x1xf32>
    %add3A_106 = arith.addf %add3A_104, %mul3A_105 : vector<640x1xf32>
    %abs3A = math.absf %add3A_106 : vector<640x1xf32>
    %mul3A_107 = arith.mulf %sub3A_77, %slice3A : vector<640x1xf32>
    %mul3A_108 = arith.mulf %sub3A_80, %slice3A_38 : vector<640x1xf32>
    %add3A_109 = arith.addf %mul3A_107, %mul3A_108 : vector<640x1xf32>
    %mul3A_110 = arith.mulf %sub3A_83, %slice3A_39 : vector<640x1xf32>
    %add3A_111 = arith.addf %add3A_109, %mul3A_110 : vector<640x1xf32>
    %mul3A_112 = arith.mulf %slice3A_51, %slice3A_40 : vector<640x1xf32>
    %mul3A_113 = arith.mulf %slice3A_52, %slice3A_41 : vector<640x1xf32>
    %add3A_114 = arith.addf %mul3A_112, %mul3A_113 : vector<640x1xf32>
    %mul3A_115 = arith.mulf %slice3A_53, %slice3A_42 : vector<640x1xf32>
    %add3A_116 = arith.addf %add3A_114, %mul3A_115 : vector<640x1xf32>
    %mul3A_117 = arith.mulf %div3A_72, %slice3A_40 : vector<640x1xf32>
    %mul3A_118 = arith.mulf %div3A_73, %slice3A_41 : vector<640x1xf32>
    %add3A_119 = arith.addf %mul3A_117, %mul3A_118 : vector<640x1xf32>
    %mul3A_120 = arith.mulf %div3A_74, %slice3A_42 : vector<640x1xf32>
    %add3A_121 = arith.addf %add3A_119, %mul3A_120 : vector<640x1xf32>
    %abs3A_122 = math.absf %add3A_121 : vector<640x1xf32>
    %mul3A_123 = arith.mulf %sub3A_77, %slice3A_40 : vector<640x1xf32>
    %mul3A_124 = arith.mulf %sub3A_80, %slice3A_41 : vector<640x1xf32>
    %add3A_125 = arith.addf %mul3A_123, %mul3A_124 : vector<640x1xf32>
    %mul3A_126 = arith.mulf %sub3A_83, %slice3A_42 : vector<640x1xf32>
    %add3A_127 = arith.addf %add3A_125, %mul3A_126 : vector<640x1xf32>
    %mul3A_128 = arith.mulf %add3A_101, %add3A_101 : vector<640x1xf32>
    %mul3A_129 = arith.mulf %abs3A, %abs3A : vector<640x1xf32>
    %add3A_130 = arith.addf %mul3A_128, %mul3A_129 : vector<640x1xf32>
    %mul3A_131 = arith.mulf %add3A_111, %add3A_111 : vector<640x1xf32>
    %add3A_132 = arith.addf %add3A_130, %mul3A_131 : vector<640x1xf32>
    %sqrt3A_133 = math.sqrt %add3A_132 : vector<640x1xf32>
    %mul3A_134 = arith.mulf %add3A_116, %add3A_116 : vector<640x1xf32>
    %mul3A_135 = arith.mulf %abs3A_122, %abs3A_122 : vector<640x1xf32>
    %add3A_136 = arith.addf %mul3A_134, %mul3A_135 : vector<640x1xf32>
    %mul3A_137 = arith.mulf %add3A_127, %add3A_127 : vector<640x1xf32>
    %add3A_138 = arith.addf %add3A_136, %mul3A_137 : vector<640x1xf32>
    %sqrt3A_139 = math.sqrt %add3A_138 : vector<640x1xf32>
    %mul3A_140 = arith.mulf %add3A_101, %add3A_116 : vector<640x1xf32>
    %mul3A_141 = arith.mulf %abs3A, %abs3A_122 : vector<640x1xf32>
    %add3A_142 = arith.addf %mul3A_140, %mul3A_141 : vector<640x1xf32>
    %mul3A_143 = arith.mulf %add3A_111, %add3A_127 : vector<640x1xf32>
    %add3A_144 = arith.addf %add3A_142, %mul3A_143 : vector<640x1xf32>
    %add3A_145 = arith.constant 9.99999997E-7 : f32
    %add3A_146 = vector.broadcast %add3A_145 : f32 to vector<640x1xf32>
    %add3A_147 = arith.addf %sqrt3A_133, %add3A_146 : vector<640x1xf32>
    %div3A_148 = arith.divf %add3A_144, %add3A_147 : vector<640x1xf32>
    %add3A_149 = arith.constant 9.99999997E-7 : f32
    %add3A_150 = vector.broadcast %add3A_149 : f32 to vector<640x1xf32>
    %add3A_151 = arith.addf %sqrt3A_139, %add3A_150 : vector<640x1xf32>
    %div3A_152 = arith.divf %div3A_148, %add3A_151 : vector<640x1xf32>
    %mul3A_153 = arith.mulf %div3A_152, %div3A_152 : vector<640x1xf32>
    %sub3A_154 = arith.constant 1.000000e+00 : f32
    %sub3A_155 = vector.broadcast %sub3A_154 : f32 to vector<640x1xf32>
    %sub3A_156 = arith.subf %sub3A_155, %mul3A_153 : vector<640x1xf32>
    %max3A = arith.constant 0.000000e+00 : f32
    %max3A_157 = vector.broadcast %max3A : f32 to vector<640x1xf32>
    %max3A_158 = arith.maximumf %sub3A_156, %max3A_157 : vector<640x1xf32>
    %sqrt3A_159 = math.sqrt %max3A_158 : vector<640x1xf32>
    %get3A_160 = arith.constant 0 : index
    %get3A_161 = arith.constant 0 : index
    %get3A_162 = vector.load %arg9[%get3A_160, %get3A_161] : memref<1x256xf32, #tpu.memory_space<vmem>>, vector<1x256xf32>
    %mul3A_163 = arith.constant 6.28318548 : f32
    %mul3A_164 = vector.broadcast %mul3A_163 : f32 to vector<1x256xf32>
    %mul3A_165 = arith.mulf %get3A_162, %mul3A_164 : vector<1x256xf32>
    %get3A_166 = arith.constant 0 : index
    %get3A_167 = arith.constant 0 : index
    %get3A_168 = vector.load %arg8[%get3A_166, %get3A_167] : memref<8x256xf32, #tpu.memory_space<vmem>>, vector<1x256xf32>
    %mul3A_169 = vector.broadcast %sqrt3A_159 : vector<640x1xf32> to vector<640x256xf32>
    %mul3A_170 = vector.broadcast %get3A_168 : vector<1x256xf32> to vector<640x256xf32>
    %mul3A_171 = arith.mulf %mul3A_169, %mul3A_170 : vector<640x256xf32>
    %get3A_172 = arith.constant 1 : index
    %get3A_173 = arith.constant 0 : index
    %get3A_174 = vector.load %arg8[%get3A_172, %get3A_173] : memref<8x256xf32, #tpu.memory_space<vmem>>, vector<1x256xf32>
    %mul3A_175 = vector.broadcast %div3A_152 : vector<640x1xf32> to vector<640x256xf32>
    %mul3A_176 = vector.broadcast %get3A_174 : vector<1x256xf32> to vector<640x256xf32>
    %mul3A_177 = arith.mulf %mul3A_175, %mul3A_176 : vector<640x256xf32>
    %add3A_178 = arith.addf %mul3A_171, %mul3A_177 : vector<640x256xf32>
    %get3A_179 = arith.constant 0 : index
    %get3A_180 = arith.constant 0 : index
    %get3A_181 = vector.load %arg11[%get3A_179, %get3A_180] : memref<1x256xf32, #tpu.memory_space<vmem>>, vector<1x256xf32>
    %add3A_182 = vector.broadcast %get3A_181 : vector<1x256xf32> to vector<640x256xf32>
    %add3A_183 = arith.addf %add3A_178, %add3A_182 : vector<640x256xf32>
    %mul3A_184 = vector.broadcast %add3A_101 : vector<640x1xf32> to vector<640x256xf32>
    %mul3A_185 = vector.broadcast %mul3A_165 : vector<1x256xf32> to vector<640x256xf32>
    %mul3A_186 = arith.mulf %mul3A_184, %mul3A_185 : vector<640x256xf32>
    %sin3A = math.sin %mul3A_186 : vector<640x256xf32>
    %convert_element_type3A_187 = arith.truncf %sin3A : vector<640x256xf32> to vector<640x256xbf16>
    %get3A_188 = arith.constant 0 : index
    %get3A_189 = arith.constant 0 : index
    %get3A_190 = vector.load %arg5[%get3A_188, %get3A_189] : memref<1024x256xf32, #tpu.memory_space<vmem>>, vector<256x256xf32>
    %convert_element_type3A_191 = arith.truncf %get3A_190 : vector<256x256xf32> to vector<256x256xbf16>
    %dot_general3A = arith.constant dense<0.000000e+00> : vector<640x256xf32>
    %dot_general3A_192 = tpu.matmul %convert_element_type3A_187, %convert_element_type3A_191, %dot_general3A {dimension_numbers = #tpu.dot_dimension_numbers<[1], [0], [0], [1], [0, 0, 1, 1], [], []>, transpose_lhs_hint = false} : vector<640x256xbf16>, vector<256x256xbf16>, vector<640x256xf32> -> vector<640x256xf32>
    %add3A_193 = arith.addf %add3A_183, %dot_general3A_192 : vector<640x256xf32>
    %cos3A = math.cos %mul3A_186 : vector<640x256xf32>
    %convert_element_type3A_194 = arith.truncf %cos3A : vector<640x256xf32> to vector<640x256xbf16>
    %get3A_195 = arith.constant 256 : index
    %get3A_196 = arith.constant 0 : index
    %get3A_197 = vector.load %arg5[%get3A_195, %get3A_196] : memref<1024x256xf32, #tpu.memory_space<vmem>>, vector<256x256xf32>
    %convert_element_type3A_198 = arith.truncf %get3A_197 : vector<256x256xf32> to vector<256x256xbf16>
    %dot_general3A_199 = arith.constant dense<0.000000e+00> : vector<640x256xf32>
    %dot_general3A_200 = tpu.matmul %convert_element_type3A_194, %convert_element_type3A_198, %dot_general3A_199 {dimension_numbers = #tpu.dot_dimension_numbers<[1], [0], [0], [1], [0, 0, 1, 1], [], []>, transpose_lhs_hint = false} : vector<640x256xbf16>, vector<256x256xbf16>, vector<640x256xf32> -> vector<640x256xf32>
    %add3A_201 = arith.addf %add3A_193, %dot_general3A_200 : vector<640x256xf32>
    %mul3A_202 = vector.broadcast %add3A_111 : vector<640x1xf32> to vector<640x256xf32>
    %mul3A_203 = vector.broadcast %mul3A_165 : vector<1x256xf32> to vector<640x256xf32>
    %mul3A_204 = arith.mulf %mul3A_202, %mul3A_203 : vector<640x256xf32>
    %sin3A_205 = math.sin %mul3A_204 : vector<640x256xf32>
    %convert_element_type3A_206 = arith.truncf %sin3A_205 : vector<640x256xf32> to vector<640x256xbf16>
    %get3A_207 = arith.constant 512 : index
    %get3A_208 = arith.constant 0 : index
    %get3A_209 = vector.load %arg5[%get3A_207, %get3A_208] : memref<1024x256xf32, #tpu.memory_space<vmem>>, vector<256x256xf32>
    %convert_element_type3A_210 = arith.truncf %get3A_209 : vector<256x256xf32> to vector<256x256xbf16>
    %dot_general3A_211 = arith.constant dense<0.000000e+00> : vector<640x256xf32>
    %dot_general3A_212 = tpu.matmul %convert_element_type3A_206, %convert_element_type3A_210, %dot_general3A_211 {dimension_numbers = #tpu.dot_dimension_numbers<[1], [0], [0], [1], [0, 0, 1, 1], [], []>, transpose_lhs_hint = false} : vector<640x256xbf16>, vector<256x256xbf16>, vector<640x256xf32> -> vector<640x256xf32>
    %add3A_213 = arith.addf %add3A_201, %dot_general3A_212 : vector<640x256xf32>
    %cos3A_214 = math.cos %mul3A_204 : vector<640x256xf32>
    %convert_element_type3A_215 = arith.truncf %cos3A_214 : vector<640x256xf32> to vector<640x256xbf16>
    %get3A_216 = arith.constant 768 : index
    %get3A_217 = arith.constant 0 : index
    %get3A_218 = vector.load %arg5[%get3A_216, %get3A_217] : memref<1024x256xf32, #tpu.memory_space<vmem>>, vector<256x256xf32>
    %convert_element_type3A_219 = arith.truncf %get3A_218 : vector<256x256xf32> to vector<256x256xbf16>
    %dot_general3A_220 = arith.constant dense<0.000000e+00> : vector<640x256xf32>
    %dot_general3A_221 = tpu.matmul %convert_element_type3A_215, %convert_element_type3A_219, %dot_general3A_220 {dimension_numbers = #tpu.dot_dimension_numbers<[1], [0], [0], [1], [0, 0, 1, 1], [], []>, transpose_lhs_hint = false} : vector<640x256xbf16>, vector<256x256xbf16>, vector<640x256xf32> -> vector<640x256xf32>
    %add3A_222 = arith.addf %add3A_213, %dot_general3A_221 : vector<640x256xf32>
    %mul3A_223 = vector.broadcast %add3A_116 : vector<640x1xf32> to vector<640x256xf32>
    %mul3A_224 = vector.broadcast %mul3A_165 : vector<1x256xf32> to vector<640x256xf32>
    %mul3A_225 = arith.mulf %mul3A_223, %mul3A_224 : vector<640x256xf32>
    %sin3A_226 = math.sin %mul3A_225 : vector<640x256xf32>
    %convert_element_type3A_227 = arith.truncf %sin3A_226 : vector<640x256xf32> to vector<640x256xbf16>
    %get3A_228 = arith.constant 0 : index
    %get3A_229 = arith.constant 0 : index
    %get3A_230 = vector.load %arg6[%get3A_228, %get3A_229] : memref<1024x256xf32, #tpu.memory_space<vmem>>, vector<256x256xf32>
    %convert_element_type3A_231 = arith.truncf %get3A_230 : vector<256x256xf32> to vector<256x256xbf16>
    %dot_general3A_232 = arith.constant dense<0.000000e+00> : vector<640x256xf32>
    %dot_general3A_233 = tpu.matmul %convert_element_type3A_227, %convert_element_type3A_231, %dot_general3A_232 {dimension_numbers = #tpu.dot_dimension_numbers<[1], [0], [0], [1], [0, 0, 1, 1], [], []>, transpose_lhs_hint = false} : vector<640x256xbf16>, vector<256x256xbf16>, vector<640x256xf32> -> vector<640x256xf32>
    %add3A_234 = arith.addf %add3A_222, %dot_general3A_233 : vector<640x256xf32>
    %cos3A_235 = math.cos %mul3A_225 : vector<640x256xf32>
    %convert_element_type3A_236 = arith.truncf %cos3A_235 : vector<640x256xf32> to vector<640x256xbf16>
    %get3A_237 = arith.constant 256 : index
    %get3A_238 = arith.constant 0 : index
    %get3A_239 = vector.load %arg6[%get3A_237, %get3A_238] : memref<1024x256xf32, #tpu.memory_space<vmem>>, vector<256x256xf32>
    %convert_element_type3A_240 = arith.truncf %get3A_239 : vector<256x256xf32> to vector<256x256xbf16>
    %dot_general3A_241 = arith.constant dense<0.000000e+00> : vector<640x256xf32>
    %dot_general3A_242 = tpu.matmul %convert_element_type3A_236, %convert_element_type3A_240, %dot_general3A_241 {dimension_numbers = #tpu.dot_dimension_numbers<[1], [0], [0], [1], [0, 0, 1, 1], [], []>, transpose_lhs_hint = false} : vector<640x256xbf16>, vector<256x256xbf16>, vector<640x256xf32> -> vector<640x256xf32>
    %add3A_243 = arith.addf %add3A_234, %dot_general3A_242 : vector<640x256xf32>
    %mul3A_244 = vector.broadcast %add3A_127 : vector<640x1xf32> to vector<640x256xf32>
    %mul3A_245 = vector.broadcast %mul3A_165 : vector<1x256xf32> to vector<640x256xf32>
    %mul3A_246 = arith.mulf %mul3A_244, %mul3A_245 : vector<640x256xf32>
    %sin3A_247 = math.sin %mul3A_246 : vector<640x256xf32>
    %convert_element_type3A_248 = arith.truncf %sin3A_247 : vector<640x256xf32> to vector<640x256xbf16>
    %get3A_249 = arith.constant 512 : index
    %get3A_250 = arith.constant 0 : index
    %get3A_251 = vector.load %arg6[%get3A_249, %get3A_250] : memref<1024x256xf32, #tpu.memory_space<vmem>>, vector<256x256xf32>
    %convert_element_type3A_252 = arith.truncf %get3A_251 : vector<256x256xf32> to vector<256x256xbf16>
    %dot_general3A_253 = arith.constant dense<0.000000e+00> : vector<640x256xf32>
    %dot_general3A_254 = tpu.matmul %convert_element_type3A_248, %convert_element_type3A_252, %dot_general3A_253 {dimension_numbers = #tpu.dot_dimension_numbers<[1], [0], [0], [1], [0, 0, 1, 1], [], []>, transpose_lhs_hint = false} : vector<640x256xbf16>, vector<256x256xbf16>, vector<640x256xf32> -> vector<640x256xf32>
    %add3A_255 = arith.addf %add3A_243, %dot_general3A_254 : vector<640x256xf32>
    %cos3A_256 = math.cos %mul3A_246 : vector<640x256xf32>
    %convert_element_type3A_257 = arith.truncf %cos3A_256 : vector<640x256xf32> to vector<640x256xbf16>
    %get3A_258 = arith.constant 768 : index
    %get3A_259 = arith.constant 0 : index
    %get3A_260 = vector.load %arg6[%get3A_258, %get3A_259] : memref<1024x256xf32, #tpu.memory_space<vmem>>, vector<256x256xf32>
    %convert_element_type3A_261 = arith.truncf %get3A_260 : vector<256x256xf32> to vector<256x256xbf16>
    %dot_general3A_262 = arith.constant dense<0.000000e+00> : vector<640x256xf32>
    %dot_general3A_263 = tpu.matmul %convert_element_type3A_257, %convert_element_type3A_261, %dot_general3A_262 {dimension_numbers = #tpu.dot_dimension_numbers<[1], [0], [0], [1], [0, 0, 1, 1], [], []>, transpose_lhs_hint = false} : vector<640x256xbf16>, vector<256x256xbf16>, vector<640x256xf32> -> vector<640x256xf32>
    %add3A_264 = arith.addf %add3A_255, %dot_general3A_263 : vector<640x256xf32>
    %neg3A = arith.constant 0.000000e+00 : f32
    %neg3A_265 = vector.broadcast %neg3A : f32 to vector<640x256xf32>
    %neg3A_266 = arith.subf %neg3A_265, %add3A_264 : vector<640x256xf32>
    %exp3A = math.exp %neg3A_266 : vector<640x256xf32>
    %add3A_267 = arith.constant 1.000000e+00 : f32
    %add3A_268 = vector.broadcast %add3A_267 : f32 to vector<640x256xf32>
    %add3A_269 = arith.addf %add3A_268, %exp3A : vector<640x256xf32>
    %div3A_270 = arith.constant 1.000000e+00 : f32
    %div3A_271 = vector.broadcast %div3A_270 : f32 to vector<640x256xf32>
    %div3A_272 = arith.divf %div3A_271, %add3A_269 : vector<640x256xf32>
    %mul3A_273 = arith.mulf %add3A_264, %div3A_272 : vector<640x256xf32>
    %convert_element_type3A_274 = arith.truncf %mul3A_273 : vector<640x256xf32> to vector<640x256xbf16>
    %get3A_275 = arith.constant 0 : index
    %get3A_276 = arith.constant 0 : index
    %get3A_277 = vector.load %arg7[%get3A_275, %get3A_276] : memref<256x256xf32, #tpu.memory_space<vmem>>, vector<256x256xf32>
    %convert_element_type3A_278 = arith.truncf %get3A_277 : vector<256x256xf32> to vector<256x256xbf16>
    %dot_general3A_279 = arith.constant dense<0.000000e+00> : vector<640x256xf32>
    %dot_general3A_280 = tpu.matmul %convert_element_type3A_274, %convert_element_type3A_278, %dot_general3A_279 {dimension_numbers = #tpu.dot_dimension_numbers<[1], [0], [0], [1], [0, 0, 1, 1], [], []>, transpose_lhs_hint = false} : vector<640x256xbf16>, vector<256x256xbf16>, vector<640x256xf32> -> vector<640x256xf32>
    %get3A_281 = arith.constant 0 : index
    %get3A_282 = arith.constant 0 : index
    %get3A_283 = vector.load %arg12[%get3A_281, %get3A_282] : memref<1x256xf32, #tpu.memory_space<vmem>>, vector<1x256xf32>
    %add3A_284 = vector.broadcast %get3A_283 : vector<1x256xf32> to vector<640x256xf32>
    %add3A_285 = arith.addf %dot_general3A_280, %add3A_284 : vector<640x256xf32>
    %swap3A_286 = arith.constant 0 : index
    %swap3A_287 = arith.constant 0 : index
    %swap3A_288 = vector.load %arg14[%swap3A_286, %swap3A_287] : memref<640x256xf32, #tpu.memory_space<vmem>>, vector<640x256xf32>
    tpu.vector_store %arg14[%swap3A_286, %swap3A_287], %add3A_285 {strides = array<i32>} : memref<640x256xf32, #tpu.memory_space<vmem>>, vector<640x256xf32>,
    return
  }
  func.func @transform_0(%arg0: i32) -> (i32, i32) {
    %c0_i32 = arith.constant 0 : i32
    %c0_i32_0 = arith.constant 0 : i32
    return %arg0, %c0_i32 : i32, i32
  }
  func.func @transform_1(%arg0: i32) -> (i32, i32) {
    %c0_i32 = arith.constant 0 : i32
    %c0_i32_0 = arith.constant 0 : i32
    return %arg0, %c0_i32 : i32, i32
  }
  func.func @transform_2(%arg0: i32) -> (i32, i32) {
    %c0_i32 = arith.constant 0 : i32
    %c0_i32_0 = arith.constant 0 : i32
    return %arg0, %c0_i32 : i32, i32
  }
  func.func @transform_3(%arg0: i32) -> (i32, i32) {
    %c0_i32 = arith.constant 0 : i32
    %c0_i32_0 = arith.constant 0 : i32
    return %arg0, %c0_i32 : i32, i32
  }
  func.func @transform_4(%arg0: i32) -> (i32, i32) {
    %c0_i32 = arith.constant 0 : i32
    %c0_i32_0 = arith.constant 0 : i32
    %c0_i32_1 = arith.constant 0 : i32
    return %c0_i32, %c0_i32_0 : i32, i32
  }
  func.func @transform_5(%arg0: i32) -> (i32, i32) {
    %c0_i32 = arith.constant 0 : i32
    %c0_i32_0 = arith.constant 0 : i32
    %c0_i32_1 = arith.constant 0 : i32
    return %c0_i32, %c0_i32_0 : i32, i32
  }
  func.func @transform_6(%arg0: i32) -> (i32, i32) {
    %c0_i32 = arith.constant 0 : i32
    %c0_i32_0 = arith.constant 0 : i32
    %c0_i32_1 = arith.constant 0 : i32
    return %c0_i32, %c0_i32_0 : i32, i32
  }
  func.func @transform_7(%arg0: i32) -> (i32, i32) {
    %c0_i32 = arith.constant 0 : i32
    %c0_i32_0 = arith.constant 0 : i32
    %c0_i32_1 = arith.constant 0 : i32
    return %c0_i32, %c0_i32_0 : i32, i32
  }
  func.func @transform_8(%arg0: i32) -> (i32, i32) {
    %c0_i32 = arith.constant 0 : i32
    %c0_i32_0 = arith.constant 0 : i32
    %c0_i32_1 = arith.constant 0 : i32
    return %c0_i32, %c0_i32_0 : i32, i32
  }
  func.func @transform_9(%arg0: i32) -> (i32, i32) {
    %c0_i32 = arith.constant 0 : i32
    %c0_i32_0 = arith.constant 0 : i32
    %c0_i32_1 = arith.constant 0 : i32
    return %c0_i32, %c0_i32_0 : i32, i32
  }
  func.func @transform_10(%arg0: i32) -> (i32, i32) {
    %c0_i32 = arith.constant 0 : i32
    %c0_i32_0 = arith.constant 0 : i32
    %c0_i32_1 = arith.constant 0 : i32
    return %c0_i32, %c0_i32_0 : i32, i32
  }
  func.func @transform_11(%arg0: i32) -> (i32, i32) {
    %c0_i32 = arith.constant 0 : i32
    %c0_i32_0 = arith.constant 0 : i32
    %c0_i32_1 = arith.constant 0 : i32
    return %c0_i32, %c0_i32_0 : i32, i32
  }
  func.func @transform_12(%arg0: i32) -> (i32, i32) {
    %c0_i32 = arith.constant 0 : i32
    %c0_i32_0 = arith.constant 0 : i32
    return %arg0, %c0_i32 : i32, i32
  }
  func.func @transform_13(%arg0: i32) -> (i32, i32) {
    %c0_i32 = arith.constant 0 : i32
    %c0_i32_0 = arith.constant 0 : i32
    return %arg0, %c0_i32 : i32, i32
  }
  func.func @transform_14(%arg0: i32) -> (i32, i32) {
    %c0_i32 = arith.constant 0 : i32
    %c0_i32_0 = arith.constant 0 : i32
    return %arg0, %c0_i32 : i32, i32
  }
  func.func @transform_15(%arg0: i32) -> (i32, i32) {
    %c0_i32 = arith.constant 0 : i32
    %c0_i32_0 = arith.constant 0 : i32
    return %arg0, %c0_i32 : i32, i32
  }
  func.func @transform_16(%arg0: i32) -> (i32, i32) {
    %c0_i32 = arith.constant 0 : i32
    %c0_i32_0 = arith.constant 0 : i32
    return %arg0, %c0_i32 : i32, i32
  }
  func.func @transform_17(%arg0: i32) -> (i32, i32) {
    %c0_i32 = arith.constant 0 : i32
    %c0_i32_0 = arith.constant 0 : i32
    %c0_i32_1 = arith.constant 0 : i32
    return %c0_i32, %c0_i32_0 : i32, i32
  }
}

module attributes {stable_mosaic.version = 14 : i64} {
  func.func @body(%arg0: i32, %arg1: memref<1280x256xf32, #tpu.memory_space<vmem>>, %arg2: memref<1280x256xf32, #tpu.memory_space<vmem>>, %arg3: memref<1280x256xf32, #tpu.memory_space<vmem>>, %arg4: memref<1280x256xf32, #tpu.memory_space<vmem>>, %arg5: memref<8x256xf32, #tpu.memory_space<vmem>>, %arg6: memref<256x256xf32, #tpu.memory_space<vmem>>, %arg7: memref<1x256xf32, #tpu.memory_space<vmem>>, %arg8: memref<256x640xf32, #tpu.memory_space<vmem>>, %arg9: memref<1x640xf32, #tpu.memory_space<vmem>>, %arg10: memref<1x256xf32, #tpu.memory_space<vmem>>, %arg11: memref<1x256xf32, #tpu.memory_space<vmem>>, %arg12: memref<256x1280xf32, #tpu.memory_space<vmem>>, %arg13: memref<1280x256xf32, #tpu.memory_space<vmem>>, %arg14: memref<1280x128xf32, #tpu.memory_space<vmem>>) attributes {dimension_semantics = [#tpu.dimension_semantics<arbitrary>], iteration_bounds = array<i64: 125>, scalar_prefetch = 0 : i64, scratch_operands = 0 : i64, tpu.core_type = #tpu.core_type<tc>, window_params = [{transform_indices = @transform_0, window_bounds = array<i64: 1280, 256>}, {transform_indices = @transform_1, window_bounds = array<i64: 1280, 256>}, {transform_indices = @transform_2, window_bounds = array<i64: 1280, 256>}, {transform_indices = @transform_3, window_bounds = array<i64: 1280, 256>}, {pipeline_mode = #tpu.pipeline_mode<synchronous>, transform_indices = @transform_4, window_bounds = array<i64: 8, 256>}, {pipeline_mode = #tpu.pipeline_mode<synchronous>, transform_indices = @transform_5, window_bounds = array<i64: 256, 256>}, {pipeline_mode = #tpu.pipeline_mode<synchronous>, transform_indices = @transform_6, window_bounds = array<i64: 1, 256>}, {pipeline_mode = #tpu.pipeline_mode<synchronous>, transform_indices = @transform_7, window_bounds = array<i64: 256, 640>}, {pipeline_mode = #tpu.pipeline_mode<synchronous>, transform_indices = @transform_8, window_bounds = array<i64: 1, 640>}, {pipeline_mode = #tpu.pipeline_mode<synchronous>, transform_indices = @transform_9, window_bounds = array<i64: 1, 256>}, {pipeline_mode = #tpu.pipeline_mode<synchronous>, transform_indices = @transform_10, window_bounds = array<i64: 1, 256>}, {transform_indices = @transform_11, window_bounds = array<i64: 256, 1280>}, {transform_indices = @transform_12, window_bounds = array<i64: 1280, 256>}, {transform_indices = @transform_13, window_bounds = array<i64: 1280, 128>}]} {
    %get3A = arith.constant 0 : index
    %get3A_0 = arith.constant 0 : index
    %get3A_1 = vector.load %arg5[%get3A, %get3A_0] : memref<8x256xf32, #tpu.memory_space<vmem>>, vector<1x256xf32>
    %mul3A = arith.constant 6.250000e-06 : f32
    %mul3A_2 = vector.broadcast %mul3A : f32 to vector<1x256xf32>
    %mul3A_3 = arith.mulf %get3A_1, %mul3A_2 : vector<1x256xf32>
    %get3A_4 = arith.constant 1 : index
    %get3A_5 = arith.constant 0 : index
    %get3A_6 = vector.load %arg5[%get3A_4, %get3A_5] : memref<8x256xf32, #tpu.memory_space<vmem>>, vector<1x256xf32>
    %mul3A_7 = arith.constant 6.250000e-06 : f32
    %mul3A_8 = vector.broadcast %mul3A_7 : f32 to vector<1x256xf32>
    %mul3A_9 = arith.mulf %get3A_6, %mul3A_8 : vector<1x256xf32>
    %mul3A_10 = arith.mulf %mul3A_3, %mul3A_3 : vector<1x256xf32>
    %sub3A = arith.subf %mul3A_9, %mul3A_10 : vector<1x256xf32>
    %add3A = arith.constant 9.99999974E-6 : f32
    %add3A_11 = vector.broadcast %add3A : f32 to vector<1x256xf32>
    %add3A_12 = arith.addf %sub3A, %add3A_11 : vector<1x256xf32>
    %rsqrt3A = math.rsqrt %add3A_12 : vector<1x256xf32>
    %get3A_13 = arith.constant 0 : index
    %get3A_14 = arith.constant 0 : index
    %get3A_15 = vector.load %arg10[%get3A_13, %get3A_14] : memref<1x256xf32, #tpu.memory_space<vmem>>, vector<1x256xf32>
    %get3A_16 = arith.constant 0 : index
    %get3A_17 = arith.constant 0 : index
    %get3A_18 = vector.load %arg1[%get3A_16, %get3A_17] : memref<1280x256xf32, #tpu.memory_space<vmem>>, vector<1280x256xf32>
    %sub3A_19 = vector.broadcast %mul3A_3 : vector<1x256xf32> to vector<1280x256xf32>
    %sub3A_20 = arith.subf %get3A_18, %sub3A_19 : vector<1280x256xf32>
    %mul3A_21 = vector.broadcast %get3A_15 : vector<1x256xf32> to vector<1280x256xf32>
    %mul3A_22 = arith.mulf %mul3A_21, %sub3A_20 : vector<1280x256xf32>
    %mul3A_23 = vector.broadcast %rsqrt3A : vector<1x256xf32> to vector<1280x256xf32>
    %mul3A_24 = arith.mulf %mul3A_22, %mul3A_23 : vector<1280x256xf32>
    %get3A_25 = arith.constant 0 : index
    %get3A_26 = arith.constant 0 : index
    %get3A_27 = vector.load %arg11[%get3A_25, %get3A_26] : memref<1x256xf32, #tpu.memory_space<vmem>>, vector<1x256xf32>
    %add3A_28 = vector.broadcast %get3A_27 : vector<1x256xf32> to vector<1280x256xf32>
    %add3A_29 = arith.addf %mul3A_24, %add3A_28 : vector<1280x256xf32>
    %max3A = arith.constant 0.000000e+00 : f32
    %max3A_30 = vector.broadcast %max3A : f32 to vector<1280x256xf32>
    %max3A_31 = arith.maximumf %add3A_29, %max3A_30 : vector<1280x256xf32>
    %convert_element_type3A = arith.truncf %max3A_31 : vector<1280x256xf32> to vector<1280x256xbf16>
    %get3A_32 = arith.constant 0 : index
    %get3A_33 = arith.constant 0 : index
    %get3A_34 = vector.load %arg6[%get3A_32, %get3A_33] : memref<256x256xf32, #tpu.memory_space<vmem>>, vector<256x256xf32>
    %convert_element_type3A_35 = arith.truncf %get3A_34 : vector<256x256xf32> to vector<256x256xbf16>
    %dot_general3A = arith.constant dense<0.000000e+00> : vector<1280x256xf32>
    %dot_general3A_36 = tpu.matmul %convert_element_type3A, %convert_element_type3A_35, %dot_general3A {dimension_numbers = #tpu.dot_dimension_numbers<[1], [0], [0], [1], [0, 0, 1, 1], [], []>, transpose_lhs_hint = false} : vector<1280x256xbf16>, vector<256x256xbf16>, vector<1280x256xf32> -> vector<1280x256xf32>
    %get3A_37 = arith.constant 0 : index
    %get3A_38 = arith.constant 0 : index
    %get3A_39 = vector.load %arg7[%get3A_37, %get3A_38] : memref<1x256xf32, #tpu.memory_space<vmem>>, vector<1x256xf32>
    %add3A_40 = vector.broadcast %get3A_39 : vector<1x256xf32> to vector<1280x256xf32>
    %add3A_41 = arith.addf %dot_general3A_36, %add3A_40 : vector<1280x256xf32>
    %get3A_42 = arith.constant 0 : index
    %get3A_43 = arith.constant 0 : index
    %get3A_44 = vector.load %arg2[%get3A_42, %get3A_43] : memref<1280x256xf32, #tpu.memory_space<vmem>>, vector<1280x256xf32>
    %add3A_45 = arith.addf %add3A_41, %get3A_44 : vector<1280x256xf32>
    %convert_element_type3A_46 = arith.truncf %add3A_45 : vector<1280x256xf32> to vector<1280x256xbf16>
    %get3A_47 = arith.constant 0 : index
    %get3A_48 = arith.constant 0 : index
    %get3A_49 = vector.load %arg8[%get3A_47, %get3A_48] : memref<256x640xf32, #tpu.memory_space<vmem>>, vector<256x640xf32>
    %convert_element_type3A_50 = arith.truncf %get3A_49 : vector<256x640xf32> to vector<256x640xbf16>
    %dot_general3A_51 = arith.constant dense<0.000000e+00> : vector<1280x640xf32>
    %dot_general3A_52 = tpu.matmul %convert_element_type3A_46, %convert_element_type3A_50, %dot_general3A_51 {dimension_numbers = #tpu.dot_dimension_numbers<[1], [0], [0], [1], [0, 0, 1, 1], [], []>, transpose_lhs_hint = false} : vector<1280x256xbf16>, vector<256x640xbf16>, vector<1280x640xf32> -> vector<1280x640xf32>
    %get3A_53 = arith.constant 0 : index
    %get3A_54 = arith.constant 0 : index
    %get3A_55 = vector.load %arg9[%get3A_53, %get3A_54] : memref<1x640xf32, #tpu.memory_space<vmem>>, vector<1x640xf32>
    %add3A_56 = vector.broadcast %get3A_55 : vector<1x640xf32> to vector<1280x640xf32>
    %add3A_57 = arith.addf %dot_general3A_52, %add3A_56 : vector<1280x640xf32>
    %get3A_58 = arith.constant 0 : index
    %get3A_59 = arith.constant 0 : index
    %get3A_60 = vector.load %arg3[%get3A_58, %get3A_59] : memref<1280x256xf32, #tpu.memory_space<vmem>>, vector<1280x256xf32>
    %get3A_61 = arith.constant 0 : index
    %get3A_62 = arith.constant 0 : index
    %get3A_63 = vector.load %arg4[%get3A_61, %get3A_62] : memref<1280x256xf32, #tpu.memory_space<vmem>>, vector<1280x256xf32>
    %add3A_64 = arith.addf %get3A_60, %get3A_63 : vector<1280x256xf32>
    %slice3A = vector.extract_strided_slice %add3A_57 {offsets = [0, 0], sizes = [1280, 256], strides = [1, 1]} : vector<1280x640xf32> to vector<1280x256xf32>
    %add3A_65 = arith.addf %add3A_64, %slice3A : vector<1280x256xf32>
    %neg3A = arith.constant 0.000000e+00 : f32
    %neg3A_66 = vector.broadcast %neg3A : f32 to vector<1280x256xf32>
    %neg3A_67 = arith.subf %neg3A_66, %add3A_65 : vector<1280x256xf32>
    %exp3A = math.exp %neg3A_67 : vector<1280x256xf32>
    %add3A_68 = arith.constant 1.000000e+00 : f32
    %add3A_69 = vector.broadcast %add3A_68 : f32 to vector<1280x256xf32>
    %add3A_70 = arith.addf %add3A_69, %exp3A : vector<1280x256xf32>
    %div3A = arith.constant 1.000000e+00 : f32
    %div3A_71 = vector.broadcast %div3A : f32 to vector<1280x256xf32>
    %div3A_72 = arith.divf %div3A_71, %add3A_70 : vector<1280x256xf32>
    %mul3A_73 = arith.mulf %add3A_65, %div3A_72 : vector<1280x256xf32>
    %transpose3A = tpu.transpose %mul3A_73, [1, 0] : vector<1280x256xf32> -> vector<256x1280xf32>
    %swap3A = arith.constant 0 : index
    %swap3A_74 = arith.constant 0 : index
    %swap3A_75 = vector.load %arg12[%swap3A, %swap3A_74] : memref<256x1280xf32, #tpu.memory_space<vmem>>, vector<256x1280xf32>
    tpu.vector_store %arg12[%swap3A, %swap3A_74], %transpose3A {strides = array<i32>} : memref<256x1280xf32, #tpu.memory_space<vmem>>, vector<256x1280xf32>,
    %slice3A_76 = vector.extract_strided_slice %add3A_57 {offsets = [0, 256], sizes = [1280, 256], strides = [1, 1]} : vector<1280x640xf32> to vector<1280x256xf32>
    %swap3A_77 = arith.constant 0 : index
    %swap3A_78 = arith.constant 0 : index
    %swap3A_79 = vector.load %arg13[%swap3A_77, %swap3A_78] : memref<1280x256xf32, #tpu.memory_space<vmem>>, vector<1280x256xf32>
    tpu.vector_store %arg13[%swap3A_77, %swap3A_78], %slice3A_76 {strides = array<i32>} : memref<1280x256xf32, #tpu.memory_space<vmem>>, vector<1280x256xf32>,
    %slice3A_80 = vector.extract_strided_slice %add3A_57 {offsets = [0, 512], sizes = [1280, 128], strides = [1, 1]} : vector<1280x640xf32> to vector<1280x128xf32>
    %swap3A_81 = arith.constant 0 : index
    %swap3A_82 = arith.constant 0 : index
    %swap3A_83 = vector.load %arg14[%swap3A_81, %swap3A_82] : memref<1280x128xf32, #tpu.memory_space<vmem>>, vector<1280x128xf32>
    tpu.vector_store %arg14[%swap3A_81, %swap3A_82], %slice3A_80 {strides = array<i32>} : memref<1280x128xf32, #tpu.memory_space<vmem>>, vector<1280x128xf32>,
    return
  }
  func.func @transform_0(%arg0: i32) -> (i32, i32) {
    %c0_i32 = arith.constant 0 : i32
    %c0_i32_0 = arith.constant 0 : i32
    return %arg0, %c0_i32 : i32, i32
  }
  func.func @transform_1(%arg0: i32) -> (i32, i32) {
    %c0_i32 = arith.constant 0 : i32
    %c0_i32_0 = arith.constant 0 : i32
    return %arg0, %c0_i32 : i32, i32
  }
  func.func @transform_2(%arg0: i32) -> (i32, i32) {
    %c0_i32 = arith.constant 0 : i32
    %c0_i32_0 = arith.constant 0 : i32
    return %arg0, %c0_i32 : i32, i32
  }
  func.func @transform_3(%arg0: i32) -> (i32, i32) {
    %c0_i32 = arith.constant 0 : i32
    %c0_i32_0 = arith.constant 0 : i32
    return %arg0, %c0_i32 : i32, i32
  }
  func.func @transform_4(%arg0: i32) -> (i32, i32) {
    %c0_i32 = arith.constant 0 : i32
    %c0_i32_0 = arith.constant 0 : i32
    %c0_i32_1 = arith.constant 0 : i32
    return %c0_i32, %c0_i32_0 : i32, i32
  }
  func.func @transform_5(%arg0: i32) -> (i32, i32) {
    %c0_i32 = arith.constant 0 : i32
    %c0_i32_0 = arith.constant 0 : i32
    %c0_i32_1 = arith.constant 0 : i32
    return %c0_i32, %c0_i32_0 : i32, i32
  }
  func.func @transform_6(%arg0: i32) -> (i32, i32) {
    %c0_i32 = arith.constant 0 : i32
    %c0_i32_0 = arith.constant 0 : i32
    %c0_i32_1 = arith.constant 0 : i32
    return %c0_i32, %c0_i32_0 : i32, i32
  }
  func.func @transform_7(%arg0: i32) -> (i32, i32) {
    %c0_i32 = arith.constant 0 : i32
    %c0_i32_0 = arith.constant 0 : i32
    %c0_i32_1 = arith.constant 0 : i32
    return %c0_i32, %c0_i32_0 : i32, i32
  }
  func.func @transform_8(%arg0: i32) -> (i32, i32) {
    %c0_i32 = arith.constant 0 : i32
    %c0_i32_0 = arith.constant 0 : i32
    %c0_i32_1 = arith.constant 0 : i32
    return %c0_i32, %c0_i32_0 : i32, i32
  }
  func.func @transform_9(%arg0: i32) -> (i32, i32) {
    %c0_i32 = arith.constant 0 : i32
    %c0_i32_0 = arith.constant 0 : i32
    %c0_i32_1 = arith.constant 0 : i32
    return %c0_i32, %c0_i32_0 : i32, i32
  }
  func.func @transform_10(%arg0: i32) -> (i32, i32) {
    %c0_i32 = arith.constant 0 : i32
    %c0_i32_0 = arith.constant 0 : i32
    %c0_i32_1 = arith.constant 0 : i32
    return %c0_i32, %c0_i32_0 : i32, i32
  }
  func.func @transform_11(%arg0: i32) -> (i32, i32) {
    %c0_i32 = arith.constant 0 : i32
    %c0_i32_0 = arith.constant 0 : i32
    return %c0_i32, %arg0 : i32, i32
  }
  func.func @transform_12(%arg0: i32) -> (i32, i32) {
    %c0_i32 = arith.constant 0 : i32
    %c0_i32_0 = arith.constant 0 : i32
    return %arg0, %c0_i32 : i32, i32
  }
  func.func @transform_13(%arg0: i32) -> (i32, i32) {
    %c0_i32 = arith.constant 0 : i32
    %c0_i32_0 = arith.constant 0 : i32
    return %arg0, %c0_i32 : i32, i32
  }
}

module attributes {stable_mosaic.version = 14 : i64} {
  func.func @body(%arg0: i32, %arg1: memref<2000x256xf32, #tpu.memory_space<vmem>>, %arg2: memref<2000x256xf32, #tpu.memory_space<vmem>>, %arg3: memref<256x256xf32, #tpu.memory_space<vmem>>, %arg4: memref<1x256xf32, #tpu.memory_space<vmem>>, %arg5: memref<256x256xf32, #tpu.memory_space<vmem>>, %arg6: memref<256x256xf32, #tpu.memory_space<vmem>>, %arg7: memref<2000x256xf32, #tpu.memory_space<vmem>>, %arg8: memref<2000x256xf32, #tpu.memory_space<vmem>>, %arg9: memref<2000x256xf32, #tpu.memory_space<vmem>>) attributes {dimension_semantics = [#tpu.dimension_semantics<arbitrary>], iteration_bounds = array<i64: 5>, scalar_prefetch = 0 : i64, scratch_operands = 0 : i64, tpu.core_type = #tpu.core_type<tc>, window_params = [{transform_indices = @transform_0, window_bounds = array<i64: 2000, 256>}, {transform_indices = @transform_1, window_bounds = array<i64: 2000, 256>}, {pipeline_mode = #tpu.pipeline_mode<synchronous>, transform_indices = @transform_2, window_bounds = array<i64: 256, 256>}, {pipeline_mode = #tpu.pipeline_mode<synchronous>, transform_indices = @transform_3, window_bounds = array<i64: 1, 256>}, {pipeline_mode = #tpu.pipeline_mode<synchronous>, transform_indices = @transform_4, window_bounds = array<i64: 256, 256>}, {pipeline_mode = #tpu.pipeline_mode<synchronous>, transform_indices = @transform_5, window_bounds = array<i64: 256, 256>}, {transform_indices = @transform_6, window_bounds = array<i64: 2000, 256>}, {transform_indices = @transform_7, window_bounds = array<i64: 2000, 256>}, {transform_indices = @transform_8, window_bounds = array<i64: 2000, 256>}]} {
    %get3A = arith.constant 0 : index
    %get3A_0 = arith.constant 0 : index
    %get3A_1 = vector.load %arg1[%get3A, %get3A_0] : memref<2000x256xf32, #tpu.memory_space<vmem>>, vector<2000x256xf32>
    %get3A_2 = arith.constant 0 : index
    %get3A_3 = arith.constant 0 : index
    %get3A_4 = vector.load %arg2[%get3A_2, %get3A_3] : memref<2000x256xf32, #tpu.memory_space<vmem>>, vector<2000x256xf32>
    %get3A_5 = arith.constant 0 : index
    %get3A_6 = arith.constant 0 : index
    %get3A_7 = vector.load %arg3[%get3A_5, %get3A_6] : memref<256x256xf32, #tpu.memory_space<vmem>>, vector<256x256xf32>
    %dot_general3A = arith.constant dense<0.000000e+00> : vector<2000x256xf32>
    %dot_general3A_8 = tpu.matmul %get3A_4, %get3A_7, %dot_general3A {dimension_numbers = #tpu.dot_dimension_numbers<[1], [0], [0], [1], [0, 0, 1, 1], [], []>, transpose_lhs_hint = false} : vector<2000x256xf32>, vector<256x256xf32>, vector<2000x256xf32> -> vector<2000x256xf32>
    %get3A_9 = arith.constant 0 : index
    %get3A_10 = arith.constant 0 : index
    %get3A_11 = vector.load %arg4[%get3A_9, %get3A_10] : memref<1x256xf32, #tpu.memory_space<vmem>>, vector<1x256xf32>
    %add3A = vector.broadcast %get3A_11 : vector<1x256xf32> to vector<2000x256xf32>
    %add3A_12 = arith.addf %dot_general3A_8, %add3A : vector<2000x256xf32>
    %neg3A = arith.constant 0.000000e+00 : f32
    %neg3A_13 = vector.broadcast %neg3A : f32 to vector<2000x256xf32>
    %neg3A_14 = arith.subf %neg3A_13, %add3A_12 : vector<2000x256xf32>
    %exp3A = math.exp %neg3A_14 : vector<2000x256xf32>
    %add3A_15 = arith.constant 1.000000e+00 : f32
    %add3A_16 = vector.broadcast %add3A_15 : f32 to vector<2000x256xf32>
    %add3A_17 = arith.addf %add3A_16, %exp3A : vector<2000x256xf32>
    %div3A = arith.constant 1.000000e+00 : f32
    %div3A_18 = vector.broadcast %div3A : f32 to vector<2000x256xf32>
    %div3A_19 = arith.divf %div3A_18, %add3A_17 : vector<2000x256xf32>
    %mul3A = arith.mulf %add3A_12, %div3A_19 : vector<2000x256xf32>
    %add3A_20 = arith.addf %get3A_1, %mul3A : vector<2000x256xf32>
    %swap3A = arith.constant 0 : index
    %swap3A_21 = arith.constant 0 : index
    %swap3A_22 = vector.load %arg7[%swap3A, %swap3A_21] : memref<2000x256xf32, #tpu.memory_space<vmem>>, vector<2000x256xf32>
    tpu.vector_store %arg7[%swap3A, %swap3A_21], %add3A_20 {strides = array<i32>} : memref<2000x256xf32, #tpu.memory_space<vmem>>, vector<2000x256xf32>,
    %get3A_23 = arith.constant 0 : index
    %get3A_24 = arith.constant 0 : index
    %get3A_25 = vector.load %arg5[%get3A_23, %get3A_24] : memref<256x256xf32, #tpu.memory_space<vmem>>, vector<256x256xf32>
    %dot_general3A_26 = arith.constant dense<0.000000e+00> : vector<2000x256xf32>
    %dot_general3A_27 = tpu.matmul %add3A_20, %get3A_25, %dot_general3A_26 {dimension_numbers = #tpu.dot_dimension_numbers<[1], [0], [0], [1], [0, 0, 1, 1], [], []>, transpose_lhs_hint = false} : vector<2000x256xf32>, vector<256x256xf32>, vector<2000x256xf32> -> vector<2000x256xf32>
    %swap3A_28 = arith.constant 0 : index
    %swap3A_29 = arith.constant 0 : index
    %swap3A_30 = vector.load %arg8[%swap3A_28, %swap3A_29] : memref<2000x256xf32, #tpu.memory_space<vmem>>, vector<2000x256xf32>
    tpu.vector_store %arg8[%swap3A_28, %swap3A_29], %dot_general3A_27 {strides = array<i32>} : memref<2000x256xf32, #tpu.memory_space<vmem>>, vector<2000x256xf32>,
    %get3A_31 = arith.constant 0 : index
    %get3A_32 = arith.constant 0 : index
    %get3A_33 = vector.load %arg6[%get3A_31, %get3A_32] : memref<256x256xf32, #tpu.memory_space<vmem>>, vector<256x256xf32>
    %dot_general3A_34 = arith.constant dense<0.000000e+00> : vector<2000x256xf32>
    %dot_general3A_35 = tpu.matmul %add3A_20, %get3A_33, %dot_general3A_34 {dimension_numbers = #tpu.dot_dimension_numbers<[1], [0], [0], [1], [0, 0, 1, 1], [], []>, transpose_lhs_hint = false} : vector<2000x256xf32>, vector<256x256xf32>, vector<2000x256xf32> -> vector<2000x256xf32>
    %swap3A_36 = arith.constant 0 : index
    %swap3A_37 = arith.constant 0 : index
    %swap3A_38 = vector.load %arg9[%swap3A_36, %swap3A_37] : memref<2000x256xf32, #tpu.memory_space<vmem>>, vector<2000x256xf32>
    tpu.vector_store %arg9[%swap3A_36, %swap3A_37], %dot_general3A_35 {strides = array<i32>} : memref<2000x256xf32, #tpu.memory_space<vmem>>, vector<2000x256xf32>,
    return
  }
  func.func @transform_0(%arg0: i32) -> (i32, i32) {
    %c0_i32 = arith.constant 0 : i32
    %c0_i32_0 = arith.constant 0 : i32
    return %arg0, %c0_i32 : i32, i32
  }
  func.func @transform_1(%arg0: i32) -> (i32, i32) {
    %c0_i32 = arith.constant 0 : i32
    %c0_i32_0 = arith.constant 0 : i32
    return %arg0, %c0_i32 : i32, i32
  }
  func.func @transform_2(%arg0: i32) -> (i32, i32) {
    %c0_i32 = arith.constant 0 : i32
    %c0_i32_0 = arith.constant 0 : i32
    %c0_i32_1 = arith.constant 0 : i32
    return %c0_i32, %c0_i32_0 : i32, i32
  }
  func.func @transform_3(%arg0: i32) -> (i32, i32) {
    %c0_i32 = arith.constant 0 : i32
    %c0_i32_0 = arith.constant 0 : i32
    %c0_i32_1 = arith.constant 0 : i32
    return %c0_i32, %c0_i32_0 : i32, i32
  }
  func.func @transform_4(%arg0: i32) -> (i32, i32) {
    %c0_i32 = arith.constant 0 : i32
    %c0_i32_0 = arith.constant 0 : i32
    %c0_i32_1 = arith.constant 0 : i32
    return %c0_i32, %c0_i32_0 : i32, i32
  }
  func.func @transform_5(%arg0: i32) -> (i32, i32) {
    %c0_i32 = arith.constant 0 : i32
    %c0_i32_0 = arith.constant 0 : i32
    %c0_i32_1 = arith.constant 0 : i32
    return %c0_i32, %c0_i32_0 : i32, i32
  }
  func.func @transform_6(%arg0: i32) -> (i32, i32) {
    %c0_i32 = arith.constant 0 : i32
    %c0_i32_0 = arith.constant 0 : i32
    return %arg0, %c0_i32 : i32, i32
  }
  func.func @transform_7(%arg0: i32) -> (i32, i32) {
    %c0_i32 = arith.constant 0 : i32
    %c0_i32_0 = arith.constant 0 : i32
    return %arg0, %c0_i32 : i32, i32
  }
  func.func @transform_8(%arg0: i32) -> (i32, i32) {
    %c0_i32 = arith.constant 0 : i32
    %c0_i32_0 = arith.constant 0 : i32
    return %arg0, %c0_i32 : i32, i32
  }
}

module attributes {stable_mosaic.version = 14 : i64} {
  func.func @body(%arg0: i32, %arg1: memref<1280x256xf32, #tpu.memory_space<vmem>>, %arg2: memref<1280x256xf32, #tpu.memory_space<vmem>>, %arg3: memref<1280x256xf32, #tpu.memory_space<vmem>>, %arg4: memref<256x1280xf32, #tpu.memory_space<vmem>>) attributes {dimension_semantics = [#tpu.dimension_semantics<arbitrary>], iteration_bounds = array<i64: 125>, scalar_prefetch = 0 : i64, scratch_operands = 0 : i64, tpu.core_type = #tpu.core_type<tc>, window_params = [{transform_indices = @transform_0, window_bounds = array<i64: 1280, 256>}, {transform_indices = @transform_1, window_bounds = array<i64: 1280, 256>}, {transform_indices = @transform_2, window_bounds = array<i64: 1280, 256>}, {transform_indices = @transform_3, window_bounds = array<i64: 256, 1280>}]} {
    %get3A = arith.constant 0 : index
    %get3A_0 = arith.constant 0 : index
    %get3A_1 = vector.load %arg1[%get3A, %get3A_0] : memref<1280x256xf32, #tpu.memory_space<vmem>>, vector<1280x256xf32>
    %get3A_2 = arith.constant 0 : index
    %get3A_3 = arith.constant 0 : index
    %get3A_4 = vector.load %arg2[%get3A_2, %get3A_3] : memref<1280x256xf32, #tpu.memory_space<vmem>>, vector<1280x256xf32>
    %add3A = arith.addf %get3A_1, %get3A_4 : vector<1280x256xf32>
    %get3A_5 = arith.constant 0 : index
    %get3A_6 = arith.constant 0 : index
    %get3A_7 = vector.load %arg3[%get3A_5, %get3A_6] : memref<1280x256xf32, #tpu.memory_space<vmem>>, vector<1280x256xf32>
    %add3A_8 = arith.addf %add3A, %get3A_7 : vector<1280x256xf32>
    %neg3A = arith.constant 0.000000e+00 : f32
    %neg3A_9 = vector.broadcast %neg3A : f32 to vector<1280x256xf32>
    %neg3A_10 = arith.subf %neg3A_9, %add3A_8 : vector<1280x256xf32>
    %exp3A = math.exp %neg3A_10 : vector<1280x256xf32>
    %add3A_11 = arith.constant 1.000000e+00 : f32
    %add3A_12 = vector.broadcast %add3A_11 : f32 to vector<1280x256xf32>
    %add3A_13 = arith.addf %add3A_12, %exp3A : vector<1280x256xf32>
    %div3A = arith.constant 1.000000e+00 : f32
    %div3A_14 = vector.broadcast %div3A : f32 to vector<1280x256xf32>
    %div3A_15 = arith.divf %div3A_14, %add3A_13 : vector<1280x256xf32>
    %mul3A = arith.mulf %add3A_8, %div3A_15 : vector<1280x256xf32>
    %transpose3A = tpu.transpose %mul3A, [1, 0] : vector<1280x256xf32> -> vector<256x1280xf32>
    %swap3A = arith.constant 0 : index
    %swap3A_16 = arith.constant 0 : index
    %swap3A_17 = vector.load %arg4[%swap3A, %swap3A_16] : memref<256x1280xf32, #tpu.memory_space<vmem>>, vector<256x1280xf32>
    tpu.vector_store %arg4[%swap3A, %swap3A_16], %transpose3A {strides = array<i32>} : memref<256x1280xf32, #tpu.memory_space<vmem>>, vector<256x1280xf32>,
    return
  }
  func.func @transform_0(%arg0: i32) -> (i32, i32) {
    %c0_i32 = arith.constant 0 : i32
    %c0_i32_0 = arith.constant 0 : i32
    return %arg0, %c0_i32 : i32, i32
  }
  func.func @transform_1(%arg0: i32) -> (i32, i32) {
    %c0_i32 = arith.constant 0 : i32
    %c0_i32_0 = arith.constant 0 : i32
    return %arg0, %c0_i32 : i32, i32
  }
  func.func @transform_2(%arg0: i32) -> (i32, i32) {
    %c0_i32 = arith.constant 0 : i32
    %c0_i32_0 = arith.constant 0 : i32
    return %arg0, %c0_i32 : i32, i32
  }
  func.func @transform_3(%arg0: i32) -> (i32, i32) {
    %c0_i32 = arith.constant 0 : i32
    %c0_i32_0 = arith.constant 0 : i32
    return %c0_i32, %arg0 : i32, i32
  }
}

module attributes {stable_mosaic.version = 14 : i64} {
  func.func @body(%arg0: i32, %arg1: memref<2000x256xf32, #tpu.memory_space<vmem>>, %arg2: memref<2000x256xf32, #tpu.memory_space<vmem>>, %arg3: memref<256x256xf32, #tpu.memory_space<vmem>>, %arg4: memref<1x256xf32, #tpu.memory_space<vmem>>, %arg5: memref<256x128xf32, #tpu.memory_space<vmem>>, %arg6: memref<256x128xf32, #tpu.memory_space<vmem>>, %arg7: memref<2000x256xf32, #tpu.memory_space<vmem>>, %arg8: memref<2000x128xf32, #tpu.memory_space<vmem>>, %arg9: memref<2000x128xf32, #tpu.memory_space<vmem>>) attributes {dimension_semantics = [#tpu.dimension_semantics<arbitrary>], iteration_bounds = array<i64: 5>, scalar_prefetch = 0 : i64, scratch_operands = 0 : i64, tpu.core_type = #tpu.core_type<tc>, window_params = [{transform_indices = @transform_0, window_bounds = array<i64: 2000, 256>}, {transform_indices = @transform_1, window_bounds = array<i64: 2000, 256>}, {pipeline_mode = #tpu.pipeline_mode<synchronous>, transform_indices = @transform_2, window_bounds = array<i64: 256, 256>}, {pipeline_mode = #tpu.pipeline_mode<synchronous>, transform_indices = @transform_3, window_bounds = array<i64: 1, 256>}, {pipeline_mode = #tpu.pipeline_mode<synchronous>, transform_indices = @transform_4, window_bounds = array<i64: 256, 128>}, {pipeline_mode = #tpu.pipeline_mode<synchronous>, transform_indices = @transform_5, window_bounds = array<i64: 256, 128>}, {transform_indices = @transform_6, window_bounds = array<i64: 2000, 256>}, {transform_indices = @transform_7, window_bounds = array<i64: 2000, 128>}, {transform_indices = @transform_8, window_bounds = array<i64: 2000, 128>}]} {
    %get3A = arith.constant 0 : index
    %get3A_0 = arith.constant 0 : index
    %get3A_1 = vector.load %arg1[%get3A, %get3A_0] : memref<2000x256xf32, #tpu.memory_space<vmem>>, vector<2000x256xf32>
    %get3A_2 = arith.constant 0 : index
    %get3A_3 = arith.constant 0 : index
    %get3A_4 = vector.load %arg2[%get3A_2, %get3A_3] : memref<2000x256xf32, #tpu.memory_space<vmem>>, vector<2000x256xf32>
    %get3A_5 = arith.constant 0 : index
    %get3A_6 = arith.constant 0 : index
    %get3A_7 = vector.load %arg3[%get3A_5, %get3A_6] : memref<256x256xf32, #tpu.memory_space<vmem>>, vector<256x256xf32>
    %dot_general3A = arith.constant dense<0.000000e+00> : vector<2000x256xf32>
    %dot_general3A_8 = tpu.matmul %get3A_4, %get3A_7, %dot_general3A {dimension_numbers = #tpu.dot_dimension_numbers<[1], [0], [0], [1], [0, 0, 1, 1], [], []>, transpose_lhs_hint = false} : vector<2000x256xf32>, vector<256x256xf32>, vector<2000x256xf32> -> vector<2000x256xf32>
    %get3A_9 = arith.constant 0 : index
    %get3A_10 = arith.constant 0 : index
    %get3A_11 = vector.load %arg4[%get3A_9, %get3A_10] : memref<1x256xf32, #tpu.memory_space<vmem>>, vector<1x256xf32>
    %add3A = vector.broadcast %get3A_11 : vector<1x256xf32> to vector<2000x256xf32>
    %add3A_12 = arith.addf %dot_general3A_8, %add3A : vector<2000x256xf32>
    %neg3A = arith.constant 0.000000e+00 : f32
    %neg3A_13 = vector.broadcast %neg3A : f32 to vector<2000x256xf32>
    %neg3A_14 = arith.subf %neg3A_13, %add3A_12 : vector<2000x256xf32>
    %exp3A = math.exp %neg3A_14 : vector<2000x256xf32>
    %add3A_15 = arith.constant 1.000000e+00 : f32
    %add3A_16 = vector.broadcast %add3A_15 : f32 to vector<2000x256xf32>
    %add3A_17 = arith.addf %add3A_16, %exp3A : vector<2000x256xf32>
    %div3A = arith.constant 1.000000e+00 : f32
    %div3A_18 = vector.broadcast %div3A : f32 to vector<2000x256xf32>
    %div3A_19 = arith.divf %div3A_18, %add3A_17 : vector<2000x256xf32>
    %mul3A = arith.mulf %add3A_12, %div3A_19 : vector<2000x256xf32>
    %add3A_20 = arith.addf %get3A_1, %mul3A : vector<2000x256xf32>
    %swap3A = arith.constant 0 : index
    %swap3A_21 = arith.constant 0 : index
    %swap3A_22 = vector.load %arg7[%swap3A, %swap3A_21] : memref<2000x256xf32, #tpu.memory_space<vmem>>, vector<2000x256xf32>
    tpu.vector_store %arg7[%swap3A, %swap3A_21], %add3A_20 {strides = array<i32>} : memref<2000x256xf32, #tpu.memory_space<vmem>>, vector<2000x256xf32>,
    %get3A_23 = arith.constant 0 : index
    %get3A_24 = arith.constant 0 : index
    %get3A_25 = vector.load %arg5[%get3A_23, %get3A_24] : memref<256x128xf32, #tpu.memory_space<vmem>>, vector<256x128xf32>
    %dot_general3A_26 = arith.constant dense<0.000000e+00> : vector<2000x128xf32>
    %dot_general3A_27 = tpu.matmul %add3A_20, %get3A_25, %dot_general3A_26 {dimension_numbers = #tpu.dot_dimension_numbers<[1], [0], [0], [1], [0, 0, 1, 1], [], []>, transpose_lhs_hint = false} : vector<2000x256xf32>, vector<256x128xf32>, vector<2000x128xf32> -> vector<2000x128xf32>
    %swap3A_28 = arith.constant 0 : index
    %swap3A_29 = arith.constant 0 : index
    %swap3A_30 = vector.load %arg8[%swap3A_28, %swap3A_29] : memref<2000x128xf32, #tpu.memory_space<vmem>>, vector<2000x128xf32>
    tpu.vector_store %arg8[%swap3A_28, %swap3A_29], %dot_general3A_27 {strides = array<i32>} : memref<2000x128xf32, #tpu.memory_space<vmem>>, vector<2000x128xf32>,
    %get3A_31 = arith.constant 0 : index
    %get3A_32 = arith.constant 0 : index
    %get3A_33 = vector.load %arg6[%get3A_31, %get3A_32] : memref<256x128xf32, #tpu.memory_space<vmem>>, vector<256x128xf32>
    %dot_general3A_34 = arith.constant dense<0.000000e+00> : vector<2000x128xf32>
    %dot_general3A_35 = tpu.matmul %add3A_20, %get3A_33, %dot_general3A_34 {dimension_numbers = #tpu.dot_dimension_numbers<[1], [0], [0], [1], [0, 0, 1, 1], [], []>, transpose_lhs_hint = false} : vector<2000x256xf32>, vector<256x128xf32>, vector<2000x128xf32> -> vector<2000x128xf32>
    %swap3A_36 = arith.constant 0 : index
    %swap3A_37 = arith.constant 0 : index
    %swap3A_38 = vector.load %arg9[%swap3A_36, %swap3A_37] : memref<2000x128xf32, #tpu.memory_space<vmem>>, vector<2000x128xf32>
    tpu.vector_store %arg9[%swap3A_36, %swap3A_37], %dot_general3A_35 {strides = array<i32>} : memref<2000x128xf32, #tpu.memory_space<vmem>>, vector<2000x128xf32>,
    return
  }
  func.func @transform_0(%arg0: i32) -> (i32, i32) {
    %c0_i32 = arith.constant 0 : i32
    %c0_i32_0 = arith.constant 0 : i32
    return %arg0, %c0_i32 : i32, i32
  }
  func.func @transform_1(%arg0: i32) -> (i32, i32) {
    %c0_i32 = arith.constant 0 : i32
    %c0_i32_0 = arith.constant 0 : i32
    return %arg0, %c0_i32 : i32, i32
  }
  func.func @transform_2(%arg0: i32) -> (i32, i32) {
    %c0_i32 = arith.constant 0 : i32
    %c0_i32_0 = arith.constant 0 : i32
    %c0_i32_1 = arith.constant 0 : i32
    return %c0_i32, %c0_i32_0 : i32, i32
  }
  func.func @transform_3(%arg0: i32) -> (i32, i32) {
    %c0_i32 = arith.constant 0 : i32
    %c0_i32_0 = arith.constant 0 : i32
    %c0_i32_1 = arith.constant 0 : i32
    return %c0_i32, %c0_i32_0 : i32, i32
  }
  func.func @transform_4(%arg0: i32) -> (i32, i32) {
    %c0_i32 = arith.constant 0 : i32
    %c0_i32_0 = arith.constant 0 : i32
    %c0_i32_1 = arith.constant 0 : i32
    return %c0_i32, %c0_i32_0 : i32, i32
  }
  func.func @transform_5(%arg0: i32) -> (i32, i32) {
    %c0_i32 = arith.constant 0 : i32
    %c0_i32_0 = arith.constant 0 : i32
    %c0_i32_1 = arith.constant 0 : i32
    return %c0_i32, %c0_i32_0 : i32, i32
  }
  func.func @transform_6(%arg0: i32) -> (i32, i32) {
    %c0_i32 = arith.constant 0 : i32
    %c0_i32_0 = arith.constant 0 : i32
    return %arg0, %c0_i32 : i32, i32
  }
  func.func @transform_7(%arg0: i32) -> (i32, i32) {
    %c0_i32 = arith.constant 0 : i32
    %c0_i32_0 = arith.constant 0 : i32
    return %arg0, %c0_i32 : i32, i32
  }
  func.func @transform_8(%arg0: i32) -> (i32, i32) {
    %c0_i32 = arith.constant 0 : i32
    %c0_i32_0 = arith.constant 0 : i32
    return %arg0, %c0_i32 : i32, i32
  }
}

module attributes {stable_mosaic.version = 14 : i64} {
  func.func @body(%arg0: i32, %arg1: memref<1280x128xf32, #tpu.memory_space<vmem>>, %arg2: memref<1280x128xf32, #tpu.memory_space<vmem>>, %arg3: memref<1280x128xf32, #tpu.memory_space<vmem>>, %arg4: memref<1280x16xf32, #tpu.memory_space<vmem>>, %arg5: memref<1280x16xf32, #tpu.memory_space<vmem>>, %arg6: memref<1280x16xf32, #tpu.memory_space<vmem>>, %arg7: memref<128x128xf32, #tpu.memory_space<vmem>>, %arg8: memref<1x128xf32, #tpu.memory_space<vmem>>, %arg9: memref<32x1280xf32, #tpu.memory_space<vmem>>) attributes {dimension_semantics = [#tpu.dimension_semantics<arbitrary>], iteration_bounds = array<i64: 125>, scalar_prefetch = 0 : i64, scratch_operands = 0 : i64, tpu.core_type = #tpu.core_type<tc>, window_params = [{transform_indices = @transform_0, window_bounds = array<i64: 1280, 128>}, {transform_indices = @transform_1, window_bounds = array<i64: 1280, 128>}, {transform_indices = @transform_2, window_bounds = array<i64: 1280, 128>}, {transform_indices = @transform_3, window_bounds = array<i64: 1280, 16>}, {transform_indices = @transform_4, window_bounds = array<i64: 1280, 16>}, {transform_indices = @transform_5, window_bounds = array<i64: 1280, 16>}, {pipeline_mode = #tpu.pipeline_mode<synchronous>, transform_indices = @transform_6, window_bounds = array<i64: 128, 128>}, {pipeline_mode = #tpu.pipeline_mode<synchronous>, transform_indices = @transform_7, window_bounds = array<i64: 1, 128>}, {transform_indices = @transform_8, window_bounds = array<i64: 32, 1280>}]} {
    %get3A = arith.constant 0 : index
    %get3A_0 = arith.constant 0 : index
    %get3A_1 = vector.load %arg1[%get3A, %get3A_0] : memref<1280x128xf32, #tpu.memory_space<vmem>>, vector<1280x128xf32>
    %get3A_2 = arith.constant 0 : index
    %get3A_3 = arith.constant 0 : index
    %get3A_4 = vector.load %arg2[%get3A_2, %get3A_3] : memref<1280x128xf32, #tpu.memory_space<vmem>>, vector<1280x128xf32>
    %add3A = arith.addf %get3A_1, %get3A_4 : vector<1280x128xf32>
    %get3A_5 = arith.constant 0 : index
    %get3A_6 = arith.constant 0 : index
    %get3A_7 = vector.load %arg3[%get3A_5, %get3A_6] : memref<1280x128xf32, #tpu.memory_space<vmem>>, vector<1280x128xf32>
    %add3A_8 = arith.addf %add3A, %get3A_7 : vector<1280x128xf32>
    %neg3A = arith.constant 0.000000e+00 : f32
    %neg3A_9 = vector.broadcast %neg3A : f32 to vector<1280x128xf32>
    %neg3A_10 = arith.subf %neg3A_9, %add3A_8 : vector<1280x128xf32>
    %exp3A = math.exp %neg3A_10 : vector<1280x128xf32>
    %add3A_11 = arith.constant 1.000000e+00 : f32
    %add3A_12 = vector.broadcast %add3A_11 : f32 to vector<1280x128xf32>
    %add3A_13 = arith.addf %add3A_12, %exp3A : vector<1280x128xf32>
    %div3A = arith.constant 1.000000e+00 : f32
    %div3A_14 = vector.broadcast %div3A : f32 to vector<1280x128xf32>
    %div3A_15 = arith.divf %div3A_14, %add3A_13 : vector<1280x128xf32>
    %mul3A = arith.mulf %add3A_8, %div3A_15 : vector<1280x128xf32>
    %get3A_16 = arith.constant 0 : index
    %get3A_17 = arith.constant 0 : index
    %get3A_18 = vector.load %arg7[%get3A_16, %get3A_17] : memref<128x128xf32, #tpu.memory_space<vmem>>, vector<128x128xf32>
    %dot_general3A = arith.constant dense<0.000000e+00> : vector<1280x128xf32>
    %dot_general3A_19 = tpu.matmul %mul3A, %get3A_18, %dot_general3A {dimension_numbers = #tpu.dot_dimension_numbers<[1], [0], [0], [1], [0, 0, 1, 1], [], []>, transpose_lhs_hint = false} : vector<1280x128xf32>, vector<128x128xf32>, vector<1280x128xf32> -> vector<1280x128xf32>
    %get3A_20 = arith.constant 0 : index
    %get3A_21 = arith.constant 0 : index
    %get3A_22 = vector.load %arg8[%get3A_20, %get3A_21] : memref<1x128xf32, #tpu.memory_space<vmem>>, vector<1x128xf32>
    %add3A_23 = vector.broadcast %get3A_22 : vector<1x128xf32> to vector<1280x128xf32>
    %add3A_24 = arith.addf %dot_general3A_19, %add3A_23 : vector<1280x128xf32>
    %slice3A = vector.extract_strided_slice %add3A_24 {offsets = [0, 0], sizes = [1280, 1], strides = [1, 1]} : vector<1280x128xf32> to vector<1280x1xf32>
    %get3A_25 = arith.constant 0 : index
    %get3A_26 = arith.constant 0 : index
    %get3A_27 = vector.load %arg4[%get3A_25, %get3A_26] : memref<1280x16xf32, #tpu.memory_space<vmem>>, vector<1280x16xf32>
    %mul3A_28 = vector.broadcast %slice3A : vector<1280x1xf32> to vector<1280x16xf32>
    %mul3A_29 = arith.mulf %mul3A_28, %get3A_27 : vector<1280x16xf32>
    %slice3A_30 = vector.extract_strided_slice %add3A_24 {offsets = [0, 1], sizes = [1280, 1], strides = [1, 1]} : vector<1280x128xf32> to vector<1280x1xf32>
    %get3A_31 = arith.constant 0 : index
    %get3A_32 = arith.constant 0 : index
    %get3A_33 = vector.load %arg5[%get3A_31, %get3A_32] : memref<1280x16xf32, #tpu.memory_space<vmem>>, vector<1280x16xf32>
    %mul3A_34 = vector.broadcast %slice3A_30 : vector<1280x1xf32> to vector<1280x16xf32>
    %mul3A_35 = arith.mulf %mul3A_34, %get3A_33 : vector<1280x16xf32>
    %add3A_36 = arith.addf %mul3A_29, %mul3A_35 : vector<1280x16xf32>
    %slice3A_37 = vector.extract_strided_slice %add3A_24 {offsets = [0, 2], sizes = [1280, 1], strides = [1, 1]} : vector<1280x128xf32> to vector<1280x1xf32>
    %get3A_38 = arith.constant 0 : index
    %get3A_39 = arith.constant 0 : index
    %get3A_40 = vector.load %arg6[%get3A_38, %get3A_39] : memref<1280x16xf32, #tpu.memory_space<vmem>>, vector<1280x16xf32>
    %mul3A_41 = vector.broadcast %slice3A_37 : vector<1280x1xf32> to vector<1280x16xf32>
    %mul3A_42 = arith.mulf %mul3A_41, %get3A_40 : vector<1280x16xf32>
    %add3A_43 = arith.addf %add3A_36, %mul3A_42 : vector<1280x16xf32>
    %broadcast_in_dim3A = arith.constant 0.000000e+00 : f32
    %broadcast_in_dim3A_44 = vector.broadcast %broadcast_in_dim3A : f32 to vector<1280x16xf32>
    %concatenate3A = tpu.concatenate %add3A_43, %broadcast_in_dim3A_44 in 1 : vector<1280x16xf32>, vector<1280x16xf32> -> vector<1280x32xf32>
    %transpose3A = tpu.transpose %concatenate3A, [1, 0] : vector<1280x32xf32> -> vector<32x1280xf32>
    %swap3A = arith.constant 0 : index
    %swap3A_45 = arith.constant 0 : index
    %swap3A_46 = vector.load %arg9[%swap3A, %swap3A_45] : memref<32x1280xf32, #tpu.memory_space<vmem>>, vector<32x1280xf32>
    tpu.vector_store %arg9[%swap3A, %swap3A_45], %transpose3A {strides = array<i32>} : memref<32x1280xf32, #tpu.memory_space<vmem>>, vector<32x1280xf32>,
    return
  }
  func.func @transform_0(%arg0: i32) -> (i32, i32) {
    %c0_i32 = arith.constant 0 : i32
    %c0_i32_0 = arith.constant 0 : i32
    return %arg0, %c0_i32 : i32, i32
  }
  func.func @transform_1(%arg0: i32) -> (i32, i32) {
    %c0_i32 = arith.constant 0 : i32
    %c0_i32_0 = arith.constant 0 : i32
    return %arg0, %c0_i32 : i32, i32
  }
  func.func @transform_2(%arg0: i32) -> (i32, i32) {
    %c0_i32 = arith.constant 0 : i32
    %c0_i32_0 = arith.constant 0 : i32
    return %arg0, %c0_i32 : i32, i32
  }
  func.func @transform_3(%arg0: i32) -> (i32, i32) {
    %c0_i32 = arith.constant 0 : i32
    %c0_i32_0 = arith.constant 0 : i32
    return %arg0, %c0_i32 : i32, i32
  }
  func.func @transform_4(%arg0: i32) -> (i32, i32) {
    %c0_i32 = arith.constant 0 : i32
    %c0_i32_0 = arith.constant 0 : i32
    return %arg0, %c0_i32 : i32, i32
  }
  func.func @transform_5(%arg0: i32) -> (i32, i32) {
    %c0_i32 = arith.constant 0 : i32
    %c0_i32_0 = arith.constant 0 : i32
    return %arg0, %c0_i32 : i32, i32
  }
  func.func @transform_6(%arg0: i32) -> (i32, i32) {
    %c0_i32 = arith.constant 0 : i32
    %c0_i32_0 = arith.constant 0 : i32
    %c0_i32_1 = arith.constant 0 : i32
    return %c0_i32, %c0_i32_0 : i32, i32
  }
  func.func @transform_7(%arg0: i32) -> (i32, i32) {
    %c0_i32 = arith.constant 0 : i32
    %c0_i32_0 = arith.constant 0 : i32
    %c0_i32_1 = arith.constant 0 : i32
    return %c0_i32, %c0_i32_0 : i32, i32
  }
  func.func @transform_8(%arg0: i32) -> (i32, i32) {
    %c0_i32 = arith.constant 0 : i32
    %c0_i32_0 = arith.constant 0 : i32
    return %c0_i32, %arg0 : i32, i32
  }
}

module attributes {stable_mosaic.version = 14 : i64} {
  func.func @body(%arg0: i32, %arg1: memref<2000x16xf32, #tpu.memory_space<vmem>>, %arg2: memref<2000x16xf32, #tpu.memory_space<vmem>>, %arg3: memref<2000x16xf32, #tpu.memory_space<vmem>>, %arg4: memref<2000x1xf32, #tpu.memory_space<vmem>>, %arg5: memref<1x1xf32, #tpu.memory_space<vmem>>, %arg6: memref<8x128xf32, #tpu.memory_space<vmem>>) attributes {dimension_semantics = [#tpu.dimension_semantics<arbitrary>], iteration_bounds = array<i64: 5>, scalar_prefetch = 0 : i64, scratch_operands = 1 : i64, tpu.core_type = #tpu.core_type<tc>, window_params = [{transform_indices = @transform_0, window_bounds = array<i64: 2000, 16>}, {transform_indices = @transform_1, window_bounds = array<i64: 2000, 16>}, {transform_indices = @transform_2, window_bounds = array<i64: 2000, 16>}, {transform_indices = @transform_3, window_bounds = array<i64: 2000, 1>}, {pipeline_mode = #tpu.pipeline_mode<synchronous>, transform_indices = @transform_4, window_bounds = array<i64: 1, 1>}]} {
    %eq3A = arith.constant 0 : i32
    %eq3A_0 = arith.cmpi eq, %arg0, %eq3A : i32
    %convert_element_type3A = arith.extui %eq3A_0 : i1 to i32
    %cond3A = arith.constant 0 : i32
    %cond3A_1 = arith.cmpi ne, %convert_element_type3A, %cond3A : i32
    scf.if %cond3A_1 {
      %broadcast_in_dim3A_47 = arith.constant 0.000000e+00 : f32
      %broadcast_in_dim3A_48 = vector.broadcast %broadcast_in_dim3A_47 : f32 to vector<8x128xf32>
      %swap3A_49 = arith.constant 0 : index
      %swap3A_50 = arith.constant 0 : index
      %swap3A_51 = vector.load %arg6[%swap3A_49, %swap3A_50] : memref<8x128xf32, #tpu.memory_space<vmem>>, vector<8x128xf32>
      tpu.vector_store %arg6[%swap3A_49, %swap3A_50], %broadcast_in_dim3A_48 {strides = array<i32>} : memref<8x128xf32, #tpu.memory_space<vmem>>, vector<8x128xf32>,
    } else {
    }
    %get3A = arith.constant 0 : index
    %get3A_2 = arith.constant 0 : index
    %get3A_3 = vector.load %arg1[%get3A, %get3A_2] : memref<2000x16xf32, #tpu.memory_space<vmem>>, vector<2000x16xf32>
    %get3A_4 = arith.constant 0 : index
    %get3A_5 = arith.constant 0 : index
    %get3A_6 = vector.load %arg2[%get3A_4, %get3A_5] : memref<2000x16xf32, #tpu.memory_space<vmem>>, vector<2000x16xf32>
    %sub3A = arith.subf %get3A_3, %get3A_6 : vector<2000x16xf32>
    %mul3A = arith.mulf %sub3A, %sub3A : vector<2000x16xf32>
    %get3A_7 = arith.constant 0 : index
    %get3A_8 = arith.constant 0 : index
    %get3A_9 = vector.load %arg3[%get3A_7, %get3A_8] : memref<2000x16xf32, #tpu.memory_space<vmem>>, vector<2000x16xf32>
    %mul3A_10 = arith.mulf %mul3A, %get3A_9 : vector<2000x16xf32>
    %reduce_sum3A = arith.constant dense<0.000000e+00> : vector<2000xf32>
    %reduce_sum3A_11 = vector.multi_reduction <add>, %mul3A_10, %reduce_sum3A [1] : vector<2000x16xf32> to vector<2000xf32>
    %broadcast_in_dim3A = vector.shape_cast %reduce_sum3A_11 : vector<2000xf32> to vector<2000x1xf32>
    %iota3A = tpu.iota {dimensions = array<i32: 1>} : vector<1x128xi32>
    %convert_element_type3A_12 = arith.sitofp %iota3A : vector<1x128xi32> to vector<1x128xf32>
    %get3A_13 = arith.constant 0 : index
    %get3A_14 = arith.constant 0 : index
    %get3A_15 = vector.load %arg4[%get3A_13, %get3A_14] : memref<2000x1xf32, #tpu.memory_space<vmem>>, vector<2000x1xf32>
    %eq3A_16 = vector.broadcast %get3A_15 : vector<2000x1xf32> to vector<2000x128xf32>
    %eq3A_17 = vector.broadcast %convert_element_type3A_12 : vector<1x128xf32> to vector<2000x128xf32>
    %eq3A_18 = arith.cmpf oeq, %eq3A_16, %eq3A_17 : vector<2000x128xf32>
    %jit3A = arith.constant 1.000000e+00 : f32
    %jit3A_19 = arith.constant 0.000000e+00 : f32
    %broadcast_in_dim3A_20 = vector.broadcast %jit3A : f32 to vector<2000x128xf32>
    %broadcast_in_dim3A_21 = vector.broadcast %jit3A_19 : f32 to vector<2000x128xf32>
    %select_n3A = arith.select %eq3A_18, %broadcast_in_dim3A_20, %broadcast_in_dim3A_21 : vector<2000x128xi1>, vector<2000x128xf32>
    %get3A_22 = arith.constant 0 : index
    %get3A_23 = arith.constant 0 : index
    %get3A_24 = vector.load %arg6[%get3A_22, %get3A_23] : memref<8x128xf32, #tpu.memory_space<vmem>>, vector<1x128xf32>
    %mul3A_25 = vector.broadcast %broadcast_in_dim3A : vector<2000x1xf32> to vector<2000x128xf32>
    %mul3A_26 = arith.mulf %select_n3A, %mul3A_25 : vector<2000x128xf32>
    %reduce_sum3A_27 = arith.constant dense<0.000000e+00> : vector<128xf32>
    %reduce_sum3A_28 = vector.multi_reduction <add>, %mul3A_26, %reduce_sum3A_27 [0] : vector<2000x128xf32> to vector<128xf32>
    %broadcast_in_dim3A_29 = vector.shape_cast %reduce_sum3A_28 : vector<128xf32> to vector<1x128xf32>
    %add3A = arith.addf %get3A_24, %broadcast_in_dim3A_29 : vector<1x128xf32>
    %swap3A = arith.constant 0 : index
    %swap3A_30 = arith.constant 0 : index
    %swap3A_31 = vector.load %arg6[%swap3A, %swap3A_30] : memref<8x128xf32, #tpu.memory_space<vmem>>, vector<1x128xf32>
    tpu.vector_store %arg6[%swap3A, %swap3A_30], %add3A {strides = array<i32>} : memref<8x128xf32, #tpu.memory_space<vmem>>, vector<1x128xf32>,
    %get3A_32 = arith.constant 1 : index
    %get3A_33 = arith.constant 0 : index
    %get3A_34 = vector.load %arg6[%get3A_32, %get3A_33] : memref<8x128xf32, #tpu.memory_space<vmem>>, vector<1x128xf32>
    %reduce_sum3A_35 = arith.constant dense<0.000000e+00> : vector<128xf32>
    %reduce_sum3A_36 = vector.multi_reduction <add>, %select_n3A, %reduce_sum3A_35 [0] : vector<2000x128xf32> to vector<128xf32>
    %broadcast_in_dim3A_37 = vector.shape_cast %reduce_sum3A_36 : vector<128xf32> to vector<1x128xf32>
    %add3A_38 = arith.addf %get3A_34, %broadcast_in_dim3A_37 : vector<1x128xf32>
    %swap3A_39 = arith.constant 1 : index
    %swap3A_40 = arith.constant 0 : index
    %swap3A_41 = vector.load %arg6[%swap3A_39, %swap3A_40] : memref<8x128xf32, #tpu.memory_space<vmem>>, vector<1x128xf32>
    tpu.vector_store %arg6[%swap3A_39, %swap3A_40], %add3A_38 {strides = array<i32>} : memref<8x128xf32, #tpu.memory_space<vmem>>, vector<1x128xf32>,
    %eq3A_42 = arith.constant 4 : i32
    %eq3A_43 = arith.cmpi eq, %arg0, %eq3A_42 : i32
    %convert_element_type3A_44 = arith.extui %eq3A_43 : i1 to i32
    %cond3A_45 = arith.constant 0 : i32
    %cond3A_46 = arith.cmpi ne, %convert_element_type3A_44, %cond3A_45 : i32
    scf.if %cond3A_46 {
      %get3A_47 = arith.constant 0 : index
      %get3A_48 = arith.constant 0 : index
      %get3A_49 = vector.load %arg6[%get3A_47, %get3A_48] : memref<8x128xf32, #tpu.memory_space<vmem>>, vector<1x128xf32>
      %get3A_50 = arith.constant 1 : index
      %get3A_51 = arith.constant 0 : index
      %get3A_52 = vector.load %arg6[%get3A_50, %get3A_51] : memref<8x128xf32, #tpu.memory_space<vmem>>, vector<1x128xf32>
      %max3A = arith.constant 1.000000e+00 : f32
      %max3A_53 = vector.broadcast %max3A : f32 to vector<1x128xf32>
      %max3A_54 = arith.maximumf %get3A_52, %max3A_53 : vector<1x128xf32>
      %div3A = arith.divf %get3A_49, %max3A_54 : vector<1x128xf32>
      %reduce_sum3A_55 = arith.constant dense<0.000000e+00> : vector<1xf32>
      %reduce_sum3A_56 = vector.multi_reduction <add>, %div3A, %reduce_sum3A_55 [1] : vector<1x128xf32> to vector<1xf32>
      %broadcast_in_dim3A_57 = vector.shape_cast %reduce_sum3A_56 : vector<1xf32> to vector<1x1xf32>
      %mul3A_58 = arith.constant 7.812500e-03 : f32
      %mul3A_59 = vector.broadcast %mul3A_58 : f32 to vector<1x1xf32>
      %mul3A_60 = arith.mulf %broadcast_in_dim3A_57, %mul3A_59 : vector<1x1xf32>
      %swap3A_61 = arith.constant 0 : index
      %swap3A_62 = arith.constant 0 : index
      %swap3A_63 = vector.load %arg5[%swap3A_61, %swap3A_62] : memref<1x1xf32, #tpu.memory_space<vmem>>, vector<1x1xf32>
      tpu.vector_store %arg5[%swap3A_61, %swap3A_62], %mul3A_60 {strides = array<i32>} : memref<1x1xf32, #tpu.memory_space<vmem>>, vector<1x1xf32>,
    } else {
    }
    return
  }
  func.func @transform_0(%arg0: i32) -> (i32, i32) {
    %c0_i32 = arith.constant 0 : i32
    %c0_i32_0 = arith.constant 0 : i32
    return %arg0, %c0_i32 : i32, i32
  }
  func.func @transform_1(%arg0: i32) -> (i32, i32) {
    %c0_i32 = arith.constant 0 : i32
    %c0_i32_0 = arith.constant 0 : i32
    return %arg0, %c0_i32 : i32, i32
  }
  func.func @transform_2(%arg0: i32) -> (i32, i32) {
    %c0_i32 = arith.constant 0 : i32
    %c0_i32_0 = arith.constant 0 : i32
    return %arg0, %c0_i32 : i32, i32
  }
  func.func @transform_3(%arg0: i32) -> (i32, i32) {
    %c0_i32 = arith.constant 0 : i32
    %c0_i32_0 = arith.constant 0 : i32
    return %arg0, %c0_i32 : i32, i32
  }
  func.func @transform_4(%arg0: i32) -> (i32, i32) {
    %c0_i32 = arith.constant 0 : i32
    %c0_i32_0 = arith.constant 0 : i32
    %c0_i32_1 = arith.constant 0 : i32
    return %c0_i32, %c0_i32_0 : i32, i32
  }
}

</mosaic_0001>

<sc_bundles>
// kernel: kernel.17.cloned.1.call-start
scs
__scs_entry_jumppad:
0x0: {  	(pc) =	sbr.rel $0x88, $3  }
0x1: {  	(tag) =	ssettag $0x0;
	lr =	simm.s32 $0x1  }
0x2: {  	[smem:$0x3F7F] =	sst lr;
	_ =	strace $0xD0000000  }
0x3: {  	_ = 	snop  }
0x4: {  	_ = 	snop  }
0x5: {  	_ = 	snop  }
0x6: {  	_ = 	snop  }
0x7: {  	_ = 	snop  }
__scs_overlays_trampoline_lowered:
0x8: {  	[smem:$0x3F8E] =	sst s0  }
0x9: {  	[smem:$0x3F8F] =	sst s1  }
0xa: {  	[smem:$0x3F90] =	sst s2  }
0xb: {  	[smem:$0x3F91] =	sst s3  }
0xc: {  	[smem:$0x3F92] =	sst s4  }
0xd: {  	[smem:$0x3F93] =	sst s5  }
0xe: {  	[smem:$0x3F94] =	sst s6  }
0xf: {  	[smem:$0x3F95] =	sst s7  }
0x10: {  	[smem:$0x3F96] =	sst s8  }
0x11: {  	[smem:$0x3F97] =	sst s9;
	s0 =	simm.s32 @!p0 $0x0  }
0x12: {  	s1 =	sld [smem:$0x3F7D];
	s0 =	simm.s32 @p0 $0x1  }
0x13: {  	[smem:$0x3F98] =	sst s0;
	s0 =	simm.s32 @!p1 $0x0  }
0x14: {  	s2 =	sld [smem:$0x3F7C];
	s0 =	simm.s32 @p1 $0x1  }
0x15: {  	[smem:$0x3F99] =	sst s0;
	s0 =	simm.s32 @!p2 $0x0  }
0x16: {  	s3 =	sld [smem:$0x3FDB];
	s0 =	simm.s32 @p2 $0x1  }
0x17: {  	s4 =	simm.s32 $0x1BF5;
	[smem:$0x3F9B] =	sst s0  }
0x18: {  	s0 =	sld [smem:$0x3F7E];
	_ =	swait.ge [sflag:s4], $0x0  }
0x19: {  	s7 =	sld [smem:$0x3F7F]  }
0x1a: {  	s8 =	sadd.s32 $0xFFFFE003, lr  }
0x1b: {  	s9 =	sadd.s32 $0xFFFFFEF7, lr;
	s5 =	simm.s32 $0xFFFFFFFF;
	p2 =	slt.u32 s8, $0xFFFFF086  }
0x1c: {  	p1 =	slt.u32 s9, $0xF7A;
	s5 =	simm.s32 @!p2 $0x0  }
0x1d: {  	s5 =	simm.s32 @p1 $0x1;
	p0 =	seq.s32 s7, s2  }
0x1e: {  	s7 =	smul.u32 @!p0 $0xF7A, s2;
	p2 =	seq.s32 @!p0 s5, $0x0  }
0x1f: {  	s9 =	smul.u32 $0xF7A, s1;
	s8 =	simm.s32 @!p0 $0x1BF5;
	p2 =	por !p2, p0  }
0x20: {  	[sflag:s8] =	ssyncset.s32 @!p0 $0xFFFFF086;
	s6 =	sadd.s32 @!p0 s3, s7;
	s7 =	simm.s32 @!p0 $0x108  }
0x21: {  	s3 =	sadd.s32 s3, s9;
	s6 =	sadd.s32 @!p0 $0x88, s6;
	s7 =	simm.s32 @p2 $0x1082  }
0x22: {  	[simem:s7], [sflag:s8] =	dma.local @!p0 [hbm:s6], $0xF7A  }
0x23: {  	s9 =	sor.u32 $0xD0000000, s2;
	s6 =	simm.s32 $0x108;
	_ =	swait.ge @!p0 [sflag:s8], $0x0  }
0x24: {  	s3 =	sadd.s32 $0x88, s3;
	s6 =	simm.s32 @!p1 $0x1082;
	[sflag:s4] =	ssyncset.s32 $0xFFFFF086  }
0x25: {  	[simem:s6], [sflag:s4] =	dma.local [hbm:s3], $0xF7A  }
0x26: {  	[smem:$0x3F7F] =	sst s1;
	(tag) =	ssettag s2;
	_ =	strace s9  }
0x27: {  	s1 =	sld [smem:$0x3F8F]  }
0x28: {  	s2 =	sld [smem:$0x3F90]  }
0x29: {  	s4 =	sld [smem:$0x3F92]  }
0x2a: {  	p0 =	seq.s32 s5, $0x0;
	s5 =	sld [smem:$0x3F93]  }
0x2b: {  	s6 =	sld [smem:$0x3F94]  }
0x2c: {  	s7 =	sld [smem:$0x3F95]  }
0x2d: {  	s3 =	simm.s32 $0x108;
	s8 =	sld [smem:$0x3F96]  }
0x2e: {  	s3 =	simm.s32 @!p0 $0x1082;
	s9 =	sld [smem:$0x3F97]  }
0x2f: {  	lr =	sadd.s32 s0, s3;
	s0 =	sld [smem:$0x3F8E]  }
0x30: {  	s3 =	sld [smem:$0x3F91]  }
0x31: {  	[smem:$0x3F9A] =	sst s10  }
0x32: {  	s10 =	sld [smem:$0x3F98];
	_ =	sdelay $0x3  }
0x33: {  	p0 =	seq.s32 s10, $0x1;
	s10 =	sld [smem:$0x3F9A];
	_ =	sdelay $0x3  }
0x34: {  	[smem:$0x3F9A] =	sst s10  }
0x35: {  	s10 =	sld [smem:$0x3F99];
	_ =	sdelay $0x3  }
0x36: {  	p1 =	seq.s32 s10, $0x1;
	s10 =	sld [smem:$0x3F9A];
	_ =	sdelay $0x3  }
0x37: {  	[smem:$0x3F9A] =	sst s10  }
0x38: {  	s10 =	sld [smem:$0x3F9B]  }
0x39: {  	_ = 	snop;
	(pc) =	sbr.ind lr, $3  }
0x3a: {  	_ = 	snop  }
0x3b: {  	_ = 	snop  }
0x3c: {  	p2 =	seq.s32 s10, $0x1;
	s10 =	sld [smem:$0x3F9A]  }
0x3d: {  	_ =	shalt  }
0x3e: {  	_ =	shalt  }
0x3f: {  	_ =	shalt  }
0x40: {  	_ =	shalt  }
0x41: {  	_ =	shalt  }
0x42: {  	_ =	shalt  }
0x43: {  	_ =	shalt  }
0x44: {  	_ =	shalt  }
0x45: {  	_ =	shalt  }
0x46: {  	_ =	shalt  }
0x47: {  	_ =	shalt  }
0x48: {  	_ =	shalt  }
0x49: {  	_ =	shalt  }
0x4a: {  	_ =	shalt  }
0x4b: {  	_ =	shalt  }
0x4c: {  	_ =	shalt  }
0x4d: {  	_ =	shalt  }
0x4e: {  	_ =	shalt  }
0x4f: {  	_ =	shalt  }
0x50: {  	_ =	shalt  }
0x51: {  	_ =	shalt  }
0x52: {  	_ =	shalt  }
0x53: {  	_ =	shalt  }
0x54: {  	_ =	shalt  }
0x55: {  	_ =	shalt  }
0x56: {  	_ =	shalt  }
0x57: {  	_ =	shalt  }
0x58: {  	_ =	shalt  }
0x59: {  	_ =	shalt  }
0x5a: {  	_ =	shalt  }
0x5b: {  	_ =	shalt  }
0x5c: {  	_ =	shalt  }
0x5d: {  	_ =	shalt  }
0x5e: {  	_ =	shalt  }
0x5f: {  	_ =	shalt  }
0x60: {  	_ =	shalt  }
0x61: {  	_ =	shalt  }
0x62: {  	_ =	shalt  }
0x63: {  	_ =	shalt  }
0x64: {  	_ =	shalt  }
0x65: {  	_ =	shalt  }
0x66: {  	_ =	shalt  }
0x67: {  	_ =	shalt  }
0x68: {  	_ =	shalt  }
0x69: {  	_ =	shalt  }
0x6a: {  	_ =	shalt  }
0x6b: {  	_ =	shalt  }
0x6c: {  	_ =	shalt  }
0x6d: {  	_ =	shalt  }
0x6e: {  	_ =	shalt  }
0x6f: {  	_ =	shalt  }
0x70: {  	_ =	shalt  }
0x71: {  	_ =	shalt  }
0x72: {  	_ =	shalt  }
0x73: {  	_ =	shalt  }
0x74: {  	_ =	shalt  }
0x75: {  	_ =	shalt  }
0x76: {  	_ =	shalt  }
0x77: {  	_ =	shalt  }
0x78: {  	_ =	shalt  }
0x79: {  	_ =	shalt  }
0x7a: {  	_ =	shalt  }
0x7b: {  	_ =	shalt  }
0x7c: {  	_ =	shalt  }
0x7d: {  	_ =	shalt  }
0x7e: {  	_ =	shalt  }
0x7f: {  	_ =	shalt  }
0x80: {  	_ =	shalt  }
0x81: {  	_ =	shalt  }
0x82: {  	_ =	shalt  }
0x83: {  	_ =	shalt  }
0x84: {  	_ =	shalt  }
0x85: {  	_ =	shalt  }
0x86: {  	_ =	shalt  }
0x87: {  	_ =	shalt  }
.Lfunc_end0:
.L_simem_size_0:
called_computation_lowered:
.L_overlay_start_0:
0x88: {  	s2 =	sld [smem:$0x3FD9]  }
0x89: {  	s3 =	sld [smem:$0x3FFE];
	_ =	sdelay $0x1  }
0x8a: {  	s1 =	srdreg.scid  }
0x8b: {  	s0 =	sand.u32 $0x1, s1  }
0x8c: {  	s16 =	sshll.u32 s0, $0xA;
	s2 =	sadd.s32 s3, s2  }
0x8d: {  	s2 =	sadd.s32 s2, s16  }
0x8e: {  	[smem:$0x3FA6] =	sst s2  }
0x8f: {  	_ = 	snop  }
0x90: {  	(tm) =	ssettm $0x1  }
0x91: {  	s17 =	sld [smem:$0x3FFB];
	_ =	sdelay $0x3  }
0x92: {  	_ =	strace s17  }
0x93: {  	s2 =	sld [smem:$0x3FFC];
	_ =	sdelay $0x3  }
0x94: {  	_ =	strace s2  }
0x95: {  	s2 =	sld [smem:$0x3FFD];
	_ =	sdelay $0x3  }
0x96: {  	_ =	strace s2  }
0x97: {  	_ =	strace $0x8FFFFFFF  }
0x98: {  	s18 =	sld [smem:$0x3FDB];
	_ =	sdelay $0x1  }
0x99: {  	s19 =	simm.s32 $_scs_section_size  }
0x9a: {  	s4 =	simm.s32 $_size__tile_overlayer_lowered;
	s5 =	simm.s32 $_tile_overlayer_lowered  }
0x9b: {  	s22 =	simm.s32 $0x1BFF;
	s21 =	sshll.u32 s5, $0x1;
	s2 =	sadd.s32 s19, s18  }
0x9c: {  	s6 =	simm.s32 $0x0;
	s20 =	sshll.u32 s4, $0x1;
	s4 =	sadd.s32 s21, s2  }
0x9d: {  	[timem:s6], [sflag:s22] =	dma.local [hbm:s4], s20  }
0x9e: {  	_ =	swait.ge [sflag:s22], s20  }
0x9f: {  	s3 =	ssub.s32 $0x0, s20;
	[sflag:s22] =	ssyncset.done $0x0  }
0xa0: {  	[sflag:s22] =	ssyncadd.s32 s3;
	_ =	sdelay $0x1  }
0xa1: {  	s23 =	simm.s32 $0x1B8B  }
0xa2: {  	_ =	swait.ge [sflag:s23], $0x1  }
0xa3: {  	[sflag:s23] =	ssyncset.done $0x0  }
0xa4: {  	s25 =	simm.s32 $0x1B8E;
	s24 =	sld [smem:$0x3FFE];
	[sflag:s23] =	ssyncadd.s32 $0xFFFFFFFF  }
0xa5: {  	s26 =	simm.s32 $execute0_lowered;
	[smem:$0x3FD2] =	sst s25  }
0xa6: {  	s4 =	sshll.u32 s26, $0x1;
	_ =	strace $0x80000046;
	[dreg:$0x1] =	wrdreg $0xFFFFFFFF  }
0xa7: {  	s28 =	simm.s32 $_size_execute0_lowered;
	s2 =	sadd.s32 s2, s4;
	[dreg:$0x0] =	wrdreg $0x0  }
0xa8: {  	s4 =	sshll.u32 s28, $0x1;
	[dreg:$0x2] =	wrdreg s2  }
0xa9: {  	[dreg:$0x3] =	wrdreg s4  }
0xaa: {  	[dreg:$0x4] =	wrdreg $0xC0  }
0xab: {  	_ =	task [dreg:s6], $0x5FFFF  }
0xac: {  	[dreg:$0x1] =	wrdreg $0xFFFFFFFF  }
0xad: {  	[dreg:$0x0] =	wrdreg $0x60  }
0xae: {  	[dreg:$0x2] =	wrdreg s24  }
0xaf: {  	[dreg:$0x3] =	wrdreg $0x9  }
0xb0: {  	_ =	task.clear_ibuf [dreg:s6], $0x4FFFF;
	_ =	strace $0x90000046  }
0xb1: {  	s29 =	simm.s32 $0x9;
	_ =	strace $0x80000048  }
0xb2: {  	_ =	swait.ge [sflag:s29], $0x1  }
0xb3: {  	[sflag:s29] =	ssyncadd.s32 $0xFFFFFFFF  }
0xb4: {  	_ =	strace $0x90000048  }
0xb5: {  	_ =	sfence  }
0xb6: {  	s30 =	sld [smem:$0x0];
	_ =	sdelay $0x2  }
0xb7: {  	s31 =	sshll.u32 s1, $0xD;
	s1 =	sshrl.u32 s1, $0x2  }
0xb8: {  	s3 =	sand.u32 $0x4000, s31;
	s1 =	sadd.s32 s1, s30  }
0xb9: {  	s0 =	sor.u32 s3, s0;
	s1 =	sshll.u32 s1, $0x11  }
0xba: {  	s0 =	sor.u32 s1, s0  }
0xbb: {  	s0 =	sadd.s32 $0x8F2B, s0  }
0xbc: {  	[sflag:s0] =	ssyncadd.remote.s32 $0x1  }
0xbd: {  	_ =	sfence.sel $0xFFFF  }
0xbe: {  	[dreg:$0x0] =	wrdreg $0xFFFFFFFF;
	(pc) =	sbr.abs _section_cstart, $3  }
0xbf: {  	[dreg:$0x1] =	wrdreg $0xFFFFFFFF  }
0xc0: {  	_ =	task.clear_ibuf [dreg:s6], $0x2FFFF;
	_ =	strace $0x9FFFFFFF  }
0xc1: {  	(tm) =	ssettm $0x7FFFFFFF  }
tec
execute0_lowered:
.L_overlay_start_1:
0x0: {  	(tag) =	ssettag $0x1  }
0x1: {  	s0 =	rddreg [dreg:$0x0];
	s1 =	simm.s32 $0x0;
	s25 =	srdreg.scid  }
0x2: {  	s5 =	stileid.u32;
	s10 =	simm.s32 $0x80;
	s11 =	simm.s32 $0x880  }
0x3: {  	s12 =	simm.s32 $0x1080;
	s13 =	simm.s32 $0x1880;
	s14 =	simm.s32 $0x2080  }
0x4: {  	s15 =	simm.s32 $0x2880;
	s16 =	simm.s32 $0x3080;
	s17 =	simm.s32 $0x3880  }
0x5: {  	s18 =	simm.s32 $0x4080;
	s19 =	simm.s32 $0x4880;
	s28 =	simm.s32 $0x8080  }
0x6: {  	s29 =	simm.s32 $0x0;
	[smem:$0x7FF] =	sst s1;
	s2 =	sadd.s32 $0x5C000, s0  }
0x7: {  	s20 =	sadd.s32 $0x57000, s0;
	_ =	strace $0x80000047;
	[dreg:$0x2] =	wrdreg s2  }
0x8: {  	s21 =	sadd.s32 $0x235E00, s0;
	s22 =	sadd.s32 $0x10DBE00, s0;
	[dreg:$0x3] =	wrdreg s20  }
0x9: {  	s23 =	sadd.s32 $0x717E00, s0;
	s24 =	sadd.s32 $0x988E00, s0;
	[dreg:$0x4] =	wrdreg s21  }
0xa: {  	s3 =	sadd.s32 $0x61000, s0;
	s4 =	sadd.s32 $0xFD400, s0;
	[dreg:$0x5] =	wrdreg s22  }
0xb: {  	s6 =	sadd.s32 $0x15BDE00, s0;
	s7 =	sshll.u32 s5, $0x1;
	[dreg:$0x6] =	wrdreg s23  }
0xc: {  	s5 =	sadd.s32 $0x1E7A00, s0;
	s30 =	sadd.s32 $0xE6AE00, s0;
	[dreg:$0x7] =	wrdreg s24  }
0xd: {  	s2 =	sand.u32 $0x1, s25;
	[dreg:$0x8] =	wrdreg s6;
	s6 =	sadd.s32 $0xAF200, s0  }
0xe: {  	[dreg:$0x9] =	wrdreg s30;
	s20 =	simm.s32 $0x5080;
	s21 =	simm.s32 $0x5880  }
0xf: {  	s22 =	simm.s32 $0x6080;
	s26 =	sor.u32 s2, s7;
	s2 =	ssub.s32 $0x2, s2  }
0x10: {  	s23 =	simm.s32 $0x6880;
	s8 =	smul.u32 $0x1388, s26;
	s9 =	sshrl.u32 s2, $0x1  }
0x11: {  	v2 =	vlaneseq.u32;
	s24 =	simm.s32 $0x7080;
	s25 =	simm.s32 $0x7880;
	s31 =	ssub.s32 s2, s9  }
0x12: {  	vm0 =	vmmov $0xffff;
	v1 =	vshrl.u32 v2, $0x3;
	s7 =	sadd.s32 $0x14B600, s0;
	[dreg:$0xa] =	wrdreg s8;
	s0 =	smax.u32 s31, $0x1  }
0x13: {  	v0 =	vand.u32 $0x7, v2;
	v2 =	vor.u32 $0x8, v2;
	v1 =	vmul.u32 $0x8, v1;
	s26 =	simm.s32 $0x1;
	s9 =	simm.s32 $0x2;
	[dreg:$0xb] =	wrdreg s0  }
.LBB2_1:
0x14: {  	s30 =	simm.s32 $0x0  }
.LBB2_2:
0x15: {  	s0 =	rddreg [dreg:$0xa];
	s2 =	smin.u32 s30, $0x1308  }
0x16: {  	s2 =	sadd.s32 s0, s2  }
0x17: {  	s31 =	rddreg [dreg:$0x2];
	s0 =	sshrl.u32 s2, $0x3  }
0x18: {  	s31 =	sadd.s32 s31, s0  }
0x19: {  	[tilespmem:s1], [sflag:$0x2] =	stream.linear.gather [hbm4b:s31+s1], $0x80, $0x38;
	[tilespmem:$0xC080] =	vst v63  }
0x1a: {  	_ =	swait.ge [sflag:s9], $0x80  }
0x1b: {  	[sflag:s9] =	ssyncset.done $0x0  }
0x1c: {  	[sflag:s9] =	ssyncadd.s32 $0xFFFFFF80  }
0x1d: {  	v3 =	vld [tilespmem:$0x0];
	_ =	sdelay $0x4  }
0x1e: {  	v4 =	vshll.u32 v3, $0x1  }
0x1f: {  	v3 =	vand.u32 $0x7, v3;
	v4 =	vand.u32 $0xFFFFFFF0, v4  }
0x20: {  	v3 =	vor.u32 v3, v4  }
0x21: {  	v4 =	vperm.xlane v3, v0;
	_ =	sdelay $0x1  }
0x22: {  	v3 =	vperm.xlane v3, v2;
	v4 =	vadd.s32 v1, v4;
	_ =	sdelay $0x1  }
0x23: {  	v3 =	vadd.s32 v1, v3;
	_ =	sdelay $0x2  }
0x24: {  	[tilespmem:s10], [sflag:$0x1] =	stream.indirect_vreg.gather [hbm4b:s3+s1], $0x80, v4, vm0, $0xb8;
	[tilespmem:$0xC080] =	vst v63  }
0x25: {  	_ = 	snop  }
0x26: {  	[tilespmem:s11], [sflag:$0x1] =	stream.indirect_vreg.gather [hbm4b:s3+s1], $0x80, v3, vm0, $0xb8;
	[tilespmem:$0xC080] =	vst v63  }
0x27: {  	v3 =	vld [tilespmem:$0x10];
	_ =	sdelay $0x4  }
0x28: {  	v33 =	vshll.u32 v3, $0x1  }
0x29: {  	v3 =	vand.u32 $0x7, v3;
	v4 =	vand.u32 $0xFFFFFFF0, v33  }
0x2a: {  	v3 =	vor.u32 v3, v4  }
0x2b: {  	v4 =	vperm.xlane v3, v0;
	_ =	sdelay $0x1  }
0x2c: {  	v3 =	vperm.xlane v3, v2;
	v4 =	vadd.s32 v1, v4;
	_ =	sdelay $0x1  }
0x2d: {  	v3 =	vadd.s32 v1, v3;
	_ =	sdelay $0x2  }
0x2e: {  	[tilespmem:s12], [sflag:$0x1] =	stream.indirect_vreg.gather [hbm4b:s3+s1], $0x80, v4, vm0, $0xb8;
	[tilespmem:$0xC080] =	vst v63  }
0x2f: {  	_ = 	snop  }
0x30: {  	[tilespmem:s13], [sflag:$0x1] =	stream.indirect_vreg.gather [hbm4b:s3+s1], $0x80, v3, vm0, $0xb8;
	[tilespmem:$0xC080] =	vst v63  }
0x31: {  	v3 =	vld [tilespmem:$0x20];
	_ =	sdelay $0x4  }
0x32: {  	v34 =	vshll.u32 v3, $0x1  }
0x33: {  	v3 =	vand.u32 $0x7, v3;
	v4 =	vand.u32 $0xFFFFFFF0, v34  }
0x34: {  	v3 =	vor.u32 v3, v4  }
0x35: {  	v4 =	vperm.xlane v3, v0;
	_ =	sdelay $0x1  }
0x36: {  	v3 =	vperm.xlane v3, v2;
	v4 =	vadd.s32 v1, v4;
	_ =	sdelay $0x1  }
0x37: {  	v3 =	vadd.s32 v1, v3;
	_ =	sdelay $0x2  }
0x38: {  	[tilespmem:s14], [sflag:$0x1] =	stream.indirect_vreg.gather [hbm4b:s3+s1], $0x80, v4, vm0, $0xb8;
	[tilespmem:$0xC080] =	vst v63  }
0x39: {  	_ = 	snop  }
0x3a: {  	[tilespmem:s15], [sflag:$0x1] =	stream.indirect_vreg.gather [hbm4b:s3+s1], $0x80, v3, vm0, $0xb8;
	[tilespmem:$0xC080] =	vst v63  }
0x3b: {  	v3 =	vld [tilespmem:$0x30];
	_ =	sdelay $0x4  }
0x3c: {  	v35 =	vshll.u32 v3, $0x1  }
0x3d: {  	v3 =	vand.u32 $0x7, v3;
	v4 =	vand.u32 $0xFFFFFFF0, v35  }
0x3e: {  	v3 =	vor.u32 v3, v4  }
0x3f: {  	v4 =	vperm.xlane v3, v0;
	_ =	sdelay $0x1  }
0x40: {  	v3 =	vperm.xlane v3, v2;
	v4 =	vadd.s32 v1, v4;
	_ =	sdelay $0x1  }
0x41: {  	v3 =	vadd.s32 v1, v3;
	_ =	sdelay $0x2  }
0x42: {  	[tilespmem:s16], [sflag:$0x1] =	stream.indirect_vreg.gather [hbm4b:s3+s1], $0x80, v4, vm0, $0xb8;
	[tilespmem:$0xC080] =	vst v63  }
0x43: {  	_ = 	snop  }
0x44: {  	[tilespmem:s17], [sflag:$0x1] =	stream.indirect_vreg.gather [hbm4b:s3+s1], $0x80, v3, vm0, $0xb8;
	[tilespmem:$0xC080] =	vst v63  }
0x45: {  	v3 =	vld [tilespmem:$0x40];
	_ =	sdelay $0x4  }
0x46: {  	v36 =	vshll.u32 v3, $0x1  }
0x47: {  	v3 =	vand.u32 $0x7, v3;
	v4 =	vand.u32 $0xFFFFFFF0, v36  }
0x48: {  	v3 =	vor.u32 v3, v4  }
0x49: {  	v4 =	vperm.xlane v3, v0;
	_ =	sdelay $0x1  }
0x4a: {  	v3 =	vperm.xlane v3, v2;
	v4 =	vadd.s32 v1, v4;
	_ =	sdelay $0x1  }
0x4b: {  	v3 =	vadd.s32 v1, v3;
	_ =	sdelay $0x2  }
0x4c: {  	[tilespmem:s18], [sflag:$0x1] =	stream.indirect_vreg.gather [hbm4b:s3+s1], $0x80, v4, vm0, $0xb8;
	[tilespmem:$0xC080] =	vst v63  }
0x4d: {  	_ = 	snop  }
0x4e: {  	[tilespmem:s19], [sflag:$0x1] =	stream.indirect_vreg.gather [hbm4b:s3+s1], $0x80, v3, vm0, $0xb8;
	[tilespmem:$0xC080] =	vst v63  }
0x4f: {  	v3 =	vld [tilespmem:$0x50];
	_ =	sdelay $0x4  }
0x50: {  	v37 =	vshll.u32 v3, $0x1  }
0x51: {  	v3 =	vand.u32 $0x7, v3;
	v4 =	vand.u32 $0xFFFFFFF0, v37  }
0x52: {  	v3 =	vor.u32 v3, v4  }
0x53: {  	v4 =	vperm.xlane v3, v0;
	_ =	sdelay $0x1  }
0x54: {  	v3 =	vperm.xlane v3, v2;
	v4 =	vadd.s32 v1, v4;
	_ =	sdelay $0x1  }
0x55: {  	v3 =	vadd.s32 v1, v3;
	_ =	sdelay $0x2  }
0x56: {  	[tilespmem:s20], [sflag:$0x1] =	stream.indirect_vreg.gather [hbm4b:s3+s1], $0x80, v4, vm0, $0xb8;
	[tilespmem:$0xC080] =	vst v63  }
0x57: {  	_ = 	snop  }
0x58: {  	[tilespmem:s21], [sflag:$0x1] =	stream.indirect_vreg.gather [hbm4b:s3+s1], $0x80, v3, vm0, $0xb8;
	[tilespmem:$0xC080] =	vst v63  }
0x59: {  	v3 =	vld [tilespmem:$0x60];
	_ =	sdelay $0x4  }
0x5a: {  	v38 =	vshll.u32 v3, $0x1  }
0x5b: {  	v3 =	vand.u32 $0x7, v3;
	v4 =	vand.u32 $0xFFFFFFF0, v38  }
0x5c: {  	v3 =	vor.u32 v3, v4  }
0x5d: {  	v4 =	vperm.xlane v3, v0;
	_ =	sdelay $0x1  }
0x5e: {  	v3 =	vperm.xlane v3, v2;
	v4 =	vadd.s32 v1, v4;
	_ =	sdelay $0x1  }
0x5f: {  	v3 =	vadd.s32 v1, v3;
	_ =	sdelay $0x2  }
0x60: {  	[tilespmem:s22], [sflag:$0x1] =	stream.indirect_vreg.gather [hbm4b:s3+s1], $0x80, v4, vm0, $0xb8;
	[tilespmem:$0xC080] =	vst v63  }
0x61: {  	_ = 	snop  }
0x62: {  	[tilespmem:s23], [sflag:$0x1] =	stream.indirect_vreg.gather [hbm4b:s3+s1], $0x80, v3, vm0, $0xb8;
	[tilespmem:$0xC080] =	vst v63  }
0x63: {  	v3 =	vld [tilespmem:$0x70];
	_ =	sdelay $0x4  }
0x64: {  	v39 =	vshll.u32 v3, $0x1  }
0x65: {  	v3 =	vand.u32 $0x7, v3;
	v4 =	vand.u32 $0xFFFFFFF0, v39  }
0x66: {  	v3 =	vor.u32 v3, v4  }
0x67: {  	v4 =	vperm.xlane v3, v0;
	_ =	sdelay $0x1  }
0x68: {  	v3 =	vperm.xlane v3, v2;
	v4 =	vadd.s32 v1, v4;
	_ =	sdelay $0x1  }
0x69: {  	v3 =	vadd.s32 v1, v3;
	_ =	sdelay $0x2  }
0x6a: {  	[tilespmem:s24], [sflag:$0x1] =	stream.indirect_vreg.gather [hbm4b:s3+s1], $0x80, v4, vm0, $0xb8;
	[tilespmem:$0xC080] =	vst v63  }
0x6b: {  	_ = 	snop  }
0x6c: {  	[tilespmem:s25], [sflag:$0x1] =	stream.indirect_vreg.gather [hbm4b:s3+s1], $0x80, v3, vm0, $0xb8;
	[tilespmem:$0xC080] =	vst v63  }
0x6d: {  	_ =	swait.ge [sflag:s26], $0x8000  }
0x6e: {  	s31 =	sshll.u32 s2, $0x5;
	s8 =	rddreg [dreg:$0x4];
	[sflag:s26] =	ssyncset.done $0x0  }
0x6f: {  	[sflag:s26] =	ssyncadd.s32 $0xFFFF8000;
	s8 =	sadd.s32 s8, s31  }
0x70: {  	[hbm4b:s8+s1] =	stream.linear.scatter [tilespmem:s10], [sflag:$0x2], $0x8000, $0x38;
	[tilespmem:$0xC080] =	vst v63  }
0x71: {  	_ =	swait.ge [sflag:s9], $0x8000  }
0x72: {  	[sflag:s9] =	ssyncset.done $0x0  }
0x73: {  	[sflag:s9] =	ssyncadd.s32 $0xFFFF8000  }
0x74: {  	v3 =	vld [tilespmem:$0x0];
	_ =	sdelay $0x4  }
0x75: {  	v40 =	vshll.u32 v3, $0x1  }
0x76: {  	v3 =	vand.u32 $0x7, v3;
	v4 =	vand.u32 $0xFFFFFFF0, v40  }
0x77: {  	v3 =	vor.u32 v3, v4  }
0x78: {  	v4 =	vperm.xlane v3, v0;
	_ =	sdelay $0x1  }
0x79: {  	v3 =	vperm.xlane v3, v2;
	v4 =	vadd.s32 v1, v4;
	_ =	sdelay $0x1  }
0x7a: {  	v3 =	vadd.s32 v1, v3;
	_ =	sdelay $0x2  }
0x7b: {  	[tilespmem:s10], [sflag:$0x1] =	stream.indirect_vreg.gather [hbm4b:s4+s1], $0x80, v4, vm0, $0xb8;
	[tilespmem:$0xC080] =	vst v63  }
0x7c: {  	_ = 	snop  }
0x7d: {  	[tilespmem:s11], [sflag:$0x1] =	stream.indirect_vreg.gather [hbm4b:s4+s1], $0x80, v3, vm0, $0xb8;
	[tilespmem:$0xC080] =	vst v63  }
0x7e: {  	v3 =	vld [tilespmem:$0x10];
	_ =	sdelay $0x4  }
0x7f: {  	v41 =	vshll.u32 v3, $0x1  }
0x80: {  	v3 =	vand.u32 $0x7, v3;
	v4 =	vand.u32 $0xFFFFFFF0, v41  }
0x81: {  	v3 =	vor.u32 v3, v4  }
0x82: {  	v4 =	vperm.xlane v3, v0;
	_ =	sdelay $0x1  }
0x83: {  	v3 =	vperm.xlane v3, v2;
	v4 =	vadd.s32 v1, v4;
	_ =	sdelay $0x1  }
0x84: {  	v3 =	vadd.s32 v1, v3;
	_ =	sdelay $0x2  }
0x85: {  	[tilespmem:s12], [sflag:$0x1] =	stream.indirect_vreg.gather [hbm4b:s4+s1], $0x80, v4, vm0, $0xb8;
	[tilespmem:$0xC080] =	vst v63  }
0x86: {  	_ = 	snop  }
0x87: {  	[tilespmem:s13], [sflag:$0x1] =	stream.indirect_vreg.gather [hbm4b:s4+s1], $0x80, v3, vm0, $0xb8;
	[tilespmem:$0xC080] =	vst v63  }
0x88: {  	v3 =	vld [tilespmem:$0x20];
	_ =	sdelay $0x4  }
0x89: {  	v42 =	vshll.u32 v3, $0x1  }
0x8a: {  	v3 =	vand.u32 $0x7, v3;
	v4 =	vand.u32 $0xFFFFFFF0, v42  }
0x8b: {  	v3 =	vor.u32 v3, v4  }
0x8c: {  	v4 =	vperm.xlane v3, v0;
	_ =	sdelay $0x1  }
0x8d: {  	v3 =	vperm.xlane v3, v2;
	v4 =	vadd.s32 v1, v4;
	_ =	sdelay $0x1  }
0x8e: {  	v3 =	vadd.s32 v1, v3;
	_ =	sdelay $0x2  }
0x8f: {  	[tilespmem:s14], [sflag:$0x1] =	stream.indirect_vreg.gather [hbm4b:s4+s1], $0x80, v4, vm0, $0xb8;
	[tilespmem:$0xC080] =	vst v63  }
0x90: {  	_ = 	snop  }
0x91: {  	[tilespmem:s15], [sflag:$0x1] =	stream.indirect_vreg.gather [hbm4b:s4+s1], $0x80, v3, vm0, $0xb8;
	[tilespmem:$0xC080] =	vst v63  }
0x92: {  	v3 =	vld [tilespmem:$0x30];
	_ =	sdelay $0x4  }
0x93: {  	v43 =	vshll.u32 v3, $0x1  }
0x94: {  	v3 =	vand.u32 $0x7, v3;
	v4 =	vand.u32 $0xFFFFFFF0, v43  }
0x95: {  	v3 =	vor.u32 v3, v4  }
0x96: {  	v4 =	vperm.xlane v3, v0;
	_ =	sdelay $0x1  }
0x97: {  	v3 =	vperm.xlane v3, v2;
	v4 =	vadd.s32 v1, v4;
	_ =	sdelay $0x1  }
0x98: {  	v3 =	vadd.s32 v1, v3;
	_ =	sdelay $0x2  }
0x99: {  	[tilespmem:s16], [sflag:$0x1] =	stream.indirect_vreg.gather [hbm4b:s4+s1], $0x80, v4, vm0, $0xb8;
	[tilespmem:$0xC080] =	vst v63  }
0x9a: {  	_ = 	snop  }
0x9b: {  	[tilespmem:s17], [sflag:$0x1] =	stream.indirect_vreg.gather [hbm4b:s4+s1], $0x80, v3, vm0, $0xb8;
	[tilespmem:$0xC080] =	vst v63  }
0x9c: {  	v3 =	vld [tilespmem:$0x40];
	_ =	sdelay $0x4  }
0x9d: {  	v44 =	vshll.u32 v3, $0x1  }
0x9e: {  	v3 =	vand.u32 $0x7, v3;
	v4 =	vand.u32 $0xFFFFFFF0, v44  }
0x9f: {  	v3 =	vor.u32 v3, v4  }
0xa0: {  	v4 =	vperm.xlane v3, v0;
	_ =	sdelay $0x1  }
0xa1: {  	v3 =	vperm.xlane v3, v2;
	v4 =	vadd.s32 v1, v4;
	_ =	sdelay $0x1  }
0xa2: {  	v3 =	vadd.s32 v1, v3;
	_ =	sdelay $0x2  }
0xa3: {  	[tilespmem:s18], [sflag:$0x1] =	stream.indirect_vreg.gather [hbm4b:s4+s1], $0x80, v4, vm0, $0xb8;
	[tilespmem:$0xC080] =	vst v63  }
0xa4: {  	_ = 	snop  }
0xa5: {  	[tilespmem:s19], [sflag:$0x1] =	stream.indirect_vreg.gather [hbm4b:s4+s1], $0x80, v3, vm0, $0xb8;
	[tilespmem:$0xC080] =	vst v63  }
0xa6: {  	v3 =	vld [tilespmem:$0x50];
	_ =	sdelay $0x4  }
0xa7: {  	v45 =	vshll.u32 v3, $0x1  }
0xa8: {  	v3 =	vand.u32 $0x7, v3;
	v4 =	vand.u32 $0xFFFFFFF0, v45  }
0xa9: {  	v3 =	vor.u32 v3, v4  }
0xaa: {  	v4 =	vperm.xlane v3, v0;
	_ =	sdelay $0x1  }
0xab: {  	v3 =	vperm.xlane v3, v2;
	v4 =	vadd.s32 v1, v4;
	_ =	sdelay $0x1  }
0xac: {  	v3 =	vadd.s32 v1, v3;
	_ =	sdelay $0x2  }
0xad: {  	[tilespmem:s20], [sflag:$0x1] =	stream.indirect_vreg.gather [hbm4b:s4+s1], $0x80, v4, vm0, $0xb8;
	[tilespmem:$0xC080] =	vst v63  }
0xae: {  	_ = 	snop  }
0xaf: {  	[tilespmem:s21], [sflag:$0x1] =	stream.indirect_vreg.gather [hbm4b:s4+s1], $0x80, v3, vm0, $0xb8;
	[tilespmem:$0xC080] =	vst v63  }
0xb0: {  	v3 =	vld [tilespmem:$0x60];
	_ =	sdelay $0x4  }
0xb1: {  	v46 =	vshll.u32 v3, $0x1  }
0xb2: {  	v3 =	vand.u32 $0x7, v3;
	v4 =	vand.u32 $0xFFFFFFF0, v46  }
0xb3: {  	v3 =	vor.u32 v3, v4  }
0xb4: {  	v4 =	vperm.xlane v3, v0;
	_ =	sdelay $0x1  }
0xb5: {  	v3 =	vperm.xlane v3, v2;
	v4 =	vadd.s32 v1, v4;
	_ =	sdelay $0x1  }
0xb6: {  	v3 =	vadd.s32 v1, v3;
	_ =	sdelay $0x2  }
0xb7: {  	[tilespmem:s22], [sflag:$0x1] =	stream.indirect_vreg.gather [hbm4b:s4+s1], $0x80, v4, vm0, $0xb8;
	[tilespmem:$0xC080] =	vst v63  }
0xb8: {  	_ = 	snop  }
0xb9: {  	[tilespmem:s23], [sflag:$0x1] =	stream.indirect_vreg.gather [hbm4b:s4+s1], $0x80, v3, vm0, $0xb8;
	[tilespmem:$0xC080] =	vst v63  }
0xba: {  	v3 =	vld [tilespmem:$0x70];
	_ =	sdelay $0x4  }
0xbb: {  	v47 =	vshll.u32 v3, $0x1  }
0xbc: {  	v3 =	vand.u32 $0x7, v3;
	v4 =	vand.u32 $0xFFFFFFF0, v47  }
0xbd: {  	v3 =	vor.u32 v3, v4  }
0xbe: {  	v4 =	vperm.xlane v3, v0;
	_ =	sdelay $0x1  }
0xbf: {  	v3 =	vperm.xlane v3, v2;
	v4 =	vadd.s32 v1, v4;
	_ =	sdelay $0x1  }
0xc0: {  	v3 =	vadd.s32 v1, v3;
	_ =	sdelay $0x2  }
0xc1: {  	[tilespmem:s24], [sflag:$0x1] =	stream.indirect_vreg.gather [hbm4b:s4+s1], $0x80, v4, vm0, $0xb8;
	[tilespmem:$0xC080] =	vst v63  }
0xc2: {  	_ = 	snop  }
0xc3: {  	[tilespmem:s25], [sflag:$0x1] =	stream.indirect_vreg.gather [hbm4b:s4+s1], $0x80, v3, vm0, $0xb8;
	[tilespmem:$0xC080] =	vst v63  }
0xc4: {  	_ =	swait.ge [sflag:s26], $0x8000  }
0xc5: {  	s8 =	rddreg [dreg:$0x5];
	[sflag:s26] =	ssyncset.done $0x0  }
0xc6: {  	[sflag:s26] =	ssyncadd.s32 $0xFFFF8000;
	s8 =	sadd.s32 s8, s31  }
0xc7: {  	[hbm4b:s8+s1] =	stream.linear.scatter [tilespmem:s10], [sflag:$0x2], $0x8000, $0x38;
	[tilespmem:$0xC080] =	vst v63  }
0xc8: {  	_ =	swait.ge [sflag:s9], $0x8000  }
0xc9: {  	[sflag:s9] =	ssyncset.done $0x0  }
0xca: {  	[sflag:s9] =	ssyncadd.s32 $0xFFFF8000  }
0xcb: {  	[tilespmem:s28], [sflag:$0x1] =	stream.indirect.gather [hbm4b:s5+s10], $0x80, s1, s10, $0xb8;
	[tilespmem:$0xC080] =	vst v63  }
0xcc: {  	_ =	swait.ge [sflag:s26], $0x4000  }
0xcd: {  	s2 =	sshll.u32 s2, $0x4;
	s8 =	rddreg [dreg:$0x6];
	[sflag:s26] =	ssyncset.done $0x0  }
0xce: {  	[sflag:s26] =	ssyncadd.s32 $0xFFFFC000;
	s8 =	sadd.s32 s8, s2  }
0xcf: {  	[hbm4b:s8+s1] =	stream.linear.scatter [tilespmem:s28], [sflag:$0x2], $0x4000, $0x38;
	[tilespmem:$0xC080] =	vst v63  }
0xd0: {  	_ =	swait.ge [sflag:s9], $0x4000  }
0xd1: {  	s8 =	rddreg [dreg:$0x3];
	[sflag:s9] =	ssyncset.done $0x0  }
0xd2: {  	s0 =	sadd.s32 s8, s0;
	[sflag:s9] =	ssyncadd.s32 $0xFFFFC000  }
0xd3: {  	[tilespmem:s1], [sflag:$0x2] =	stream.linear.gather [hbm4b:s0+s1], $0x80, $0x38;
	[tilespmem:$0xC080] =	vst v63  }
0xd4: {  	_ =	swait.ge [sflag:s9], $0x80  }
0xd5: {  	[sflag:s9] =	ssyncset.done $0x0  }
0xd6: {  	[sflag:s9] =	ssyncadd.s32 $0xFFFFFF80  }
0xd7: {  	v3 =	vld [tilespmem:$0x0];
	_ =	sdelay $0x4  }
0xd8: {  	v48 =	vshll.u32 v3, $0x1  }
0xd9: {  	v3 =	vand.u32 $0x7, v3;
	v4 =	vand.u32 $0xFFFFFFF0, v48  }
0xda: {  	v3 =	vor.u32 v3, v4  }
0xdb: {  	v4 =	vperm.xlane v3, v0;
	_ =	sdelay $0x1  }
0xdc: {  	v3 =	vperm.xlane v3, v2;
	v4 =	vadd.s32 v1, v4;
	_ =	sdelay $0x1  }
0xdd: {  	v3 =	vadd.s32 v1, v3;
	_ =	sdelay $0x2  }
0xde: {  	[tilespmem:s10], [sflag:$0x1] =	stream.indirect_vreg.gather [hbm4b:s6+s1], $0x80, v4, vm0, $0xb8;
	[tilespmem:$0xC080] =	vst v63  }
0xdf: {  	_ = 	snop  }
0xe0: {  	[tilespmem:s11], [sflag:$0x1] =	stream.indirect_vreg.gather [hbm4b:s6+s1], $0x80, v3, vm0, $0xb8;
	[tilespmem:$0xC080] =	vst v63  }
0xe1: {  	v3 =	vld [tilespmem:$0x10];
	_ =	sdelay $0x4  }
0xe2: {  	v49 =	vshll.u32 v3, $0x1  }
0xe3: {  	v3 =	vand.u32 $0x7, v3;
	v4 =	vand.u32 $0xFFFFFFF0, v49  }
0xe4: {  	v3 =	vor.u32 v3, v4  }
0xe5: {  	v4 =	vperm.xlane v3, v0;
	_ =	sdelay $0x1  }
0xe6: {  	v3 =	vperm.xlane v3, v2;
	v4 =	vadd.s32 v1, v4;
	_ =	sdelay $0x1  }
0xe7: {  	v3 =	vadd.s32 v1, v3;
	_ =	sdelay $0x2  }
0xe8: {  	[tilespmem:s12], [sflag:$0x1] =	stream.indirect_vreg.gather [hbm4b:s6+s1], $0x80, v4, vm0, $0xb8;
	[tilespmem:$0xC080] =	vst v63  }
0xe9: {  	_ = 	snop  }
0xea: {  	[tilespmem:s13], [sflag:$0x1] =	stream.indirect_vreg.gather [hbm4b:s6+s1], $0x80, v3, vm0, $0xb8;
	[tilespmem:$0xC080] =	vst v63  }
0xeb: {  	v3 =	vld [tilespmem:$0x20];
	_ =	sdelay $0x4  }
0xec: {  	v50 =	vshll.u32 v3, $0x1  }
0xed: {  	v3 =	vand.u32 $0x7, v3;
	v4 =	vand.u32 $0xFFFFFFF0, v50  }
0xee: {  	v3 =	vor.u32 v3, v4  }
0xef: {  	v4 =	vperm.xlane v3, v0;
	_ =	sdelay $0x1  }
0xf0: {  	v3 =	vperm.xlane v3, v2;
	v4 =	vadd.s32 v1, v4;
	_ =	sdelay $0x1  }
0xf1: {  	v3 =	vadd.s32 v1, v3;
	_ =	sdelay $0x2  }
0xf2: {  	[tilespmem:s14], [sflag:$0x1] =	stream.indirect_vreg.gather [hbm4b:s6+s1], $0x80, v4, vm0, $0xb8;
	[tilespmem:$0xC080] =	vst v63  }
0xf3: {  	_ = 	snop  }
0xf4: {  	[tilespmem:s15], [sflag:$0x1] =	stream.indirect_vreg.gather [hbm4b:s6+s1], $0x80, v3, vm0, $0xb8;
	[tilespmem:$0xC080] =	vst v63  }
0xf5: {  	v3 =	vld [tilespmem:$0x30];
	_ =	sdelay $0x4  }
0xf6: {  	v51 =	vshll.u32 v3, $0x1  }
0xf7: {  	v3 =	vand.u32 $0x7, v3;
	v4 =	vand.u32 $0xFFFFFFF0, v51  }
0xf8: {  	v3 =	vor.u32 v3, v4  }
0xf9: {  	v4 =	vperm.xlane v3, v0;
	_ =	sdelay $0x1  }
0xfa: {  	v3 =	vperm.xlane v3, v2;
	v4 =	vadd.s32 v1, v4;
	_ =	sdelay $0x1  }
0xfb: {  	v3 =	vadd.s32 v1, v3;
	_ =	sdelay $0x2  }
0xfc: {  	[tilespmem:s16], [sflag:$0x1] =	stream.indirect_vreg.gather [hbm4b:s6+s1], $0x80, v4, vm0, $0xb8;
	[tilespmem:$0xC080] =	vst v63  }
0xfd: {  	_ = 	snop  }
0xfe: {  	[tilespmem:s17], [sflag:$0x1] =	stream.indirect_vreg.gather [hbm4b:s6+s1], $0x80, v3, vm0, $0xb8;
	[tilespmem:$0xC080] =	vst v63  }
0xff: {  	v3 =	vld [tilespmem:$0x40];
	_ =	sdelay $0x4  }
0x100: {  	v52 =	vshll.u32 v3, $0x1  }
0x101: {  	v3 =	vand.u32 $0x7, v3;
	v4 =	vand.u32 $0xFFFFFFF0, v52  }
0x102: {  	v3 =	vor.u32 v3, v4  }
0x103: {  	v4 =	vperm.xlane v3, v0;
	_ =	sdelay $0x1  }
0x104: {  	v3 =	vperm.xlane v3, v2;
	v4 =	vadd.s32 v1, v4;
	_ =	sdelay $0x1  }
0x105: {  	v3 =	vadd.s32 v1, v3;
	_ =	sdelay $0x2  }
0x106: {  	[tilespmem:s18], [sflag:$0x1] =	stream.indirect_vreg.gather [hbm4b:s6+s1], $0x80, v4, vm0, $0xb8;
	[tilespmem:$0xC080] =	vst v63  }
0x107: {  	_ = 	snop  }
0x108: {  	[tilespmem:s19], [sflag:$0x1] =	stream.indirect_vreg.gather [hbm4b:s6+s1], $0x80, v3, vm0, $0xb8;
	[tilespmem:$0xC080] =	vst v63  }
0x109: {  	v3 =	vld [tilespmem:$0x50];
	_ =	sdelay $0x4  }
0x10a: {  	v53 =	vshll.u32 v3, $0x1  }
0x10b: {  	v3 =	vand.u32 $0x7, v3;
	v4 =	vand.u32 $0xFFFFFFF0, v53  }
0x10c: {  	v3 =	vor.u32 v3, v4  }
0x10d: {  	v4 =	vperm.xlane v3, v0;
	_ =	sdelay $0x1  }
0x10e: {  	v3 =	vperm.xlane v3, v2;
	v4 =	vadd.s32 v1, v4;
	_ =	sdelay $0x1  }
0x10f: {  	v3 =	vadd.s32 v1, v3;
	_ =	sdelay $0x2  }
0x110: {  	[tilespmem:s20], [sflag:$0x1] =	stream.indirect_vreg.gather [hbm4b:s6+s1], $0x80, v4, vm0, $0xb8;
	[tilespmem:$0xC080] =	vst v63  }
0x111: {  	_ = 	snop  }
0x112: {  	[tilespmem:s21], [sflag:$0x1] =	stream.indirect_vreg.gather [hbm4b:s6+s1], $0x80, v3, vm0, $0xb8;
	[tilespmem:$0xC080] =	vst v63  }
0x113: {  	v3 =	vld [tilespmem:$0x60];
	_ =	sdelay $0x4  }
0x114: {  	v54 =	vshll.u32 v3, $0x1  }
0x115: {  	v3 =	vand.u32 $0x7, v3;
	v4 =	vand.u32 $0xFFFFFFF0, v54  }
0x116: {  	v3 =	vor.u32 v3, v4  }
0x117: {  	v4 =	vperm.xlane v3, v0;
	_ =	sdelay $0x1  }
0x118: {  	v3 =	vperm.xlane v3, v2;
	v4 =	vadd.s32 v1, v4;
	_ =	sdelay $0x1  }
0x119: {  	v3 =	vadd.s32 v1, v3;
	_ =	sdelay $0x2  }
0x11a: {  	[tilespmem:s22], [sflag:$0x1] =	stream.indirect_vreg.gather [hbm4b:s6+s1], $0x80, v4, vm0, $0xb8;
	[tilespmem:$0xC080] =	vst v63  }
0x11b: {  	_ = 	snop  }
0x11c: {  	[tilespmem:s23], [sflag:$0x1] =	stream.indirect_vreg.gather [hbm4b:s6+s1], $0x80, v3, vm0, $0xb8;
	[tilespmem:$0xC080] =	vst v63  }
0x11d: {  	v3 =	vld [tilespmem:$0x70];
	_ =	sdelay $0x4  }
0x11e: {  	v55 =	vshll.u32 v3, $0x1  }
0x11f: {  	v3 =	vand.u32 $0x7, v3;
	v4 =	vand.u32 $0xFFFFFFF0, v55  }
0x120: {  	v3 =	vor.u32 v3, v4  }
0x121: {  	v4 =	vperm.xlane v3, v0;
	_ =	sdelay $0x1  }
0x122: {  	v3 =	vperm.xlane v3, v2;
	v4 =	vadd.s32 v1, v4;
	_ =	sdelay $0x1  }
0x123: {  	v3 =	vadd.s32 v1, v3;
	_ =	sdelay $0x2  }
0x124: {  	[tilespmem:s24], [sflag:$0x1] =	stream.indirect_vreg.gather [hbm4b:s6+s1], $0x80, v4, vm0, $0xb8;
	[tilespmem:$0xC080] =	vst v63  }
0x125: {  	_ = 	snop  }
0x126: {  	[tilespmem:s25], [sflag:$0x1] =	stream.indirect_vreg.gather [hbm4b:s6+s1], $0x80, v3, vm0, $0xb8;
	[tilespmem:$0xC080] =	vst v63  }
0x127: {  	_ =	swait.ge [sflag:s26], $0x8000  }
0x128: {  	s8 =	rddreg [dreg:$0x7];
	[sflag:s26] =	ssyncset.done $0x0  }
0x129: {  	[sflag:s26] =	ssyncadd.s32 $0xFFFF8000;
	s0 =	sadd.s32 s8, s31  }
0x12a: {  	[hbm4b:s0+s1] =	stream.linear.scatter [tilespmem:s10], [sflag:$0x2], $0x8000, $0x38;
	[tilespmem:$0xC080] =	vst v63  }
0x12b: {  	_ =	swait.ge [sflag:s9], $0x8000  }
0x12c: {  	[sflag:s9] =	ssyncset.done $0x0  }
0x12d: {  	[sflag:s9] =	ssyncadd.s32 $0xFFFF8000  }
0x12e: {  	v3 =	vld [tilespmem:$0x0];
	_ =	sdelay $0x4  }
0x12f: {  	v56 =	vshll.u32 v3, $0x1  }
0x130: {  	v3 =	vand.u32 $0x7, v3;
	v4 =	vand.u32 $0xFFFFFFF0, v56  }
0x131: {  	v3 =	vor.u32 v3, v4  }
0x132: {  	v4 =	vperm.xlane v3, v0;
	_ =	sdelay $0x1  }
0x133: {  	v3 =	vperm.xlane v3, v2;
	v4 =	vadd.s32 v1, v4;
	_ =	sdelay $0x1  }
0x134: {  	v3 =	vadd.s32 v1, v3;
	_ =	sdelay $0x2  }
0x135: {  	[tilespmem:s10], [sflag:$0x1] =	stream.indirect_vreg.gather [hbm4b:s7+s1], $0x80, v4, vm0, $0xb8;
	[tilespmem:$0xC080] =	vst v63  }
0x136: {  	_ = 	snop  }
0x137: {  	[tilespmem:s11], [sflag:$0x1] =	stream.indirect_vreg.gather [hbm4b:s7+s1], $0x80, v3, vm0, $0xb8;
	[tilespmem:$0xC080] =	vst v63  }
0x138: {  	v3 =	vld [tilespmem:$0x10];
	_ =	sdelay $0x4  }
0x139: {  	v57 =	vshll.u32 v3, $0x1  }
0x13a: {  	v3 =	vand.u32 $0x7, v3;
	v4 =	vand.u32 $0xFFFFFFF0, v57  }
0x13b: {  	v3 =	vor.u32 v3, v4  }
0x13c: {  	v4 =	vperm.xlane v3, v0;
	_ =	sdelay $0x1  }
0x13d: {  	v3 =	vperm.xlane v3, v2;
	v4 =	vadd.s32 v1, v4;
	_ =	sdelay $0x1  }
0x13e: {  	v3 =	vadd.s32 v1, v3;
	_ =	sdelay $0x2  }
0x13f: {  	[tilespmem:s12], [sflag:$0x1] =	stream.indirect_vreg.gather [hbm4b:s7+s1], $0x80, v4, vm0, $0xb8;
	[tilespmem:$0xC080] =	vst v63  }
0x140: {  	_ = 	snop  }
0x141: {  	[tilespmem:s13], [sflag:$0x1] =	stream.indirect_vreg.gather [hbm4b:s7+s1], $0x80, v3, vm0, $0xb8;
	[tilespmem:$0xC080] =	vst v63  }
0x142: {  	v3 =	vld [tilespmem:$0x20];
	_ =	sdelay $0x4  }
0x143: {  	v58 =	vshll.u32 v3, $0x1  }
0x144: {  	v3 =	vand.u32 $0x7, v3;
	v4 =	vand.u32 $0xFFFFFFF0, v58  }
0x145: {  	v3 =	vor.u32 v3, v4  }
0x146: {  	v4 =	vperm.xlane v3, v0;
	_ =	sdelay $0x1  }
0x147: {  	v3 =	vperm.xlane v3, v2;
	v4 =	vadd.s32 v1, v4;
	_ =	sdelay $0x1  }
0x148: {  	v3 =	vadd.s32 v1, v3;
	_ =	sdelay $0x2  }
0x149: {  	[tilespmem:s14], [sflag:$0x1] =	stream.indirect_vreg.gather [hbm4b:s7+s1], $0x80, v4, vm0, $0xb8;
	[tilespmem:$0xC080] =	vst v63  }
0x14a: {  	_ = 	snop  }
0x14b: {  	[tilespmem:s15], [sflag:$0x1] =	stream.indirect_vreg.gather [hbm4b:s7+s1], $0x80, v3, vm0, $0xb8;
	[tilespmem:$0xC080] =	vst v63  }
0x14c: {  	v3 =	vld [tilespmem:$0x30];
	_ =	sdelay $0x4  }
0x14d: {  	v59 =	vshll.u32 v3, $0x1  }
0x14e: {  	v3 =	vand.u32 $0x7, v3;
	v4 =	vand.u32 $0xFFFFFFF0, v59  }
0x14f: {  	v3 =	vor.u32 v3, v4  }
0x150: {  	v4 =	vperm.xlane v3, v0;
	_ =	sdelay $0x1  }
0x151: {  	v3 =	vperm.xlane v3, v2;
	v4 =	vadd.s32 v1, v4;
	_ =	sdelay $0x1  }
0x152: {  	v3 =	vadd.s32 v1, v3;
	_ =	sdelay $0x2  }
0x153: {  	[tilespmem:s16], [sflag:$0x1] =	stream.indirect_vreg.gather [hbm4b:s7+s1], $0x80, v4, vm0, $0xb8;
	[tilespmem:$0xC080] =	vst v63  }
0x154: {  	_ = 	snop  }
0x155: {  	[tilespmem:s17], [sflag:$0x1] =	stream.indirect_vreg.gather [hbm4b:s7+s1], $0x80, v3, vm0, $0xb8;
	[tilespmem:$0xC080] =	vst v63  }
0x156: {  	v3 =	vld [tilespmem:$0x40];
	_ =	sdelay $0x4  }
0x157: {  	v60 =	vshll.u32 v3, $0x1  }
0x158: {  	v3 =	vand.u32 $0x7, v3;
	v4 =	vand.u32 $0xFFFFFFF0, v60  }
0x159: {  	v3 =	vor.u32 v3, v4  }
0x15a: {  	v4 =	vperm.xlane v3, v0;
	_ =	sdelay $0x1  }
0x15b: {  	v3 =	vperm.xlane v3, v2;
	v4 =	vadd.s32 v1, v4;
	_ =	sdelay $0x1  }
0x15c: {  	v3 =	vadd.s32 v1, v3;
	_ =	sdelay $0x2  }
0x15d: {  	[tilespmem:s18], [sflag:$0x1] =	stream.indirect_vreg.gather [hbm4b:s7+s1], $0x80, v4, vm0, $0xb8;
	[tilespmem:$0xC080] =	vst v63  }
0x15e: {  	_ = 	snop  }
0x15f: {  	[tilespmem:s19], [sflag:$0x1] =	stream.indirect_vreg.gather [hbm4b:s7+s1], $0x80, v3, vm0, $0xb8;
	[tilespmem:$0xC080] =	vst v63  }
0x160: {  	v3 =	vld [tilespmem:$0x50];
	_ =	sdelay $0x4  }
0x161: {  	v61 =	vshll.u32 v3, $0x1  }
0x162: {  	v3 =	vand.u32 $0x7, v3;
	v4 =	vand.u32 $0xFFFFFFF0, v61  }
0x163: {  	v3 =	vor.u32 v3, v4  }
0x164: {  	v4 =	vperm.xlane v3, v0;
	_ =	sdelay $0x1  }
0x165: {  	v3 =	vperm.xlane v3, v2;
	v4 =	vadd.s32 v1, v4;
	_ =	sdelay $0x1  }
0x166: {  	v3 =	vadd.s32 v1, v3;
	_ =	sdelay $0x2  }
0x167: {  	[tilespmem:s20], [sflag:$0x1] =	stream.indirect_vreg.gather [hbm4b:s7+s1], $0x80, v4, vm0, $0xb8;
	[tilespmem:$0xC080] =	vst v63  }
0x168: {  	_ = 	snop  }
0x169: {  	[tilespmem:s21], [sflag:$0x1] =	stream.indirect_vreg.gather [hbm4b:s7+s1], $0x80, v3, vm0, $0xb8;
	[tilespmem:$0xC080] =	vst v63  }
0x16a: {  	v3 =	vld [tilespmem:$0x60];
	_ =	sdelay $0x4  }
0x16b: {  	v62 =	vshll.u32 v3, $0x1  }
0x16c: {  	v3 =	vand.u32 $0x7, v3;
	v4 =	vand.u32 $0xFFFFFFF0, v62  }
0x16d: {  	v3 =	vor.u32 v3, v4  }
0x16e: {  	v4 =	vperm.xlane v3, v0;
	_ =	sdelay $0x1  }
0x16f: {  	v3 =	vperm.xlane v3, v2;
	v4 =	vadd.s32 v1, v4;
	_ =	sdelay $0x1  }
0x170: {  	v3 =	vadd.s32 v1, v3;
	_ =	sdelay $0x2  }
0x171: {  	[tilespmem:s22], [sflag:$0x1] =	stream.indirect_vreg.gather [hbm4b:s7+s1], $0x80, v4, vm0, $0xb8;
	[tilespmem:$0xC080] =	vst v63  }
0x172: {  	_ = 	snop  }
0x173: {  	[tilespmem:s23], [sflag:$0x1] =	stream.indirect_vreg.gather [hbm4b:s7+s1], $0x80, v3, vm0, $0xb8;
	[tilespmem:$0xC080] =	vst v63  }
0x174: {  	v3 =	vld [tilespmem:$0x70];
	_ =	sdelay $0x4  }
0x175: {  	v63 =	vshll.u32 v3, $0x1  }
0x176: {  	v3 =	vand.u32 $0x7, v3;
	v4 =	vand.u32 $0xFFFFFFF0, v63  }
0x177: {  	v3 =	vor.u32 v3, v4  }
0x178: {  	v4 =	vperm.xlane v3, v0;
	_ =	sdelay $0x1  }
0x179: {  	v3 =	vperm.xlane v3, v2;
	v4 =	vadd.s32 v1, v4;
	_ =	sdelay $0x1  }
0x17a: {  	v3 =	vadd.s32 v1, v3;
	_ =	sdelay $0x2  }
0x17b: {  	[tilespmem:s24], [sflag:$0x1] =	stream.indirect_vreg.gather [hbm4b:s7+s1], $0x80, v4, vm0, $0xb8;
	[tilespmem:$0xC080] =	vst v63  }
0x17c: {  	_ = 	snop  }
0x17d: {  	[tilespmem:s25], [sflag:$0x1] =	stream.indirect_vreg.gather [hbm4b:s7+s1], $0x80, v3, vm0, $0xb8;
	[tilespmem:$0xC080] =	vst v63  }
0x17e: {  	_ =	swait.ge [sflag:s26], $0x8000  }
0x17f: {  	s8 =	rddreg [dreg:$0x8];
	[sflag:s26] =	ssyncset.done $0x0  }
0x180: {  	s0 =	sadd.s32 s8, s31;
	[sflag:s26] =	ssyncadd.s32 $0xFFFF8000  }
0x181: {  	[hbm4b:s0+s1] =	stream.linear.scatter [tilespmem:s10], [sflag:$0x2], $0x8000, $0x38;
	[tilespmem:$0xC080] =	vst v63  }
0x182: {  	_ =	swait.ge [sflag:s9], $0x8000  }
0x183: {  	[sflag:s9] =	ssyncset.done $0x0  }
0x184: {  	[sflag:s9] =	ssyncadd.s32 $0xFFFF8000  }
0x185: {  	[tilespmem:s28], [sflag:$0x1] =	stream.indirect.gather [hbm4b:s5+s10], $0x80, s1, s10, $0xb8;
	[tilespmem:$0xC080] =	vst v63  }
0x186: {  	_ =	swait.ge [sflag:s26], $0x4000  }
0x187: {  	p0 =	sne.s32 s30, $0x1380;
	s31 =	rddreg [dreg:$0x9];
	[sflag:s26] =	ssyncset.done $0x0  }
.Ltmp0:
0x188: {  	s0 =	sadd.s32 s31, s2;
	[sflag:s26] =	ssyncadd.s32 $0xFFFFC000;
	(pc) =	sbr.rel @p0 .LBB2_2-.Ltmp0, $4  }
0x189: {  	[hbm4b:s0+s1] =	stream.linear.scatter [tilespmem:s28], [sflag:$0x2], $0x4000, $0x38;
	[tilespmem:$0xC080] =	vst v63  }
0x18a: {  	_ =	swait.ge [sflag:s9], $0x4000  }
0x18b: {  	[sflag:s9] =	ssyncset.done $0x0  }
0x18c: {  	s30 =	sadd.s32 $0x80, s30;
	[sflag:s9] =	ssyncadd.s32 $0xFFFFC000  }
0x18d: {  	s29 =	sadd.s32 $0x1, s29;
	s0 =	rddreg [dreg:$0xb]  }
0x18e: {  	p0 =	sne.s32 s29, s0  }
.Ltmp1:
0x18f: {  	_ = 	snop;
	(pc) =	sbr.rel @p0 .LBB2_1-.Ltmp1, $1  }
0x190: {  	_ =	sdelay $0x3  }
0x191: {  	_ =	sfence.sel $0x180000  }
0x192: {  	[bflag:$0x0] =	sbarrier.arrive $0xFFFF  }
0x193: {  	_ =	strace $0x90000047  }
0x194: {  	s0 =	stileid.u32;
	[bflag:$0x2] =	sbarrier.arrive $0xFFFF  }
0x195: {  	p0 =	sne.s32 s0, $0x0;
	s0 =	rddreg [dreg:$0x1]  }
0x196: {  	s0 =	sadd.s32 @!p0 $0x100000, s0  }
0x197: {  	[sflag:s0] =	ssyncadd.tile.s32 @!p0 $0x1;
	_ =	shalt  }
.Lfunc_end2:
_tile_overlayer_lowered:
.L_overlay_start_2:
0x198: {  	(tag) =	ssettag $0x2  }
0x199: {  	s0 =	rddreg [dreg:$0x0];
	s2 =	stileid.u32  }
0x19a: {  	s1 =	rddreg [dreg:$0x1];
	p0 =	sne.s32 s2, $0x0  }
0x19b: {  	s3 =	rddreg [dreg:$0x2];
	[bflag:$0x3] =	sbarrier.arrive $0xFFFF;
	s2 =	simm.s32 @!p0 $0x1C02  }
0x19c: {  	[timem:s3], [sflag:s2] =	dma.local @!p0 [hbm:s0], s1  }
0x19d: {  	s0 =	simm.s32 @!p0 $0x2  }
0x19e: {  	_ =	swait.ge @!p0 [sflag:s0], s1  }
0x19f: {  	s1 =	ssub.s32 @!p0 $0x0, s1;
	[sflag:s0] =	ssyncset.done @!p0 $0x0  }
0x1a0: {  	[sflag:s0] =	ssyncadd.s32 @!p0 s1  }
0x1a1: {  	[bflag:$0x3] =	sbarrier.arrive $0xFFFF  }
0x1a2: {  	_ =	shalt  }

// kernel: kernel.20.cloned.1.call-start
scs
__scs_entry_jumppad:
0x0: {  	(pc) =	sbr.rel $0x88, $3  }
0x1: {  	(tag) =	ssettag $0x0;
	lr =	simm.s32 $0x1  }
0x2: {  	[smem:$0x3F7F] =	sst lr;
	_ =	strace $0xD0000000  }
0x3: {  	_ = 	snop  }
0x4: {  	_ = 	snop  }
0x5: {  	_ = 	snop  }
0x6: {  	_ = 	snop  }
0x7: {  	_ = 	snop  }
__scs_overlays_trampoline_lowered:
0x8: {  	[smem:$0x3F8E] =	sst s0  }
0x9: {  	[smem:$0x3F8F] =	sst s1  }
0xa: {  	[smem:$0x3F90] =	sst s2  }
0xb: {  	[smem:$0x3F91] =	sst s3  }
0xc: {  	[smem:$0x3F92] =	sst s4  }
0xd: {  	[smem:$0x3F93] =	sst s5  }
0xe: {  	[smem:$0x3F94] =	sst s6  }
0xf: {  	[smem:$0x3F95] =	sst s7  }
0x10: {  	[smem:$0x3F96] =	sst s8  }
0x11: {  	[smem:$0x3F97] =	sst s9;
	s0 =	simm.s32 @!p0 $0x0  }
0x12: {  	s1 =	sld [smem:$0x3F7D];
	s0 =	simm.s32 @p0 $0x1  }
0x13: {  	[smem:$0x3F98] =	sst s0;
	s0 =	simm.s32 @!p1 $0x0  }
0x14: {  	s2 =	sld [smem:$0x3F7C];
	s0 =	simm.s32 @p1 $0x1  }
0x15: {  	[smem:$0x3F99] =	sst s0;
	s0 =	simm.s32 @!p2 $0x0  }
0x16: {  	s3 =	sld [smem:$0x3FDB];
	s0 =	simm.s32 @p2 $0x1  }
0x17: {  	s4 =	simm.s32 $0x1BF5;
	[smem:$0x3F9B] =	sst s0  }
0x18: {  	s0 =	sld [smem:$0x3F7E];
	_ =	swait.ge [sflag:s4], $0x0  }
0x19: {  	s7 =	sld [smem:$0x3F7F]  }
0x1a: {  	s8 =	sadd.s32 $0xFFFFE003, lr  }
0x1b: {  	s9 =	sadd.s32 $0xFFFFFEF7, lr;
	s5 =	simm.s32 $0xFFFFFFFF;
	p2 =	slt.u32 s8, $0xFFFFF086  }
0x1c: {  	p1 =	slt.u32 s9, $0xF7A;
	s5 =	simm.s32 @!p2 $0x0  }
0x1d: {  	s5 =	simm.s32 @p1 $0x1;
	p0 =	seq.s32 s7, s2  }
0x1e: {  	s7 =	smul.u32 @!p0 $0xF7A, s2;
	p2 =	seq.s32 @!p0 s5, $0x0  }
0x1f: {  	s9 =	smul.u32 $0xF7A, s1;
	s8 =	simm.s32 @!p0 $0x1BF5;
	p2 =	por !p2, p0  }
0x20: {  	[sflag:s8] =	ssyncset.s32 @!p0 $0xFFFFF086;
	s6 =	sadd.s32 @!p0 s3, s7;
	s7 =	simm.s32 @!p0 $0x108  }
0x21: {  	s3 =	sadd.s32 s3, s9;
	s6 =	sadd.s32 @!p0 $0x88, s6;
	s7 =	simm.s32 @p2 $0x1082  }
0x22: {  	[simem:s7], [sflag:s8] =	dma.local @!p0 [hbm:s6], $0xF7A  }
0x23: {  	s9 =	sor.u32 $0xD0000000, s2;
	s6 =	simm.s32 $0x108;
	_ =	swait.ge @!p0 [sflag:s8], $0x0  }
0x24: {  	s3 =	sadd.s32 $0x88, s3;
	s6 =	simm.s32 @!p1 $0x1082;
	[sflag:s4] =	ssyncset.s32 $0xFFFFF086  }
0x25: {  	[simem:s6], [sflag:s4] =	dma.local [hbm:s3], $0xF7A  }
0x26: {  	[smem:$0x3F7F] =	sst s1;
	(tag) =	ssettag s2;
	_ =	strace s9  }
0x27: {  	s1 =	sld [smem:$0x3F8F]  }
0x28: {  	s2 =	sld [smem:$0x3F90]  }
0x29: {  	s4 =	sld [smem:$0x3F92]  }
0x2a: {  	p0 =	seq.s32 s5, $0x0;
	s5 =	sld [smem:$0x3F93]  }
0x2b: {  	s6 =	sld [smem:$0x3F94]  }
0x2c: {  	s7 =	sld [smem:$0x3F95]  }
0x2d: {  	s3 =	simm.s32 $0x108;
	s8 =	sld [smem:$0x3F96]  }
0x2e: {  	s3 =	simm.s32 @!p0 $0x1082;
	s9 =	sld [smem:$0x3F97]  }
0x2f: {  	lr =	sadd.s32 s0, s3;
	s0 =	sld [smem:$0x3F8E]  }
0x30: {  	s3 =	sld [smem:$0x3F91]  }
0x31: {  	[smem:$0x3F9A] =	sst s10  }
0x32: {  	s10 =	sld [smem:$0x3F98];
	_ =	sdelay $0x3  }
0x33: {  	p0 =	seq.s32 s10, $0x1;
	s10 =	sld [smem:$0x3F9A];
	_ =	sdelay $0x3  }
0x34: {  	[smem:$0x3F9A] =	sst s10  }
0x35: {  	s10 =	sld [smem:$0x3F99];
	_ =	sdelay $0x3  }
0x36: {  	p1 =	seq.s32 s10, $0x1;
	s10 =	sld [smem:$0x3F9A];
	_ =	sdelay $0x3  }
0x37: {  	[smem:$0x3F9A] =	sst s10  }
0x38: {  	s10 =	sld [smem:$0x3F9B]  }
0x39: {  	_ = 	snop;
	(pc) =	sbr.ind lr, $3  }
0x3a: {  	_ = 	snop  }
0x3b: {  	_ = 	snop  }
0x3c: {  	p2 =	seq.s32 s10, $0x1;
	s10 =	sld [smem:$0x3F9A]  }
0x3d: {  	_ =	shalt  }
0x3e: {  	_ =	shalt  }
0x3f: {  	_ =	shalt  }
0x40: {  	_ =	shalt  }
0x41: {  	_ =	shalt  }
0x42: {  	_ =	shalt  }
0x43: {  	_ =	shalt  }
0x44: {  	_ =	shalt  }
0x45: {  	_ =	shalt  }
0x46: {  	_ =	shalt  }
0x47: {  	_ =	shalt  }
0x48: {  	_ =	shalt  }
0x49: {  	_ =	shalt  }
0x4a: {  	_ =	shalt  }
0x4b: {  	_ =	shalt  }
0x4c: {  	_ =	shalt  }
0x4d: {  	_ =	shalt  }
0x4e: {  	_ =	shalt  }
0x4f: {  	_ =	shalt  }
0x50: {  	_ =	shalt  }
0x51: {  	_ =	shalt  }
0x52: {  	_ =	shalt  }
0x53: {  	_ =	shalt  }
0x54: {  	_ =	shalt  }
0x55: {  	_ =	shalt  }
0x56: {  	_ =	shalt  }
0x57: {  	_ =	shalt  }
0x58: {  	_ =	shalt  }
0x59: {  	_ =	shalt  }
0x5a: {  	_ =	shalt  }
0x5b: {  	_ =	shalt  }
0x5c: {  	_ =	shalt  }
0x5d: {  	_ =	shalt  }
0x5e: {  	_ =	shalt  }
0x5f: {  	_ =	shalt  }
0x60: {  	_ =	shalt  }
0x61: {  	_ =	shalt  }
0x62: {  	_ =	shalt  }
0x63: {  	_ =	shalt  }
0x64: {  	_ =	shalt  }
0x65: {  	_ =	shalt  }
0x66: {  	_ =	shalt  }
0x67: {  	_ =	shalt  }
0x68: {  	_ =	shalt  }
0x69: {  	_ =	shalt  }
0x6a: {  	_ =	shalt  }
0x6b: {  	_ =	shalt  }
0x6c: {  	_ =	shalt  }
0x6d: {  	_ =	shalt  }
0x6e: {  	_ =	shalt  }
0x6f: {  	_ =	shalt  }
0x70: {  	_ =	shalt  }
0x71: {  	_ =	shalt  }
0x72: {  	_ =	shalt  }
0x73: {  	_ =	shalt  }
0x74: {  	_ =	shalt  }
0x75: {  	_ =	shalt  }
0x76: {  	_ =	shalt  }
0x77: {  	_ =	shalt  }
0x78: {  	_ =	shalt  }
0x79: {  	_ =	shalt  }
0x7a: {  	_ =	shalt  }
0x7b: {  	_ =	shalt  }
0x7c: {  	_ =	shalt  }
0x7d: {  	_ =	shalt  }
0x7e: {  	_ =	shalt  }
0x7f: {  	_ =	shalt  }
0x80: {  	_ =	shalt  }
0x81: {  	_ =	shalt  }
0x82: {  	_ =	shalt  }
0x83: {  	_ =	shalt  }
0x84: {  	_ =	shalt  }
0x85: {  	_ =	shalt  }
0x86: {  	_ =	shalt  }
0x87: {  	_ =	shalt  }
.Lfunc_end0:
.L_simem_size_0:
called_computation.1_lowered:
.L_overlay_start_0:
0x88: {  	s2 =	sld [smem:$0x3FD9]  }
0x89: {  	s3 =	sld [smem:$0x3FFE];
	_ =	sdelay $0x1  }
0x8a: {  	s1 =	srdreg.scid  }
0x8b: {  	s0 =	sand.u32 $0x1, s1  }
0x8c: {  	s16 =	sshll.u32 s0, $0xA;
	s2 =	sadd.s32 s3, s2  }
0x8d: {  	s2 =	sadd.s32 s2, s16  }
0x8e: {  	[smem:$0x3FA6] =	sst s2  }
0x8f: {  	_ = 	snop  }
0x90: {  	(tm) =	ssettm $0x1  }
0x91: {  	s17 =	sld [smem:$0x3FFB];
	_ =	sdelay $0x3  }
0x92: {  	_ =	strace s17  }
0x93: {  	s2 =	sld [smem:$0x3FFC];
	_ =	sdelay $0x3  }
0x94: {  	_ =	strace s2  }
0x95: {  	s2 =	sld [smem:$0x3FFD];
	_ =	sdelay $0x3  }
0x96: {  	_ =	strace s2  }
0x97: {  	_ =	strace $0x8FFFFFFF  }
0x98: {  	s18 =	sld [smem:$0x3FDB];
	_ =	sdelay $0x1  }
0x99: {  	s19 =	simm.s32 $_scs_section_size  }
0x9a: {  	s4 =	simm.s32 $_size__tile_overlayer_lowered;
	s5 =	simm.s32 $_tile_overlayer_lowered  }
0x9b: {  	s22 =	simm.s32 $0x1BFF;
	s21 =	sshll.u32 s5, $0x1;
	s2 =	sadd.s32 s19, s18  }
0x9c: {  	s6 =	simm.s32 $0x0;
	s20 =	sshll.u32 s4, $0x1;
	s4 =	sadd.s32 s21, s2  }
0x9d: {  	[timem:s6], [sflag:s22] =	dma.local [hbm:s4], s20  }
0x9e: {  	_ =	swait.ge [sflag:s22], s20  }
0x9f: {  	s3 =	ssub.s32 $0x0, s20;
	[sflag:s22] =	ssyncset.done $0x0  }
0xa0: {  	[sflag:s22] =	ssyncadd.s32 s3;
	_ =	sdelay $0x1  }
0xa1: {  	s23 =	simm.s32 $0x1B8B  }
0xa2: {  	_ =	swait.ge [sflag:s23], $0x1  }
0xa3: {  	[sflag:s23] =	ssyncset.done $0x0  }
0xa4: {  	s25 =	simm.s32 $0x1B8E;
	s24 =	sld [smem:$0x3FFE];
	[sflag:s23] =	ssyncadd.s32 $0xFFFFFFFF  }
0xa5: {  	s26 =	simm.s32 $execute0_lowered;
	[smem:$0x3FD2] =	sst s25  }
0xa6: {  	s4 =	sshll.u32 s26, $0x1;
	_ =	strace $0x80000049;
	[dreg:$0x1] =	wrdreg $0xFFFFFFFF  }
0xa7: {  	s28 =	simm.s32 $_size_execute0_lowered;
	s2 =	sadd.s32 s2, s4;
	[dreg:$0x0] =	wrdreg $0x0  }
0xa8: {  	s4 =	sshll.u32 s28, $0x1;
	[dreg:$0x2] =	wrdreg s2  }
0xa9: {  	[dreg:$0x3] =	wrdreg s4  }
0xaa: {  	[dreg:$0x4] =	wrdreg $0xC0  }
0xab: {  	_ =	task [dreg:s6], $0x5FFFF  }
0xac: {  	[dreg:$0x1] =	wrdreg $0xFFFFFFFF  }
0xad: {  	[dreg:$0x0] =	wrdreg $0x60  }
0xae: {  	[dreg:$0x2] =	wrdreg s24  }
0xaf: {  	[dreg:$0x3] =	wrdreg $0x9  }
0xb0: {  	_ =	task.clear_ibuf [dreg:s6], $0x4FFFF;
	_ =	strace $0x90000049  }
0xb1: {  	s29 =	simm.s32 $0x9;
	_ =	strace $0x8000004B  }
0xb2: {  	_ =	swait.ge [sflag:s29], $0x1  }
0xb3: {  	[sflag:s29] =	ssyncadd.s32 $0xFFFFFFFF  }
0xb4: {  	_ =	strace $0x9000004B  }
0xb5: {  	_ =	sfence  }
0xb6: {  	s30 =	sld [smem:$0x0];
	_ =	sdelay $0x2  }
0xb7: {  	s31 =	sshll.u32 s1, $0xD;
	s1 =	sshrl.u32 s1, $0x2  }
0xb8: {  	s3 =	sand.u32 $0x4000, s31;
	s1 =	sadd.s32 s1, s30  }
0xb9: {  	s0 =	sor.u32 s3, s0;
	s1 =	sshll.u32 s1, $0x11  }
0xba: {  	s0 =	sor.u32 s1, s0  }
0xbb: {  	s0 =	sadd.s32 $0x8F2B, s0  }
0xbc: {  	[sflag:s0] =	ssyncadd.remote.s32 $0x1  }
0xbd: {  	_ =	sfence.sel $0xFFFF  }
0xbe: {  	[dreg:$0x0] =	wrdreg $0xFFFFFFFF;
	(pc) =	sbr.abs _section_cstart, $3  }
0xbf: {  	[dreg:$0x1] =	wrdreg $0xFFFFFFFF  }
0xc0: {  	_ =	task.clear_ibuf [dreg:s6], $0x2FFFF;
	_ =	strace $0x9FFFFFFF  }
0xc1: {  	(tm) =	ssettm $0x7FFFFFFF  }
tec
execute0_lowered:
.L_overlay_start_1:
0x0: {  	(tag) =	ssettag $0x1  }
0x1: {  	s0 =	srdreg.scid  }
0x2: {  	s3 =	stileid.u32;
	s1 =	rddreg [dreg:$0x0];
	s0 =	sand.u32 $0x1, s0  }
0x3: {  	s2 =	sshll.u32 s3, $0x1;
	s7 =	sadd.s32 $0x235E20, s1;
	s8 =	sadd.s32 $0x235E30, s1  }
0x4: {  	s3 =	sshrl.u32 s3, $0x2;
	s9 =	sadd.s32 $0x235E40, s1;
	s10 =	sadd.s32 $0x235E50, s1  }
0x5: {  	s11 =	sadd.s32 $0x235E60, s1;
	s5 =	sor.u32 s0, s2;
	s4 =	smul.u32 $0x9C400, s3  }
0x6: {  	s2 =	simm.s32 $0x0;
	s16 =	sshll.u32 s5, $0x7;
	s5 =	smul.u32 $0x138800, s5  }
0x7: {  	s3 =	sadd.s32 $0x235E00, s1;
	[smem:$0x7FF] =	sst s2;
	s6 =	sand.u32 $0x380, s16  }
0x8: {  	s6 =	sor.u32 s4, s6;
	s4 =	sadd.s32 $0x5C000, s1;
	s12 =	sshrl.u32 s5, $0x3  }
0x9: {  	s6 =	sshrl.u32 s6, $0x3;
	s14 =	sadd.s32 s3, s12;
	s12 =	sadd.s32 $0x235E70, s1  }
0xa: {  	s13 =	sadd.s32 s6, s1;
	s6 =	sadd.s32 $0x235E10, s1;
	s1 =	sadd.s32 $0x60E00, s1  }
0xb: {  	_ =	strace $0x8000004A;
	s18 =	sadd.s32 $0x27000, s14;
	[dreg:$0x2] =	wrdreg s1  }
0xc: {  	s28 =	simm.s32 $0x1800;
	s19 =	sadd.s32 $0x27010, s14;
	[dreg:$0x3] =	wrdreg s18  }
0xd: {  	s29 =	simm.s32 $0x2000;
	s20 =	sadd.s32 $0x27020, s14;
	[dreg:$0x4] =	wrdreg s19  }
0xe: {  	s30 =	simm.s32 $0x2800;
	s21 =	sadd.s32 $0x27030, s14;
	[dreg:$0x5] =	wrdreg s20  }
0xf: {  	s31 =	simm.s32 $0x3000;
	s22 =	sadd.s32 $0x27040, s14;
	[dreg:$0x6] =	wrdreg s21  }
0x10: {  	s15 =	simm.s32 $0x2;
	s23 =	sadd.s32 $0x27050, s14;
	[dreg:$0x7] =	wrdreg s22  }
0x11: {  	s0 =	ssub.s32 $0x2, s0;
	s24 =	sadd.s32 $0x27060, s14;
	[dreg:$0x8] =	wrdreg s23  }
0x12: {  	s17 =	sshrl.u32 s0, $0x1;
	s25 =	sadd.s32 $0x27070, s14;
	[dreg:$0x9] =	wrdreg s24  }
0x13: {  	s0 =	ssub.s32 s0, s17;
	s14 =	simm.s32 $0x4800;
	[dreg:$0xa] =	wrdreg s25  }
0x14: {  	s26 =	sadd.s32 $0x61000, s13;
	s23 =	smax.u32 s0, $0x1;
	s24 =	simm.s32 $0x80  }
0x15: {  	s25 =	simm.s32 $0x400;
	s1 =	simm.s32 $0x3800;
	s0 =	simm.s32 $0x4000  }
0x16: {  	v0 =	vimm.f32 $0.0e+00;
	s13 =	simm.s32 $0x1;
	[dreg:$0xb] =	wrdreg s26;
	s26 =	simm.s32 $0x1000  }
.LBB2_1:
0x17: {  	s16 =	simm.s32 $0x40;
	s17 =	simm.s32 $0x0  }
.LBB2_2:
0x18: {  	p0 =	sne.s32 s16, $0x4E1C0;
	[tilespmem:s17+$0x4800] =	vst v0;
	s17 =	smov.u32 s16;
	s16 =	sadd.s32 $0x40, s16  }
.Ltmp0:
0x19: {  	(pc) =	sbr.rel @p0 .LBB2_2-.Ltmp0, $2  }
0x1a: {  	_ =	sdelay $0x2  }
0x1b: {  	s17 =	sshra.s32 s17, $0x2  }
0x1c: {  	[tilespmem:s17+$0x4800] =	vst v0;
	s16 =	simm.s32 $0x0;
	s17 =	simm.s32 $0x0  }
.LBB2_4:
0x1d: {  	s18 =	sshll.u32 s17, $0x8;
	s19 =	sshll.u32 s17, $0xE  }
0x1e: {  	s18 =	sadd.s32 s4, s18;
	s20 =	sadd.s32 s5, s19  }
0x1f: {  	[tilespmem:s16], [sflag:$0x1] =	stream.linear.gather [hbm4b:s18+s16], $0x800, $0x38;
	[tilespmem:$0x18080] =	vst v63  }
0x20: {  	s19 =	sshrl.u32 s20, $0x3  }
0x21: {  	s18 =	simm.s32 $0x800;
	s20 =	sadd.s32 s3, s19  }
0x22: {  	[tilespmem:s18], [sflag:$0x1] =	stream.strided.gather [hbm4b:s20+s24], $0x800, s25, s24, $0x38;
	[tilespmem:$0x18080] =	vst v63  }
0x23: {  	s21 =	sadd.s32 s19, s6  }
0x24: {  	[tilespmem:s26], [sflag:$0x1] =	stream.strided.gather [hbm4b:s21+s24], $0x800, s25, s24, $0x38;
	[tilespmem:$0x18080] =	vst v63  }
0x25: {  	s22 =	sadd.s32 s19, s7  }
0x26: {  	[tilespmem:s28], [sflag:$0x1] =	stream.strided.gather [hbm4b:s22+s24], $0x800, s25, s24, $0x38;
	[tilespmem:$0x18080] =	vst v63  }
0x27: {  	s21 =	sadd.s32 s19, s8  }
0x28: {  	[tilespmem:s29], [sflag:$0x1] =	stream.strided.gather [hbm4b:s21+s24], $0x800, s25, s24, $0x38;
	[tilespmem:$0x18080] =	vst v63  }
0x29: {  	s22 =	sadd.s32 s19, s9  }
0x2a: {  	[tilespmem:s30], [sflag:$0x1] =	stream.strided.gather [hbm4b:s22+s24], $0x800, s25, s24, $0x38;
	[tilespmem:$0x18080] =	vst v63  }
0x2b: {  	s21 =	sadd.s32 s19, s10  }
0x2c: {  	[tilespmem:s31], [sflag:$0x1] =	stream.strided.gather [hbm4b:s21+s24], $0x800, s25, s24, $0x38;
	[tilespmem:$0x18080] =	vst v63  }
0x2d: {  	s22 =	sadd.s32 s19, s11  }
0x2e: {  	[tilespmem:s1], [sflag:$0x1] =	stream.strided.gather [hbm4b:s22+s24], $0x800, s25, s24, $0x38;
	[tilespmem:$0x18080] =	vst v63  }
0x2f: {  	s19 =	sadd.s32 s19, s12  }
0x30: {  	[tilespmem:s0], [sflag:$0x1] =	stream.strided.gather [hbm4b:s19+s24], $0x800, s25, s24, $0x38;
	[tilespmem:$0x18080] =	vst v63  }
0x31: {  	_ =	swait.ge [sflag:s13], $0x800  }
0x32: {  	[sflag:s13] =	ssyncset.done $0x0  }
0x33: {  	[sflag:s13] =	ssyncadd.s32 $0xFFFFF800  }
0x34: {  	_ =	swait.ge [sflag:s13], $0x800  }
0x35: {  	[sflag:s13] =	ssyncset.done $0x0  }
0x36: {  	[sflag:s13] =	ssyncadd.s32 $0xFFFFF800  }
0x37: {  	_ =	swait.ge [sflag:s13], $0x800  }
0x38: {  	[sflag:s13] =	ssyncset.done $0x0  }
0x39: {  	[sflag:s13] =	ssyncadd.s32 $0xFFFFF800  }
0x3a: {  	_ =	swait.ge [sflag:s13], $0x800  }
0x3b: {  	[sflag:s13] =	ssyncset.done $0x0  }
0x3c: {  	[sflag:s13] =	ssyncadd.s32 $0xFFFFF800  }
0x3d: {  	_ =	swait.ge [sflag:s13], $0x800  }
0x3e: {  	[sflag:s13] =	ssyncset.done $0x0  }
0x3f: {  	[sflag:s13] =	ssyncadd.s32 $0xFFFFF800  }
0x40: {  	_ =	swait.ge [sflag:s13], $0x800  }
0x41: {  	[sflag:s13] =	ssyncset.done $0x0  }
0x42: {  	[sflag:s13] =	ssyncadd.s32 $0xFFFFF800  }
0x43: {  	_ =	swait.ge [sflag:s13], $0x800  }
0x44: {  	[sflag:s13] =	ssyncset.done $0x0  }
0x45: {  	[sflag:s13] =	ssyncadd.s32 $0xFFFFF800  }
0x46: {  	_ =	swait.ge [sflag:s13], $0x800  }
0x47: {  	[sflag:s13] =	ssyncset.done $0x0  }
0x48: {  	[sflag:s13] =	ssyncadd.s32 $0xFFFFF800  }
0x49: {  	_ =	swait.ge [sflag:s13], $0x800  }
0x4a: {  	[sflag:s13] =	ssyncset.done $0x0  }
0x4b: {  	[sflag:s13] =	ssyncadd.s32 $0xFFFFF800  }
0x4c: {  	s20 =	simm.s32 $0x10;
	s21 =	simm.s32 $0x0;
	s19 =	simm.s32 $0x0;
	v1 =	vld [tilespmem:s16+$0x0]  }
.LBB2_5:
0x4d: {  	p0 =	sne.s32 s20, $0x7F0;
	v2 =	vld [tilespmem:s18+$0x0];
	_ =	sdelay $0x3  }
0x4e: {  	v1 =	vshll.u32 v1, $0x3  }
0x4f: {  	v3 =	vor.u32 $0x1, v1;
	v4 =	vor.u32 $0x2, v1;
	v5 =	vor.u32 $0x3, v1  }
0x50: {  	v6 =	vor.u32 $0x4, v1;
	v7 =	vor.u32 $0x5, v1;
	v8 =	vor.u32 $0x6, v1;
	_ =	sdelay $0x2  }
0x51: {  	s22 =	sand.u32 $0x7F0, s19;
	s19 =	smov.u32 s20;
	[tilespmem:v1+s14+$0x0] =	vst.idx.add.f32.msk $0xffff, v2  }
0x52: {  	v2 =	vld [tilespmem:s22+$0x1000];
	_ =	sdelay $0x4  }
0x53: {  	[tilespmem:v3+s14+$0x0] =	vst.idx.add.f32.msk $0xffff, v2  }
0x54: {  	v2 =	vld [tilespmem:s22+$0x1800];
	_ =	sdelay $0x4  }
0x55: {  	[tilespmem:v4+s14+$0x0] =	vst.idx.add.f32.msk $0xffff, v2  }
0x56: {  	v2 =	vld [tilespmem:s22+$0x2000];
	_ =	sdelay $0x4  }
0x57: {  	[tilespmem:v5+s14+$0x0] =	vst.idx.add.f32.msk $0xffff, v2  }
0x58: {  	v2 =	vld [tilespmem:s22+$0x2800];
	_ =	sdelay $0x4  }
0x59: {  	[tilespmem:v6+s14+$0x0] =	vst.idx.add.f32.msk $0xffff, v2  }
0x5a: {  	v2 =	vld [tilespmem:s22+$0x3000];
	_ =	sdelay $0x4  }
0x5b: {  	[tilespmem:v7+s14+$0x0] =	vst.idx.add.f32.msk $0xffff, v2  }
0x5c: {  	v2 =	vld [tilespmem:s22+$0x3800];
	_ =	sdelay $0x4  }
0x5d: {  	[tilespmem:v8+s14+$0x0] =	vst.idx.add.f32.msk $0xffff, v2  }
0x5e: {  	v1 =	vor.u32 $0x7, v1;
	v2 =	vld [tilespmem:s22+$0x4000];
	_ =	sdelay $0x1  }
.Ltmp1:
0x5f: {  	(pc) =	sbr.rel @p0 .LBB2_5-.Ltmp1, $3  }
0x60: {  	_ =	sdelay $0x1  }
0x61: {  	s21 =	sadd.s32 $0x10, s21;
	[tilespmem:v1+s14+$0x0] =	vst.idx.add.f32.msk $0xffff, v2  }
0x62: {  	s20 =	sadd.s32 $0x10, s20;
	s18 =	sadd.s32 $0x10, s18;
	v1 =	vld [tilespmem:s21+$0x0]  }
0x63: {  	_ =	sdelay $0x3  }
0x64: {  	v2 =	vld [tilespmem:s18+$0x0];
	v1 =	vshll.u32 v1, $0x3;
	_ =	sdelay $0x4  }
0x65: {  	s22 =	sand.u32 $0x7F0, s19;
	[tilespmem:v1+s14+$0x0] =	vst.idx.add.f32.msk $0xffff, v2  }
0x66: {  	v2 =	vor.u32 $0x1, v1;
	v3 =	vld [tilespmem:s22+$0x1000];
	_ =	sdelay $0x4  }
0x67: {  	[tilespmem:v2+s14+$0x0] =	vst.idx.add.f32.msk $0xffff, v3  }
0x68: {  	v2 =	vor.u32 $0x2, v1;
	v3 =	vld [tilespmem:s22+$0x1800];
	_ =	sdelay $0x4  }
0x69: {  	[tilespmem:v2+s14+$0x0] =	vst.idx.add.f32.msk $0xffff, v3  }
0x6a: {  	v2 =	vor.u32 $0x3, v1;
	v3 =	vld [tilespmem:s22+$0x2000];
	_ =	sdelay $0x4  }
0x6b: {  	[tilespmem:v2+s14+$0x0] =	vst.idx.add.f32.msk $0xffff, v3  }
0x6c: {  	v2 =	vor.u32 $0x4, v1;
	v3 =	vld [tilespmem:s22+$0x2800];
	_ =	sdelay $0x4  }
0x6d: {  	[tilespmem:v2+s14+$0x0] =	vst.idx.add.f32.msk $0xffff, v3  }
0x6e: {  	v2 =	vor.u32 $0x5, v1;
	v3 =	vld [tilespmem:s22+$0x3000];
	_ =	sdelay $0x4  }
0x6f: {  	[tilespmem:v2+s14+$0x0] =	vst.idx.add.f32.msk $0xffff, v3  }
0x70: {  	v2 =	vor.u32 $0x6, v1;
	v3 =	vld [tilespmem:s22+$0x3800];
	_ =	sdelay $0x4  }
0x71: {  	s17 =	sadd.s32 $0x1, s17;
	[tilespmem:v2+s14+$0x0] =	vst.idx.add.f32.msk $0xffff, v3  }
0x72: {  	p0 =	sne.s32 s17, $0x4E;
	v1 =	vor.u32 $0x7, v1;
	v2 =	vld [tilespmem:s22+$0x4000]  }
.Ltmp2:
0x73: {  	_ = 	snop;
	(pc) =	sbr.rel @p0 .LBB2_4-.Ltmp2, $2  }
0x74: {  	_ =	sdelay $0x2  }
0x75: {  	[tilespmem:v1+s14+$0x0] =	vst.idx.add.f32.msk $0xffff, v2  }
0x76: {  	s16 =	simm.s32 $0x0;
	s17 =	rddreg [dreg:$0x2]  }
0x77: {  	[tilespmem:s16], [sflag:$0x1] =	stream.linear.gather [hbm4b:s17+s16], $0x100, $0x38;
	[tilespmem:$0x18080] =	vst v63  }
0x78: {  	s18 =	rddreg [dreg:$0x3];
	s17 =	simm.s32 $0x800  }
0x79: {  	[tilespmem:s17], [sflag:$0x1] =	stream.strided.gather [hbm4b:s18+s24], $0x100, s25, s24, $0x38;
	[tilespmem:$0x18080] =	vst v63  }
0x7a: {  	s20 =	rddreg [dreg:$0x4]  }
0x7b: {  	[tilespmem:s26], [sflag:$0x1] =	stream.strided.gather [hbm4b:s20+s24], $0x100, s25, s24, $0x38;
	[tilespmem:$0x18080] =	vst v63  }
0x7c: {  	s21 =	rddreg [dreg:$0x5]  }
0x7d: {  	[tilespmem:s28], [sflag:$0x1] =	stream.strided.gather [hbm4b:s21+s24], $0x100, s25, s24, $0x38;
	[tilespmem:$0x18080] =	vst v63  }
0x7e: {  	s22 =	rddreg [dreg:$0x6]  }
0x7f: {  	[tilespmem:s29], [sflag:$0x1] =	stream.strided.gather [hbm4b:s22+s24], $0x100, s25, s24, $0x38;
	[tilespmem:$0x18080] =	vst v63  }
0x80: {  	s19 =	rddreg [dreg:$0x7]  }
0x81: {  	[tilespmem:s30], [sflag:$0x1] =	stream.strided.gather [hbm4b:s19+s24], $0x100, s25, s24, $0x38;
	[tilespmem:$0x18080] =	vst v63  }
0x82: {  	s20 =	rddreg [dreg:$0x8]  }
0x83: {  	[tilespmem:s31], [sflag:$0x1] =	stream.strided.gather [hbm4b:s20+s24], $0x100, s25, s24, $0x38;
	[tilespmem:$0x18080] =	vst v63  }
0x84: {  	s21 =	rddreg [dreg:$0x9]  }
0x85: {  	[tilespmem:s1], [sflag:$0x1] =	stream.strided.gather [hbm4b:s21+s24], $0x100, s25, s24, $0x38;
	[tilespmem:$0x18080] =	vst v63  }
0x86: {  	s22 =	rddreg [dreg:$0xa]  }
0x87: {  	[tilespmem:s0], [sflag:$0x1] =	stream.strided.gather [hbm4b:s22+s24], $0x100, s25, s24, $0x38;
	[tilespmem:$0x18080] =	vst v63  }
0x88: {  	_ =	swait.ge [sflag:s13], $0x100  }
0x89: {  	[sflag:s13] =	ssyncset.done $0x0  }
0x8a: {  	[sflag:s13] =	ssyncadd.s32 $0xFFFFFF00  }
0x8b: {  	_ =	swait.ge [sflag:s13], $0x100  }
0x8c: {  	[sflag:s13] =	ssyncset.done $0x0  }
0x8d: {  	[sflag:s13] =	ssyncadd.s32 $0xFFFFFF00  }
0x8e: {  	_ =	swait.ge [sflag:s13], $0x100  }
0x8f: {  	[sflag:s13] =	ssyncset.done $0x0  }
0x90: {  	[sflag:s13] =	ssyncadd.s32 $0xFFFFFF00  }
0x91: {  	_ =	swait.ge [sflag:s13], $0x100  }
0x92: {  	[sflag:s13] =	ssyncset.done $0x0  }
0x93: {  	[sflag:s13] =	ssyncadd.s32 $0xFFFFFF00  }
0x94: {  	_ =	swait.ge [sflag:s13], $0x100  }
0x95: {  	[sflag:s13] =	ssyncset.done $0x0  }
0x96: {  	[sflag:s13] =	ssyncadd.s32 $0xFFFFFF00  }
0x97: {  	_ =	swait.ge [sflag:s13], $0x100  }
0x98: {  	[sflag:s13] =	ssyncset.done $0x0  }
0x99: {  	[sflag:s13] =	ssyncadd.s32 $0xFFFFFF00  }
0x9a: {  	_ =	swait.ge [sflag:s13], $0x100  }
0x9b: {  	[sflag:s13] =	ssyncset.done $0x0  }
0x9c: {  	[sflag:s13] =	ssyncadd.s32 $0xFFFFFF00  }
0x9d: {  	_ =	swait.ge [sflag:s13], $0x100  }
0x9e: {  	[sflag:s13] =	ssyncset.done $0x0  }
0x9f: {  	[sflag:s13] =	ssyncadd.s32 $0xFFFFFF00  }
0xa0: {  	_ =	swait.ge [sflag:s13], $0x100  }
0xa1: {  	[sflag:s13] =	ssyncset.done $0x0  }
0xa2: {  	[sflag:s13] =	ssyncadd.s32 $0xFFFFFF00  }
0xa3: {  	s18 =	simm.s32 $0x10;
	s19 =	simm.s32 $0x0;
	v1 =	vld [tilespmem:s16+$0x0]  }
.LBB2_8:
0xa4: {  	p0 =	sne.s32 s18, $0xF0;
	v2 =	vld [tilespmem:s17+$0x0];
	_ =	sdelay $0x3  }
0xa5: {  	v1 =	vshll.u32 v1, $0x3  }
0xa6: {  	v3 =	vor.u32 $0x1, v1;
	v4 =	vor.u32 $0x2, v1;
	v5 =	vor.u32 $0x3, v1  }
0xa7: {  	v6 =	vor.u32 $0x4, v1;
	v7 =	vor.u32 $0x5, v1;
	v8 =	vor.u32 $0x6, v1;
	_ =	sdelay $0x2  }
0xa8: {  	s20 =	sand.u32 $0xF0, s16;
	s16 =	smov.u32 s18;
	[tilespmem:v1+s14+$0x0] =	vst.idx.add.f32.msk $0xffff, v2  }
0xa9: {  	v2 =	vld [tilespmem:s20+$0x1000];
	_ =	sdelay $0x4  }
0xaa: {  	[tilespmem:v3+s14+$0x0] =	vst.idx.add.f32.msk $0xffff, v2  }
0xab: {  	v2 =	vld [tilespmem:s20+$0x1800];
	_ =	sdelay $0x4  }
0xac: {  	[tilespmem:v4+s14+$0x0] =	vst.idx.add.f32.msk $0xffff, v2  }
0xad: {  	v2 =	vld [tilespmem:s20+$0x2000];
	_ =	sdelay $0x4  }
0xae: {  	[tilespmem:v5+s14+$0x0] =	vst.idx.add.f32.msk $0xffff, v2  }
0xaf: {  	v2 =	vld [tilespmem:s20+$0x2800];
	_ =	sdelay $0x4  }
0xb0: {  	[tilespmem:v6+s14+$0x0] =	vst.idx.add.f32.msk $0xffff, v2  }
0xb1: {  	v2 =	vld [tilespmem:s20+$0x3000];
	_ =	sdelay $0x4  }
0xb2: {  	[tilespmem:v7+s14+$0x0] =	vst.idx.add.f32.msk $0xffff, v2  }
0xb3: {  	v2 =	vld [tilespmem:s20+$0x3800];
	_ =	sdelay $0x4  }
0xb4: {  	[tilespmem:v8+s14+$0x0] =	vst.idx.add.f32.msk $0xffff, v2  }
0xb5: {  	v1 =	vor.u32 $0x7, v1;
	v2 =	vld [tilespmem:s20+$0x4000];
	_ =	sdelay $0x1  }
.Ltmp3:
0xb6: {  	(pc) =	sbr.rel @p0 .LBB2_8-.Ltmp3, $3  }
0xb7: {  	_ =	sdelay $0x1  }
0xb8: {  	s19 =	sadd.s32 $0x10, s19;
	[tilespmem:v1+s14+$0x0] =	vst.idx.add.f32.msk $0xffff, v2  }
0xb9: {  	s18 =	sadd.s32 $0x10, s18;
	s17 =	sadd.s32 $0x10, s17;
	v1 =	vld [tilespmem:s19+$0x0]  }
0xba: {  	_ =	sdelay $0x3  }
0xbb: {  	v2 =	vld [tilespmem:s17+$0x0];
	v1 =	vshll.u32 v1, $0x3;
	_ =	sdelay $0x4  }
0xbc: {  	s16 =	sand.u32 $0xF0, s16;
	[tilespmem:v1+s14+$0x0] =	vst.idx.add.f32.msk $0xffff, v2  }
0xbd: {  	v2 =	vor.u32 $0x1, v1;
	v3 =	vld [tilespmem:s16+$0x1000];
	_ =	sdelay $0x4  }
0xbe: {  	[tilespmem:v2+s14+$0x0] =	vst.idx.add.f32.msk $0xffff, v3  }
0xbf: {  	v2 =	vor.u32 $0x2, v1;
	v3 =	vld [tilespmem:s16+$0x1800];
	_ =	sdelay $0x4  }
0xc0: {  	[tilespmem:v2+s14+$0x0] =	vst.idx.add.f32.msk $0xffff, v3  }
0xc1: {  	v2 =	vor.u32 $0x3, v1;
	v3 =	vld [tilespmem:s16+$0x2000];
	_ =	sdelay $0x4  }
0xc2: {  	[tilespmem:v2+s14+$0x0] =	vst.idx.add.f32.msk $0xffff, v3  }
0xc3: {  	v2 =	vor.u32 $0x4, v1;
	v3 =	vld [tilespmem:s16+$0x2800];
	_ =	sdelay $0x4  }
0xc4: {  	[tilespmem:v2+s14+$0x0] =	vst.idx.add.f32.msk $0xffff, v3  }
0xc5: {  	v2 =	vor.u32 $0x5, v1;
	v3 =	vld [tilespmem:s16+$0x3000];
	_ =	sdelay $0x4  }
0xc6: {  	[tilespmem:v2+s14+$0x0] =	vst.idx.add.f32.msk $0xffff, v3  }
0xc7: {  	v2 =	vor.u32 $0x6, v1;
	v3 =	vld [tilespmem:s16+$0x3800];
	_ =	sdelay $0x4  }
0xc8: {  	[tilespmem:v2+s14+$0x0] =	vst.idx.add.f32.msk $0xffff, v3  }
0xc9: {  	v1 =	vor.u32 $0x7, v1;
	v2 =	vld [tilespmem:s16+$0x4000];
	_ =	sdelay $0x2  }
0xca: {  	s2 =	sadd.s32 $0x1, s2  }
0xcb: {  	p0 =	sne.s32 s2, s23  }
.Ltmp4:
0xcc: {  	s22 =	rddreg [dreg:$0xb];
	[tilespmem:v1+s14+$0x0] =	vst.idx.add.f32.msk $0xffff, v2;
	(pc) =	sbr.rel @p0 .LBB2_1-.Ltmp4, $4  }
0xcd: {  	[hbm4b:s22+s24] =	stream.strided.scatter [tilespmem:s14], [sflag:$0x2], $0x13880, s25, s24, $0x38;
	[tilespmem:$0x18080] =	vst v63  }
0xce: {  	_ =	swait.ge [sflag:s15], $0x13880  }
0xcf: {  	[sflag:s15] =	ssyncset.done $0x0  }
0xd0: {  	[sflag:s15] =	ssyncadd.s32 $0xFFFEC780  }
0xd1: {  	_ =	sfence.sel $0x180000  }
0xd2: {  	[bflag:$0x0] =	sbarrier.arrive $0xFFFF  }
0xd3: {  	_ =	strace $0x9000004A  }
0xd4: {  	s0 =	stileid.u32;
	[bflag:$0x2] =	sbarrier.arrive $0xFFFF  }
0xd5: {  	p0 =	sne.s32 s0, $0x0;
	s0 =	rddreg [dreg:$0x1]  }
0xd6: {  	s0 =	sadd.s32 @!p0 $0x100000, s0  }
0xd7: {  	[sflag:s0] =	ssyncadd.tile.s32 @!p0 $0x1;
	_ =	shalt  }
.Lfunc_end2:
_tile_overlayer_lowered:
.L_overlay_start_2:
0xd8: {  	(tag) =	ssettag $0x2  }
0xd9: {  	s0 =	rddreg [dreg:$0x0];
	s2 =	stileid.u32  }
0xda: {  	s1 =	rddreg [dreg:$0x1];
	p0 =	sne.s32 s2, $0x0  }
0xdb: {  	s3 =	rddreg [dreg:$0x2];
	[bflag:$0x3] =	sbarrier.arrive $0xFFFF;
	s2 =	simm.s32 @!p0 $0x1C02  }
0xdc: {  	[timem:s3], [sflag:s2] =	dma.local @!p0 [hbm:s0], s1  }
0xdd: {  	s0 =	simm.s32 @!p0 $0x2  }
0xde: {  	_ =	swait.ge @!p0 [sflag:s0], s1  }
0xdf: {  	s1 =	ssub.s32 @!p0 $0x0, s1;
	[sflag:s0] =	ssyncset.done @!p0 $0x0  }
0xe0: {  	[sflag:s0] =	ssyncadd.s32 @!p0 s1  }
0xe1: {  	[bflag:$0x3] =	sbarrier.arrive $0xFFFF  }
0xe2: {  	_ =	shalt  }

// kernel: kernel.23.cloned.1.call-start
scs
__scs_entry_jumppad:
0x0: {  	(pc) =	sbr.rel $0x88, $3  }
0x1: {  	(tag) =	ssettag $0x0;
	lr =	simm.s32 $0x1  }
0x2: {  	[smem:$0x3F7F] =	sst lr;
	_ =	strace $0xD0000000  }
0x3: {  	_ = 	snop  }
0x4: {  	_ = 	snop  }
0x5: {  	_ = 	snop  }
0x6: {  	_ = 	snop  }
0x7: {  	_ = 	snop  }
__scs_overlays_trampoline_lowered:
0x8: {  	[smem:$0x3F8E] =	sst s0  }
0x9: {  	[smem:$0x3F8F] =	sst s1  }
0xa: {  	[smem:$0x3F90] =	sst s2  }
0xb: {  	[smem:$0x3F91] =	sst s3  }
0xc: {  	[smem:$0x3F92] =	sst s4  }
0xd: {  	[smem:$0x3F93] =	sst s5  }
0xe: {  	[smem:$0x3F94] =	sst s6  }
0xf: {  	[smem:$0x3F95] =	sst s7  }
0x10: {  	[smem:$0x3F96] =	sst s8  }
0x11: {  	[smem:$0x3F97] =	sst s9;
	s0 =	simm.s32 @!p0 $0x0  }
0x12: {  	s1 =	sld [smem:$0x3F7D];
	s0 =	simm.s32 @p0 $0x1  }
0x13: {  	[smem:$0x3F98] =	sst s0;
	s0 =	simm.s32 @!p1 $0x0  }
0x14: {  	s2 =	sld [smem:$0x3F7C];
	s0 =	simm.s32 @p1 $0x1  }
0x15: {  	[smem:$0x3F99] =	sst s0;
	s0 =	simm.s32 @!p2 $0x0  }
0x16: {  	s3 =	sld [smem:$0x3FDB];
	s0 =	simm.s32 @p2 $0x1  }
0x17: {  	s4 =	simm.s32 $0x1BF5;
	[smem:$0x3F9B] =	sst s0  }
0x18: {  	s0 =	sld [smem:$0x3F7E];
	_ =	swait.ge [sflag:s4], $0x0  }
0x19: {  	s7 =	sld [smem:$0x3F7F]  }
0x1a: {  	s8 =	sadd.s32 $0xFFFFE003, lr  }
0x1b: {  	s9 =	sadd.s32 $0xFFFFFEF7, lr;
	s5 =	simm.s32 $0xFFFFFFFF;
	p2 =	slt.u32 s8, $0xFFFFF086  }
0x1c: {  	p1 =	slt.u32 s9, $0xF7A;
	s5 =	simm.s32 @!p2 $0x0  }
0x1d: {  	s5 =	simm.s32 @p1 $0x1;
	p0 =	seq.s32 s7, s2  }
0x1e: {  	s7 =	smul.u32 @!p0 $0xF7A, s2;
	p2 =	seq.s32 @!p0 s5, $0x0  }
0x1f: {  	s9 =	smul.u32 $0xF7A, s1;
	s8 =	simm.s32 @!p0 $0x1BF5;
	p2 =	por !p2, p0  }
0x20: {  	[sflag:s8] =	ssyncset.s32 @!p0 $0xFFFFF086;
	s6 =	sadd.s32 @!p0 s3, s7;
	s7 =	simm.s32 @!p0 $0x108  }
0x21: {  	s3 =	sadd.s32 s3, s9;
	s6 =	sadd.s32 @!p0 $0x88, s6;
	s7 =	simm.s32 @p2 $0x1082  }
0x22: {  	[simem:s7], [sflag:s8] =	dma.local @!p0 [hbm:s6], $0xF7A  }
0x23: {  	s9 =	sor.u32 $0xD0000000, s2;
	s6 =	simm.s32 $0x108;
	_ =	swait.ge @!p0 [sflag:s8], $0x0  }
0x24: {  	s3 =	sadd.s32 $0x88, s3;
	s6 =	simm.s32 @!p1 $0x1082;
	[sflag:s4] =	ssyncset.s32 $0xFFFFF086  }
0x25: {  	[simem:s6], [sflag:s4] =	dma.local [hbm:s3], $0xF7A  }
0x26: {  	[smem:$0x3F7F] =	sst s1;
	(tag) =	ssettag s2;
	_ =	strace s9  }
0x27: {  	s1 =	sld [smem:$0x3F8F]  }
0x28: {  	s2 =	sld [smem:$0x3F90]  }
0x29: {  	s4 =	sld [smem:$0x3F92]  }
0x2a: {  	p0 =	seq.s32 s5, $0x0;
	s5 =	sld [smem:$0x3F93]  }
0x2b: {  	s6 =	sld [smem:$0x3F94]  }
0x2c: {  	s7 =	sld [smem:$0x3F95]  }
0x2d: {  	s3 =	simm.s32 $0x108;
	s8 =	sld [smem:$0x3F96]  }
0x2e: {  	s3 =	simm.s32 @!p0 $0x1082;
	s9 =	sld [smem:$0x3F97]  }
0x2f: {  	lr =	sadd.s32 s0, s3;
	s0 =	sld [smem:$0x3F8E]  }
0x30: {  	s3 =	sld [smem:$0x3F91]  }
0x31: {  	[smem:$0x3F9A] =	sst s10  }
0x32: {  	s10 =	sld [smem:$0x3F98];
	_ =	sdelay $0x3  }
0x33: {  	p0 =	seq.s32 s10, $0x1;
	s10 =	sld [smem:$0x3F9A];
	_ =	sdelay $0x3  }
0x34: {  	[smem:$0x3F9A] =	sst s10  }
0x35: {  	s10 =	sld [smem:$0x3F99];
	_ =	sdelay $0x3  }
0x36: {  	p1 =	seq.s32 s10, $0x1;
	s10 =	sld [smem:$0x3F9A];
	_ =	sdelay $0x3  }
0x37: {  	[smem:$0x3F9A] =	sst s10  }
0x38: {  	s10 =	sld [smem:$0x3F9B]  }
0x39: {  	_ = 	snop;
	(pc) =	sbr.ind lr, $3  }
0x3a: {  	_ = 	snop  }
0x3b: {  	_ = 	snop  }
0x3c: {  	p2 =	seq.s32 s10, $0x1;
	s10 =	sld [smem:$0x3F9A]  }
0x3d: {  	_ =	shalt  }
0x3e: {  	_ =	shalt  }
0x3f: {  	_ =	shalt  }
0x40: {  	_ =	shalt  }
0x41: {  	_ =	shalt  }
0x42: {  	_ =	shalt  }
0x43: {  	_ =	shalt  }
0x44: {  	_ =	shalt  }
0x45: {  	_ =	shalt  }
0x46: {  	_ =	shalt  }
0x47: {  	_ =	shalt  }
0x48: {  	_ =	shalt  }
0x49: {  	_ =	shalt  }
0x4a: {  	_ =	shalt  }
0x4b: {  	_ =	shalt  }
0x4c: {  	_ =	shalt  }
0x4d: {  	_ =	shalt  }
0x4e: {  	_ =	shalt  }
0x4f: {  	_ =	shalt  }
0x50: {  	_ =	shalt  }
0x51: {  	_ =	shalt  }
0x52: {  	_ =	shalt  }
0x53: {  	_ =	shalt  }
0x54: {  	_ =	shalt  }
0x55: {  	_ =	shalt  }
0x56: {  	_ =	shalt  }
0x57: {  	_ =	shalt  }
0x58: {  	_ =	shalt  }
0x59: {  	_ =	shalt  }
0x5a: {  	_ =	shalt  }
0x5b: {  	_ =	shalt  }
0x5c: {  	_ =	shalt  }
0x5d: {  	_ =	shalt  }
0x5e: {  	_ =	shalt  }
0x5f: {  	_ =	shalt  }
0x60: {  	_ =	shalt  }
0x61: {  	_ =	shalt  }
0x62: {  	_ =	shalt  }
0x63: {  	_ =	shalt  }
0x64: {  	_ =	shalt  }
0x65: {  	_ =	shalt  }
0x66: {  	_ =	shalt  }
0x67: {  	_ =	shalt  }
0x68: {  	_ =	shalt  }
0x69: {  	_ =	shalt  }
0x6a: {  	_ =	shalt  }
0x6b: {  	_ =	shalt  }
0x6c: {  	_ =	shalt  }
0x6d: {  	_ =	shalt  }
0x6e: {  	_ =	shalt  }
0x6f: {  	_ =	shalt  }
0x70: {  	_ =	shalt  }
0x71: {  	_ =	shalt  }
0x72: {  	_ =	shalt  }
0x73: {  	_ =	shalt  }
0x74: {  	_ =	shalt  }
0x75: {  	_ =	shalt  }
0x76: {  	_ =	shalt  }
0x77: {  	_ =	shalt  }
0x78: {  	_ =	shalt  }
0x79: {  	_ =	shalt  }
0x7a: {  	_ =	shalt  }
0x7b: {  	_ =	shalt  }
0x7c: {  	_ =	shalt  }
0x7d: {  	_ =	shalt  }
0x7e: {  	_ =	shalt  }
0x7f: {  	_ =	shalt  }
0x80: {  	_ =	shalt  }
0x81: {  	_ =	shalt  }
0x82: {  	_ =	shalt  }
0x83: {  	_ =	shalt  }
0x84: {  	_ =	shalt  }
0x85: {  	_ =	shalt  }
0x86: {  	_ =	shalt  }
0x87: {  	_ =	shalt  }
.Lfunc_end0:
.L_simem_size_0:
called_computation.2_lowered:
.L_overlay_start_0:
0x88: {  	s2 =	sld [smem:$0x3FD9]  }
0x89: {  	s3 =	sld [smem:$0x3FFE];
	_ =	sdelay $0x1  }
0x8a: {  	s1 =	srdreg.scid  }
0x8b: {  	s0 =	sand.u32 $0x1, s1  }
0x8c: {  	s16 =	sshll.u32 s0, $0xA;
	s2 =	sadd.s32 s3, s2  }
0x8d: {  	s2 =	sadd.s32 s2, s16  }
0x8e: {  	[smem:$0x3FA6] =	sst s2  }
0x8f: {  	_ = 	snop  }
0x90: {  	(tm) =	ssettm $0x1  }
0x91: {  	s17 =	sld [smem:$0x3FFB];
	_ =	sdelay $0x3  }
0x92: {  	_ =	strace s17  }
0x93: {  	s2 =	sld [smem:$0x3FFC];
	_ =	sdelay $0x3  }
0x94: {  	_ =	strace s2  }
0x95: {  	s2 =	sld [smem:$0x3FFD];
	_ =	sdelay $0x3  }
0x96: {  	_ =	strace s2  }
0x97: {  	_ =	strace $0x8FFFFFFF  }
0x98: {  	s18 =	sld [smem:$0x3FDB];
	_ =	sdelay $0x1  }
0x99: {  	s19 =	simm.s32 $_scs_section_size  }
0x9a: {  	s4 =	simm.s32 $_size__tile_overlayer_lowered;
	s5 =	simm.s32 $_tile_overlayer_lowered  }
0x9b: {  	s22 =	simm.s32 $0x1BFF;
	s21 =	sshll.u32 s5, $0x1;
	s2 =	sadd.s32 s19, s18  }
0x9c: {  	s6 =	simm.s32 $0x0;
	s20 =	sshll.u32 s4, $0x1;
	s4 =	sadd.s32 s21, s2  }
0x9d: {  	[timem:s6], [sflag:s22] =	dma.local [hbm:s4], s20  }
0x9e: {  	_ =	swait.ge [sflag:s22], s20  }
0x9f: {  	s3 =	ssub.s32 $0x0, s20;
	[sflag:s22] =	ssyncset.done $0x0  }
0xa0: {  	[sflag:s22] =	ssyncadd.s32 s3;
	_ =	sdelay $0x1  }
0xa1: {  	s23 =	simm.s32 $0x1B8B  }
0xa2: {  	_ =	swait.ge [sflag:s23], $0x1  }
0xa3: {  	[sflag:s23] =	ssyncset.done $0x0  }
0xa4: {  	s25 =	simm.s32 $0x1B8E;
	s24 =	sld [smem:$0x3FFE];
	[sflag:s23] =	ssyncadd.s32 $0xFFFFFFFF  }
0xa5: {  	s26 =	simm.s32 $execute0_lowered;
	[smem:$0x3FD2] =	sst s25  }
0xa6: {  	s4 =	sshll.u32 s26, $0x1;
	_ =	strace $0x8000004C;
	[dreg:$0x1] =	wrdreg $0xFFFFFFFF  }
0xa7: {  	s28 =	simm.s32 $_size_execute0_lowered;
	s2 =	sadd.s32 s2, s4;
	[dreg:$0x0] =	wrdreg $0x0  }
0xa8: {  	s4 =	sshll.u32 s28, $0x1;
	[dreg:$0x2] =	wrdreg s2  }
0xa9: {  	[dreg:$0x3] =	wrdreg s4  }
0xaa: {  	[dreg:$0x4] =	wrdreg $0xC0  }
0xab: {  	_ =	task [dreg:s6], $0x5FFFF  }
0xac: {  	[dreg:$0x1] =	wrdreg $0xFFFFFFFF  }
0xad: {  	[dreg:$0x0] =	wrdreg $0x60  }
0xae: {  	[dreg:$0x2] =	wrdreg s24  }
0xaf: {  	[dreg:$0x3] =	wrdreg $0x9  }
0xb0: {  	_ =	task.clear_ibuf [dreg:s6], $0x4FFFF;
	_ =	strace $0x9000004C  }
0xb1: {  	s29 =	simm.s32 $0x9;
	_ =	strace $0x8000004E  }
0xb2: {  	_ =	swait.ge [sflag:s29], $0x1  }
0xb3: {  	[sflag:s29] =	ssyncadd.s32 $0xFFFFFFFF  }
0xb4: {  	_ =	strace $0x9000004E  }
0xb5: {  	_ =	sfence  }
0xb6: {  	s30 =	sld [smem:$0x0];
	_ =	sdelay $0x2  }
0xb7: {  	s31 =	sshll.u32 s1, $0xD;
	s1 =	sshrl.u32 s1, $0x2  }
0xb8: {  	s3 =	sand.u32 $0x4000, s31;
	s1 =	sadd.s32 s1, s30  }
0xb9: {  	s0 =	sor.u32 s3, s0;
	s1 =	sshll.u32 s1, $0x11  }
0xba: {  	s0 =	sor.u32 s1, s0  }
0xbb: {  	s0 =	sadd.s32 $0x8F2B, s0  }
0xbc: {  	[sflag:s0] =	ssyncadd.remote.s32 $0x1  }
0xbd: {  	_ =	sfence.sel $0xFFFF  }
0xbe: {  	[dreg:$0x0] =	wrdreg $0xFFFFFFFF;
	(pc) =	sbr.abs _section_cstart, $3  }
0xbf: {  	[dreg:$0x1] =	wrdreg $0xFFFFFFFF  }
0xc0: {  	_ =	task.clear_ibuf [dreg:s6], $0x2FFFF;
	_ =	strace $0x9FFFFFFF  }
0xc1: {  	(tm) =	ssettm $0x7FFFFFFF  }
tec
execute0_lowered:
.L_overlay_start_1:
0x0: {  	(tag) =	ssettag $0x1  }
0x1: {  	s5 =	rddreg [dreg:$0x0]  }
0x2: {  	s0 =	rddreg [dreg:$0x1]  }
0x3: {  	s1 =	simm.s32 $0x0;
	s29 =	srdreg.scid;
	s10 =	simm.s32 $0x1080  }
0x4: {  	s11 =	simm.s32 $0x1880;
	s12 =	simm.s32 $0x2080;
	s13 =	simm.s32 $0x2880  }
0x5: {  	s14 =	simm.s32 $0x3080;
	s15 =	simm.s32 $0x3880;
	s16 =	simm.s32 $0x4080  }
0x6: {  	s17 =	simm.s32 $0x4880;
	s18 =	simm.s32 $0x5080;
	s19 =	simm.s32 $0x5880  }
0x7: {  	s20 =	simm.s32 $0x6080;
	s21 =	simm.s32 $0x6880;
	s22 =	simm.s32 $0x7080  }
0x8: {  	s23 =	simm.s32 $0x7880;
	s24 =	simm.s32 $0x1;
	s25 =	simm.s32 $0x0  }
0x9: {  	[smem:$0x7FF] =	sst s1;
	s2 =	sadd.s32 $0x5C000, s5;
	s3 =	sadd.s32 $0x57000, s5  }
0xa: {  	s4 =	sadd.s32 $0xAF200, s5;
	_ =	strace $0x8000004D;
	[dreg:$0x2] =	wrdreg s2  }
0xb: {  	s6 =	sadd.s32 $0x235E00, s5;
	s7 =	sand.u32 $0x1, s29;
	[dreg:$0x3] =	wrdreg s3  }
0xc: {  	s2 =	sadd.s32 $0x61000, s5;
	[dreg:$0x4] =	wrdreg s6;
	s30 =	ssub.s32 $0x2, s7  }
0xd: {  	s3 =	stileid.u32;
	s5 =	sadd.s32 $0x1AA1E00, s5;
	s8 =	sshrl.u32 s30, $0x1  }
0xe: {  	v2 =	vlaneseq.u32;
	s9 =	sshll.u32 s3, $0x1;
	[dreg:$0x5] =	wrdreg s5;
	s6 =	ssub.s32 s30, s8  }
0xf: {  	vm0 =	vmmov $0xffff;
	v1 =	vshrl.u32 v2, $0x3;
	s31 =	sor.u32 s7, s9;
	s7 =	simm.s32 $0x2;
	s8 =	simm.s32 $0x80  }
0x10: {  	v0 =	vand.u32 $0x7, v2;
	v2 =	vor.u32 $0x8, v2;
	v1 =	vmul.u32 $0x8, v1;
	s9 =	simm.s32 $0x880;
	s5 =	smul.u32 $0x1388, s31;
	s6 =	smax.u32 s6, $0x1  }
.LBB2_1:
0x11: {  	s26 =	simm.s32 $0x0  }
.LBB2_2:
0x12: {  	s28 =	smin.u32 s26, $0x1308  }
0x13: {  	s29 =	sadd.s32 s5, s28  }
0x14: {  	s30 =	rddreg [dreg:$0x2];
	s28 =	sshrl.u32 s29, $0x3  }
0x15: {  	s30 =	sadd.s32 s30, s28  }
0x16: {  	[tilespmem:s1], [sflag:$0x2] =	stream.linear.gather [hbm4b:s30+s1], $0x80, $0x38;
	[tilespmem:$0x8080] =	vst v63  }
0x17: {  	_ =	swait.ge [sflag:s7], $0x80  }
0x18: {  	[sflag:s7] =	ssyncset.done $0x0  }
0x19: {  	[sflag:s7] =	ssyncadd.s32 $0xFFFFFF80  }
0x1a: {  	v3 =	vld [tilespmem:$0x0];
	_ =	sdelay $0x4  }
0x1b: {  	v4 =	vshll.u32 v3, $0x1  }
0x1c: {  	v3 =	vand.u32 $0x7, v3;
	v4 =	vand.u32 $0xFFFFFFF0, v4  }
0x1d: {  	v3 =	vor.u32 v3, v4  }
0x1e: {  	v4 =	vperm.xlane v3, v0;
	_ =	sdelay $0x1  }
0x1f: {  	v3 =	vperm.xlane v3, v2;
	v4 =	vadd.s32 v1, v4;
	_ =	sdelay $0x1  }
0x20: {  	v3 =	vadd.s32 v1, v3;
	_ =	sdelay $0x2  }
0x21: {  	[tilespmem:s8], [sflag:$0x1] =	stream.indirect_vreg.gather [hbm4b:s2+s1], $0x80, v4, vm0, $0xb8;
	[tilespmem:$0x8080] =	vst v63  }
0x22: {  	_ = 	snop  }
0x23: {  	[tilespmem:s9], [sflag:$0x1] =	stream.indirect_vreg.gather [hbm4b:s2+s1], $0x80, v3, vm0, $0xb8;
	[tilespmem:$0x8080] =	vst v63  }
0x24: {  	v3 =	vld [tilespmem:$0x10];
	_ =	sdelay $0x4  }
0x25: {  	v49 =	vshll.u32 v3, $0x1  }
0x26: {  	v3 =	vand.u32 $0x7, v3;
	v4 =	vand.u32 $0xFFFFFFF0, v49  }
0x27: {  	v3 =	vor.u32 v3, v4  }
0x28: {  	v4 =	vperm.xlane v3, v0;
	_ =	sdelay $0x1  }
0x29: {  	v3 =	vperm.xlane v3, v2;
	v4 =	vadd.s32 v1, v4;
	_ =	sdelay $0x1  }
0x2a: {  	v3 =	vadd.s32 v1, v3;
	_ =	sdelay $0x2  }
0x2b: {  	[tilespmem:s10], [sflag:$0x1] =	stream.indirect_vreg.gather [hbm4b:s2+s1], $0x80, v4, vm0, $0xb8;
	[tilespmem:$0x8080] =	vst v63  }
0x2c: {  	_ = 	snop  }
0x2d: {  	[tilespmem:s11], [sflag:$0x1] =	stream.indirect_vreg.gather [hbm4b:s2+s1], $0x80, v3, vm0, $0xb8;
	[tilespmem:$0x8080] =	vst v63  }
0x2e: {  	v3 =	vld [tilespmem:$0x20];
	_ =	sdelay $0x4  }
0x2f: {  	v50 =	vshll.u32 v3, $0x1  }
0x30: {  	v3 =	vand.u32 $0x7, v3;
	v4 =	vand.u32 $0xFFFFFFF0, v50  }
0x31: {  	v3 =	vor.u32 v3, v4  }
0x32: {  	v4 =	vperm.xlane v3, v0;
	_ =	sdelay $0x1  }
0x33: {  	v3 =	vperm.xlane v3, v2;
	v4 =	vadd.s32 v1, v4;
	_ =	sdelay $0x1  }
0x34: {  	v3 =	vadd.s32 v1, v3;
	_ =	sdelay $0x2  }
0x35: {  	[tilespmem:s12], [sflag:$0x1] =	stream.indirect_vreg.gather [hbm4b:s2+s1], $0x80, v4, vm0, $0xb8;
	[tilespmem:$0x8080] =	vst v63  }
0x36: {  	_ = 	snop  }
0x37: {  	[tilespmem:s13], [sflag:$0x1] =	stream.indirect_vreg.gather [hbm4b:s2+s1], $0x80, v3, vm0, $0xb8;
	[tilespmem:$0x8080] =	vst v63  }
0x38: {  	v3 =	vld [tilespmem:$0x30];
	_ =	sdelay $0x4  }
0x39: {  	v51 =	vshll.u32 v3, $0x1  }
0x3a: {  	v3 =	vand.u32 $0x7, v3;
	v4 =	vand.u32 $0xFFFFFFF0, v51  }
0x3b: {  	v3 =	vor.u32 v3, v4  }
0x3c: {  	v4 =	vperm.xlane v3, v0;
	_ =	sdelay $0x1  }
0x3d: {  	v3 =	vperm.xlane v3, v2;
	v4 =	vadd.s32 v1, v4;
	_ =	sdelay $0x1  }
0x3e: {  	v3 =	vadd.s32 v1, v3;
	_ =	sdelay $0x2  }
0x3f: {  	[tilespmem:s14], [sflag:$0x1] =	stream.indirect_vreg.gather [hbm4b:s2+s1], $0x80, v4, vm0, $0xb8;
	[tilespmem:$0x8080] =	vst v63  }
0x40: {  	_ = 	snop  }
0x41: {  	[tilespmem:s15], [sflag:$0x1] =	stream.indirect_vreg.gather [hbm4b:s2+s1], $0x80, v3, vm0, $0xb8;
	[tilespmem:$0x8080] =	vst v63  }
0x42: {  	v3 =	vld [tilespmem:$0x40];
	_ =	sdelay $0x4  }
0x43: {  	v52 =	vshll.u32 v3, $0x1  }
0x44: {  	v3 =	vand.u32 $0x7, v3;
	v4 =	vand.u32 $0xFFFFFFF0, v52  }
0x45: {  	v3 =	vor.u32 v3, v4  }
0x46: {  	v4 =	vperm.xlane v3, v0;
	_ =	sdelay $0x1  }
0x47: {  	v3 =	vperm.xlane v3, v2;
	v4 =	vadd.s32 v1, v4;
	_ =	sdelay $0x1  }
0x48: {  	v3 =	vadd.s32 v1, v3;
	_ =	sdelay $0x2  }
0x49: {  	[tilespmem:s16], [sflag:$0x1] =	stream.indirect_vreg.gather [hbm4b:s2+s1], $0x80, v4, vm0, $0xb8;
	[tilespmem:$0x8080] =	vst v63  }
0x4a: {  	_ = 	snop  }
0x4b: {  	[tilespmem:s17], [sflag:$0x1] =	stream.indirect_vreg.gather [hbm4b:s2+s1], $0x80, v3, vm0, $0xb8;
	[tilespmem:$0x8080] =	vst v63  }
0x4c: {  	v3 =	vld [tilespmem:$0x50];
	_ =	sdelay $0x4  }
0x4d: {  	v53 =	vshll.u32 v3, $0x1  }
0x4e: {  	v3 =	vand.u32 $0x7, v3;
	v4 =	vand.u32 $0xFFFFFFF0, v53  }
0x4f: {  	v3 =	vor.u32 v3, v4  }
0x50: {  	v4 =	vperm.xlane v3, v0;
	_ =	sdelay $0x1  }
0x51: {  	v3 =	vperm.xlane v3, v2;
	v4 =	vadd.s32 v1, v4;
	_ =	sdelay $0x1  }
0x52: {  	v3 =	vadd.s32 v1, v3;
	_ =	sdelay $0x2  }
0x53: {  	[tilespmem:s18], [sflag:$0x1] =	stream.indirect_vreg.gather [hbm4b:s2+s1], $0x80, v4, vm0, $0xb8;
	[tilespmem:$0x8080] =	vst v63  }
0x54: {  	_ = 	snop  }
0x55: {  	[tilespmem:s19], [sflag:$0x1] =	stream.indirect_vreg.gather [hbm4b:s2+s1], $0x80, v3, vm0, $0xb8;
	[tilespmem:$0x8080] =	vst v63  }
0x56: {  	v3 =	vld [tilespmem:$0x60];
	_ =	sdelay $0x4  }
0x57: {  	v54 =	vshll.u32 v3, $0x1  }
0x58: {  	v3 =	vand.u32 $0x7, v3;
	v4 =	vand.u32 $0xFFFFFFF0, v54  }
0x59: {  	v3 =	vor.u32 v3, v4  }
0x5a: {  	v4 =	vperm.xlane v3, v0;
	_ =	sdelay $0x1  }
0x5b: {  	v3 =	vperm.xlane v3, v2;
	v4 =	vadd.s32 v1, v4;
	_ =	sdelay $0x1  }
0x5c: {  	v3 =	vadd.s32 v1, v3;
	_ =	sdelay $0x2  }
0x5d: {  	[tilespmem:s20], [sflag:$0x1] =	stream.indirect_vreg.gather [hbm4b:s2+s1], $0x80, v4, vm0, $0xb8;
	[tilespmem:$0x8080] =	vst v63  }
0x5e: {  	_ = 	snop  }
0x5f: {  	[tilespmem:s21], [sflag:$0x1] =	stream.indirect_vreg.gather [hbm4b:s2+s1], $0x80, v3, vm0, $0xb8;
	[tilespmem:$0x8080] =	vst v63  }
0x60: {  	v3 =	vld [tilespmem:$0x70];
	_ =	sdelay $0x4  }
0x61: {  	v55 =	vshll.u32 v3, $0x1  }
0x62: {  	v3 =	vand.u32 $0x7, v3;
	v4 =	vand.u32 $0xFFFFFFF0, v55  }
0x63: {  	v3 =	vor.u32 v3, v4  }
0x64: {  	v4 =	vperm.xlane v3, v0;
	_ =	sdelay $0x1  }
0x65: {  	v3 =	vperm.xlane v3, v2;
	v4 =	vadd.s32 v1, v4;
	_ =	sdelay $0x1  }
0x66: {  	v3 =	vadd.s32 v1, v3;
	_ =	sdelay $0x2  }
0x67: {  	[tilespmem:s22], [sflag:$0x1] =	stream.indirect_vreg.gather [hbm4b:s2+s1], $0x80, v4, vm0, $0xb8;
	[tilespmem:$0x8080] =	vst v63  }
0x68: {  	_ = 	snop  }
0x69: {  	[tilespmem:s23], [sflag:$0x1] =	stream.indirect_vreg.gather [hbm4b:s2+s1], $0x80, v3, vm0, $0xb8;
	[tilespmem:$0x8080] =	vst v63  }
0x6a: {  	_ =	swait.ge [sflag:s24], $0x8000  }
0x6b: {  	s29 =	sshll.u32 s29, $0x5;
	s31 =	rddreg [dreg:$0x4];
	[sflag:s24] =	ssyncset.done $0x0  }
0x6c: {  	[sflag:s24] =	ssyncadd.s32 $0xFFFF8000;
	s30 =	sadd.s32 s31, s29  }
0x6d: {  	[hbm4b:s30+s1] =	stream.linear.scatter [tilespmem:s8], [sflag:$0x2], $0x8000, $0x38;
	[tilespmem:$0x8080] =	vst v63  }
0x6e: {  	_ =	swait.ge [sflag:s7], $0x8000  }
0x6f: {  	s31 =	rddreg [dreg:$0x3];
	[sflag:s7] =	ssyncset.done $0x0  }
0x70: {  	[sflag:s7] =	ssyncadd.s32 $0xFFFF8000;
	s28 =	sadd.s32 s31, s28  }
0x71: {  	[tilespmem:s1], [sflag:$0x2] =	stream.linear.gather [hbm4b:s28+s1], $0x80, $0x38;
	[tilespmem:$0x8080] =	vst v63  }
0x72: {  	_ =	swait.ge [sflag:s7], $0x80  }
0x73: {  	[sflag:s7] =	ssyncset.done $0x0  }
0x74: {  	[sflag:s7] =	ssyncadd.s32 $0xFFFFFF80  }
0x75: {  	v3 =	vld [tilespmem:$0x0];
	_ =	sdelay $0x4  }
0x76: {  	v56 =	vshll.u32 v3, $0x1  }
0x77: {  	v3 =	vand.u32 $0x7, v3;
	v4 =	vand.u32 $0xFFFFFFF0, v56  }
0x78: {  	v3 =	vor.u32 v3, v4  }
0x79: {  	v4 =	vperm.xlane v3, v0;
	_ =	sdelay $0x1  }
0x7a: {  	v3 =	vperm.xlane v3, v2;
	v4 =	vadd.s32 v1, v4;
	_ =	sdelay $0x1  }
0x7b: {  	v3 =	vadd.s32 v1, v3;
	_ =	sdelay $0x2  }
0x7c: {  	[tilespmem:s8], [sflag:$0x1] =	stream.indirect_vreg.gather [hbm4b:s4+s1], $0x80, v4, vm0, $0xb8;
	[tilespmem:$0x8080] =	vst v63  }
0x7d: {  	_ = 	snop  }
0x7e: {  	[tilespmem:s9], [sflag:$0x1] =	stream.indirect_vreg.gather [hbm4b:s4+s1], $0x80, v3, vm0, $0xb8;
	[tilespmem:$0x8080] =	vst v63  }
0x7f: {  	v3 =	vld [tilespmem:$0x10];
	_ =	sdelay $0x4  }
0x80: {  	v57 =	vshll.u32 v3, $0x1  }
0x81: {  	v3 =	vand.u32 $0x7, v3;
	v4 =	vand.u32 $0xFFFFFFF0, v57  }
0x82: {  	v3 =	vor.u32 v3, v4  }
0x83: {  	v4 =	vperm.xlane v3, v0;
	_ =	sdelay $0x1  }
0x84: {  	v3 =	vperm.xlane v3, v2;
	v4 =	vadd.s32 v1, v4;
	_ =	sdelay $0x1  }
0x85: {  	v3 =	vadd.s32 v1, v3;
	_ =	sdelay $0x2  }
0x86: {  	[tilespmem:s10], [sflag:$0x1] =	stream.indirect_vreg.gather [hbm4b:s4+s1], $0x80, v4, vm0, $0xb8;
	[tilespmem:$0x8080] =	vst v63  }
0x87: {  	_ = 	snop  }
0x88: {  	[tilespmem:s11], [sflag:$0x1] =	stream.indirect_vreg.gather [hbm4b:s4+s1], $0x80, v3, vm0, $0xb8;
	[tilespmem:$0x8080] =	vst v63  }
0x89: {  	v3 =	vld [tilespmem:$0x20];
	_ =	sdelay $0x4  }
0x8a: {  	v58 =	vshll.u32 v3, $0x1  }
0x8b: {  	v3 =	vand.u32 $0x7, v3;
	v4 =	vand.u32 $0xFFFFFFF0, v58  }
0x8c: {  	v3 =	vor.u32 v3, v4  }
0x8d: {  	v4 =	vperm.xlane v3, v0;
	_ =	sdelay $0x1  }
0x8e: {  	v3 =	vperm.xlane v3, v2;
	v4 =	vadd.s32 v1, v4;
	_ =	sdelay $0x1  }
0x8f: {  	v3 =	vadd.s32 v1, v3;
	_ =	sdelay $0x2  }
0x90: {  	[tilespmem:s12], [sflag:$0x1] =	stream.indirect_vreg.gather [hbm4b:s4+s1], $0x80, v4, vm0, $0xb8;
	[tilespmem:$0x8080] =	vst v63  }
0x91: {  	_ = 	snop  }
0x92: {  	[tilespmem:s13], [sflag:$0x1] =	stream.indirect_vreg.gather [hbm4b:s4+s1], $0x80, v3, vm0, $0xb8;
	[tilespmem:$0x8080] =	vst v63  }
0x93: {  	v3 =	vld [tilespmem:$0x30];
	_ =	sdelay $0x4  }
0x94: {  	v59 =	vshll.u32 v3, $0x1  }
0x95: {  	v3 =	vand.u32 $0x7, v3;
	v4 =	vand.u32 $0xFFFFFFF0, v59  }
0x96: {  	v3 =	vor.u32 v3, v4  }
0x97: {  	v4 =	vperm.xlane v3, v0;
	_ =	sdelay $0x1  }
0x98: {  	v3 =	vperm.xlane v3, v2;
	v4 =	vadd.s32 v1, v4;
	_ =	sdelay $0x1  }
0x99: {  	v3 =	vadd.s32 v1, v3;
	_ =	sdelay $0x2  }
0x9a: {  	[tilespmem:s14], [sflag:$0x1] =	stream.indirect_vreg.gather [hbm4b:s4+s1], $0x80, v4, vm0, $0xb8;
	[tilespmem:$0x8080] =	vst v63  }
0x9b: {  	_ = 	snop  }
0x9c: {  	[tilespmem:s15], [sflag:$0x1] =	stream.indirect_vreg.gather [hbm4b:s4+s1], $0x80, v3, vm0, $0xb8;
	[tilespmem:$0x8080] =	vst v63  }
0x9d: {  	v3 =	vld [tilespmem:$0x40];
	_ =	sdelay $0x4  }
0x9e: {  	v60 =	vshll.u32 v3, $0x1  }
0x9f: {  	v3 =	vand.u32 $0x7, v3;
	v4 =	vand.u32 $0xFFFFFFF0, v60  }
0xa0: {  	v3 =	vor.u32 v3, v4  }
0xa1: {  	v4 =	vperm.xlane v3, v0;
	_ =	sdelay $0x1  }
0xa2: {  	v3 =	vperm.xlane v3, v2;
	v4 =	vadd.s32 v1, v4;
	_ =	sdelay $0x1  }
0xa3: {  	v3 =	vadd.s32 v1, v3;
	_ =	sdelay $0x2  }
0xa4: {  	[tilespmem:s16], [sflag:$0x1] =	stream.indirect_vreg.gather [hbm4b:s4+s1], $0x80, v4, vm0, $0xb8;
	[tilespmem:$0x8080] =	vst v63  }
0xa5: {  	_ = 	snop  }
0xa6: {  	[tilespmem:s17], [sflag:$0x1] =	stream.indirect_vreg.gather [hbm4b:s4+s1], $0x80, v3, vm0, $0xb8;
	[tilespmem:$0x8080] =	vst v63  }
0xa7: {  	v3 =	vld [tilespmem:$0x50];
	_ =	sdelay $0x4  }
0xa8: {  	v61 =	vshll.u32 v3, $0x1  }
0xa9: {  	v3 =	vand.u32 $0x7, v3;
	v4 =	vand.u32 $0xFFFFFFF0, v61  }
0xaa: {  	v3 =	vor.u32 v3, v4  }
0xab: {  	v4 =	vperm.xlane v3, v0;
	_ =	sdelay $0x1  }
0xac: {  	v3 =	vperm.xlane v3, v2;
	v4 =	vadd.s32 v1, v4;
	_ =	sdelay $0x1  }
0xad: {  	v3 =	vadd.s32 v1, v3;
	_ =	sdelay $0x2  }
0xae: {  	[tilespmem:s18], [sflag:$0x1] =	stream.indirect_vreg.gather [hbm4b:s4+s1], $0x80, v4, vm0, $0xb8;
	[tilespmem:$0x8080] =	vst v63  }
0xaf: {  	_ = 	snop  }
0xb0: {  	[tilespmem:s19], [sflag:$0x1] =	stream.indirect_vreg.gather [hbm4b:s4+s1], $0x80, v3, vm0, $0xb8;
	[tilespmem:$0x8080] =	vst v63  }
0xb1: {  	v3 =	vld [tilespmem:$0x60];
	_ =	sdelay $0x4  }
0xb2: {  	v62 =	vshll.u32 v3, $0x1  }
0xb3: {  	v3 =	vand.u32 $0x7, v3;
	v4 =	vand.u32 $0xFFFFFFF0, v62  }
0xb4: {  	v3 =	vor.u32 v3, v4  }
0xb5: {  	v4 =	vperm.xlane v3, v0;
	_ =	sdelay $0x1  }
0xb6: {  	v3 =	vperm.xlane v3, v2;
	v4 =	vadd.s32 v1, v4;
	_ =	sdelay $0x1  }
0xb7: {  	v3 =	vadd.s32 v1, v3;
	_ =	sdelay $0x2  }
0xb8: {  	[tilespmem:s20], [sflag:$0x1] =	stream.indirect_vreg.gather [hbm4b:s4+s1], $0x80, v4, vm0, $0xb8;
	[tilespmem:$0x8080] =	vst v63  }
0xb9: {  	_ = 	snop  }
0xba: {  	[tilespmem:s21], [sflag:$0x1] =	stream.indirect_vreg.gather [hbm4b:s4+s1], $0x80, v3, vm0, $0xb8;
	[tilespmem:$0x8080] =	vst v63  }
0xbb: {  	v3 =	vld [tilespmem:$0x70];
	_ =	sdelay $0x4  }
0xbc: {  	v63 =	vshll.u32 v3, $0x1  }
0xbd: {  	v3 =	vand.u32 $0x7, v3;
	v4 =	vand.u32 $0xFFFFFFF0, v63  }
0xbe: {  	v3 =	vor.u32 v3, v4  }
0xbf: {  	v4 =	vperm.xlane v3, v0;
	_ =	sdelay $0x1  }
0xc0: {  	v3 =	vperm.xlane v3, v2;
	v4 =	vadd.s32 v1, v4;
	_ =	sdelay $0x1  }
0xc1: {  	v3 =	vadd.s32 v1, v3;
	_ =	sdelay $0x2  }
0xc2: {  	[tilespmem:s22], [sflag:$0x1] =	stream.indirect_vreg.gather [hbm4b:s4+s1], $0x80, v4, vm0, $0xb8;
	[tilespmem:$0x8080] =	vst v63  }
0xc3: {  	_ = 	snop  }
0xc4: {  	[tilespmem:s23], [sflag:$0x1] =	stream.indirect_vreg.gather [hbm4b:s4+s1], $0x80, v3, vm0, $0xb8;
	[tilespmem:$0x8080] =	vst v63  }
0xc5: {  	_ =	swait.ge [sflag:s24], $0x8000  }
0xc6: {  	p0 =	sne.s32 s26, $0x1380;
	s31 =	rddreg [dreg:$0x5];
	[sflag:s24] =	ssyncset.done $0x0  }
.Ltmp0:
0xc7: {  	[sflag:s24] =	ssyncadd.s32 $0xFFFF8000;
	s28 =	sadd.s32 s31, s29;
	(pc) =	sbr.rel @p0 .LBB2_2-.Ltmp0, $4  }
0xc8: {  	[hbm4b:s28+s1] =	stream.linear.scatter [tilespmem:s8], [sflag:$0x2], $0x8000, $0x38;
	[tilespmem:$0x8080] =	vst v63  }
0xc9: {  	_ =	swait.ge [sflag:s7], $0x8000  }
0xca: {  	[sflag:s7] =	ssyncset.done $0x0  }
0xcb: {  	s26 =	sadd.s32 $0x80, s26;
	[sflag:s7] =	ssyncadd.s32 $0xFFFF8000  }
0xcc: {  	s25 =	sadd.s32 $0x1, s25  }
0xcd: {  	p0 =	sne.s32 s25, s6  }
.Ltmp1:
0xce: {  	_ = 	snop;
	(pc) =	sbr.rel @p0 .LBB2_1-.Ltmp1, $1  }
0xcf: {  	_ =	sdelay $0x3  }
0xd0: {  	_ =	sfence.sel $0x180000  }
0xd1: {  	[bflag:$0x0] =	sbarrier.arrive $0xFFFF  }
0xd2: {  	p0 =	sne.s32 s3, $0x0;
	_ =	strace $0x9000004D  }
0xd3: {  	s0 =	sadd.s32 @!p0 $0x100000, s0;
	[bflag:$0x2] =	sbarrier.arrive $0xFFFF  }
0xd4: {  	[sflag:s0] =	ssyncadd.tile.s32 @!p0 $0x1;
	_ =	shalt  }
.Lfunc_end2:
_tile_overlayer_lowered:
.L_overlay_start_2:
0xd5: {  	(tag) =	ssettag $0x2  }
0xd6: {  	s0 =	rddreg [dreg:$0x0];
	s2 =	stileid.u32  }
0xd7: {  	s1 =	rddreg [dreg:$0x1];
	p0 =	sne.s32 s2, $0x0  }
0xd8: {  	s3 =	rddreg [dreg:$0x2];
	[bflag:$0x3] =	sbarrier.arrive $0xFFFF;
	s2 =	simm.s32 @!p0 $0x1C02  }
0xd9: {  	[timem:s3], [sflag:s2] =	dma.local @!p0 [hbm:s0], s1  }
0xda: {  	s0 =	simm.s32 @!p0 $0x2  }
0xdb: {  	_ =	swait.ge @!p0 [sflag:s0], s1  }
0xdc: {  	s1 =	ssub.s32 @!p0 $0x0, s1;
	[sflag:s0] =	ssyncset.done @!p0 $0x0  }
0xdd: {  	[sflag:s0] =	ssyncadd.s32 @!p0 s1  }
0xde: {  	[bflag:$0x3] =	sbarrier.arrive $0xFFFF  }
0xdf: {  	_ =	shalt  }

// kernel: kernel.26.cloned.1.call-start
scs
__scs_entry_jumppad:
0x0: {  	(pc) =	sbr.rel $0x88, $3  }
0x1: {  	(tag) =	ssettag $0x0;
	lr =	simm.s32 $0x1  }
0x2: {  	[smem:$0x3F7F] =	sst lr;
	_ =	strace $0xD0000000  }
0x3: {  	_ = 	snop  }
0x4: {  	_ = 	snop  }
0x5: {  	_ = 	snop  }
0x6: {  	_ = 	snop  }
0x7: {  	_ = 	snop  }
__scs_overlays_trampoline_lowered:
0x8: {  	[smem:$0x3F8E] =	sst s0  }
0x9: {  	[smem:$0x3F8F] =	sst s1  }
0xa: {  	[smem:$0x3F90] =	sst s2  }
0xb: {  	[smem:$0x3F91] =	sst s3  }
0xc: {  	[smem:$0x3F92] =	sst s4  }
0xd: {  	[smem:$0x3F93] =	sst s5  }
0xe: {  	[smem:$0x3F94] =	sst s6  }
0xf: {  	[smem:$0x3F95] =	sst s7  }
0x10: {  	[smem:$0x3F96] =	sst s8  }
0x11: {  	[smem:$0x3F97] =	sst s9;
	s0 =	simm.s32 @!p0 $0x0  }
0x12: {  	s1 =	sld [smem:$0x3F7D];
	s0 =	simm.s32 @p0 $0x1  }
0x13: {  	[smem:$0x3F98] =	sst s0;
	s0 =	simm.s32 @!p1 $0x0  }
0x14: {  	s2 =	sld [smem:$0x3F7C];
	s0 =	simm.s32 @p1 $0x1  }
0x15: {  	[smem:$0x3F99] =	sst s0;
	s0 =	simm.s32 @!p2 $0x0  }
0x16: {  	s3 =	sld [smem:$0x3FDB];
	s0 =	simm.s32 @p2 $0x1  }
0x17: {  	s4 =	simm.s32 $0x1BF5;
	[smem:$0x3F9B] =	sst s0  }
0x18: {  	s0 =	sld [smem:$0x3F7E];
	_ =	swait.ge [sflag:s4], $0x0  }
0x19: {  	s7 =	sld [smem:$0x3F7F]  }
0x1a: {  	s8 =	sadd.s32 $0xFFFFE003, lr  }
0x1b: {  	s9 =	sadd.s32 $0xFFFFFEF7, lr;
	s5 =	simm.s32 $0xFFFFFFFF;
	p2 =	slt.u32 s8, $0xFFFFF086  }
0x1c: {  	p1 =	slt.u32 s9, $0xF7A;
	s5 =	simm.s32 @!p2 $0x0  }
0x1d: {  	s5 =	simm.s32 @p1 $0x1;
	p0 =	seq.s32 s7, s2  }
0x1e: {  	s7 =	smul.u32 @!p0 $0xF7A, s2;
	p2 =	seq.s32 @!p0 s5, $0x0  }
0x1f: {  	s9 =	smul.u32 $0xF7A, s1;
	s8 =	simm.s32 @!p0 $0x1BF5;
	p2 =	por !p2, p0  }
0x20: {  	[sflag:s8] =	ssyncset.s32 @!p0 $0xFFFFF086;
	s6 =	sadd.s32 @!p0 s3, s7;
	s7 =	simm.s32 @!p0 $0x108  }
0x21: {  	s3 =	sadd.s32 s3, s9;
	s6 =	sadd.s32 @!p0 $0x88, s6;
	s7 =	simm.s32 @p2 $0x1082  }
0x22: {  	[simem:s7], [sflag:s8] =	dma.local @!p0 [hbm:s6], $0xF7A  }
0x23: {  	s9 =	sor.u32 $0xD0000000, s2;
	s6 =	simm.s32 $0x108;
	_ =	swait.ge @!p0 [sflag:s8], $0x0  }
0x24: {  	s3 =	sadd.s32 $0x88, s3;
	s6 =	simm.s32 @!p1 $0x1082;
	[sflag:s4] =	ssyncset.s32 $0xFFFFF086  }
0x25: {  	[simem:s6], [sflag:s4] =	dma.local [hbm:s3], $0xF7A  }
0x26: {  	[smem:$0x3F7F] =	sst s1;
	(tag) =	ssettag s2;
	_ =	strace s9  }
0x27: {  	s1 =	sld [smem:$0x3F8F]  }
0x28: {  	s2 =	sld [smem:$0x3F90]  }
0x29: {  	s4 =	sld [smem:$0x3F92]  }
0x2a: {  	p0 =	seq.s32 s5, $0x0;
	s5 =	sld [smem:$0x3F93]  }
0x2b: {  	s6 =	sld [smem:$0x3F94]  }
0x2c: {  	s7 =	sld [smem:$0x3F95]  }
0x2d: {  	s3 =	simm.s32 $0x108;
	s8 =	sld [smem:$0x3F96]  }
0x2e: {  	s3 =	simm.s32 @!p0 $0x1082;
	s9 =	sld [smem:$0x3F97]  }
0x2f: {  	lr =	sadd.s32 s0, s3;
	s0 =	sld [smem:$0x3F8E]  }
0x30: {  	s3 =	sld [smem:$0x3F91]  }
0x31: {  	[smem:$0x3F9A] =	sst s10  }
0x32: {  	s10 =	sld [smem:$0x3F98];
	_ =	sdelay $0x3  }
0x33: {  	p0 =	seq.s32 s10, $0x1;
	s10 =	sld [smem:$0x3F9A];
	_ =	sdelay $0x3  }
0x34: {  	[smem:$0x3F9A] =	sst s10  }
0x35: {  	s10 =	sld [smem:$0x3F99];
	_ =	sdelay $0x3  }
0x36: {  	p1 =	seq.s32 s10, $0x1;
	s10 =	sld [smem:$0x3F9A];
	_ =	sdelay $0x3  }
0x37: {  	[smem:$0x3F9A] =	sst s10  }
0x38: {  	s10 =	sld [smem:$0x3F9B]  }
0x39: {  	_ = 	snop;
	(pc) =	sbr.ind lr, $3  }
0x3a: {  	_ = 	snop  }
0x3b: {  	_ = 	snop  }
0x3c: {  	p2 =	seq.s32 s10, $0x1;
	s10 =	sld [smem:$0x3F9A]  }
0x3d: {  	_ =	shalt  }
0x3e: {  	_ =	shalt  }
0x3f: {  	_ =	shalt  }
0x40: {  	_ =	shalt  }
0x41: {  	_ =	shalt  }
0x42: {  	_ =	shalt  }
0x43: {  	_ =	shalt  }
0x44: {  	_ =	shalt  }
0x45: {  	_ =	shalt  }
0x46: {  	_ =	shalt  }
0x47: {  	_ =	shalt  }
0x48: {  	_ =	shalt  }
0x49: {  	_ =	shalt  }
0x4a: {  	_ =	shalt  }
0x4b: {  	_ =	shalt  }
0x4c: {  	_ =	shalt  }
0x4d: {  	_ =	shalt  }
0x4e: {  	_ =	shalt  }
0x4f: {  	_ =	shalt  }
0x50: {  	_ =	shalt  }
0x51: {  	_ =	shalt  }
0x52: {  	_ =	shalt  }
0x53: {  	_ =	shalt  }
0x54: {  	_ =	shalt  }
0x55: {  	_ =	shalt  }
0x56: {  	_ =	shalt  }
0x57: {  	_ =	shalt  }
0x58: {  	_ =	shalt  }
0x59: {  	_ =	shalt  }
0x5a: {  	_ =	shalt  }
0x5b: {  	_ =	shalt  }
0x5c: {  	_ =	shalt  }
0x5d: {  	_ =	shalt  }
0x5e: {  	_ =	shalt  }
0x5f: {  	_ =	shalt  }
0x60: {  	_ =	shalt  }
0x61: {  	_ =	shalt  }
0x62: {  	_ =	shalt  }
0x63: {  	_ =	shalt  }
0x64: {  	_ =	shalt  }
0x65: {  	_ =	shalt  }
0x66: {  	_ =	shalt  }
0x67: {  	_ =	shalt  }
0x68: {  	_ =	shalt  }
0x69: {  	_ =	shalt  }
0x6a: {  	_ =	shalt  }
0x6b: {  	_ =	shalt  }
0x6c: {  	_ =	shalt  }
0x6d: {  	_ =	shalt  }
0x6e: {  	_ =	shalt  }
0x6f: {  	_ =	shalt  }
0x70: {  	_ =	shalt  }
0x71: {  	_ =	shalt  }
0x72: {  	_ =	shalt  }
0x73: {  	_ =	shalt  }
0x74: {  	_ =	shalt  }
0x75: {  	_ =	shalt  }
0x76: {  	_ =	shalt  }
0x77: {  	_ =	shalt  }
0x78: {  	_ =	shalt  }
0x79: {  	_ =	shalt  }
0x7a: {  	_ =	shalt  }
0x7b: {  	_ =	shalt  }
0x7c: {  	_ =	shalt  }
0x7d: {  	_ =	shalt  }
0x7e: {  	_ =	shalt  }
0x7f: {  	_ =	shalt  }
0x80: {  	_ =	shalt  }
0x81: {  	_ =	shalt  }
0x82: {  	_ =	shalt  }
0x83: {  	_ =	shalt  }
0x84: {  	_ =	shalt  }
0x85: {  	_ =	shalt  }
0x86: {  	_ =	shalt  }
0x87: {  	_ =	shalt  }
.Lfunc_end0:
.L_simem_size_0:
called_computation.3_lowered:
.L_overlay_start_0:
0x88: {  	s2 =	sld [smem:$0x3FD9]  }
0x89: {  	s3 =	sld [smem:$0x3FFE];
	_ =	sdelay $0x1  }
0x8a: {  	s1 =	srdreg.scid  }
0x8b: {  	s0 =	sand.u32 $0x1, s1  }
0x8c: {  	s16 =	sshll.u32 s0, $0xA;
	s2 =	sadd.s32 s3, s2  }
0x8d: {  	s2 =	sadd.s32 s2, s16  }
0x8e: {  	[smem:$0x3FA6] =	sst s2  }
0x8f: {  	_ = 	snop  }
0x90: {  	(tm) =	ssettm $0x1  }
0x91: {  	s17 =	sld [smem:$0x3FFB];
	_ =	sdelay $0x3  }
0x92: {  	_ =	strace s17  }
0x93: {  	s2 =	sld [smem:$0x3FFC];
	_ =	sdelay $0x3  }
0x94: {  	_ =	strace s2  }
0x95: {  	s2 =	sld [smem:$0x3FFD];
	_ =	sdelay $0x3  }
0x96: {  	_ =	strace s2  }
0x97: {  	_ =	strace $0x8FFFFFFF  }
0x98: {  	s18 =	sld [smem:$0x3FDB];
	_ =	sdelay $0x1  }
0x99: {  	s19 =	simm.s32 $_scs_section_size  }
0x9a: {  	s4 =	simm.s32 $_size__tile_overlayer_lowered;
	s5 =	simm.s32 $_tile_overlayer_lowered  }
0x9b: {  	s22 =	simm.s32 $0x1BFF;
	s21 =	sshll.u32 s5, $0x1;
	s2 =	sadd.s32 s19, s18  }
0x9c: {  	s6 =	simm.s32 $0x0;
	s20 =	sshll.u32 s4, $0x1;
	s4 =	sadd.s32 s21, s2  }
0x9d: {  	[timem:s6], [sflag:s22] =	dma.local [hbm:s4], s20  }
0x9e: {  	_ =	swait.ge [sflag:s22], s20  }
0x9f: {  	s3 =	ssub.s32 $0x0, s20;
	[sflag:s22] =	ssyncset.done $0x0  }
0xa0: {  	[sflag:s22] =	ssyncadd.s32 s3;
	_ =	sdelay $0x1  }
0xa1: {  	s23 =	simm.s32 $0x1B8B  }
0xa2: {  	_ =	swait.ge [sflag:s23], $0x1  }
0xa3: {  	[sflag:s23] =	ssyncset.done $0x0  }
0xa4: {  	s25 =	simm.s32 $0x1B8E;
	s24 =	sld [smem:$0x3FFE];
	[sflag:s23] =	ssyncadd.s32 $0xFFFFFFFF  }
0xa5: {  	s26 =	simm.s32 $execute0_lowered;
	[smem:$0x3FD2] =	sst s25  }
0xa6: {  	s4 =	sshll.u32 s26, $0x1;
	_ =	strace $0x8000004F;
	[dreg:$0x1] =	wrdreg $0xFFFFFFFF  }
0xa7: {  	s28 =	simm.s32 $_size_execute0_lowered;
	s2 =	sadd.s32 s2, s4;
	[dreg:$0x0] =	wrdreg $0x0  }
0xa8: {  	s4 =	sshll.u32 s28, $0x1;
	[dreg:$0x2] =	wrdreg s2  }
0xa9: {  	[dreg:$0x3] =	wrdreg s4  }
0xaa: {  	[dreg:$0x4] =	wrdreg $0xC0  }
0xab: {  	_ =	task [dreg:s6], $0x5FFFF  }
0xac: {  	[dreg:$0x1] =	wrdreg $0xFFFFFFFF  }
0xad: {  	[dreg:$0x0] =	wrdreg $0x60  }
0xae: {  	[dreg:$0x2] =	wrdreg s24  }
0xaf: {  	[dreg:$0x3] =	wrdreg $0x9  }
0xb0: {  	_ =	task.clear_ibuf [dreg:s6], $0x4FFFF;
	_ =	strace $0x9000004F  }
0xb1: {  	s29 =	simm.s32 $0x9;
	_ =	strace $0x80000051  }
0xb2: {  	_ =	swait.ge [sflag:s29], $0x1  }
0xb3: {  	[sflag:s29] =	ssyncadd.s32 $0xFFFFFFFF  }
0xb4: {  	_ =	strace $0x90000051  }
0xb5: {  	_ =	sfence  }
0xb6: {  	s30 =	sld [smem:$0x0];
	_ =	sdelay $0x2  }
0xb7: {  	s31 =	sshll.u32 s1, $0xD;
	s1 =	sshrl.u32 s1, $0x2  }
0xb8: {  	s3 =	sand.u32 $0x4000, s31;
	s1 =	sadd.s32 s1, s30  }
0xb9: {  	s0 =	sor.u32 s3, s0;
	s1 =	sshll.u32 s1, $0x11  }
0xba: {  	s0 =	sor.u32 s1, s0  }
0xbb: {  	s0 =	sadd.s32 $0x8F2B, s0  }
0xbc: {  	[sflag:s0] =	ssyncadd.remote.s32 $0x1  }
0xbd: {  	_ =	sfence.sel $0xFFFF  }
0xbe: {  	[dreg:$0x0] =	wrdreg $0xFFFFFFFF;
	(pc) =	sbr.abs _section_cstart, $3  }
0xbf: {  	[dreg:$0x1] =	wrdreg $0xFFFFFFFF  }
0xc0: {  	_ =	task.clear_ibuf [dreg:s6], $0x2FFFF;
	_ =	strace $0x9FFFFFFF  }
0xc1: {  	(tm) =	ssettm $0x7FFFFFFF  }
tec
execute0_lowered:
.L_overlay_start_1:
0x0: {  	(tag) =	ssettag $0x1  }
0x1: {  	s0 =	srdreg.scid  }
0x2: {  	s3 =	stileid.u32;
	s1 =	rddreg [dreg:$0x0];
	s0 =	sand.u32 $0x1, s0  }
0x3: {  	s2 =	sshll.u32 s3, $0x1;
	s7 =	sadd.s32 $0x1F83E20, s1;
	s8 =	sadd.s32 $0x1F83E30, s1  }
0x4: {  	s3 =	sshrl.u32 s3, $0x2;
	s9 =	sadd.s32 $0x1F83E40, s1;
	s10 =	sadd.s32 $0x1F83E50, s1  }
0x5: {  	s11 =	sadd.s32 $0x1F83E60, s1;
	s5 =	sor.u32 s0, s2;
	s4 =	smul.u32 $0x9C400, s3  }
0x6: {  	s2 =	simm.s32 $0x0;
	s16 =	sshll.u32 s5, $0x7;
	s5 =	smul.u32 $0x138800, s5  }
0x7: {  	s3 =	sadd.s32 $0x1F83E00, s1;
	[smem:$0x7FF] =	sst s2;
	s6 =	sand.u32 $0x380, s16  }
0x8: {  	s6 =	sor.u32 s4, s6;
	s4 =	sadd.s32 $0x5C000, s1;
	s12 =	sshrl.u32 s5, $0x3  }
0x9: {  	s6 =	sshrl.u32 s6, $0x3;
	s14 =	sadd.s32 s3, s12;
	s12 =	sadd.s32 $0x1F83E70, s1  }
0xa: {  	s13 =	sadd.s32 s6, s1;
	s6 =	sadd.s32 $0x1F83E10, s1;
	s1 =	sadd.s32 $0x60E00, s1  }
0xb: {  	_ =	strace $0x80000050;
	s18 =	sadd.s32 $0x27000, s14;
	[dreg:$0x2] =	wrdreg s1  }
0xc: {  	s28 =	simm.s32 $0x1800;
	s19 =	sadd.s32 $0x27010, s14;
	[dreg:$0x3] =	wrdreg s18  }
0xd: {  	s29 =	simm.s32 $0x2000;
	s20 =	sadd.s32 $0x27020, s14;
	[dreg:$0x4] =	wrdreg s19  }
0xe: {  	s30 =	simm.s32 $0x2800;
	s21 =	sadd.s32 $0x27030, s14;
	[dreg:$0x5] =	wrdreg s20  }
0xf: {  	s31 =	simm.s32 $0x3000;
	s22 =	sadd.s32 $0x27040, s14;
	[dreg:$0x6] =	wrdreg s21  }
0x10: {  	s15 =	simm.s32 $0x2;
	s23 =	sadd.s32 $0x27050, s14;
	[dreg:$0x7] =	wrdreg s22  }
0x11: {  	s0 =	ssub.s32 $0x2, s0;
	s24 =	sadd.s32 $0x27060, s14;
	[dreg:$0x8] =	wrdreg s23  }
0x12: {  	s17 =	sshrl.u32 s0, $0x1;
	s25 =	sadd.s32 $0x27070, s14;
	[dreg:$0x9] =	wrdreg s24  }
0x13: {  	s0 =	ssub.s32 s0, s17;
	s14 =	simm.s32 $0x4800;
	[dreg:$0xa] =	wrdreg s25  }
0x14: {  	s26 =	sadd.s32 $0x61000, s13;
	s23 =	smax.u32 s0, $0x1;
	s24 =	simm.s32 $0x80  }
0x15: {  	s25 =	simm.s32 $0x400;
	s1 =	simm.s32 $0x3800;
	s0 =	simm.s32 $0x4000  }
0x16: {  	v0 =	vimm.f32 $0.0e+00;
	s13 =	simm.s32 $0x1;
	[dreg:$0xb] =	wrdreg s26;
	s26 =	simm.s32 $0x1000  }
.LBB2_1:
0x17: {  	s16 =	simm.s32 $0x40;
	s17 =	simm.s32 $0x0  }
.LBB2_2:
0x18: {  	p0 =	sne.s32 s16, $0x4E1C0;
	[tilespmem:s17+$0x4800] =	vst v0;
	s17 =	smov.u32 s16;
	s16 =	sadd.s32 $0x40, s16  }
.Ltmp0:
0x19: {  	(pc) =	sbr.rel @p0 .LBB2_2-.Ltmp0, $2  }
0x1a: {  	_ =	sdelay $0x2  }
0x1b: {  	s17 =	sshra.s32 s17, $0x2  }
0x1c: {  	[tilespmem:s17+$0x4800] =	vst v0;
	s16 =	simm.s32 $0x0;
	s17 =	simm.s32 $0x0  }
.LBB2_4:
0x1d: {  	s18 =	sshll.u32 s17, $0x8;
	s19 =	sshll.u32 s17, $0xE  }
0x1e: {  	s18 =	sadd.s32 s4, s18;
	s20 =	sadd.s32 s5, s19  }
0x1f: {  	[tilespmem:s16], [sflag:$0x1] =	stream.linear.gather [hbm4b:s18+s16], $0x800, $0x38;
	[tilespmem:$0x18080] =	vst v63  }
0x20: {  	s19 =	sshrl.u32 s20, $0x3  }
0x21: {  	s18 =	simm.s32 $0x800;
	s20 =	sadd.s32 s3, s19  }
0x22: {  	[tilespmem:s18], [sflag:$0x1] =	stream.strided.gather [hbm4b:s20+s24], $0x800, s25, s24, $0x38;
	[tilespmem:$0x18080] =	vst v63  }
0x23: {  	s21 =	sadd.s32 s19, s6  }
0x24: {  	[tilespmem:s26], [sflag:$0x1] =	stream.strided.gather [hbm4b:s21+s24], $0x800, s25, s24, $0x38;
	[tilespmem:$0x18080] =	vst v63  }
0x25: {  	s22 =	sadd.s32 s19, s7  }
0x26: {  	[tilespmem:s28], [sflag:$0x1] =	stream.strided.gather [hbm4b:s22+s24], $0x800, s25, s24, $0x38;
	[tilespmem:$0x18080] =	vst v63  }
0x27: {  	s21 =	sadd.s32 s19, s8  }
0x28: {  	[tilespmem:s29], [sflag:$0x1] =	stream.strided.gather [hbm4b:s21+s24], $0x800, s25, s24, $0x38;
	[tilespmem:$0x18080] =	vst v63  }
0x29: {  	s22 =	sadd.s32 s19, s9  }
0x2a: {  	[tilespmem:s30], [sflag:$0x1] =	stream.strided.gather [hbm4b:s22+s24], $0x800, s25, s24, $0x38;
	[tilespmem:$0x18080] =	vst v63  }
0x2b: {  	s21 =	sadd.s32 s19, s10  }
0x2c: {  	[tilespmem:s31], [sflag:$0x1] =	stream.strided.gather [hbm4b:s21+s24], $0x800, s25, s24, $0x38;
	[tilespmem:$0x18080] =	vst v63  }
0x2d: {  	s22 =	sadd.s32 s19, s11  }
0x2e: {  	[tilespmem:s1], [sflag:$0x1] =	stream.strided.gather [hbm4b:s22+s24], $0x800, s25, s24, $0x38;
	[tilespmem:$0x18080] =	vst v63  }
0x2f: {  	s19 =	sadd.s32 s19, s12  }
0x30: {  	[tilespmem:s0], [sflag:$0x1] =	stream.strided.gather [hbm4b:s19+s24], $0x800, s25, s24, $0x38;
	[tilespmem:$0x18080] =	vst v63  }
0x31: {  	_ =	swait.ge [sflag:s13], $0x800  }
0x32: {  	[sflag:s13] =	ssyncset.done $0x0  }
0x33: {  	[sflag:s13] =	ssyncadd.s32 $0xFFFFF800  }
0x34: {  	_ =	swait.ge [sflag:s13], $0x800  }
0x35: {  	[sflag:s13] =	ssyncset.done $0x0  }
0x36: {  	[sflag:s13] =	ssyncadd.s32 $0xFFFFF800  }
0x37: {  	_ =	swait.ge [sflag:s13], $0x800  }
0x38: {  	[sflag:s13] =	ssyncset.done $0x0  }
0x39: {  	[sflag:s13] =	ssyncadd.s32 $0xFFFFF800  }
0x3a: {  	_ =	swait.ge [sflag:s13], $0x800  }
0x3b: {  	[sflag:s13] =	ssyncset.done $0x0  }
0x3c: {  	[sflag:s13] =	ssyncadd.s32 $0xFFFFF800  }
0x3d: {  	_ =	swait.ge [sflag:s13], $0x800  }
0x3e: {  	[sflag:s13] =	ssyncset.done $0x0  }
0x3f: {  	[sflag:s13] =	ssyncadd.s32 $0xFFFFF800  }
0x40: {  	_ =	swait.ge [sflag:s13], $0x800  }
0x41: {  	[sflag:s13] =	ssyncset.done $0x0  }
0x42: {  	[sflag:s13] =	ssyncadd.s32 $0xFFFFF800  }
0x43: {  	_ =	swait.ge [sflag:s13], $0x800  }
0x44: {  	[sflag:s13] =	ssyncset.done $0x0  }
0x45: {  	[sflag:s13] =	ssyncadd.s32 $0xFFFFF800  }
0x46: {  	_ =	swait.ge [sflag:s13], $0x800  }
0x47: {  	[sflag:s13] =	ssyncset.done $0x0  }
0x48: {  	[sflag:s13] =	ssyncadd.s32 $0xFFFFF800  }
0x49: {  	_ =	swait.ge [sflag:s13], $0x800  }
0x4a: {  	[sflag:s13] =	ssyncset.done $0x0  }
0x4b: {  	[sflag:s13] =	ssyncadd.s32 $0xFFFFF800  }
0x4c: {  	s20 =	simm.s32 $0x10;
	s21 =	simm.s32 $0x0;
	s19 =	simm.s32 $0x0;
	v1 =	vld [tilespmem:s16+$0x0]  }
.LBB2_5:
0x4d: {  	p0 =	sne.s32 s20, $0x7F0;
	v2 =	vld [tilespmem:s18+$0x0];
	_ =	sdelay $0x3  }
0x4e: {  	v1 =	vshll.u32 v1, $0x3  }
0x4f: {  	v3 =	vor.u32 $0x1, v1;
	v4 =	vor.u32 $0x2, v1;
	v5 =	vor.u32 $0x3, v1  }
0x50: {  	v6 =	vor.u32 $0x4, v1;
	v7 =	vor.u32 $0x5, v1;
	v8 =	vor.u32 $0x6, v1;
	_ =	sdelay $0x2  }
0x51: {  	s22 =	sand.u32 $0x7F0, s19;
	s19 =	smov.u32 s20;
	[tilespmem:v1+s14+$0x0] =	vst.idx.add.f32.msk $0xffff, v2  }
0x52: {  	v2 =	vld [tilespmem:s22+$0x1000];
	_ =	sdelay $0x4  }
0x53: {  	[tilespmem:v3+s14+$0x0] =	vst.idx.add.f32.msk $0xffff, v2  }
0x54: {  	v2 =	vld [tilespmem:s22+$0x1800];
	_ =	sdelay $0x4  }
0x55: {  	[tilespmem:v4+s14+$0x0] =	vst.idx.add.f32.msk $0xffff, v2  }
0x56: {  	v2 =	vld [tilespmem:s22+$0x2000];
	_ =	sdelay $0x4  }
0x57: {  	[tilespmem:v5+s14+$0x0] =	vst.idx.add.f32.msk $0xffff, v2  }
0x58: {  	v2 =	vld [tilespmem:s22+$0x2800];
	_ =	sdelay $0x4  }
0x59: {  	[tilespmem:v6+s14+$0x0] =	vst.idx.add.f32.msk $0xffff, v2  }
0x5a: {  	v2 =	vld [tilespmem:s22+$0x3000];
	_ =	sdelay $0x4  }
0x5b: {  	[tilespmem:v7+s14+$0x0] =	vst.idx.add.f32.msk $0xffff, v2  }
0x5c: {  	v2 =	vld [tilespmem:s22+$0x3800];
	_ =	sdelay $0x4  }
0x5d: {  	[tilespmem:v8+s14+$0x0] =	vst.idx.add.f32.msk $0xffff, v2  }
0x5e: {  	v1 =	vor.u32 $0x7, v1;
	v2 =	vld [tilespmem:s22+$0x4000];
	_ =	sdelay $0x1  }
.Ltmp1:
0x5f: {  	(pc) =	sbr.rel @p0 .LBB2_5-.Ltmp1, $3  }
0x60: {  	_ =	sdelay $0x1  }
0x61: {  	s21 =	sadd.s32 $0x10, s21;
	[tilespmem:v1+s14+$0x0] =	vst.idx.add.f32.msk $0xffff, v2  }
0x62: {  	s20 =	sadd.s32 $0x10, s20;
	s18 =	sadd.s32 $0x10, s18;
	v1 =	vld [tilespmem:s21+$0x0]  }
0x63: {  	_ =	sdelay $0x3  }
0x64: {  	v2 =	vld [tilespmem:s18+$0x0];
	v1 =	vshll.u32 v1, $0x3;
	_ =	sdelay $0x4  }
0x65: {  	s22 =	sand.u32 $0x7F0, s19;
	[tilespmem:v1+s14+$0x0] =	vst.idx.add.f32.msk $0xffff, v2  }
0x66: {  	v2 =	vor.u32 $0x1, v1;
	v3 =	vld [tilespmem:s22+$0x1000];
	_ =	sdelay $0x4  }
0x67: {  	[tilespmem:v2+s14+$0x0] =	vst.idx.add.f32.msk $0xffff, v3  }
0x68: {  	v2 =	vor.u32 $0x2, v1;
	v3 =	vld [tilespmem:s22+$0x1800];
	_ =	sdelay $0x4  }
0x69: {  	[tilespmem:v2+s14+$0x0] =	vst.idx.add.f32.msk $0xffff, v3  }
0x6a: {  	v2 =	vor.u32 $0x3, v1;
	v3 =	vld [tilespmem:s22+$0x2000];
	_ =	sdelay $0x4  }
0x6b: {  	[tilespmem:v2+s14+$0x0] =	vst.idx.add.f32.msk $0xffff, v3  }
0x6c: {  	v2 =	vor.u32 $0x4, v1;
	v3 =	vld [tilespmem:s22+$0x2800];
	_ =	sdelay $0x4  }
0x6d: {  	[tilespmem:v2+s14+$0x0] =	vst.idx.add.f32.msk $0xffff, v3  }
0x6e: {  	v2 =	vor.u32 $0x5, v1;
	v3 =	vld [tilespmem:s22+$0x3000];
	_ =	sdelay $0x4  }
0x6f: {  	[tilespmem:v2+s14+$0x0] =	vst.idx.add.f32.msk $0xffff, v3  }
0x70: {  	v2 =	vor.u32 $0x6, v1;
	v3 =	vld [tilespmem:s22+$0x3800];
	_ =	sdelay $0x4  }
0x71: {  	s17 =	sadd.s32 $0x1, s17;
	[tilespmem:v2+s14+$0x0] =	vst.idx.add.f32.msk $0xffff, v3  }
0x72: {  	p0 =	sne.s32 s17, $0x4E;
	v1 =	vor.u32 $0x7, v1;
	v2 =	vld [tilespmem:s22+$0x4000]  }
.Ltmp2:
0x73: {  	_ = 	snop;
	(pc) =	sbr.rel @p0 .LBB2_4-.Ltmp2, $2  }
0x74: {  	_ =	sdelay $0x2  }
0x75: {  	[tilespmem:v1+s14+$0x0] =	vst.idx.add.f32.msk $0xffff, v2  }
0x76: {  	s16 =	simm.s32 $0x0;
	s17 =	rddreg [dreg:$0x2]  }
0x77: {  	[tilespmem:s16], [sflag:$0x1] =	stream.linear.gather [hbm4b:s17+s16], $0x100, $0x38;
	[tilespmem:$0x18080] =	vst v63  }
0x78: {  	s18 =	rddreg [dreg:$0x3];
	s17 =	simm.s32 $0x800  }
0x79: {  	[tilespmem:s17], [sflag:$0x1] =	stream.strided.gather [hbm4b:s18+s24], $0x100, s25, s24, $0x38;
	[tilespmem:$0x18080] =	vst v63  }
0x7a: {  	s20 =	rddreg [dreg:$0x4]  }
0x7b: {  	[tilespmem:s26], [sflag:$0x1] =	stream.strided.gather [hbm4b:s20+s24], $0x100, s25, s24, $0x38;
	[tilespmem:$0x18080] =	vst v63  }
0x7c: {  	s21 =	rddreg [dreg:$0x5]  }
0x7d: {  	[tilespmem:s28], [sflag:$0x1] =	stream.strided.gather [hbm4b:s21+s24], $0x100, s25, s24, $0x38;
	[tilespmem:$0x18080] =	vst v63  }
0x7e: {  	s22 =	rddreg [dreg:$0x6]  }
0x7f: {  	[tilespmem:s29], [sflag:$0x1] =	stream.strided.gather [hbm4b:s22+s24], $0x100, s25, s24, $0x38;
	[tilespmem:$0x18080] =	vst v63  }
0x80: {  	s19 =	rddreg [dreg:$0x7]  }
0x81: {  	[tilespmem:s30], [sflag:$0x1] =	stream.strided.gather [hbm4b:s19+s24], $0x100, s25, s24, $0x38;
	[tilespmem:$0x18080] =	vst v63  }
0x82: {  	s20 =	rddreg [dreg:$0x8]  }
0x83: {  	[tilespmem:s31], [sflag:$0x1] =	stream.strided.gather [hbm4b:s20+s24], $0x100, s25, s24, $0x38;
	[tilespmem:$0x18080] =	vst v63  }
0x84: {  	s21 =	rddreg [dreg:$0x9]  }
0x85: {  	[tilespmem:s1], [sflag:$0x1] =	stream.strided.gather [hbm4b:s21+s24], $0x100, s25, s24, $0x38;
	[tilespmem:$0x18080] =	vst v63  }
0x86: {  	s22 =	rddreg [dreg:$0xa]  }
0x87: {  	[tilespmem:s0], [sflag:$0x1] =	stream.strided.gather [hbm4b:s22+s24], $0x100, s25, s24, $0x38;
	[tilespmem:$0x18080] =	vst v63  }
0x88: {  	_ =	swait.ge [sflag:s13], $0x100  }
0x89: {  	[sflag:s13] =	ssyncset.done $0x0  }
0x8a: {  	[sflag:s13] =	ssyncadd.s32 $0xFFFFFF00  }
0x8b: {  	_ =	swait.ge [sflag:s13], $0x100  }
0x8c: {  	[sflag:s13] =	ssyncset.done $0x0  }
0x8d: {  	[sflag:s13] =	ssyncadd.s32 $0xFFFFFF00  }
0x8e: {  	_ =	swait.ge [sflag:s13], $0x100  }
0x8f: {  	[sflag:s13] =	ssyncset.done $0x0  }
0x90: {  	[sflag:s13] =	ssyncadd.s32 $0xFFFFFF00  }
0x91: {  	_ =	swait.ge [sflag:s13], $0x100  }
0x92: {  	[sflag:s13] =	ssyncset.done $0x0  }
0x93: {  	[sflag:s13] =	ssyncadd.s32 $0xFFFFFF00  }
0x94: {  	_ =	swait.ge [sflag:s13], $0x100  }
0x95: {  	[sflag:s13] =	ssyncset.done $0x0  }
0x96: {  	[sflag:s13] =	ssyncadd.s32 $0xFFFFFF00  }
0x97: {  	_ =	swait.ge [sflag:s13], $0x100  }
0x98: {  	[sflag:s13] =	ssyncset.done $0x0  }
0x99: {  	[sflag:s13] =	ssyncadd.s32 $0xFFFFFF00  }
0x9a: {  	_ =	swait.ge [sflag:s13], $0x100  }
0x9b: {  	[sflag:s13] =	ssyncset.done $0x0  }
0x9c: {  	[sflag:s13] =	ssyncadd.s32 $0xFFFFFF00  }
0x9d: {  	_ =	swait.ge [sflag:s13], $0x100  }
0x9e: {  	[sflag:s13] =	ssyncset.done $0x0  }
0x9f: {  	[sflag:s13] =	ssyncadd.s32 $0xFFFFFF00  }
0xa0: {  	_ =	swait.ge [sflag:s13], $0x100  }
0xa1: {  	[sflag:s13] =	ssyncset.done $0x0  }
0xa2: {  	[sflag:s13] =	ssyncadd.s32 $0xFFFFFF00  }
0xa3: {  	s18 =	simm.s32 $0x10;
	s19 =	simm.s32 $0x0;
	v1 =	vld [tilespmem:s16+$0x0]  }
.LBB2_8:
0xa4: {  	p0 =	sne.s32 s18, $0xF0;
	v2 =	vld [tilespmem:s17+$0x0];
	_ =	sdelay $0x3  }
0xa5: {  	v1 =	vshll.u32 v1, $0x3  }
0xa6: {  	v3 =	vor.u32 $0x1, v1;
	v4 =	vor.u32 $0x2, v1;
	v5 =	vor.u32 $0x3, v1  }
0xa7: {  	v6 =	vor.u32 $0x4, v1;
	v7 =	vor.u32 $0x5, v1;
	v8 =	vor.u32 $0x6, v1;
	_ =	sdelay $0x2  }
0xa8: {  	s20 =	sand.u32 $0xF0, s16;
	s16 =	smov.u32 s18;
	[tilespmem:v1+s14+$0x0] =	vst.idx.add.f32.msk $0xffff, v2  }
0xa9: {  	v2 =	vld [tilespmem:s20+$0x1000];
	_ =	sdelay $0x4  }
0xaa: {  	[tilespmem:v3+s14+$0x0] =	vst.idx.add.f32.msk $0xffff, v2  }
0xab: {  	v2 =	vld [tilespmem:s20+$0x1800];
	_ =	sdelay $0x4  }
0xac: {  	[tilespmem:v4+s14+$0x0] =	vst.idx.add.f32.msk $0xffff, v2  }
0xad: {  	v2 =	vld [tilespmem:s20+$0x2000];
	_ =	sdelay $0x4  }
0xae: {  	[tilespmem:v5+s14+$0x0] =	vst.idx.add.f32.msk $0xffff, v2  }
0xaf: {  	v2 =	vld [tilespmem:s20+$0x2800];
	_ =	sdelay $0x4  }
0xb0: {  	[tilespmem:v6+s14+$0x0] =	vst.idx.add.f32.msk $0xffff, v2  }
0xb1: {  	v2 =	vld [tilespmem:s20+$0x3000];
	_ =	sdelay $0x4  }
0xb2: {  	[tilespmem:v7+s14+$0x0] =	vst.idx.add.f32.msk $0xffff, v2  }
0xb3: {  	v2 =	vld [tilespmem:s20+$0x3800];
	_ =	sdelay $0x4  }
0xb4: {  	[tilespmem:v8+s14+$0x0] =	vst.idx.add.f32.msk $0xffff, v2  }
0xb5: {  	v1 =	vor.u32 $0x7, v1;
	v2 =	vld [tilespmem:s20+$0x4000];
	_ =	sdelay $0x1  }
.Ltmp3:
0xb6: {  	(pc) =	sbr.rel @p0 .LBB2_8-.Ltmp3, $3  }
0xb7: {  	_ =	sdelay $0x1  }
0xb8: {  	s19 =	sadd.s32 $0x10, s19;
	[tilespmem:v1+s14+$0x0] =	vst.idx.add.f32.msk $0xffff, v2  }
0xb9: {  	s18 =	sadd.s32 $0x10, s18;
	s17 =	sadd.s32 $0x10, s17;
	v1 =	vld [tilespmem:s19+$0x0]  }
0xba: {  	_ =	sdelay $0x3  }
0xbb: {  	v2 =	vld [tilespmem:s17+$0x0];
	v1 =	vshll.u32 v1, $0x3;
	_ =	sdelay $0x4  }
0xbc: {  	s16 =	sand.u32 $0xF0, s16;
	[tilespmem:v1+s14+$0x0] =	vst.idx.add.f32.msk $0xffff, v2  }
0xbd: {  	v2 =	vor.u32 $0x1, v1;
	v3 =	vld [tilespmem:s16+$0x1000];
	_ =	sdelay $0x4  }
0xbe: {  	[tilespmem:v2+s14+$0x0] =	vst.idx.add.f32.msk $0xffff, v3  }
0xbf: {  	v2 =	vor.u32 $0x2, v1;
	v3 =	vld [tilespmem:s16+$0x1800];
	_ =	sdelay $0x4  }
0xc0: {  	[tilespmem:v2+s14+$0x0] =	vst.idx.add.f32.msk $0xffff, v3  }
0xc1: {  	v2 =	vor.u32 $0x3, v1;
	v3 =	vld [tilespmem:s16+$0x2000];
	_ =	sdelay $0x4  }
0xc2: {  	[tilespmem:v2+s14+$0x0] =	vst.idx.add.f32.msk $0xffff, v3  }
0xc3: {  	v2 =	vor.u32 $0x4, v1;
	v3 =	vld [tilespmem:s16+$0x2800];
	_ =	sdelay $0x4  }
0xc4: {  	[tilespmem:v2+s14+$0x0] =	vst.idx.add.f32.msk $0xffff, v3  }
0xc5: {  	v2 =	vor.u32 $0x5, v1;
	v3 =	vld [tilespmem:s16+$0x3000];
	_ =	sdelay $0x4  }
0xc6: {  	[tilespmem:v2+s14+$0x0] =	vst.idx.add.f32.msk $0xffff, v3  }
0xc7: {  	v2 =	vor.u32 $0x6, v1;
	v3 =	vld [tilespmem:s16+$0x3800];
	_ =	sdelay $0x4  }
0xc8: {  	[tilespmem:v2+s14+$0x0] =	vst.idx.add.f32.msk $0xffff, v3  }
0xc9: {  	v1 =	vor.u32 $0x7, v1;
	v2 =	vld [tilespmem:s16+$0x4000];
	_ =	sdelay $0x2  }
0xca: {  	s2 =	sadd.s32 $0x1, s2  }
0xcb: {  	p0 =	sne.s32 s2, s23  }
.Ltmp4:
0xcc: {  	s22 =	rddreg [dreg:$0xb];
	[tilespmem:v1+s14+$0x0] =	vst.idx.add.f32.msk $0xffff, v2;
	(pc) =	sbr.rel @p0 .LBB2_1-.Ltmp4, $4  }
0xcd: {  	[hbm4b:s22+s24] =	stream.strided.scatter [tilespmem:s14], [sflag:$0x2], $0x13880, s25, s24, $0x38;
	[tilespmem:$0x18080] =	vst v63  }
0xce: {  	_ =	swait.ge [sflag:s15], $0x13880  }
0xcf: {  	[sflag:s15] =	ssyncset.done $0x0  }
0xd0: {  	[sflag:s15] =	ssyncadd.s32 $0xFFFEC780  }
0xd1: {  	_ =	sfence.sel $0x180000  }
0xd2: {  	[bflag:$0x0] =	sbarrier.arrive $0xFFFF  }
0xd3: {  	_ =	strace $0x90000050  }
0xd4: {  	s0 =	stileid.u32;
	[bflag:$0x2] =	sbarrier.arrive $0xFFFF  }
0xd5: {  	p0 =	sne.s32 s0, $0x0;
	s0 =	rddreg [dreg:$0x1]  }
0xd6: {  	s0 =	sadd.s32 @!p0 $0x100000, s0  }
0xd7: {  	[sflag:s0] =	ssyncadd.tile.s32 @!p0 $0x1;
	_ =	shalt  }
.Lfunc_end2:
_tile_overlayer_lowered:
.L_overlay_start_2:
0xd8: {  	(tag) =	ssettag $0x2  }
0xd9: {  	s0 =	rddreg [dreg:$0x0];
	s2 =	stileid.u32  }
0xda: {  	s1 =	rddreg [dreg:$0x1];
	p0 =	sne.s32 s2, $0x0  }
0xdb: {  	s3 =	rddreg [dreg:$0x2];
	[bflag:$0x3] =	sbarrier.arrive $0xFFFF;
	s2 =	simm.s32 @!p0 $0x1C02  }
0xdc: {  	[timem:s3], [sflag:s2] =	dma.local @!p0 [hbm:s0], s1  }
0xdd: {  	s0 =	simm.s32 @!p0 $0x2  }
0xde: {  	_ =	swait.ge @!p0 [sflag:s0], s1  }
0xdf: {  	s1 =	ssub.s32 @!p0 $0x0, s1;
	[sflag:s0] =	ssyncset.done @!p0 $0x0  }
0xe0: {  	[sflag:s0] =	ssyncadd.s32 @!p0 s1  }
0xe1: {  	[bflag:$0x3] =	sbarrier.arrive $0xFFFF  }
0xe2: {  	_ =	shalt  }

// kernel: kernel.29.cloned.1.call-start
scs
__scs_entry_jumppad:
0x0: {  	(pc) =	sbr.rel $0x88, $3  }
0x1: {  	(tag) =	ssettag $0x0;
	lr =	simm.s32 $0x1  }
0x2: {  	[smem:$0x3F7F] =	sst lr;
	_ =	strace $0xD0000000  }
0x3: {  	_ = 	snop  }
0x4: {  	_ = 	snop  }
0x5: {  	_ = 	snop  }
0x6: {  	_ = 	snop  }
0x7: {  	_ = 	snop  }
__scs_overlays_trampoline_lowered:
0x8: {  	[smem:$0x3F8E] =	sst s0  }
0x9: {  	[smem:$0x3F8F] =	sst s1  }
0xa: {  	[smem:$0x3F90] =	sst s2  }
0xb: {  	[smem:$0x3F91] =	sst s3  }
0xc: {  	[smem:$0x3F92] =	sst s4  }
0xd: {  	[smem:$0x3F93] =	sst s5  }
0xe: {  	[smem:$0x3F94] =	sst s6  }
0xf: {  	[smem:$0x3F95] =	sst s7  }
0x10: {  	[smem:$0x3F96] =	sst s8  }
0x11: {  	[smem:$0x3F97] =	sst s9;
	s0 =	simm.s32 @!p0 $0x0  }
0x12: {  	s1 =	sld [smem:$0x3F7D];
	s0 =	simm.s32 @p0 $0x1  }
0x13: {  	[smem:$0x3F98] =	sst s0;
	s0 =	simm.s32 @!p1 $0x0  }
0x14: {  	s2 =	sld [smem:$0x3F7C];
	s0 =	simm.s32 @p1 $0x1  }
0x15: {  	[smem:$0x3F99] =	sst s0;
	s0 =	simm.s32 @!p2 $0x0  }
0x16: {  	s3 =	sld [smem:$0x3FDB];
	s0 =	simm.s32 @p2 $0x1  }
0x17: {  	s4 =	simm.s32 $0x1BF5;
	[smem:$0x3F9B] =	sst s0  }
0x18: {  	s0 =	sld [smem:$0x3F7E];
	_ =	swait.ge [sflag:s4], $0x0  }
0x19: {  	s7 =	sld [smem:$0x3F7F]  }
0x1a: {  	s8 =	sadd.s32 $0xFFFFE003, lr  }
0x1b: {  	s9 =	sadd.s32 $0xFFFFFEF7, lr;
	s5 =	simm.s32 $0xFFFFFFFF;
	p2 =	slt.u32 s8, $0xFFFFF086  }
0x1c: {  	p1 =	slt.u32 s9, $0xF7A;
	s5 =	simm.s32 @!p2 $0x0  }
0x1d: {  	s5 =	simm.s32 @p1 $0x1;
	p0 =	seq.s32 s7, s2  }
0x1e: {  	s7 =	smul.u32 @!p0 $0xF7A, s2;
	p2 =	seq.s32 @!p0 s5, $0x0  }
0x1f: {  	s9 =	smul.u32 $0xF7A, s1;
	s8 =	simm.s32 @!p0 $0x1BF5;
	p2 =	por !p2, p0  }
0x20: {  	[sflag:s8] =	ssyncset.s32 @!p0 $0xFFFFF086;
	s6 =	sadd.s32 @!p0 s3, s7;
	s7 =	simm.s32 @!p0 $0x108  }
0x21: {  	s3 =	sadd.s32 s3, s9;
	s6 =	sadd.s32 @!p0 $0x88, s6;
	s7 =	simm.s32 @p2 $0x1082  }
0x22: {  	[simem:s7], [sflag:s8] =	dma.local @!p0 [hbm:s6], $0xF7A  }
0x23: {  	s9 =	sor.u32 $0xD0000000, s2;
	s6 =	simm.s32 $0x108;
	_ =	swait.ge @!p0 [sflag:s8], $0x0  }
0x24: {  	s3 =	sadd.s32 $0x88, s3;
	s6 =	simm.s32 @!p1 $0x1082;
	[sflag:s4] =	ssyncset.s32 $0xFFFFF086  }
0x25: {  	[simem:s6], [sflag:s4] =	dma.local [hbm:s3], $0xF7A  }
0x26: {  	[smem:$0x3F7F] =	sst s1;
	(tag) =	ssettag s2;
	_ =	strace s9  }
0x27: {  	s1 =	sld [smem:$0x3F8F]  }
0x28: {  	s2 =	sld [smem:$0x3F90]  }
0x29: {  	s4 =	sld [smem:$0x3F92]  }
0x2a: {  	p0 =	seq.s32 s5, $0x0;
	s5 =	sld [smem:$0x3F93]  }
0x2b: {  	s6 =	sld [smem:$0x3F94]  }
0x2c: {  	s7 =	sld [smem:$0x3F95]  }
0x2d: {  	s3 =	simm.s32 $0x108;
	s8 =	sld [smem:$0x3F96]  }
0x2e: {  	s3 =	simm.s32 @!p0 $0x1082;
	s9 =	sld [smem:$0x3F97]  }
0x2f: {  	lr =	sadd.s32 s0, s3;
	s0 =	sld [smem:$0x3F8E]  }
0x30: {  	s3 =	sld [smem:$0x3F91]  }
0x31: {  	[smem:$0x3F9A] =	sst s10  }
0x32: {  	s10 =	sld [smem:$0x3F98];
	_ =	sdelay $0x3  }
0x33: {  	p0 =	seq.s32 s10, $0x1;
	s10 =	sld [smem:$0x3F9A];
	_ =	sdelay $0x3  }
0x34: {  	[smem:$0x3F9A] =	sst s10  }
0x35: {  	s10 =	sld [smem:$0x3F99];
	_ =	sdelay $0x3  }
0x36: {  	p1 =	seq.s32 s10, $0x1;
	s10 =	sld [smem:$0x3F9A];
	_ =	sdelay $0x3  }
0x37: {  	[smem:$0x3F9A] =	sst s10  }
0x38: {  	s10 =	sld [smem:$0x3F9B]  }
0x39: {  	_ = 	snop;
	(pc) =	sbr.ind lr, $3  }
0x3a: {  	_ = 	snop  }
0x3b: {  	_ = 	snop  }
0x3c: {  	p2 =	seq.s32 s10, $0x1;
	s10 =	sld [smem:$0x3F9A]  }
0x3d: {  	_ =	shalt  }
0x3e: {  	_ =	shalt  }
0x3f: {  	_ =	shalt  }
0x40: {  	_ =	shalt  }
0x41: {  	_ =	shalt  }
0x42: {  	_ =	shalt  }
0x43: {  	_ =	shalt  }
0x44: {  	_ =	shalt  }
0x45: {  	_ =	shalt  }
0x46: {  	_ =	shalt  }
0x47: {  	_ =	shalt  }
0x48: {  	_ =	shalt  }
0x49: {  	_ =	shalt  }
0x4a: {  	_ =	shalt  }
0x4b: {  	_ =	shalt  }
0x4c: {  	_ =	shalt  }
0x4d: {  	_ =	shalt  }
0x4e: {  	_ =	shalt  }
0x4f: {  	_ =	shalt  }
0x50: {  	_ =	shalt  }
0x51: {  	_ =	shalt  }
0x52: {  	_ =	shalt  }
0x53: {  	_ =	shalt  }
0x54: {  	_ =	shalt  }
0x55: {  	_ =	shalt  }
0x56: {  	_ =	shalt  }
0x57: {  	_ =	shalt  }
0x58: {  	_ =	shalt  }
0x59: {  	_ =	shalt  }
0x5a: {  	_ =	shalt  }
0x5b: {  	_ =	shalt  }
0x5c: {  	_ =	shalt  }
0x5d: {  	_ =	shalt  }
0x5e: {  	_ =	shalt  }
0x5f: {  	_ =	shalt  }
0x60: {  	_ =	shalt  }
0x61: {  	_ =	shalt  }
0x62: {  	_ =	shalt  }
0x63: {  	_ =	shalt  }
0x64: {  	_ =	shalt  }
0x65: {  	_ =	shalt  }
0x66: {  	_ =	shalt  }
0x67: {  	_ =	shalt  }
0x68: {  	_ =	shalt  }
0x69: {  	_ =	shalt  }
0x6a: {  	_ =	shalt  }
0x6b: {  	_ =	shalt  }
0x6c: {  	_ =	shalt  }
0x6d: {  	_ =	shalt  }
0x6e: {  	_ =	shalt  }
0x6f: {  	_ =	shalt  }
0x70: {  	_ =	shalt  }
0x71: {  	_ =	shalt  }
0x72: {  	_ =	shalt  }
0x73: {  	_ =	shalt  }
0x74: {  	_ =	shalt  }
0x75: {  	_ =	shalt  }
0x76: {  	_ =	shalt  }
0x77: {  	_ =	shalt  }
0x78: {  	_ =	shalt  }
0x79: {  	_ =	shalt  }
0x7a: {  	_ =	shalt  }
0x7b: {  	_ =	shalt  }
0x7c: {  	_ =	shalt  }
0x7d: {  	_ =	shalt  }
0x7e: {  	_ =	shalt  }
0x7f: {  	_ =	shalt  }
0x80: {  	_ =	shalt  }
0x81: {  	_ =	shalt  }
0x82: {  	_ =	shalt  }
0x83: {  	_ =	shalt  }
0x84: {  	_ =	shalt  }
0x85: {  	_ =	shalt  }
0x86: {  	_ =	shalt  }
0x87: {  	_ =	shalt  }
.Lfunc_end0:
.L_simem_size_0:
called_computation.4_lowered:
.L_overlay_start_0:
0x88: {  	s2 =	sld [smem:$0x3FD9]  }
0x89: {  	s3 =	sld [smem:$0x3FFE];
	_ =	sdelay $0x1  }
0x8a: {  	s1 =	srdreg.scid  }
0x8b: {  	s0 =	sand.u32 $0x1, s1  }
0x8c: {  	s16 =	sshll.u32 s0, $0xA;
	s2 =	sadd.s32 s3, s2  }
0x8d: {  	s2 =	sadd.s32 s2, s16  }
0x8e: {  	[smem:$0x3FA6] =	sst s2  }
0x8f: {  	_ = 	snop  }
0x90: {  	(tm) =	ssettm $0x1  }
0x91: {  	s17 =	sld [smem:$0x3FFB];
	_ =	sdelay $0x3  }
0x92: {  	_ =	strace s17  }
0x93: {  	s2 =	sld [smem:$0x3FFC];
	_ =	sdelay $0x3  }
0x94: {  	_ =	strace s2  }
0x95: {  	s2 =	sld [smem:$0x3FFD];
	_ =	sdelay $0x3  }
0x96: {  	_ =	strace s2  }
0x97: {  	_ =	strace $0x8FFFFFFF  }
0x98: {  	s18 =	sld [smem:$0x3FDB];
	_ =	sdelay $0x1  }
0x99: {  	s19 =	simm.s32 $_scs_section_size  }
0x9a: {  	s4 =	simm.s32 $_size__tile_overlayer_lowered;
	s5 =	simm.s32 $_tile_overlayer_lowered  }
0x9b: {  	s22 =	simm.s32 $0x1BFF;
	s21 =	sshll.u32 s5, $0x1;
	s2 =	sadd.s32 s19, s18  }
0x9c: {  	s6 =	simm.s32 $0x0;
	s20 =	sshll.u32 s4, $0x1;
	s4 =	sadd.s32 s21, s2  }
0x9d: {  	[timem:s6], [sflag:s22] =	dma.local [hbm:s4], s20  }
0x9e: {  	_ =	swait.ge [sflag:s22], s20  }
0x9f: {  	s3 =	ssub.s32 $0x0, s20;
	[sflag:s22] =	ssyncset.done $0x0  }
0xa0: {  	[sflag:s22] =	ssyncadd.s32 s3;
	_ =	sdelay $0x1  }
0xa1: {  	s23 =	simm.s32 $0x1B8B  }
0xa2: {  	_ =	swait.ge [sflag:s23], $0x1  }
0xa3: {  	[sflag:s23] =	ssyncset.done $0x0  }
0xa4: {  	s25 =	simm.s32 $0x1B8E;
	s24 =	sld [smem:$0x3FFE];
	[sflag:s23] =	ssyncadd.s32 $0xFFFFFFFF  }
0xa5: {  	s26 =	simm.s32 $execute0_lowered;
	[smem:$0x3FD2] =	sst s25  }
0xa6: {  	s4 =	sshll.u32 s26, $0x1;
	_ =	strace $0x80000052;
	[dreg:$0x1] =	wrdreg $0xFFFFFFFF  }
0xa7: {  	s28 =	simm.s32 $_size_execute0_lowered;
	s2 =	sadd.s32 s2, s4;
	[dreg:$0x0] =	wrdreg $0x0  }
0xa8: {  	s4 =	sshll.u32 s28, $0x1;
	[dreg:$0x2] =	wrdreg s2  }
0xa9: {  	[dreg:$0x3] =	wrdreg s4  }
0xaa: {  	[dreg:$0x4] =	wrdreg $0xC0  }
0xab: {  	_ =	task [dreg:s6], $0x5FFFF  }
0xac: {  	[dreg:$0x1] =	wrdreg $0xFFFFFFFF  }
0xad: {  	[dreg:$0x0] =	wrdreg $0x60  }
0xae: {  	[dreg:$0x2] =	wrdreg s24  }
0xaf: {  	[dreg:$0x3] =	wrdreg $0x9  }
0xb0: {  	_ =	task.clear_ibuf [dreg:s6], $0x4FFFF;
	_ =	strace $0x90000052  }
0xb1: {  	s29 =	simm.s32 $0x9;
	_ =	strace $0x80000054  }
0xb2: {  	_ =	swait.ge [sflag:s29], $0x1  }
0xb3: {  	[sflag:s29] =	ssyncadd.s32 $0xFFFFFFFF  }
0xb4: {  	_ =	strace $0x90000054  }
0xb5: {  	_ =	sfence  }
0xb6: {  	s30 =	sld [smem:$0x0];
	_ =	sdelay $0x2  }
0xb7: {  	s31 =	sshll.u32 s1, $0xD;
	s1 =	sshrl.u32 s1, $0x2  }
0xb8: {  	s3 =	sand.u32 $0x4000, s31;
	s1 =	sadd.s32 s1, s30  }
0xb9: {  	s0 =	sor.u32 s3, s0;
	s1 =	sshll.u32 s1, $0x11  }
0xba: {  	s0 =	sor.u32 s1, s0  }
0xbb: {  	s0 =	sadd.s32 $0x8F2B, s0  }
0xbc: {  	[sflag:s0] =	ssyncadd.remote.s32 $0x1  }
0xbd: {  	_ =	sfence.sel $0xFFFF  }
0xbe: {  	[dreg:$0x0] =	wrdreg $0xFFFFFFFF;
	(pc) =	sbr.abs _section_cstart, $3  }
0xbf: {  	[dreg:$0x1] =	wrdreg $0xFFFFFFFF  }
0xc0: {  	_ =	task.clear_ibuf [dreg:s6], $0x2FFFF;
	_ =	strace $0x9FFFFFFF  }
0xc1: {  	(tm) =	ssettm $0x7FFFFFFF  }
tec
execute0_lowered:
.L_overlay_start_1:
0x0: {  	(tag) =	ssettag $0x1  }
0x1: {  	s5 =	rddreg [dreg:$0x0]  }
0x2: {  	s0 =	rddreg [dreg:$0x1]  }
0x3: {  	s1 =	simm.s32 $0x0;
	s4 =	srdreg.scid;
	s2 =	stileid.u32  }
0x4: {  	[smem:$0x7FF] =	sst s1;
	s13 =	sadd.s32 $0x5C000, s5;
	s3 =	sadd.s32 $0x61000, s5  }
0x5: {  	s10 =	sand.u32 $0x1, s4;
	s24 =	sshll.u32 s2, $0x1;
	s15 =	smul.u32 $0x27100, s2  }
0x6: {  	s12 =	sadd.s32 $0x57000, s5;
	s11 =	sadd.s32 $0x235E00, s5;
	s16 =	smul.u32 $0x2710, s2  }
0x7: {  	s4 =	sadd.s32 $0x88200, s5;
	s14 =	sadd.s32 $0x4A6E00, s5;
	s17 =	smul.u32 $0x1388, s10  }
0x8: {  	s6 =	ssub.s32 $0x2, s10;
	s7 =	sor.u32 s10, s24;
	s18 =	smul.u32 $0x13880, s10  }
0x9: {  	_ =	strace $0x80000053;
	s8 =	sshrl.u32 s6, $0x1;
	s7 =	smul.u32 $0x1388, s7  }
0xa: {  	s29 =	sadd.s32 s15, s11;
	s30 =	sadd.s32 s15, s14;
	s15 =	simm.s32 $0x80  }
0xb: {  	s25 =	ssub.s32 s6, s8;
	s31 =	sadd.s32 s17, s16;
	s10 =	sadd.s32 s18, s29  }
0xc: {  	s16 =	simm.s32 $0x1;
	s17 =	simm.s32 $0x0;
	s26 =	sadd.s32 $0x1308, s7  }
0xd: {  	s5 =	smax.u32 s25, $0x1;
	s28 =	sshrl.u32 s26, $0x3;
	s9 =	sshll.u32 s26, $0x4  }
0xe: {  	s6 =	sadd.s32 s13, s28;
	s7 =	sadd.s32 s11, s9;
	s8 =	sadd.s32 s12, s28  }
0xf: {  	s9 =	sadd.s32 s14, s9;
	s11 =	sadd.s32 s18, s30;
	s14 =	sshrl.u32 s31, $0x3  }
0x10: {  	s12 =	sadd.s32 s14, s12;
	s13 =	sadd.s32 s14, s13;
	s14 =	simm.s32 $0x2  }
.LBB2_1:
0x11: {  	s18 =	sadd.s32 $0x0, s13  }
0x12: {  	[tilespmem:s1], [sflag:$0x2] =	stream.linear.gather [hbm4b:s18+s1], $0x80, $0x38;
	[tilespmem:$0x4080] =	vst v63  }
0x13: {  	_ =	swait.ge [sflag:s14], $0x80  }
0x14: {  	[sflag:s14] =	ssyncset.done $0x0  }
0x15: {  	[sflag:s14] =	ssyncadd.s32 $0xFFFFFF80  }
0x16: {  	[tilespmem:s15], [sflag:$0x1] =	stream.indirect.gather [hbm4b:s3+s15], $0x80, s1, s15, $0xb8;
	[tilespmem:$0x4080] =	vst v63  }
0x17: {  	_ =	swait.ge [sflag:s16], $0x4000  }
0x18: {  	[sflag:s16] =	ssyncset.done $0x0  }
0x19: {  	[sflag:s16] =	ssyncadd.s32 $0xFFFFC000  }
0x1a: {  	[hbm4b:s10+s1] =	stream.linear.scatter [tilespmem:s15], [sflag:$0x2], $0x4000, $0x38;
	[tilespmem:$0x4080] =	vst v63  }
0x1b: {  	_ =	swait.ge [sflag:s14], $0x4000  }
0x1c: {  	[sflag:s14] =	ssyncset.done $0x0  }
0x1d: {  	s31 =	sadd.s32 $0x0, s12;
	[sflag:s14] =	ssyncadd.s32 $0xFFFFC000  }
0x1e: {  	[tilespmem:s1], [sflag:$0x2] =	stream.linear.gather [hbm4b:s31+s1], $0x80, $0x38;
	[tilespmem:$0x4080] =	vst v63  }
0x1f: {  	_ =	swait.ge [sflag:s14], $0x80  }
0x20: {  	[sflag:s14] =	ssyncset.done $0x0  }
0x21: {  	[sflag:s14] =	ssyncadd.s32 $0xFFFFFF80  }
0x22: {  	[tilespmem:s15], [sflag:$0x1] =	stream.indirect.gather [hbm4b:s4+s15], $0x80, s1, s15, $0xb8;
	[tilespmem:$0x4080] =	vst v63  }
0x23: {  	_ =	swait.ge [sflag:s16], $0x4000  }
0x24: {  	[sflag:s16] =	ssyncset.done $0x0  }
0x25: {  	[sflag:s16] =	ssyncadd.s32 $0xFFFFC000  }
0x26: {  	[hbm4b:s11+s1] =	stream.linear.scatter [tilespmem:s15], [sflag:$0x2], $0x4000, $0x38;
	[tilespmem:$0x4080] =	vst v63  }
0x27: {  	s19 =	simm.s32 $0x10;
	s21 =	simm.s32 $0x20;
	_ =	swait.ge [sflag:s14], $0x4000  }
0x28: {  	s20 =	sadd.s32 $0x800, s10;
	s18 =	sadd.s32 $0x800, s11;
	[sflag:s14] =	ssyncset.done $0x0  }
.LBB2_2:
0x29: {  	s22 =	sadd.s32 s19, s13  }
0x2a: {  	[sflag:s14] =	ssyncadd.s32 $0xFFFFC000;
	s23 =	smov.u32 s21;
	s24 =	sadd.s32 $0x10, s21  }
0x2b: {  	[tilespmem:s1], [sflag:$0x2] =	stream.linear.gather [hbm4b:s22+s1], $0x80, $0x38;
	[tilespmem:$0x4080] =	vst v63  }
0x2c: {  	p0 =	sne.s32 s21, $0x260;
	_ =	swait.ge [sflag:s14], $0x80  }
0x2d: {  	[sflag:s14] =	ssyncset.done $0x0  }
0x2e: {  	[sflag:s14] =	ssyncadd.s32 $0xFFFFFF80  }
0x2f: {  	[tilespmem:s15], [sflag:$0x1] =	stream.indirect.gather [hbm4b:s3+s15], $0x80, s1, s15, $0xb8;
	[tilespmem:$0x4080] =	vst v63  }
0x30: {  	_ =	swait.ge [sflag:s16], $0x4000  }
0x31: {  	[sflag:s16] =	ssyncset.done $0x0  }
0x32: {  	[sflag:s16] =	ssyncadd.s32 $0xFFFFC000  }
0x33: {  	[hbm4b:s20+s1] =	stream.linear.scatter [tilespmem:s15], [sflag:$0x2], $0x4000, $0x38;
	[tilespmem:$0x4080] =	vst v63  }
0x34: {  	_ =	swait.ge [sflag:s14], $0x4000  }
0x35: {  	[sflag:s14] =	ssyncset.done $0x0  }
0x36: {  	s21 =	sadd.s32 s19, s12;
	s19 =	smov.u32 s23;
	[sflag:s14] =	ssyncadd.s32 $0xFFFFC000  }
0x37: {  	[tilespmem:s1], [sflag:$0x2] =	stream.linear.gather [hbm4b:s21+s1], $0x80, $0x38;
	[tilespmem:$0x4080] =	vst v63  }
0x38: {  	_ =	swait.ge [sflag:s14], $0x80  }
0x39: {  	[sflag:s14] =	ssyncset.done $0x0  }
0x3a: {  	[sflag:s14] =	ssyncadd.s32 $0xFFFFFF80  }
0x3b: {  	[tilespmem:s15], [sflag:$0x1] =	stream.indirect.gather [hbm4b:s4+s15], $0x80, s1, s15, $0xb8;
	[tilespmem:$0x4080] =	vst v63  }
0x3c: {  	_ =	swait.ge [sflag:s16], $0x4000  }
.Ltmp0:
0x3d: {  	[sflag:s16] =	ssyncset.done $0x0;
	(pc) =	sbr.rel @p0 .LBB2_2-.Ltmp0, $4  }
0x3e: {  	[sflag:s16] =	ssyncadd.s32 $0xFFFFC000  }
0x3f: {  	[hbm4b:s18+s1] =	stream.linear.scatter [tilespmem:s15], [sflag:$0x2], $0x4000, $0x38;
	[tilespmem:$0x4080] =	vst v63  }
0x40: {  	s20 =	sadd.s32 $0x800, s20;
	_ =	swait.ge [sflag:s14], $0x4000  }
0x41: {  	s21 =	smov.u32 s24;
	s18 =	sadd.s32 $0x800, s18;
	[sflag:s14] =	ssyncset.done $0x0  }
0x42: {  	s21 =	sadd.s32 s19, s13;
	[sflag:s14] =	ssyncadd.s32 $0xFFFFC000  }
0x43: {  	[tilespmem:s1], [sflag:$0x2] =	stream.linear.gather [hbm4b:s21+s1], $0x80, $0x38;
	[tilespmem:$0x4080] =	vst v63  }
0x44: {  	_ =	swait.ge [sflag:s14], $0x80  }
0x45: {  	[sflag:s14] =	ssyncset.done $0x0  }
0x46: {  	[sflag:s14] =	ssyncadd.s32 $0xFFFFFF80  }
0x47: {  	[tilespmem:s15], [sflag:$0x1] =	stream.indirect.gather [hbm4b:s3+s15], $0x80, s1, s15, $0xb8;
	[tilespmem:$0x4080] =	vst v63  }
0x48: {  	_ =	swait.ge [sflag:s16], $0x4000  }
0x49: {  	[sflag:s16] =	ssyncset.done $0x0  }
0x4a: {  	[sflag:s16] =	ssyncadd.s32 $0xFFFFC000  }
0x4b: {  	[hbm4b:s20+s1] =	stream.linear.scatter [tilespmem:s15], [sflag:$0x2], $0x4000, $0x38;
	[tilespmem:$0x4080] =	vst v63  }
0x4c: {  	_ =	swait.ge [sflag:s14], $0x4000  }
0x4d: {  	[sflag:s14] =	ssyncset.done $0x0  }
0x4e: {  	s31 =	sadd.s32 s19, s12;
	[sflag:s14] =	ssyncadd.s32 $0xFFFFC000  }
0x4f: {  	[tilespmem:s1], [sflag:$0x2] =	stream.linear.gather [hbm4b:s31+s1], $0x80, $0x38;
	[tilespmem:$0x4080] =	vst v63  }
0x50: {  	_ =	swait.ge [sflag:s14], $0x80  }
0x51: {  	[sflag:s14] =	ssyncset.done $0x0  }
0x52: {  	[sflag:s14] =	ssyncadd.s32 $0xFFFFFF80  }
0x53: {  	[tilespmem:s15], [sflag:$0x1] =	stream.indirect.gather [hbm4b:s4+s15], $0x80, s1, s15, $0xb8;
	[tilespmem:$0x4080] =	vst v63  }
0x54: {  	_ =	swait.ge [sflag:s16], $0x4000  }
0x55: {  	[sflag:s16] =	ssyncset.done $0x0  }
0x56: {  	[sflag:s16] =	ssyncadd.s32 $0xFFFFC000  }
0x57: {  	[hbm4b:s18+s1] =	stream.linear.scatter [tilespmem:s15], [sflag:$0x2], $0x4000, $0x38;
	[tilespmem:$0x4080] =	vst v63  }
0x58: {  	_ =	swait.ge [sflag:s14], $0x4000  }
0x59: {  	[sflag:s14] =	ssyncset.done $0x0  }
0x5a: {  	[sflag:s14] =	ssyncadd.s32 $0xFFFFC000  }
0x5b: {  	[tilespmem:s1], [sflag:$0x2] =	stream.linear.gather [hbm4b:s6+s1], $0x80, $0x38;
	[tilespmem:$0x4080] =	vst v63  }
0x5c: {  	_ =	swait.ge [sflag:s14], $0x80  }
0x5d: {  	[sflag:s14] =	ssyncset.done $0x0  }
0x5e: {  	[sflag:s14] =	ssyncadd.s32 $0xFFFFFF80  }
0x5f: {  	[tilespmem:s15], [sflag:$0x1] =	stream.indirect.gather [hbm4b:s3+s15], $0x80, s1, s15, $0xb8;
	[tilespmem:$0x4080] =	vst v63  }
0x60: {  	_ =	swait.ge [sflag:s16], $0x4000  }
0x61: {  	[sflag:s16] =	ssyncset.done $0x0  }
0x62: {  	[sflag:s16] =	ssyncadd.s32 $0xFFFFC000  }
0x63: {  	[hbm4b:s7+s1] =	stream.linear.scatter [tilespmem:s15], [sflag:$0x2], $0x4000, $0x38;
	[tilespmem:$0x4080] =	vst v63  }
0x64: {  	_ =	swait.ge [sflag:s14], $0x4000  }
0x65: {  	[sflag:s14] =	ssyncset.done $0x0  }
0x66: {  	[sflag:s14] =	ssyncadd.s32 $0xFFFFC000  }
0x67: {  	[tilespmem:s1], [sflag:$0x2] =	stream.linear.gather [hbm4b:s8+s1], $0x80, $0x38;
	[tilespmem:$0x4080] =	vst v63  }
0x68: {  	_ =	swait.ge [sflag:s14], $0x80  }
0x69: {  	[sflag:s14] =	ssyncset.done $0x0  }
0x6a: {  	[sflag:s14] =	ssyncadd.s32 $0xFFFFFF80  }
0x6b: {  	[tilespmem:s15], [sflag:$0x1] =	stream.indirect.gather [hbm4b:s4+s15], $0x80, s1, s15, $0xb8;
	[tilespmem:$0x4080] =	vst v63  }
0x6c: {  	s17 =	sadd.s32 $0x1, s17;
	_ =	swait.ge [sflag:s16], $0x4000  }
0x6d: {  	p0 =	sne.s32 s17, s5;
	[sflag:s16] =	ssyncset.done $0x0  }
.Ltmp1:
0x6e: {  	[sflag:s16] =	ssyncadd.s32 $0xFFFFC000;
	(pc) =	sbr.rel @p0 .LBB2_1-.Ltmp1, $4  }
0x6f: {  	[hbm4b:s9+s1] =	stream.linear.scatter [tilespmem:s15], [sflag:$0x2], $0x4000, $0x38;
	[tilespmem:$0x4080] =	vst v63  }
0x70: {  	_ =	swait.ge [sflag:s14], $0x4000  }
0x71: {  	[sflag:s14] =	ssyncset.done $0x0  }
0x72: {  	[sflag:s14] =	ssyncadd.s32 $0xFFFFC000  }
0x73: {  	_ =	sfence.sel $0x180000  }
0x74: {  	[bflag:$0x0] =	sbarrier.arrive $0xFFFF  }
0x75: {  	p0 =	sne.s32 s2, $0x0;
	_ =	strace $0x90000053  }
0x76: {  	s0 =	sadd.s32 @!p0 $0x100000, s0;
	[bflag:$0x2] =	sbarrier.arrive $0xFFFF  }
0x77: {  	[sflag:s0] =	ssyncadd.tile.s32 @!p0 $0x1;
	_ =	shalt  }
.Lfunc_end2:
_tile_overlayer_lowered:
.L_overlay_start_2:
0x78: {  	(tag) =	ssettag $0x2  }
0x79: {  	s0 =	rddreg [dreg:$0x0];
	s2 =	stileid.u32  }
0x7a: {  	s1 =	rddreg [dreg:$0x1];
	p0 =	sne.s32 s2, $0x0  }
0x7b: {  	s3 =	rddreg [dreg:$0x2];
	[bflag:$0x3] =	sbarrier.arrive $0xFFFF;
	s2 =	simm.s32 @!p0 $0x1C02  }
0x7c: {  	[timem:s3], [sflag:s2] =	dma.local @!p0 [hbm:s0], s1  }
0x7d: {  	s0 =	simm.s32 @!p0 $0x2  }
0x7e: {  	_ =	swait.ge @!p0 [sflag:s0], s1  }
0x7f: {  	s1 =	ssub.s32 @!p0 $0x0, s1;
	[sflag:s0] =	ssyncset.done @!p0 $0x0  }
0x80: {  	[sflag:s0] =	ssyncadd.s32 @!p0 s1  }
0x81: {  	[bflag:$0x3] =	sbarrier.arrive $0xFFFF  }
0x82: {  	_ =	shalt  }

// kernel: kernel.32.cloned.1.call-start
scs
__scs_entry_jumppad:
0x0: {  	(pc) =	sbr.rel $0x88, $3  }
0x1: {  	(tag) =	ssettag $0x0;
	lr =	simm.s32 $0x1  }
0x2: {  	[smem:$0x3F7F] =	sst lr;
	_ =	strace $0xD0000000  }
0x3: {  	_ = 	snop  }
0x4: {  	_ = 	snop  }
0x5: {  	_ = 	snop  }
0x6: {  	_ = 	snop  }
0x7: {  	_ = 	snop  }
__scs_overlays_trampoline_lowered:
0x8: {  	[smem:$0x3F8E] =	sst s0  }
0x9: {  	[smem:$0x3F8F] =	sst s1  }
0xa: {  	[smem:$0x3F90] =	sst s2  }
0xb: {  	[smem:$0x3F91] =	sst s3  }
0xc: {  	[smem:$0x3F92] =	sst s4  }
0xd: {  	[smem:$0x3F93] =	sst s5  }
0xe: {  	[smem:$0x3F94] =	sst s6  }
0xf: {  	[smem:$0x3F95] =	sst s7  }
0x10: {  	[smem:$0x3F96] =	sst s8  }
0x11: {  	[smem:$0x3F97] =	sst s9;
	s0 =	simm.s32 @!p0 $0x0  }
0x12: {  	s1 =	sld [smem:$0x3F7D];
	s0 =	simm.s32 @p0 $0x1  }
0x13: {  	[smem:$0x3F98] =	sst s0;
	s0 =	simm.s32 @!p1 $0x0  }
0x14: {  	s2 =	sld [smem:$0x3F7C];
	s0 =	simm.s32 @p1 $0x1  }
0x15: {  	[smem:$0x3F99] =	sst s0;
	s0 =	simm.s32 @!p2 $0x0  }
0x16: {  	s3 =	sld [smem:$0x3FDB];
	s0 =	simm.s32 @p2 $0x1  }
0x17: {  	s4 =	simm.s32 $0x1BF5;
	[smem:$0x3F9B] =	sst s0  }
0x18: {  	s0 =	sld [smem:$0x3F7E];
	_ =	swait.ge [sflag:s4], $0x0  }
0x19: {  	s7 =	sld [smem:$0x3F7F]  }
0x1a: {  	s8 =	sadd.s32 $0xFFFFE003, lr  }
0x1b: {  	s9 =	sadd.s32 $0xFFFFFEF7, lr;
	s5 =	simm.s32 $0xFFFFFFFF;
	p2 =	slt.u32 s8, $0xFFFFF086  }
0x1c: {  	p1 =	slt.u32 s9, $0xF7A;
	s5 =	simm.s32 @!p2 $0x0  }
0x1d: {  	s5 =	simm.s32 @p1 $0x1;
	p0 =	seq.s32 s7, s2  }
0x1e: {  	s7 =	smul.u32 @!p0 $0xF7A, s2;
	p2 =	seq.s32 @!p0 s5, $0x0  }
0x1f: {  	s9 =	smul.u32 $0xF7A, s1;
	s8 =	simm.s32 @!p0 $0x1BF5;
	p2 =	por !p2, p0  }
0x20: {  	[sflag:s8] =	ssyncset.s32 @!p0 $0xFFFFF086;
	s6 =	sadd.s32 @!p0 s3, s7;
	s7 =	simm.s32 @!p0 $0x108  }
0x21: {  	s3 =	sadd.s32 s3, s9;
	s6 =	sadd.s32 @!p0 $0x88, s6;
	s7 =	simm.s32 @p2 $0x1082  }
0x22: {  	[simem:s7], [sflag:s8] =	dma.local @!p0 [hbm:s6], $0xF7A  }
0x23: {  	s9 =	sor.u32 $0xD0000000, s2;
	s6 =	simm.s32 $0x108;
	_ =	swait.ge @!p0 [sflag:s8], $0x0  }
0x24: {  	s3 =	sadd.s32 $0x88, s3;
	s6 =	simm.s32 @!p1 $0x1082;
	[sflag:s4] =	ssyncset.s32 $0xFFFFF086  }
0x25: {  	[simem:s6], [sflag:s4] =	dma.local [hbm:s3], $0xF7A  }
0x26: {  	[smem:$0x3F7F] =	sst s1;
	(tag) =	ssettag s2;
	_ =	strace s9  }
0x27: {  	s1 =	sld [smem:$0x3F8F]  }
0x28: {  	s2 =	sld [smem:$0x3F90]  }
0x29: {  	s4 =	sld [smem:$0x3F92]  }
0x2a: {  	p0 =	seq.s32 s5, $0x0;
	s5 =	sld [smem:$0x3F93]  }
0x2b: {  	s6 =	sld [smem:$0x3F94]  }
0x2c: {  	s7 =	sld [smem:$0x3F95]  }
0x2d: {  	s3 =	simm.s32 $0x108;
	s8 =	sld [smem:$0x3F96]  }
0x2e: {  	s3 =	simm.s32 @!p0 $0x1082;
	s9 =	sld [smem:$0x3F97]  }
0x2f: {  	lr =	sadd.s32 s0, s3;
	s0 =	sld [smem:$0x3F8E]  }
0x30: {  	s3 =	sld [smem:$0x3F91]  }
0x31: {  	[smem:$0x3F9A] =	sst s10  }
0x32: {  	s10 =	sld [smem:$0x3F98];
	_ =	sdelay $0x3  }
0x33: {  	p0 =	seq.s32 s10, $0x1;
	s10 =	sld [smem:$0x3F9A];
	_ =	sdelay $0x3  }
0x34: {  	[smem:$0x3F9A] =	sst s10  }
0x35: {  	s10 =	sld [smem:$0x3F99];
	_ =	sdelay $0x3  }
0x36: {  	p1 =	seq.s32 s10, $0x1;
	s10 =	sld [smem:$0x3F9A];
	_ =	sdelay $0x3  }
0x37: {  	[smem:$0x3F9A] =	sst s10  }
0x38: {  	s10 =	sld [smem:$0x3F9B]  }
0x39: {  	_ = 	snop;
	(pc) =	sbr.ind lr, $3  }
0x3a: {  	_ = 	snop  }
0x3b: {  	_ = 	snop  }
0x3c: {  	p2 =	seq.s32 s10, $0x1;
	s10 =	sld [smem:$0x3F9A]  }
0x3d: {  	_ =	shalt  }
0x3e: {  	_ =	shalt  }
0x3f: {  	_ =	shalt  }
0x40: {  	_ =	shalt  }
0x41: {  	_ =	shalt  }
0x42: {  	_ =	shalt  }
0x43: {  	_ =	shalt  }
0x44: {  	_ =	shalt  }
0x45: {  	_ =	shalt  }
0x46: {  	_ =	shalt  }
0x47: {  	_ =	shalt  }
0x48: {  	_ =	shalt  }
0x49: {  	_ =	shalt  }
0x4a: {  	_ =	shalt  }
0x4b: {  	_ =	shalt  }
0x4c: {  	_ =	shalt  }
0x4d: {  	_ =	shalt  }
0x4e: {  	_ =	shalt  }
0x4f: {  	_ =	shalt  }
0x50: {  	_ =	shalt  }
0x51: {  	_ =	shalt  }
0x52: {  	_ =	shalt  }
0x53: {  	_ =	shalt  }
0x54: {  	_ =	shalt  }
0x55: {  	_ =	shalt  }
0x56: {  	_ =	shalt  }
0x57: {  	_ =	shalt  }
0x58: {  	_ =	shalt  }
0x59: {  	_ =	shalt  }
0x5a: {  	_ =	shalt  }
0x5b: {  	_ =	shalt  }
0x5c: {  	_ =	shalt  }
0x5d: {  	_ =	shalt  }
0x5e: {  	_ =	shalt  }
0x5f: {  	_ =	shalt  }
0x60: {  	_ =	shalt  }
0x61: {  	_ =	shalt  }
0x62: {  	_ =	shalt  }
0x63: {  	_ =	shalt  }
0x64: {  	_ =	shalt  }
0x65: {  	_ =	shalt  }
0x66: {  	_ =	shalt  }
0x67: {  	_ =	shalt  }
0x68: {  	_ =	shalt  }
0x69: {  	_ =	shalt  }
0x6a: {  	_ =	shalt  }
0x6b: {  	_ =	shalt  }
0x6c: {  	_ =	shalt  }
0x6d: {  	_ =	shalt  }
0x6e: {  	_ =	shalt  }
0x6f: {  	_ =	shalt  }
0x70: {  	_ =	shalt  }
0x71: {  	_ =	shalt  }
0x72: {  	_ =	shalt  }
0x73: {  	_ =	shalt  }
0x74: {  	_ =	shalt  }
0x75: {  	_ =	shalt  }
0x76: {  	_ =	shalt  }
0x77: {  	_ =	shalt  }
0x78: {  	_ =	shalt  }
0x79: {  	_ =	shalt  }
0x7a: {  	_ =	shalt  }
0x7b: {  	_ =	shalt  }
0x7c: {  	_ =	shalt  }
0x7d: {  	_ =	shalt  }
0x7e: {  	_ =	shalt  }
0x7f: {  	_ =	shalt  }
0x80: {  	_ =	shalt  }
0x81: {  	_ =	shalt  }
0x82: {  	_ =	shalt  }
0x83: {  	_ =	shalt  }
0x84: {  	_ =	shalt  }
0x85: {  	_ =	shalt  }
0x86: {  	_ =	shalt  }
0x87: {  	_ =	shalt  }
.Lfunc_end0:
.L_simem_size_0:
called_computation.5_lowered:
.L_overlay_start_0:
0x88: {  	s2 =	sld [smem:$0x3FD9]  }
0x89: {  	s3 =	sld [smem:$0x3FFE];
	_ =	sdelay $0x1  }
0x8a: {  	s1 =	srdreg.scid  }
0x8b: {  	s0 =	sand.u32 $0x1, s1  }
0x8c: {  	s16 =	sshll.u32 s0, $0xA;
	s2 =	sadd.s32 s3, s2  }
0x8d: {  	s2 =	sadd.s32 s2, s16  }
0x8e: {  	[smem:$0x3FA6] =	sst s2  }
0x8f: {  	_ = 	snop  }
0x90: {  	(tm) =	ssettm $0x1  }
0x91: {  	s17 =	sld [smem:$0x3FFB];
	_ =	sdelay $0x3  }
0x92: {  	_ =	strace s17  }
0x93: {  	s2 =	sld [smem:$0x3FFC];
	_ =	sdelay $0x3  }
0x94: {  	_ =	strace s2  }
0x95: {  	s2 =	sld [smem:$0x3FFD];
	_ =	sdelay $0x3  }
0x96: {  	_ =	strace s2  }
0x97: {  	_ =	strace $0x8FFFFFFF  }
0x98: {  	s18 =	sld [smem:$0x3FDB];
	_ =	sdelay $0x1  }
0x99: {  	s19 =	simm.s32 $_scs_section_size  }
0x9a: {  	s4 =	simm.s32 $_size__tile_overlayer_lowered;
	s5 =	simm.s32 $_tile_overlayer_lowered  }
0x9b: {  	s22 =	simm.s32 $0x1BFF;
	s21 =	sshll.u32 s5, $0x1;
	s2 =	sadd.s32 s19, s18  }
0x9c: {  	s6 =	simm.s32 $0x0;
	s20 =	sshll.u32 s4, $0x1;
	s4 =	sadd.s32 s21, s2  }
0x9d: {  	[timem:s6], [sflag:s22] =	dma.local [hbm:s4], s20  }
0x9e: {  	_ =	swait.ge [sflag:s22], s20  }
0x9f: {  	s3 =	ssub.s32 $0x0, s20;
	[sflag:s22] =	ssyncset.done $0x0  }
0xa0: {  	[sflag:s22] =	ssyncadd.s32 s3;
	_ =	sdelay $0x1  }
0xa1: {  	s23 =	simm.s32 $0x1B8B  }
0xa2: {  	_ =	swait.ge [sflag:s23], $0x1  }
0xa3: {  	[sflag:s23] =	ssyncset.done $0x0  }
0xa4: {  	s25 =	simm.s32 $0x1B8E;
	s24 =	sld [smem:$0x3FFE];
	[sflag:s23] =	ssyncadd.s32 $0xFFFFFFFF  }
0xa5: {  	s26 =	simm.s32 $execute0_lowered;
	[smem:$0x3FD2] =	sst s25  }
0xa6: {  	s4 =	sshll.u32 s26, $0x1;
	_ =	strace $0x80000055;
	[dreg:$0x1] =	wrdreg $0xFFFFFFFF  }
0xa7: {  	s28 =	simm.s32 $_size_execute0_lowered;
	s2 =	sadd.s32 s2, s4;
	[dreg:$0x0] =	wrdreg $0x0  }
0xa8: {  	s4 =	sshll.u32 s28, $0x1;
	[dreg:$0x2] =	wrdreg s2  }
0xa9: {  	[dreg:$0x3] =	wrdreg s4  }
0xaa: {  	[dreg:$0x4] =	wrdreg $0xC0  }
0xab: {  	_ =	task [dreg:s6], $0x5FFFF  }
0xac: {  	[dreg:$0x1] =	wrdreg $0xFFFFFFFF  }
0xad: {  	[dreg:$0x0] =	wrdreg $0x60  }
0xae: {  	[dreg:$0x2] =	wrdreg s24  }
0xaf: {  	[dreg:$0x3] =	wrdreg $0x9  }
0xb0: {  	_ =	task.clear_ibuf [dreg:s6], $0x4FFFF;
	_ =	strace $0x90000055  }
0xb1: {  	s29 =	simm.s32 $0x9;
	_ =	strace $0x80000057  }
0xb2: {  	_ =	swait.ge [sflag:s29], $0x1  }
0xb3: {  	[sflag:s29] =	ssyncadd.s32 $0xFFFFFFFF  }
0xb4: {  	_ =	strace $0x90000057  }
0xb5: {  	_ =	sfence  }
0xb6: {  	s30 =	sld [smem:$0x0];
	_ =	sdelay $0x2  }
0xb7: {  	s31 =	sshll.u32 s1, $0xD;
	s1 =	sshrl.u32 s1, $0x2  }
0xb8: {  	s3 =	sand.u32 $0x4000, s31;
	s1 =	sadd.s32 s1, s30  }
0xb9: {  	s0 =	sor.u32 s3, s0;
	s1 =	sshll.u32 s1, $0x11  }
0xba: {  	s0 =	sor.u32 s1, s0  }
0xbb: {  	s0 =	sadd.s32 $0x8F2B, s0  }
0xbc: {  	[sflag:s0] =	ssyncadd.remote.s32 $0x1  }
0xbd: {  	_ =	sfence.sel $0xFFFF  }
0xbe: {  	[dreg:$0x0] =	wrdreg $0xFFFFFFFF;
	(pc) =	sbr.abs _section_cstart, $3  }
0xbf: {  	[dreg:$0x1] =	wrdreg $0xFFFFFFFF  }
0xc0: {  	_ =	task.clear_ibuf [dreg:s6], $0x2FFFF;
	_ =	strace $0x9FFFFFFF  }
0xc1: {  	(tm) =	ssettm $0x7FFFFFFF  }
tec
execute0_lowered:
.L_overlay_start_1:
0x0: {  	(tag) =	ssettag $0x1  }
0x1: {  	s6 =	rddreg [dreg:$0x0]  }
0x2: {  	s0 =	rddreg [dreg:$0x1];
	s2 =	simm.s32 $0x0;
	s1 =	stileid.u32  }
0x3: {  	s3 =	srdreg.scid;
	s11 =	simm.s32 $0x400;
	s12 =	simm.s32 $0x800  }
0x4: {  	s13 =	simm.s32 $0x1;
	s14 =	simm.s32 $0x1000;
	s15 =	simm.s32 $0x2  }
0x5: {  	s16 =	simm.s32 $0x0;
	[smem:$0x7FF] =	sst s2;
	s4 =	sshrl.u32 s1, $0x2  }
0x6: {  	s7 =	sand.u32 $0x1, s3;
	s28 =	sshll.u32 s1, $0x8;
	s5 =	smul.u32 $0x13C00, s4  }
0x7: {  	s8 =	sshll.u32 s7, $0x7;
	s9 =	sand.u32 $0x300, s28;
	s10 =	smul.u32 $0x138800, s4  }
0x8: {  	s3 =	sadd.s32 $0x61000, s6;
	_ =	strace $0x80000056;
	s8 =	sor.u32 s8, s9  }
0x9: {  	s7 =	ssub.s32 $0x2, s7;
	s9 =	sor.u32 s5, s8;
	s5 =	sor.u32 s8, s10  }
0xa: {  	s4 =	sadd.s32 $0x5C000, s6;
	s31 =	sshrl.u32 s7, $0x1;
	s30 =	sadd.s32 $0x138000, s5  }
0xb: {  	s10 =	ssub.s32 s7, s31;
	s29 =	sshrl.u32 s9, $0x3;
	s9 =	sshrl.u32 s30, $0x3  }
0xc: {  	s8 =	sadd.s32 s29, s6;
	s6 =	sadd.s32 $0x60E00, s6;
	s7 =	sadd.s32 s3, s9  }
0xd: {  	v0 =	vimm.f32 $0.0e+00;
	s8 =	sadd.s32 $0xFD400, s8;
	s9 =	smax.u32 s10, $0x1;
	s10 =	simm.s32 $0x80  }
.LBB2_1:
0xe: {  	s17 =	simm.s32 $0x40;
	s18 =	simm.s32 $0x0  }
.LBB2_2:
0xf: {  	p0 =	sne.s32 s17, $0x9C00;
	[tilespmem:s18+$0x1000] =	vst v0;
	s18 =	smov.u32 s17;
	s17 =	sadd.s32 $0x40, s17  }
.Ltmp0:
0x10: {  	(pc) =	sbr.rel @p0 .LBB2_2-.Ltmp0, $2  }
0x11: {  	_ =	sdelay $0x2  }
0x12: {  	s18 =	sshra.s32 s18, $0x2  }
0x13: {  	[tilespmem:s18+$0x1000] =	vst v0;
	s17 =	simm.s32 $0x0;
	s18 =	simm.s32 $0x0  }
.LBB2_4:
0x14: {  	s19 =	sshll.u32 s18, $0x8  }
0x15: {  	s31 =	sshll.u32 s18, $0xE;
	s19 =	sadd.s32 s4, s19  }
0x16: {  	[tilespmem:s17], [sflag:$0x1] =	stream.linear.gather [hbm4b:s19+s17], $0x800, $0x38;
	[tilespmem:$0x3780] =	vst v63  }
0x17: {  	s19 =	sadd.s32 s5, s31  }
0x18: {  	s19 =	sshrl.u32 s19, $0x3  }
0x19: {  	s19 =	sadd.s32 s3, s19  }
0x1a: {  	[tilespmem:s12], [sflag:$0x1] =	stream.strided.gather [hbm4b:s19+s10], $0x800, s11, s10, $0x38;
	[tilespmem:$0x3780] =	vst v63  }
0x1b: {  	_ =	swait.ge [sflag:s13], $0x800  }
0x1c: {  	[sflag:s13] =	ssyncset.done $0x0  }
0x1d: {  	[sflag:s13] =	ssyncadd.s32 $0xFFFFF800  }
0x1e: {  	_ =	swait.ge [sflag:s13], $0x800  }
0x1f: {  	[sflag:s13] =	ssyncset.done $0x0  }
0x20: {  	s20 =	simm.s32 $0x0;
	s19 =	simm.s32 $0x40;
	[sflag:s13] =	ssyncadd.s32 $0xFFFFF800  }
.LBB2_5:
0x21: {  	p0 =	sne.s32 s19, $0x1FC0;
	v1 =	vld [tilespmem:s20+$0x0];
	_ =	sdelay $0x2  }
0x22: {  	v2 =	vld [tilespmem:s20+$0x800]  }
.Ltmp1:
0x23: {  	(pc) =	sbr.rel @p0 .LBB2_5-.Ltmp1, $2  }
0x24: {  	_ =	sdelay $0x2  }
0x25: {  	s20 =	sshra.s32 s19, $0x2;
	s19 =	sadd.s32 $0x40, s19;
	[tilespmem:v1+s14+$0x0] =	vst.idx.add.f32.msk $0xffff, v2  }
0x26: {  	v1 =	vld [tilespmem:s20+$0x0];
	_ =	sdelay $0x1  }
0x27: {  	s18 =	sadd.s32 $0x1, s18  }
0x28: {  	v2 =	vld [tilespmem:s20+$0x800];
	p0 =	sne.s32 s18, $0x4E  }
.Ltmp2:
0x29: {  	_ = 	snop;
	(pc) =	sbr.rel @p0 .LBB2_4-.Ltmp2, $2  }
0x2a: {  	_ =	sdelay $0x2  }
0x2b: {  	[tilespmem:v1+s14+$0x0] =	vst.idx.add.f32.msk $0xffff, v2  }
0x2c: {  	[tilespmem:s2], [sflag:$0x1] =	stream.linear.gather [hbm4b:s6+s2], $0x100, $0x38;
	[tilespmem:$0x3780] =	vst v63  }
0x2d: {  	_ = 	snop  }
0x2e: {  	[tilespmem:s12], [sflag:$0x1] =	stream.strided.gather [hbm4b:s7+s10], $0x100, s11, s10, $0x38;
	[tilespmem:$0x3780] =	vst v63  }
0x2f: {  	_ =	swait.ge [sflag:s13], $0x100  }
0x30: {  	[sflag:s13] =	ssyncset.done $0x0  }
0x31: {  	[sflag:s13] =	ssyncadd.s32 $0xFFFFFF00  }
0x32: {  	_ =	swait.ge [sflag:s13], $0x100  }
0x33: {  	[sflag:s13] =	ssyncset.done $0x0  }
0x34: {  	[sflag:s13] =	ssyncadd.s32 $0xFFFFFF00  }
0x35: {  	v1 =	vld [tilespmem:$0x0];
	_ =	sdelay $0x2  }
0x36: {  	v2 =	vld [tilespmem:$0x800];
	_ =	sdelay $0x4  }
0x37: {  	[tilespmem:v1+s14+$0x0] =	vst.idx.add.f32.msk $0xffff, v2  }
0x38: {  	v1 =	vld [tilespmem:$0x10];
	_ =	sdelay $0x2  }
0x39: {  	v2 =	vld [tilespmem:$0x810];
	_ =	sdelay $0x4  }
0x3a: {  	[tilespmem:v1+s14+$0x0] =	vst.idx.add.f32.msk $0xffff, v2  }
0x3b: {  	v1 =	vld [tilespmem:$0x20];
	_ =	sdelay $0x2  }
0x3c: {  	v2 =	vld [tilespmem:$0x820];
	_ =	sdelay $0x4  }
0x3d: {  	[tilespmem:v1+s14+$0x0] =	vst.idx.add.f32.msk $0xffff, v2  }
0x3e: {  	v1 =	vld [tilespmem:$0x30];
	_ =	sdelay $0x2  }
0x3f: {  	v2 =	vld [tilespmem:$0x830];
	_ =	sdelay $0x4  }
0x40: {  	[tilespmem:v1+s14+$0x0] =	vst.idx.add.f32.msk $0xffff, v2  }
0x41: {  	v1 =	vld [tilespmem:$0x40];
	_ =	sdelay $0x2  }
0x42: {  	v2 =	vld [tilespmem:$0x840];
	_ =	sdelay $0x4  }
0x43: {  	[tilespmem:v1+s14+$0x0] =	vst.idx.add.f32.msk $0xffff, v2  }
0x44: {  	v1 =	vld [tilespmem:$0x50];
	_ =	sdelay $0x2  }
0x45: {  	v2 =	vld [tilespmem:$0x850];
	_ =	sdelay $0x4  }
0x46: {  	[tilespmem:v1+s14+$0x0] =	vst.idx.add.f32.msk $0xffff, v2  }
0x47: {  	v1 =	vld [tilespmem:$0x60];
	_ =	sdelay $0x2  }
0x48: {  	v2 =	vld [tilespmem:$0x860];
	_ =	sdelay $0x4  }
0x49: {  	[tilespmem:v1+s14+$0x0] =	vst.idx.add.f32.msk $0xffff, v2  }
0x4a: {  	v1 =	vld [tilespmem:$0x70];
	_ =	sdelay $0x2  }
0x4b: {  	v2 =	vld [tilespmem:$0x870];
	_ =	sdelay $0x4  }
0x4c: {  	[tilespmem:v1+s14+$0x0] =	vst.idx.add.f32.msk $0xffff, v2  }
0x4d: {  	v1 =	vld [tilespmem:$0x80];
	_ =	sdelay $0x2  }
0x4e: {  	v2 =	vld [tilespmem:$0x880];
	_ =	sdelay $0x4  }
0x4f: {  	[tilespmem:v1+s14+$0x0] =	vst.idx.add.f32.msk $0xffff, v2  }
0x50: {  	v1 =	vld [tilespmem:$0x90];
	_ =	sdelay $0x2  }
0x51: {  	v2 =	vld [tilespmem:$0x890];
	_ =	sdelay $0x4  }
0x52: {  	[tilespmem:v1+s14+$0x0] =	vst.idx.add.f32.msk $0xffff, v2  }
0x53: {  	v1 =	vld [tilespmem:$0xA0];
	_ =	sdelay $0x2  }
0x54: {  	v2 =	vld [tilespmem:$0x8A0];
	_ =	sdelay $0x4  }
0x55: {  	[tilespmem:v1+s14+$0x0] =	vst.idx.add.f32.msk $0xffff, v2  }
0x56: {  	v1 =	vld [tilespmem:$0xB0];
	_ =	sdelay $0x2  }
0x57: {  	v2 =	vld [tilespmem:$0x8B0];
	_ =	sdelay $0x4  }
0x58: {  	[tilespmem:v1+s14+$0x0] =	vst.idx.add.f32.msk $0xffff, v2  }
0x59: {  	v1 =	vld [tilespmem:$0xC0];
	_ =	sdelay $0x2  }
0x5a: {  	v2 =	vld [tilespmem:$0x8C0];
	_ =	sdelay $0x4  }
0x5b: {  	[tilespmem:v1+s14+$0x0] =	vst.idx.add.f32.msk $0xffff, v2  }
0x5c: {  	v1 =	vld [tilespmem:$0xD0];
	_ =	sdelay $0x2  }
0x5d: {  	v2 =	vld [tilespmem:$0x8D0];
	_ =	sdelay $0x4  }
0x5e: {  	[tilespmem:v1+s14+$0x0] =	vst.idx.add.f32.msk $0xffff, v2  }
0x5f: {  	v1 =	vld [tilespmem:$0xE0];
	_ =	sdelay $0x2  }
0x60: {  	v2 =	vld [tilespmem:$0x8E0];
	_ =	sdelay $0x4  }
0x61: {  	[tilespmem:v1+s14+$0x0] =	vst.idx.add.f32.msk $0xffff, v2  }
0x62: {  	v1 =	vld [tilespmem:$0xF0];
	_ =	sdelay $0x2  }
0x63: {  	v2 =	vld [tilespmem:$0x8F0];
	_ =	sdelay $0x2  }
0x64: {  	s16 =	sadd.s32 $0x1, s16  }
0x65: {  	p0 =	sne.s32 s16, s9  }
.Ltmp3:
0x66: {  	[tilespmem:v1+s14+$0x0] =	vst.idx.add.f32.msk $0xffff, v2;
	(pc) =	sbr.rel @p0 .LBB2_1-.Ltmp3, $4  }
0x67: {  	[hbm4b:s8+s10] =	stream.strided.scatter [tilespmem:s14], [sflag:$0x2], $0x2780, s11, s10, $0x38;
	[tilespmem:$0x3780] =	vst v63  }
0x68: {  	_ =	swait.ge [sflag:s15], $0x2780  }
0x69: {  	[sflag:s15] =	ssyncset.done $0x0  }
0x6a: {  	[sflag:s15] =	ssyncadd.s32 $0xFFFFD880  }
0x6b: {  	_ =	sfence.sel $0x180000  }
0x6c: {  	[bflag:$0x0] =	sbarrier.arrive $0xFFFF  }
0x6d: {  	p0 =	sne.s32 s1, $0x0;
	_ =	strace $0x90000056  }
0x6e: {  	s0 =	sadd.s32 @!p0 $0x100000, s0;
	[bflag:$0x2] =	sbarrier.arrive $0xFFFF  }
0x6f: {  	[sflag:s0] =	ssyncadd.tile.s32 @!p0 $0x1;
	_ =	shalt  }
.Lfunc_end2:
_tile_overlayer_lowered:
.L_overlay_start_2:
0x70: {  	(tag) =	ssettag $0x2  }
0x71: {  	s0 =	rddreg [dreg:$0x0];
	s2 =	stileid.u32  }
0x72: {  	s1 =	rddreg [dreg:$0x1];
	p0 =	sne.s32 s2, $0x0  }
0x73: {  	s3 =	rddreg [dreg:$0x2];
	[bflag:$0x3] =	sbarrier.arrive $0xFFFF;
	s2 =	simm.s32 @!p0 $0x1C02  }
0x74: {  	[timem:s3], [sflag:s2] =	dma.local @!p0 [hbm:s0], s1  }
0x75: {  	s0 =	simm.s32 @!p0 $0x2  }
0x76: {  	_ =	swait.ge @!p0 [sflag:s0], s1  }
0x77: {  	s1 =	ssub.s32 @!p0 $0x0, s1;
	[sflag:s0] =	ssyncset.done @!p0 $0x0  }
0x78: {  	[sflag:s0] =	ssyncadd.s32 @!p0 s1  }
0x79: {  	[bflag:$0x3] =	sbarrier.arrive $0xFFFF  }
0x7a: {  	_ =	shalt  }

</sc_bundles>
